<compile_context>
chip_gen: v7x
topology: tpu7x:2x2x1
jax: 0.10.2.dev20260603
libtpu: 0.0.44.dev20260713+nightly
codegen_flags: <defaults>
</compile_context>

<pallas_src>
import functools

import jax
import jax.numpy as jnp
from jax import lax
from jax.experimental import pallas as pl
from jax.experimental.pallas import tpu as pltpu
from jax.experimental.pallas import tpu_sc as plsc

EMB = 64
NE = 1024
NT = 36864
GAMMA = 0.99

NC = 2
NS = 16
NW = NC * NS
ROWS_PER_W = NT // NW
CHUNK = 128
NCH = ROWS_PER_W // CHUNK
SC_ROWS = NE // NS

BLK = 3072
NBLK = NT // BLK


def _dist_argmin_body(xt_ref, vq_ref, vqt_ref, idx_ref, quant_ref):
    xb = xt_ref[...]
    vqb = vq_ref[...]
    vtb = vqt_ref[...]
    dot = lax.dot_general(vqb, xb, (((1,), (0,)), ((), ())),
                          preferred_element_type=jnp.float32)
    xs = jnp.sum(xb * xb, axis=0, keepdims=True)
    vs = jnp.sum(vqb * vqb, axis=1, keepdims=True)
    d = xs - 2.0 * dot + vs
    idx = jnp.argmin(d, axis=0).astype(jnp.int32)
    iota = lax.broadcasted_iota(jnp.int32, d.shape, 0)
    idx_ref[0, 0] = idx
    onehot = (iota == idx[None, :]).astype(jnp.float32)
    quant_ref[...] = lax.dot_general(vtb, onehot, (((1,), (0,)), ((), ())),
                                     preferred_element_type=jnp.float32)


def _dist_argmin(xt, vq, vqt):
    return pl.pallas_call(
        _dist_argmin_body,
        grid=(NBLK,),
        in_specs=[
            pl.BlockSpec((EMB, BLK), lambda i: (0, i)),
            pl.BlockSpec((NE, EMB), lambda i: (0, 0)),
            pl.BlockSpec((EMB, NE), lambda i: (0, 0)),
        ],
        out_specs=[
            pl.BlockSpec((1, 1, BLK), lambda i: (i, 0, 0)),
            pl.BlockSpec((EMB, BLK), lambda i: (0, i)),
        ],
        out_shape=[
            jax.ShapeDtypeStruct((NBLK, 1, BLK), jnp.int32),
            jax.ShapeDtypeStruct((EMB, NT), jnp.float32),
        ],
    )(xt, vq, vqt)


def _sc_transpose(x4):
    mesh = plsc.VectorSubcoreMesh(core_axis_name="c", subcore_axis_name="s")
    half = ROWS_PER_W // 2

    @functools.partial(
        pl.kernel,
        out_type=jax.ShapeDtypeStruct((NT, EMB), jnp.float32),
        mesh=mesh,
        compiler_params=pltpu.CompilerParams(use_tc_tiling_on_sc=False,
                                             needs_layout_passes=False),
        scratch_types=[
            pltpu.VMEM((8, NCH, 8, CHUNK), jnp.float32),
            pltpu.VMEM((half, EMB + 1), jnp.float32),
        ],
    )
    def body(x4_hbm, xf_hbm, in_v, out_v):
        c = lax.axis_index("c")
        s = lax.axis_index("s")
        wid = s * NC + c
        base_t = wid * ROWS_PER_W
        lane = jax.lax.iota(jnp.int32, 16)
        pltpu.sync_copy(x4_hbm.at[:, pl.ds(wid * NCH, NCH)], in_v)
        for h in range(2):

            def body_d(d, carry):
                dhi = jnp.full((16,), d // 8, jnp.int32)
                dlo = jnp.full((16,), d % 8, jnp.int32)
                dv = jnp.full((16,), d, jnp.int32)
                for t0 in range(half // 16):
                    tl = h * half + t0 * 16
                    vals = plsc.load_gather(
                        in_v, [dhi, jnp.full((16,), tl // CHUNK, jnp.int32),
                               dlo, tl % CHUNK + lane])
                    plsc.store_scatter(out_v, [t0 * 16 + lane, dv], vals)
                return carry

            lax.fori_loop(0, EMB, body_d, 0)
            pltpu.sync_copy(out_v.at[:, pl.ds(0, EMB)],
                            xf_hbm.at[pl.ds(base_t + h * half, half)])

    return body(x4)


def _sc_scatter(x, idx2):
    mesh = plsc.VectorSubcoreMesh(core_axis_name="c", subcore_axis_name="s")

    @functools.partial(
        pl.kernel,
        out_type=[
            jax.ShapeDtypeStruct((NC, EMB, NE), jnp.float32),
            jax.ShapeDtypeStruct((NC, 16, NE), jnp.float32),
        ],
        mesh=mesh,
        compiler_params=pltpu.CompilerParams(use_tc_tiling_on_sc=False,
                                             needs_layout_passes=False),
        scratch_types=[
            pltpu.VMEM((NCH, CHUNK), jnp.int32),
            pltpu.VMEM((ROWS_PER_W, EMB), jnp.float32),
            pltpu.VMEM((CHUNK, 16), jnp.float32),
            pltpu.VMEM((SC_ROWS, EMB), jnp.float32),
            pltpu.VMEM((EMB, SC_ROWS + 1), jnp.float32),
            pltpu.VMEM_SHARED((NE, EMB), jnp.float32),
            pltpu.VMEM_SHARED((NE, 16), jnp.float32),
        ],
    )
    def body(x_hbm, idx_hbm, csumt_hbm, cntt_hbm,
             idx_v, buf_v, ones_v, pub_v, pubt_v, shared, shared_n):
        c = lax.axis_index("c")
        s = lax.axis_index("s")
        wid = s * NC + c
        lane = jax.lax.iota(jnp.int32, 16)
        zeros16 = jnp.zeros((16,), jnp.float32)
        ones16 = jnp.ones((16,), jnp.float32)
        for r in range(SC_ROWS):
            for q in range(EMB // 16):
                pub_v[r, pl.ds(q * 16, 16)] = zeros16
        for r in range(CHUNK):
            ones_v[r, pl.ds(0, 16)] = ones16
        pltpu.sync_copy(pub_v, shared.at[pl.ds(s * SC_ROWS, SC_ROWS)])
        pltpu.sync_copy(pub_v.at[pl.ds(0, SC_ROWS), pl.ds(0, 16)],
                        shared_n.at[pl.ds(s * SC_ROWS, SC_ROWS)])
        pltpu.sync_copy(idx_hbm.at[wid], idx_v)
        pltpu.sync_copy(x_hbm.at[pl.ds(wid * ROWS_PER_W, ROWS_PER_W)], buf_v)
        plsc.subcore_barrier()
        for j in range(NCH):
            pltpu.sync_copy(buf_v.at[pl.ds(j * CHUNK, CHUNK)],
                            shared.at[idx_v.at[j]], add=True)
            pltpu.sync_copy(ones_v, shared_n.at[idx_v.at[j]], add=True)
        plsc.subcore_barrier()
        pltpu.sync_copy(shared.at[pl.ds(s * SC_ROWS, SC_ROWS)], pub_v)

        def trans_row(r, carry):
            rvec = jnp.full((16,), r, jnp.int32)
            for q in range(EMB // 16):
                vals = plsc.load_gather(pub_v, [rvec, q * 16 + lane])
                plsc.store_scatter(pubt_v, [q * 16 + lane,
                                            jnp.full((16,), r, jnp.int32)],
                                   vals)
            return carry

        lax.fori_loop(0, SC_ROWS, trans_row, 0)
        pltpu.sync_copy(pubt_v.at[:, pl.ds(0, SC_ROWS)],
                        csumt_hbm.at[c, :, pl.ds(s * SC_ROWS, SC_ROWS)])
        pltpu.sync_copy(shared_n.at[pl.ds(s * SC_ROWS, SC_ROWS)],
                        pub_v.at[pl.ds(0, SC_ROWS), pl.ds(0, 16)])

        def trans_cnt(r, carry):
            rvec = jnp.full((16,), r, jnp.int32)
            vals = plsc.load_gather(pub_v, [rvec, lane])
            plsc.store_scatter(pubt_v, [lane, rvec], vals)
            return carry

        lax.fori_loop(0, SC_ROWS, trans_cnt, 0)
        pltpu.sync_copy(pubt_v.at[pl.ds(0, 16), pl.ds(0, SC_ROWS)],
                        cntt_hbm.at[c, :, pl.ds(s * SC_ROWS, SC_ROWS)])

    return body(x, idx2)


def _ewma_body(cs_ref, cnt_ref, es_ref, en_ref, ns_ref, nn_ref, nvq_ref):
    cs = cs_ref[0] + cs_ref[1]
    cnt = cnt_ref[0, 0:1, :] + cnt_ref[1, 0:1, :]
    new_sum = es_ref[...] * GAMMA + cs * (1.0 - GAMMA)
    new_n = en_ref[...] * GAMMA + cnt * (1.0 - GAMMA)
    ns_ref[...] = new_sum
    nn_ref[...] = new_n
    nvq_ref[...] = new_sum / new_n


def _ewma(csumt2, cntt2, ewma_sum_t, ewma_n_row):
    return pl.pallas_call(
        _ewma_body,
        out_shape=[
            jax.ShapeDtypeStruct((EMB, NE), jnp.float32),
            jax.ShapeDtypeStruct((1, NE), jnp.float32),
            jax.ShapeDtypeStruct((EMB, NE), jnp.float32),
        ],
    )(csumt2, cntt2, ewma_sum_t, ewma_n_row)


def kernel(x, vq, ewma_centroid_sum, ewma_centroid_n):
    xt = x.T
    x4 = xt.reshape(8, 8, 288, CHUNK).transpose(0, 2, 1, 3)
    x_flat = _sc_transpose(x4)
    idx3, quant_t = _dist_argmin(xt, vq, vq.T)
    idx2 = idx3.reshape(NW, NCH, CHUNK)
    csumt2, cntt2 = _sc_scatter(x_flat, idx2)
    new_sum_t, new_n1, new_vq_t = _ewma(
        csumt2, cntt2, ewma_centroid_sum.T, ewma_centroid_n.reshape(1, NE))
    return (quant_t.T, new_vq_t.T, new_sum_t.T, new_n1.reshape(NE))

# --- scband reference (transcript-rebuilt; emitter-appended) ---
"""Pipeline reference for scband-vq-ewma-kmeans-231928234657 (READ-ONLY COPY).

The authoritative reference and input builder live on the scoring server;
editing this copy changes nothing except your own understanding.
"""

import jax, jax.numpy as jnp
import numpy as np

EMBEDDING_DIM = 64
NUM_EMBEDDINGS = 1024
N_TOKENS = 36864
GAMMA = 0.99


def setup_inputs(seed: int = 0) -> dict:
    key = jax.random.key(seed)
    k1, k2, k3 = jax.random.split(key, 3)
    x = jax.random.normal(k1, (N_TOKENS, EMBEDDING_DIM), dtype=jnp.float32)
    vq = jax.random.normal(k2, (NUM_EMBEDDINGS, EMBEDDING_DIM), dtype=jnp.float32)
    ewma_centroid_sum = jax.random.normal(k3, (NUM_EMBEDDINGS, EMBEDDING_DIM), dtype=jnp.float32)
    ewma_centroid_n = jnp.ones((NUM_EMBEDDINGS,), dtype=jnp.float32)
    return {
        "x": x,
        "vq": vq,
        "ewma_centroid_sum": ewma_centroid_sum,
        "ewma_centroid_n": ewma_centroid_n,
    }


def reference(x, vq, ewma_centroid_sum, ewma_centroid_n):
    # Faithful translation of VQ_EWMA_kmeans.call
    flat_inputs = x.reshape(-1, EMBEDDING_DIM)
    distances = (
        jnp.sum(flat_inputs ** 2, axis=1, keepdims=True)
        - 2.0 * jnp.dot(flat_inputs, vq.T)
        + jnp.sum(vq.T ** 2, axis=0, keepdims=True)
    )
    encoding_indices = jnp.argmax(-distances, axis=1)
    encoding_onehot = jax.nn.one_hot(encoding_indices, NUM_EMBEDDINGS, dtype=x.dtype)
    quantized = jnp.matmul(encoding_onehot, vq)
    # EWMA k-means state updates (Keras backend updates in the original)
    centroid_sum = jnp.matmul(encoding_onehot.T, x)
    centroid_n = jnp.sum(encoding_onehot, axis=0)
    new_ewma_centroid_sum = ewma_centroid_sum * GAMMA + centroid_sum * (1.0 - GAMMA)
    new_ewma_centroid_n = ewma_centroid_n * GAMMA + centroid_n * (1.0 - GAMMA)
    new_vq = new_ewma_centroid_sum / new_ewma_centroid_n.reshape(-1, 1)
    return quantized, new_vq, new_ewma_centroid_sum, new_ewma_centroid_n

if __name__ == "__main__":
    import jax
    _d = setup_inputs()
    print(jax.jit(kernel)(*tuple(_d.values())))

</pallas_src>

<mosaic_0001>
#map = affine_map<(d0, d1) -> (0, 0, 0, 0)>
#map1 = affine_map<(d0, d1) -> (0, 0)>
module attributes {stable_mosaic.version = 14 : i64} {
  func.func @body(%arg0: i32, %arg1: i32, %arg2: memref<8x288x8x128xf32, #tpu.memory_space<hbm>>, %arg3: memref<36864x64xf32, #tpu.memory_space<hbm>>, %arg4: memref<8x9x8x128xf32, #tpu.memory_space<vmem>>, %arg5: memref<576x65xf32, #tpu.memory_space<vmem>>) attributes {dimension_semantics = [#tpu.dimension_semantics<core_parallel>, #tpu.dimension_semantics<subcore_parallel>], iteration_bounds = array<i64: 2, 16>, scalar_prefetch = 0 : i64, scratch_operands = 2 : i64, tpu.core_type = #tpu.core_type<sc_vector_subcore>, window_params = [{transform_indices = #map}, {transform_indices = #map1}]} {
    %mul3A = arith.constant 2 : i32
    %mul3A_0 = arith.muli %arg1, %mul3A : i32
    %add3A = arith.addi %mul3A_0, %arg0 : i32
    %mul3A_1 = arith.constant 1152 : i32
    %mul3A_2 = arith.muli %add3A, %mul3A_1 : i32
    %iota3A = tpu.iota {dimensions = array<i32: 0>} : vector<16xi32>
    %mul3A_3 = arith.constant 9 : i32
    %mul3A_4 = arith.muli %add3A, %mul3A_3 : i32
    "tpu.region"() ({
      %run_scoped3A = tpu.sem_alloc : memref<!tpu.dma_semaphore, #tpu.memory_space<semaphore_mem>>
      %dma_start3A = arith.constant 0 : i32
      %dma_start3A_20 = arith.constant 0 : i32
      %dma_start3A_21 = arith.constant 0 : i32
      %dma_start3A_22 = tpu.memref_slice %arg2[%dma_start3A, %mul3A_4, %dma_start3A_20, %dma_start3A_21] : memref<8x288x8x128xf32, #tpu.memory_space<hbm>> -> memref<8x9x8x128xf32, #tpu.memory_space<hbm>>
      %dma_start3A_23 = arith.constant 0 : i32
      %dma_start3A_24 = arith.constant 0 : i32
      %dma_start3A_25 = arith.constant 0 : i32
      %dma_start3A_26 = tpu.memref_slice %arg2[%dma_start3A_23, %mul3A_4, %dma_start3A_24, %dma_start3A_25] : memref<8x288x8x128xf32, #tpu.memory_space<hbm>> -> memref<8x9x8x128xf32, #tpu.memory_space<hbm>>
      tpu.enqueue_dma source(%dma_start3A_26 : memref<8x9x8x128xf32, #tpu.memory_space<hbm>>) target(%arg4 : memref<8x9x8x128xf32, #tpu.memory_space<vmem>>) target_semaphore(%run_scoped3A : memref<!tpu.dma_semaphore, #tpu.memory_space<semaphore_mem>>)
      %dma_wait3A = arith.constant 0 : i32
      %dma_wait3A_27 = arith.constant 0 : i32
      %dma_wait3A_28 = arith.constant 0 : i32
      %dma_wait3A_29 = tpu.memref_slice %arg2[%dma_wait3A, %mul3A_4, %dma_wait3A_27, %dma_wait3A_28] : memref<8x288x8x128xf32, #tpu.memory_space<hbm>> -> memref<8x9x8x128xf32, #tpu.memory_space<hbm>>
      %dma_wait3A_30 = arith.constant 0 : i32
      %dma_wait3A_31 = arith.constant 0 : i32
      %dma_wait3A_32 = arith.constant 0 : i32
      %dma_wait3A_33 = tpu.memref_slice %arg2[%dma_wait3A_30, %mul3A_4, %dma_wait3A_31, %dma_wait3A_32] : memref<8x288x8x128xf32, #tpu.memory_space<hbm>> -> memref<8x9x8x128xf32, #tpu.memory_space<hbm>>
      tpu.wait_dma2 semaphore(%run_scoped3A : memref<!tpu.dma_semaphore, #tpu.memory_space<semaphore_mem>>) src(%dma_wait3A_33 : memref<8x9x8x128xf32, #tpu.memory_space<hbm>>) dst(%arg4 : memref<8x9x8x128xf32, #tpu.memory_space<vmem>>)
      tpu.yield
    }) : () -> ()
    %scan3A = arith.constant 0 : i32
    %scan3A_5 = arith.constant 0 : i32
    %scan3A_6 = arith.constant 64 : i32
    %scan3A_7 = arith.addi %scan3A_5, %scan3A_6 : i32
    %scan3A_8 = arith.constant 1 : i32
    scf.for %scan3A_20 = %scan3A_5 to %scan3A_7 step %scan3A_8  : i32 {
      %jit3A = arith.constant 8 : i32
      %div3A = arith.divsi %scan3A_20, %jit3A : i32
      %sign3A = arith.constant 0 : i32
      %sign3A_21 = arith.cmpi sgt, %scan3A_20, %sign3A : i32
      %sign3A_22 = arith.extui %sign3A_21 : i1 to i32
      %sign3A_23 = arith.constant 0 : i32
      %sign3A_24 = arith.cmpi slt, %scan3A_20, %sign3A_23 : i32
      %sign3A_25 = arith.extui %sign3A_24 : i1 to i32
      %sign3A_26 = arith.subi %sign3A_22, %sign3A_25 : i32
      %sign3A_27 = arith.constant 0 : i32
      %sign3A_28 = arith.cmpi sgt, %jit3A, %sign3A_27 : i32
      %sign3A_29 = arith.extui %sign3A_28 : i1 to i32
      %sign3A_30 = arith.constant 0 : i32
      %sign3A_31 = arith.cmpi slt, %jit3A, %sign3A_30 : i32
      %sign3A_32 = arith.extui %sign3A_31 : i1 to i32
      %sign3A_33 = arith.subi %sign3A_29, %sign3A_32 : i32
      %ne3A = arith.cmpi ne, %sign3A_26, %sign3A_33 : i32
      %rem3A = arith.remsi %scan3A_20, %jit3A : i32
      %ne3A_34 = arith.constant 0 : i32
      %ne3A_35 = arith.cmpi ne, %rem3A, %ne3A_34 : i32
      %and3A = arith.andi %ne3A, %ne3A_35 : i1
      %sub3A = arith.constant 1 : i32
      %sub3A_36 = arith.subi %div3A, %sub3A : i32
      %select_n3A = arith.select %and3A, %sub3A_36, %div3A : i32
      %broadcast_in_dim3A = vector.broadcast %select_n3A : i32 to vector<16xi32>
      %jit3A_37 = arith.constant 8 : i32
      %eq3A = arith.constant 0 : i32
      %eq3A_38 = arith.cmpi eq, %jit3A_37, %eq3A : i32
      %jit3A_39 = arith.constant 1 : i32
      %select_n3A_40 = arith.select %eq3A_38, %jit3A_39, %jit3A_37 : i32
      %rem3A_41 = arith.remsi %scan3A_20, %select_n3A_40 : i32
      %ne3A_42 = arith.constant 0 : i32
      %ne3A_43 = arith.cmpi ne, %rem3A_41, %ne3A_42 : i32
      %lt3A = arith.constant 0 : i32
      %lt3A_44 = arith.cmpi slt, %rem3A_41, %lt3A : i32
      %lt3A_45 = arith.constant 0 : i32
      %lt3A_46 = arith.cmpi slt, %select_n3A_40, %lt3A_45 : i32
      %ne3A_47 = arith.xori %lt3A_44, %lt3A_46 : i1
      %and3A_48 = arith.andi %ne3A_47, %ne3A_43 : i1
      %add3A_49 = arith.addi %rem3A_41, %select_n3A_40 : i32
      %select_n3A_50 = arith.select %and3A_48, %add3A_49, %rem3A_41 : i32
      %broadcast_in_dim3A_51 = vector.broadcast %select_n3A_50 : i32 to vector<16xi32>
      %broadcast_in_dim3A_52 = vector.broadcast %scan3A_20 : i32 to vector<16xi32>
      %broadcast_in_dim3A_53 = arith.constant 0 : i32
      %broadcast_in_dim3A_54 = vector.broadcast %broadcast_in_dim3A_53 : i32 to vector<16xi32>
      %add3A_55 = arith.constant 0 : i32
      %add3A_56 = vector.broadcast %add3A_55 : i32 to vector<16xi32>
      %add3A_57 = arith.addi %add3A_56, %iota3A : vector<16xi32>
      %gather3A = tpu.vector_load_idx %arg4[%broadcast_in_dim3A, %broadcast_in_dim3A_54, %broadcast_in_dim3A_51, %add3A_57] : memref<8x9x8x128xf32, #tpu.memory_space<vmem>>[vector<16xi32>, vector<16xi32>, vector<16xi32>, vector<16xi32>], vector<16xf32>,
      %add3A_58 = arith.constant 0 : i32
      %add3A_59 = vector.broadcast %add3A_58 : i32 to vector<16xi32>
      %add3A_60 = arith.addi %add3A_59, %iota3A : vector<16xi32>
      tpu.vector_store_idx %arg5[%add3A_60, %broadcast_in_dim3A_52], %gather3A : memref<576x65xf32, #tpu.memory_space<vmem>>[vector<16xi32>, vector<16xi32>], vector<16xf32>,
      %broadcast_in_dim3A_61 = arith.constant 0 : i32
      %broadcast_in_dim3A_62 = vector.broadcast %broadcast_in_dim3A_61 : i32 to vector<16xi32>
      %add3A_63 = arith.constant 16 : i32
      %add3A_64 = vector.broadcast %add3A_63 : i32 to vector<16xi32>
      %add3A_65 = arith.addi %add3A_64, %iota3A : vector<16xi32>
      %gather3A_66 = tpu.vector_load_idx %arg4[%broadcast_in_dim3A, %broadcast_in_dim3A_62, %broadcast_in_dim3A_51, %add3A_65] : memref<8x9x8x128xf32, #tpu.memory_space<vmem>>[vector<16xi32>, vector<16xi32>, vector<16xi32>, vector<16xi32>], vector<16xf32>,
      %add3A_67 = arith.constant 16 : i32
      %add3A_68 = vector.broadcast %add3A_67 : i32 to vector<16xi32>
      %add3A_69 = arith.addi %add3A_68, %iota3A : vector<16xi32>
      tpu.vector_store_idx %arg5[%add3A_69, %broadcast_in_dim3A_52], %gather3A_66 : memref<576x65xf32, #tpu.memory_space<vmem>>[vector<16xi32>, vector<16xi32>], vector<16xf32>,
      %broadcast_in_dim3A_70 = arith.constant 0 : i32
      %broadcast_in_dim3A_71 = vector.broadcast %broadcast_in_dim3A_70 : i32 to vector<16xi32>
      %add3A_72 = arith.constant 32 : i32
      %add3A_73 = vector.broadcast %add3A_72 : i32 to vector<16xi32>
      %add3A_74 = arith.addi %add3A_73, %iota3A : vector<16xi32>
      %gather3A_75 = tpu.vector_load_idx %arg4[%broadcast_in_dim3A, %broadcast_in_dim3A_71, %broadcast_in_dim3A_51, %add3A_74] : memref<8x9x8x128xf32, #tpu.memory_space<vmem>>[vector<16xi32>, vector<16xi32>, vector<16xi32>, vector<16xi32>], vector<16xf32>,
      %add3A_76 = arith.constant 32 : i32
      %add3A_77 = vector.broadcast %add3A_76 : i32 to vector<16xi32>
      %add3A_78 = arith.addi %add3A_77, %iota3A : vector<16xi32>
      tpu.vector_store_idx %arg5[%add3A_78, %broadcast_in_dim3A_52], %gather3A_75 : memref<576x65xf32, #tpu.memory_space<vmem>>[vector<16xi32>, vector<16xi32>], vector<16xf32>,
      %broadcast_in_dim3A_79 = arith.constant 0 : i32
      %broadcast_in_dim3A_80 = vector.broadcast %broadcast_in_dim3A_79 : i32 to vector<16xi32>
      %add3A_81 = arith.constant 48 : i32
      %add3A_82 = vector.broadcast %add3A_81 : i32 to vector<16xi32>
      %add3A_83 = arith.addi %add3A_82, %iota3A : vector<16xi32>
      %gather3A_84 = tpu.vector_load_idx %arg4[%broadcast_in_dim3A, %broadcast_in_dim3A_80, %broadcast_in_dim3A_51, %add3A_83] : memref<8x9x8x128xf32, #tpu.memory_space<vmem>>[vector<16xi32>, vector<16xi32>, vector<16xi32>, vector<16xi32>], vector<16xf32>,
      %add3A_85 = arith.constant 48 : i32
      %add3A_86 = vector.broadcast %add3A_85 : i32 to vector<16xi32>
      %add3A_87 = arith.addi %add3A_86, %iota3A : vector<16xi32>
      tpu.vector_store_idx %arg5[%add3A_87, %broadcast_in_dim3A_52], %gather3A_84 : memref<576x65xf32, #tpu.memory_space<vmem>>[vector<16xi32>, vector<16xi32>], vector<16xf32>,
      %broadcast_in_dim3A_88 = arith.constant 0 : i32
      %broadcast_in_dim3A_89 = vector.broadcast %broadcast_in_dim3A_88 : i32 to vector<16xi32>
      %add3A_90 = arith.constant 64 : i32
      %add3A_91 = vector.broadcast %add3A_90 : i32 to vector<16xi32>
      %add3A_92 = arith.addi %add3A_91, %iota3A : vector<16xi32>
      %gather3A_93 = tpu.vector_load_idx %arg4[%broadcast_in_dim3A, %broadcast_in_dim3A_89, %broadcast_in_dim3A_51, %add3A_92] : memref<8x9x8x128xf32, #tpu.memory_space<vmem>>[vector<16xi32>, vector<16xi32>, vector<16xi32>, vector<16xi32>], vector<16xf32>,
      %add3A_94 = arith.constant 64 : i32
      %add3A_95 = vector.broadcast %add3A_94 : i32 to vector<16xi32>
      %add3A_96 = arith.addi %add3A_95, %iota3A : vector<16xi32>
      tpu.vector_store_idx %arg5[%add3A_96, %broadcast_in_dim3A_52], %gather3A_93 : memref<576x65xf32, #tpu.memory_space<vmem>>[vector<16xi32>, vector<16xi32>], vector<16xf32>,
      %broadcast_in_dim3A_97 = arith.constant 0 : i32
      %broadcast_in_dim3A_98 = vector.broadcast %broadcast_in_dim3A_97 : i32 to vector<16xi32>
      %add3A_99 = arith.constant 80 : i32
      %add3A_100 = vector.broadcast %add3A_99 : i32 to vector<16xi32>
      %add3A_101 = arith.addi %add3A_100, %iota3A : vector<16xi32>
      %gather3A_102 = tpu.vector_load_idx %arg4[%broadcast_in_dim3A, %broadcast_in_dim3A_98, %broadcast_in_dim3A_51, %add3A_101] : memref<8x9x8x128xf32, #tpu.memory_space<vmem>>[vector<16xi32>, vector<16xi32>, vector<16xi32>, vector<16xi32>], vector<16xf32>,
      %add3A_103 = arith.constant 80 : i32
      %add3A_104 = vector.broadcast %add3A_103 : i32 to vector<16xi32>
      %add3A_105 = arith.addi %add3A_104, %iota3A : vector<16xi32>
      tpu.vector_store_idx %arg5[%add3A_105, %broadcast_in_dim3A_52], %gather3A_102 : memref<576x65xf32, #tpu.memory_space<vmem>>[vector<16xi32>, vector<16xi32>], vector<16xf32>,
      %broadcast_in_dim3A_106 = arith.constant 0 : i32
      %broadcast_in_dim3A_107 = vector.broadcast %broadcast_in_dim3A_106 : i32 to vector<16xi32>
      %add3A_108 = arith.constant 96 : i32
      %add3A_109 = vector.broadcast %add3A_108 : i32 to vector<16xi32>
      %add3A_110 = arith.addi %add3A_109, %iota3A : vector<16xi32>
      %gather3A_111 = tpu.vector_load_idx %arg4[%broadcast_in_dim3A, %broadcast_in_dim3A_107, %broadcast_in_dim3A_51, %add3A_110] : memref<8x9x8x128xf32, #tpu.memory_space<vmem>>[vector<16xi32>, vector<16xi32>, vector<16xi32>, vector<16xi32>], vector<16xf32>,
      %add3A_112 = arith.constant 96 : i32
      %add3A_113 = vector.broadcast %add3A_112 : i32 to vector<16xi32>
      %add3A_114 = arith.addi %add3A_113, %iota3A : vector<16xi32>
      tpu.vector_store_idx %arg5[%add3A_114, %broadcast_in_dim3A_52], %gather3A_111 : memref<576x65xf32, #tpu.memory_space<vmem>>[vector<16xi32>, vector<16xi32>], vector<16xf32>,
      %broadcast_in_dim3A_115 = arith.constant 0 : i32
      %broadcast_in_dim3A_116 = vector.broadcast %broadcast_in_dim3A_115 : i32 to vector<16xi32>
      %add3A_117 = arith.constant 112 : i32
      %add3A_118 = vector.broadcast %add3A_117 : i32 to vector<16xi32>
      %add3A_119 = arith.addi %add3A_118, %iota3A : vector<16xi32>
      %gather3A_120 = tpu.vector_load_idx %arg4[%broadcast_in_dim3A, %broadcast_in_dim3A_116, %broadcast_in_dim3A_51, %add3A_119] : memref<8x9x8x128xf32, #tpu.memory_space<vmem>>[vector<16xi32>, vector<16xi32>, vector<16xi32>, vector<16xi32>], vector<16xf32>,
      %add3A_121 = arith.constant 112 : i32
      %add3A_122 = vector.broadcast %add3A_121 : i32 to vector<16xi32>
      %add3A_123 = arith.addi %add3A_122, %iota3A : vector<16xi32>
      tpu.vector_store_idx %arg5[%add3A_123, %broadcast_in_dim3A_52], %gather3A_120 : memref<576x65xf32, #tpu.memory_space<vmem>>[vector<16xi32>, vector<16xi32>], vector<16xf32>,
      %broadcast_in_dim3A_124 = arith.constant 1 : i32
      %broadcast_in_dim3A_125 = vector.broadcast %broadcast_in_dim3A_124 : i32 to vector<16xi32>
      %add3A_126 = arith.constant 0 : i32
      %add3A_127 = vector.broadcast %add3A_126 : i32 to vector<16xi32>
      %add3A_128 = arith.addi %add3A_127, %iota3A : vector<16xi32>
      %gather3A_129 = tpu.vector_load_idx %arg4[%broadcast_in_dim3A, %broadcast_in_dim3A_125, %broadcast_in_dim3A_51, %add3A_128] : memref<8x9x8x128xf32, #tpu.memory_space<vmem>>[vector<16xi32>, vector<16xi32>, vector<16xi32>, vector<16xi32>], vector<16xf32>,
      %add3A_130 = arith.constant 128 : i32
      %add3A_131 = vector.broadcast %add3A_130 : i32 to vector<16xi32>
      %add3A_132 = arith.addi %add3A_131, %iota3A : vector<16xi32>
      tpu.vector_store_idx %arg5[%add3A_132, %broadcast_in_dim3A_52], %gather3A_129 : memref<576x65xf32, #tpu.memory_space<vmem>>[vector<16xi32>, vector<16xi32>], vector<16xf32>,
      %broadcast_in_dim3A_133 = arith.constant 1 : i32
      %broadcast_in_dim3A_134 = vector.broadcast %broadcast_in_dim3A_133 : i32 to vector<16xi32>
      %add3A_135 = arith.constant 16 : i32
      %add3A_136 = vector.broadcast %add3A_135 : i32 to vector<16xi32>
      %add3A_137 = arith.addi %add3A_136, %iota3A : vector<16xi32>
      %gather3A_138 = tpu.vector_load_idx %arg4[%broadcast_in_dim3A, %broadcast_in_dim3A_134, %broadcast_in_dim3A_51, %add3A_137] : memref<8x9x8x128xf32, #tpu.memory_space<vmem>>[vector<16xi32>, vector<16xi32>, vector<16xi32>, vector<16xi32>], vector<16xf32>,
      %add3A_139 = arith.constant 144 : i32
      %add3A_140 = vector.broadcast %add3A_139 : i32 to vector<16xi32>
      %add3A_141 = arith.addi %add3A_140, %iota3A : vector<16xi32>
      tpu.vector_store_idx %arg5[%add3A_141, %broadcast_in_dim3A_52], %gather3A_138 : memref<576x65xf32, #tpu.memory_space<vmem>>[vector<16xi32>, vector<16xi32>], vector<16xf32>,
      %broadcast_in_dim3A_142 = arith.constant 1 : i32
      %broadcast_in_dim3A_143 = vector.broadcast %broadcast_in_dim3A_142 : i32 to vector<16xi32>
      %add3A_144 = arith.constant 32 : i32
      %add3A_145 = vector.broadcast %add3A_144 : i32 to vector<16xi32>
      %add3A_146 = arith.addi %add3A_145, %iota3A : vector<16xi32>
      %gather3A_147 = tpu.vector_load_idx %arg4[%broadcast_in_dim3A, %broadcast_in_dim3A_143, %broadcast_in_dim3A_51, %add3A_146] : memref<8x9x8x128xf32, #tpu.memory_space<vmem>>[vector<16xi32>, vector<16xi32>, vector<16xi32>, vector<16xi32>], vector<16xf32>,
      %add3A_148 = arith.constant 160 : i32
      %add3A_149 = vector.broadcast %add3A_148 : i32 to vector<16xi32>
      %add3A_150 = arith.addi %add3A_149, %iota3A : vector<16xi32>
      tpu.vector_store_idx %arg5[%add3A_150, %broadcast_in_dim3A_52], %gather3A_147 : memref<576x65xf32, #tpu.memory_space<vmem>>[vector<16xi32>, vector<16xi32>], vector<16xf32>,
      %broadcast_in_dim3A_151 = arith.constant 1 : i32
      %broadcast_in_dim3A_152 = vector.broadcast %broadcast_in_dim3A_151 : i32 to vector<16xi32>
      %add3A_153 = arith.constant 48 : i32
      %add3A_154 = vector.broadcast %add3A_153 : i32 to vector<16xi32>
      %add3A_155 = arith.addi %add3A_154, %iota3A : vector<16xi32>
      %gather3A_156 = tpu.vector_load_idx %arg4[%broadcast_in_dim3A, %broadcast_in_dim3A_152, %broadcast_in_dim3A_51, %add3A_155] : memref<8x9x8x128xf32, #tpu.memory_space<vmem>>[vector<16xi32>, vector<16xi32>, vector<16xi32>, vector<16xi32>], vector<16xf32>,
      %add3A_157 = arith.constant 176 : i32
      %add3A_158 = vector.broadcast %add3A_157 : i32 to vector<16xi32>
      %add3A_159 = arith.addi %add3A_158, %iota3A : vector<16xi32>
      tpu.vector_store_idx %arg5[%add3A_159, %broadcast_in_dim3A_52], %gather3A_156 : memref<576x65xf32, #tpu.memory_space<vmem>>[vector<16xi32>, vector<16xi32>], vector<16xf32>,
      %broadcast_in_dim3A_160 = arith.constant 1 : i32
      %broadcast_in_dim3A_161 = vector.broadcast %broadcast_in_dim3A_160 : i32 to vector<16xi32>
      %add3A_162 = arith.constant 64 : i32
      %add3A_163 = vector.broadcast %add3A_162 : i32 to vector<16xi32>
      %add3A_164 = arith.addi %add3A_163, %iota3A : vector<16xi32>
      %gather3A_165 = tpu.vector_load_idx %arg4[%broadcast_in_dim3A, %broadcast_in_dim3A_161, %broadcast_in_dim3A_51, %add3A_164] : memref<8x9x8x128xf32, #tpu.memory_space<vmem>>[vector<16xi32>, vector<16xi32>, vector<16xi32>, vector<16xi32>], vector<16xf32>,
      %add3A_166 = arith.constant 192 : i32
      %add3A_167 = vector.broadcast %add3A_166 : i32 to vector<16xi32>
      %add3A_168 = arith.addi %add3A_167, %iota3A : vector<16xi32>
      tpu.vector_store_idx %arg5[%add3A_168, %broadcast_in_dim3A_52], %gather3A_165 : memref<576x65xf32, #tpu.memory_space<vmem>>[vector<16xi32>, vector<16xi32>], vector<16xf32>,
      %broadcast_in_dim3A_169 = arith.constant 1 : i32
      %broadcast_in_dim3A_170 = vector.broadcast %broadcast_in_dim3A_169 : i32 to vector<16xi32>
      %add3A_171 = arith.constant 80 : i32
      %add3A_172 = vector.broadcast %add3A_171 : i32 to vector<16xi32>
      %add3A_173 = arith.addi %add3A_172, %iota3A : vector<16xi32>
      %gather3A_174 = tpu.vector_load_idx %arg4[%broadcast_in_dim3A, %broadcast_in_dim3A_170, %broadcast_in_dim3A_51, %add3A_173] : memref<8x9x8x128xf32, #tpu.memory_space<vmem>>[vector<16xi32>, vector<16xi32>, vector<16xi32>, vector<16xi32>], vector<16xf32>,
      %add3A_175 = arith.constant 208 : i32
      %add3A_176 = vector.broadcast %add3A_175 : i32 to vector<16xi32>
      %add3A_177 = arith.addi %add3A_176, %iota3A : vector<16xi32>
      tpu.vector_store_idx %arg5[%add3A_177, %broadcast_in_dim3A_52], %gather3A_174 : memref<576x65xf32, #tpu.memory_space<vmem>>[vector<16xi32>, vector<16xi32>], vector<16xf32>,
      %broadcast_in_dim3A_178 = arith.constant 1 : i32
      %broadcast_in_dim3A_179 = vector.broadcast %broadcast_in_dim3A_178 : i32 to vector<16xi32>
      %add3A_180 = arith.constant 96 : i32
      %add3A_181 = vector.broadcast %add3A_180 : i32 to vector<16xi32>
      %add3A_182 = arith.addi %add3A_181, %iota3A : vector<16xi32>
      %gather3A_183 = tpu.vector_load_idx %arg4[%broadcast_in_dim3A, %broadcast_in_dim3A_179, %broadcast_in_dim3A_51, %add3A_182] : memref<8x9x8x128xf32, #tpu.memory_space<vmem>>[vector<16xi32>, vector<16xi32>, vector<16xi32>, vector<16xi32>], vector<16xf32>,
      %add3A_184 = arith.constant 224 : i32
      %add3A_185 = vector.broadcast %add3A_184 : i32 to vector<16xi32>
      %add3A_186 = arith.addi %add3A_185, %iota3A : vector<16xi32>
      tpu.vector_store_idx %arg5[%add3A_186, %broadcast_in_dim3A_52], %gather3A_183 : memref<576x65xf32, #tpu.memory_space<vmem>>[vector<16xi32>, vector<16xi32>], vector<16xf32>,
      %broadcast_in_dim3A_187 = arith.constant 1 : i32
      %broadcast_in_dim3A_188 = vector.broadcast %broadcast_in_dim3A_187 : i32 to vector<16xi32>
      %add3A_189 = arith.constant 112 : i32
      %add3A_190 = vector.broadcast %add3A_189 : i32 to vector<16xi32>
      %add3A_191 = arith.addi %add3A_190, %iota3A : vector<16xi32>
      %gather3A_192 = tpu.vector_load_idx %arg4[%broadcast_in_dim3A, %broadcast_in_dim3A_188, %broadcast_in_dim3A_51, %add3A_191] : memref<8x9x8x128xf32, #tpu.memory_space<vmem>>[vector<16xi32>, vector<16xi32>, vector<16xi32>, vector<16xi32>], vector<16xf32>,
      %add3A_193 = arith.constant 240 : i32
      %add3A_194 = vector.broadcast %add3A_193 : i32 to vector<16xi32>
      %add3A_195 = arith.addi %add3A_194, %iota3A : vector<16xi32>
      tpu.vector_store_idx %arg5[%add3A_195, %broadcast_in_dim3A_52], %gather3A_192 : memref<576x65xf32, #tpu.memory_space<vmem>>[vector<16xi32>, vector<16xi32>], vector<16xf32>,
      %broadcast_in_dim3A_196 = arith.constant 2 : i32
      %broadcast_in_dim3A_197 = vector.broadcast %broadcast_in_dim3A_196 : i32 to vector<16xi32>
      %add3A_198 = arith.constant 0 : i32
      %add3A_199 = vector.broadcast %add3A_198 : i32 to vector<16xi32>
      %add3A_200 = arith.addi %add3A_199, %iota3A : vector<16xi32>
      %gather3A_201 = tpu.vector_load_idx %arg4[%broadcast_in_dim3A, %broadcast_in_dim3A_197, %broadcast_in_dim3A_51, %add3A_200] : memref<8x9x8x128xf32, #tpu.memory_space<vmem>>[vector<16xi32>, vector<16xi32>, vector<16xi32>, vector<16xi32>], vector<16xf32>,
      %add3A_202 = arith.constant 256 : i32
      %add3A_203 = vector.broadcast %add3A_202 : i32 to vector<16xi32>
      %add3A_204 = arith.addi %add3A_203, %iota3A : vector<16xi32>
      tpu.vector_store_idx %arg5[%add3A_204, %broadcast_in_dim3A_52], %gather3A_201 : memref<576x65xf32, #tpu.memory_space<vmem>>[vector<16xi32>, vector<16xi32>], vector<16xf32>,
      %broadcast_in_dim3A_205 = arith.constant 2 : i32
      %broadcast_in_dim3A_206 = vector.broadcast %broadcast_in_dim3A_205 : i32 to vector<16xi32>
      %add3A_207 = arith.constant 16 : i32
      %add3A_208 = vector.broadcast %add3A_207 : i32 to vector<16xi32>
      %add3A_209 = arith.addi %add3A_208, %iota3A : vector<16xi32>
      %gather3A_210 = tpu.vector_load_idx %arg4[%broadcast_in_dim3A, %broadcast_in_dim3A_206, %broadcast_in_dim3A_51, %add3A_209] : memref<8x9x8x128xf32, #tpu.memory_space<vmem>>[vector<16xi32>, vector<16xi32>, vector<16xi32>, vector<16xi32>], vector<16xf32>,
      %add3A_211 = arith.constant 272 : i32
      %add3A_212 = vector.broadcast %add3A_211 : i32 to vector<16xi32>
      %add3A_213 = arith.addi %add3A_212, %iota3A : vector<16xi32>
      tpu.vector_store_idx %arg5[%add3A_213, %broadcast_in_dim3A_52], %gather3A_210 : memref<576x65xf32, #tpu.memory_space<vmem>>[vector<16xi32>, vector<16xi32>], vector<16xf32>,
      %broadcast_in_dim3A_214 = arith.constant 2 : i32
      %broadcast_in_dim3A_215 = vector.broadcast %broadcast_in_dim3A_214 : i32 to vector<16xi32>
      %add3A_216 = arith.constant 32 : i32
      %add3A_217 = vector.broadcast %add3A_216 : i32 to vector<16xi32>
      %add3A_218 = arith.addi %add3A_217, %iota3A : vector<16xi32>
      %gather3A_219 = tpu.vector_load_idx %arg4[%broadcast_in_dim3A, %broadcast_in_dim3A_215, %broadcast_in_dim3A_51, %add3A_218] : memref<8x9x8x128xf32, #tpu.memory_space<vmem>>[vector<16xi32>, vector<16xi32>, vector<16xi32>, vector<16xi32>], vector<16xf32>,
      %add3A_220 = arith.constant 288 : i32
      %add3A_221 = vector.broadcast %add3A_220 : i32 to vector<16xi32>
      %add3A_222 = arith.addi %add3A_221, %iota3A : vector<16xi32>
      tpu.vector_store_idx %arg5[%add3A_222, %broadcast_in_dim3A_52], %gather3A_219 : memref<576x65xf32, #tpu.memory_space<vmem>>[vector<16xi32>, vector<16xi32>], vector<16xf32>,
      %broadcast_in_dim3A_223 = arith.constant 2 : i32
      %broadcast_in_dim3A_224 = vector.broadcast %broadcast_in_dim3A_223 : i32 to vector<16xi32>
      %add3A_225 = arith.constant 48 : i32
      %add3A_226 = vector.broadcast %add3A_225 : i32 to vector<16xi32>
      %add3A_227 = arith.addi %add3A_226, %iota3A : vector<16xi32>
      %gather3A_228 = tpu.vector_load_idx %arg4[%broadcast_in_dim3A, %broadcast_in_dim3A_224, %broadcast_in_dim3A_51, %add3A_227] : memref<8x9x8x128xf32, #tpu.memory_space<vmem>>[vector<16xi32>, vector<16xi32>, vector<16xi32>, vector<16xi32>], vector<16xf32>,
      %add3A_229 = arith.constant 304 : i32
      %add3A_230 = vector.broadcast %add3A_229 : i32 to vector<16xi32>
      %add3A_231 = arith.addi %add3A_230, %iota3A : vector<16xi32>
      tpu.vector_store_idx %arg5[%add3A_231, %broadcast_in_dim3A_52], %gather3A_228 : memref<576x65xf32, #tpu.memory_space<vmem>>[vector<16xi32>, vector<16xi32>], vector<16xf32>,
      %broadcast_in_dim3A_232 = arith.constant 2 : i32
      %broadcast_in_dim3A_233 = vector.broadcast %broadcast_in_dim3A_232 : i32 to vector<16xi32>
      %add3A_234 = arith.constant 64 : i32
      %add3A_235 = vector.broadcast %add3A_234 : i32 to vector<16xi32>
      %add3A_236 = arith.addi %add3A_235, %iota3A : vector<16xi32>
      %gather3A_237 = tpu.vector_load_idx %arg4[%broadcast_in_dim3A, %broadcast_in_dim3A_233, %broadcast_in_dim3A_51, %add3A_236] : memref<8x9x8x128xf32, #tpu.memory_space<vmem>>[vector<16xi32>, vector<16xi32>, vector<16xi32>, vector<16xi32>], vector<16xf32>,
      %add3A_238 = arith.constant 320 : i32
      %add3A_239 = vector.broadcast %add3A_238 : i32 to vector<16xi32>
      %add3A_240 = arith.addi %add3A_239, %iota3A : vector<16xi32>
      tpu.vector_store_idx %arg5[%add3A_240, %broadcast_in_dim3A_52], %gather3A_237 : memref<576x65xf32, #tpu.memory_space<vmem>>[vector<16xi32>, vector<16xi32>], vector<16xf32>,
      %broadcast_in_dim3A_241 = arith.constant 2 : i32
      %broadcast_in_dim3A_242 = vector.broadcast %broadcast_in_dim3A_241 : i32 to vector<16xi32>
      %add3A_243 = arith.constant 80 : i32
      %add3A_244 = vector.broadcast %add3A_243 : i32 to vector<16xi32>
      %add3A_245 = arith.addi %add3A_244, %iota3A : vector<16xi32>
      %gather3A_246 = tpu.vector_load_idx %arg4[%broadcast_in_dim3A, %broadcast_in_dim3A_242, %broadcast_in_dim3A_51, %add3A_245] : memref<8x9x8x128xf32, #tpu.memory_space<vmem>>[vector<16xi32>, vector<16xi32>, vector<16xi32>, vector<16xi32>], vector<16xf32>,
      %add3A_247 = arith.constant 336 : i32
      %add3A_248 = vector.broadcast %add3A_247 : i32 to vector<16xi32>
      %add3A_249 = arith.addi %add3A_248, %iota3A : vector<16xi32>
      tpu.vector_store_idx %arg5[%add3A_249, %broadcast_in_dim3A_52], %gather3A_246 : memref<576x65xf32, #tpu.memory_space<vmem>>[vector<16xi32>, vector<16xi32>], vector<16xf32>,
      %broadcast_in_dim3A_250 = arith.constant 2 : i32
      %broadcast_in_dim3A_251 = vector.broadcast %broadcast_in_dim3A_250 : i32 to vector<16xi32>
      %add3A_252 = arith.constant 96 : i32
      %add3A_253 = vector.broadcast %add3A_252 : i32 to vector<16xi32>
      %add3A_254 = arith.addi %add3A_253, %iota3A : vector<16xi32>
      %gather3A_255 = tpu.vector_load_idx %arg4[%broadcast_in_dim3A, %broadcast_in_dim3A_251, %broadcast_in_dim3A_51, %add3A_254] : memref<8x9x8x128xf32, #tpu.memory_space<vmem>>[vector<16xi32>, vector<16xi32>, vector<16xi32>, vector<16xi32>], vector<16xf32>,
      %add3A_256 = arith.constant 352 : i32
      %add3A_257 = vector.broadcast %add3A_256 : i32 to vector<16xi32>
      %add3A_258 = arith.addi %add3A_257, %iota3A : vector<16xi32>
      tpu.vector_store_idx %arg5[%add3A_258, %broadcast_in_dim3A_52], %gather3A_255 : memref<576x65xf32, #tpu.memory_space<vmem>>[vector<16xi32>, vector<16xi32>], vector<16xf32>,
      %broadcast_in_dim3A_259 = arith.constant 2 : i32
      %broadcast_in_dim3A_260 = vector.broadcast %broadcast_in_dim3A_259 : i32 to vector<16xi32>
      %add3A_261 = arith.constant 112 : i32
      %add3A_262 = vector.broadcast %add3A_261 : i32 to vector<16xi32>
      %add3A_263 = arith.addi %add3A_262, %iota3A : vector<16xi32>
      %gather3A_264 = tpu.vector_load_idx %arg4[%broadcast_in_dim3A, %broadcast_in_dim3A_260, %broadcast_in_dim3A_51, %add3A_263] : memref<8x9x8x128xf32, #tpu.memory_space<vmem>>[vector<16xi32>, vector<16xi32>, vector<16xi32>, vector<16xi32>], vector<16xf32>,
      %add3A_265 = arith.constant 368 : i32
      %add3A_266 = vector.broadcast %add3A_265 : i32 to vector<16xi32>
      %add3A_267 = arith.addi %add3A_266, %iota3A : vector<16xi32>
      tpu.vector_store_idx %arg5[%add3A_267, %broadcast_in_dim3A_52], %gather3A_264 : memref<576x65xf32, #tpu.memory_space<vmem>>[vector<16xi32>, vector<16xi32>], vector<16xf32>,
      %broadcast_in_dim3A_268 = arith.constant 3 : i32
      %broadcast_in_dim3A_269 = vector.broadcast %broadcast_in_dim3A_268 : i32 to vector<16xi32>
      %add3A_270 = arith.constant 0 : i32
      %add3A_271 = vector.broadcast %add3A_270 : i32 to vector<16xi32>
      %add3A_272 = arith.addi %add3A_271, %iota3A : vector<16xi32>
      %gather3A_273 = tpu.vector_load_idx %arg4[%broadcast_in_dim3A, %broadcast_in_dim3A_269, %broadcast_in_dim3A_51, %add3A_272] : memref<8x9x8x128xf32, #tpu.memory_space<vmem>>[vector<16xi32>, vector<16xi32>, vector<16xi32>, vector<16xi32>], vector<16xf32>,
      %add3A_274 = arith.constant 384 : i32
      %add3A_275 = vector.broadcast %add3A_274 : i32 to vector<16xi32>
      %add3A_276 = arith.addi %add3A_275, %iota3A : vector<16xi32>
      tpu.vector_store_idx %arg5[%add3A_276, %broadcast_in_dim3A_52], %gather3A_273 : memref<576x65xf32, #tpu.memory_space<vmem>>[vector<16xi32>, vector<16xi32>], vector<16xf32>,
      %broadcast_in_dim3A_277 = arith.constant 3 : i32
      %broadcast_in_dim3A_278 = vector.broadcast %broadcast_in_dim3A_277 : i32 to vector<16xi32>
      %add3A_279 = arith.constant 16 : i32
      %add3A_280 = vector.broadcast %add3A_279 : i32 to vector<16xi32>
      %add3A_281 = arith.addi %add3A_280, %iota3A : vector<16xi32>
      %gather3A_282 = tpu.vector_load_idx %arg4[%broadcast_in_dim3A, %broadcast_in_dim3A_278, %broadcast_in_dim3A_51, %add3A_281] : memref<8x9x8x128xf32, #tpu.memory_space<vmem>>[vector<16xi32>, vector<16xi32>, vector<16xi32>, vector<16xi32>], vector<16xf32>,
      %add3A_283 = arith.constant 400 : i32
      %add3A_284 = vector.broadcast %add3A_283 : i32 to vector<16xi32>
      %add3A_285 = arith.addi %add3A_284, %iota3A : vector<16xi32>
      tpu.vector_store_idx %arg5[%add3A_285, %broadcast_in_dim3A_52], %gather3A_282 : memref<576x65xf32, #tpu.memory_space<vmem>>[vector<16xi32>, vector<16xi32>], vector<16xf32>,
      %broadcast_in_dim3A_286 = arith.constant 3 : i32
      %broadcast_in_dim3A_287 = vector.broadcast %broadcast_in_dim3A_286 : i32 to vector<16xi32>
      %add3A_288 = arith.constant 32 : i32
      %add3A_289 = vector.broadcast %add3A_288 : i32 to vector<16xi32>
      %add3A_290 = arith.addi %add3A_289, %iota3A : vector<16xi32>
      %gather3A_291 = tpu.vector_load_idx %arg4[%broadcast_in_dim3A, %broadcast_in_dim3A_287, %broadcast_in_dim3A_51, %add3A_290] : memref<8x9x8x128xf32, #tpu.memory_space<vmem>>[vector<16xi32>, vector<16xi32>, vector<16xi32>, vector<16xi32>], vector<16xf32>,
      %add3A_292 = arith.constant 416 : i32
      %add3A_293 = vector.broadcast %add3A_292 : i32 to vector<16xi32>
      %add3A_294 = arith.addi %add3A_293, %iota3A : vector<16xi32>
      tpu.vector_store_idx %arg5[%add3A_294, %broadcast_in_dim3A_52], %gather3A_291 : memref<576x65xf32, #tpu.memory_space<vmem>>[vector<16xi32>, vector<16xi32>], vector<16xf32>,
      %broadcast_in_dim3A_295 = arith.constant 3 : i32
      %broadcast_in_dim3A_296 = vector.broadcast %broadcast_in_dim3A_295 : i32 to vector<16xi32>
      %add3A_297 = arith.constant 48 : i32
      %add3A_298 = vector.broadcast %add3A_297 : i32 to vector<16xi32>
      %add3A_299 = arith.addi %add3A_298, %iota3A : vector<16xi32>
      %gather3A_300 = tpu.vector_load_idx %arg4[%broadcast_in_dim3A, %broadcast_in_dim3A_296, %broadcast_in_dim3A_51, %add3A_299] : memref<8x9x8x128xf32, #tpu.memory_space<vmem>>[vector<16xi32>, vector<16xi32>, vector<16xi32>, vector<16xi32>], vector<16xf32>,
      %add3A_301 = arith.constant 432 : i32
      %add3A_302 = vector.broadcast %add3A_301 : i32 to vector<16xi32>
      %add3A_303 = arith.addi %add3A_302, %iota3A : vector<16xi32>
      tpu.vector_store_idx %arg5[%add3A_303, %broadcast_in_dim3A_52], %gather3A_300 : memref<576x65xf32, #tpu.memory_space<vmem>>[vector<16xi32>, vector<16xi32>], vector<16xf32>,
      %broadcast_in_dim3A_304 = arith.constant 3 : i32
      %broadcast_in_dim3A_305 = vector.broadcast %broadcast_in_dim3A_304 : i32 to vector<16xi32>
      %add3A_306 = arith.constant 64 : i32
      %add3A_307 = vector.broadcast %add3A_306 : i32 to vector<16xi32>
      %add3A_308 = arith.addi %add3A_307, %iota3A : vector<16xi32>
      %gather3A_309 = tpu.vector_load_idx %arg4[%broadcast_in_dim3A, %broadcast_in_dim3A_305, %broadcast_in_dim3A_51, %add3A_308] : memref<8x9x8x128xf32, #tpu.memory_space<vmem>>[vector<16xi32>, vector<16xi32>, vector<16xi32>, vector<16xi32>], vector<16xf32>,
      %add3A_310 = arith.constant 448 : i32
      %add3A_311 = vector.broadcast %add3A_310 : i32 to vector<16xi32>
      %add3A_312 = arith.addi %add3A_311, %iota3A : vector<16xi32>
      tpu.vector_store_idx %arg5[%add3A_312, %broadcast_in_dim3A_52], %gather3A_309 : memref<576x65xf32, #tpu.memory_space<vmem>>[vector<16xi32>, vector<16xi32>], vector<16xf32>,
      %broadcast_in_dim3A_313 = arith.constant 3 : i32
      %broadcast_in_dim3A_314 = vector.broadcast %broadcast_in_dim3A_313 : i32 to vector<16xi32>
      %add3A_315 = arith.constant 80 : i32
      %add3A_316 = vector.broadcast %add3A_315 : i32 to vector<16xi32>
      %add3A_317 = arith.addi %add3A_316, %iota3A : vector<16xi32>
      %gather3A_318 = tpu.vector_load_idx %arg4[%broadcast_in_dim3A, %broadcast_in_dim3A_314, %broadcast_in_dim3A_51, %add3A_317] : memref<8x9x8x128xf32, #tpu.memory_space<vmem>>[vector<16xi32>, vector<16xi32>, vector<16xi32>, vector<16xi32>], vector<16xf32>,
      %add3A_319 = arith.constant 464 : i32
      %add3A_320 = vector.broadcast %add3A_319 : i32 to vector<16xi32>
      %add3A_321 = arith.addi %add3A_320, %iota3A : vector<16xi32>
      tpu.vector_store_idx %arg5[%add3A_321, %broadcast_in_dim3A_52], %gather3A_318 : memref<576x65xf32, #tpu.memory_space<vmem>>[vector<16xi32>, vector<16xi32>], vector<16xf32>,
      %broadcast_in_dim3A_322 = arith.constant 3 : i32
      %broadcast_in_dim3A_323 = vector.broadcast %broadcast_in_dim3A_322 : i32 to vector<16xi32>
      %add3A_324 = arith.constant 96 : i32
      %add3A_325 = vector.broadcast %add3A_324 : i32 to vector<16xi32>
      %add3A_326 = arith.addi %add3A_325, %iota3A : vector<16xi32>
      %gather3A_327 = tpu.vector_load_idx %arg4[%broadcast_in_dim3A, %broadcast_in_dim3A_323, %broadcast_in_dim3A_51, %add3A_326] : memref<8x9x8x128xf32, #tpu.memory_space<vmem>>[vector<16xi32>, vector<16xi32>, vector<16xi32>, vector<16xi32>], vector<16xf32>,
      %add3A_328 = arith.constant 480 : i32
      %add3A_329 = vector.broadcast %add3A_328 : i32 to vector<16xi32>
      %add3A_330 = arith.addi %add3A_329, %iota3A : vector<16xi32>
      tpu.vector_store_idx %arg5[%add3A_330, %broadcast_in_dim3A_52], %gather3A_327 : memref<576x65xf32, #tpu.memory_space<vmem>>[vector<16xi32>, vector<16xi32>], vector<16xf32>,
      %broadcast_in_dim3A_331 = arith.constant 3 : i32
      %broadcast_in_dim3A_332 = vector.broadcast %broadcast_in_dim3A_331 : i32 to vector<16xi32>
      %add3A_333 = arith.constant 112 : i32
      %add3A_334 = vector.broadcast %add3A_333 : i32 to vector<16xi32>
      %add3A_335 = arith.addi %add3A_334, %iota3A : vector<16xi32>
      %gather3A_336 = tpu.vector_load_idx %arg4[%broadcast_in_dim3A, %broadcast_in_dim3A_332, %broadcast_in_dim3A_51, %add3A_335] : memref<8x9x8x128xf32, #tpu.memory_space<vmem>>[vector<16xi32>, vector<16xi32>, vector<16xi32>, vector<16xi32>], vector<16xf32>,
      %add3A_337 = arith.constant 496 : i32
      %add3A_338 = vector.broadcast %add3A_337 : i32 to vector<16xi32>
      %add3A_339 = arith.addi %add3A_338, %iota3A : vector<16xi32>
      tpu.vector_store_idx %arg5[%add3A_339, %broadcast_in_dim3A_52], %gather3A_336 : memref<576x65xf32, #tpu.memory_space<vmem>>[vector<16xi32>, vector<16xi32>], vector<16xf32>,
      %broadcast_in_dim3A_340 = arith.constant 4 : i32
      %broadcast_in_dim3A_341 = vector.broadcast %broadcast_in_dim3A_340 : i32 to vector<16xi32>
      %add3A_342 = arith.constant 0 : i32
      %add3A_343 = vector.broadcast %add3A_342 : i32 to vector<16xi32>
      %add3A_344 = arith.addi %add3A_343, %iota3A : vector<16xi32>
      %gather3A_345 = tpu.vector_load_idx %arg4[%broadcast_in_dim3A, %broadcast_in_dim3A_341, %broadcast_in_dim3A_51, %add3A_344] : memref<8x9x8x128xf32, #tpu.memory_space<vmem>>[vector<16xi32>, vector<16xi32>, vector<16xi32>, vector<16xi32>], vector<16xf32>,
      %add3A_346 = arith.constant 512 : i32
      %add3A_347 = vector.broadcast %add3A_346 : i32 to vector<16xi32>
      %add3A_348 = arith.addi %add3A_347, %iota3A : vector<16xi32>
      tpu.vector_store_idx %arg5[%add3A_348, %broadcast_in_dim3A_52], %gather3A_345 : memref<576x65xf32, #tpu.memory_space<vmem>>[vector<16xi32>, vector<16xi32>], vector<16xf32>,
      %broadcast_in_dim3A_349 = arith.constant 4 : i32
      %broadcast_in_dim3A_350 = vector.broadcast %broadcast_in_dim3A_349 : i32 to vector<16xi32>
      %add3A_351 = arith.constant 16 : i32
      %add3A_352 = vector.broadcast %add3A_351 : i32 to vector<16xi32>
      %add3A_353 = arith.addi %add3A_352, %iota3A : vector<16xi32>
      %gather3A_354 = tpu.vector_load_idx %arg4[%broadcast_in_dim3A, %broadcast_in_dim3A_350, %broadcast_in_dim3A_51, %add3A_353] : memref<8x9x8x128xf32, #tpu.memory_space<vmem>>[vector<16xi32>, vector<16xi32>, vector<16xi32>, vector<16xi32>], vector<16xf32>,
      %add3A_355 = arith.constant 528 : i32
      %add3A_356 = vector.broadcast %add3A_355 : i32 to vector<16xi32>
      %add3A_357 = arith.addi %add3A_356, %iota3A : vector<16xi32>
      tpu.vector_store_idx %arg5[%add3A_357, %broadcast_in_dim3A_52], %gather3A_354 : memref<576x65xf32, #tpu.memory_space<vmem>>[vector<16xi32>, vector<16xi32>], vector<16xf32>,
      %broadcast_in_dim3A_358 = arith.constant 4 : i32
      %broadcast_in_dim3A_359 = vector.broadcast %broadcast_in_dim3A_358 : i32 to vector<16xi32>
      %add3A_360 = arith.constant 32 : i32
      %add3A_361 = vector.broadcast %add3A_360 : i32 to vector<16xi32>
      %add3A_362 = arith.addi %add3A_361, %iota3A : vector<16xi32>
      %gather3A_363 = tpu.vector_load_idx %arg4[%broadcast_in_dim3A, %broadcast_in_dim3A_359, %broadcast_in_dim3A_51, %add3A_362] : memref<8x9x8x128xf32, #tpu.memory_space<vmem>>[vector<16xi32>, vector<16xi32>, vector<16xi32>, vector<16xi32>], vector<16xf32>,
      %add3A_364 = arith.constant 544 : i32
      %add3A_365 = vector.broadcast %add3A_364 : i32 to vector<16xi32>
      %add3A_366 = arith.addi %add3A_365, %iota3A : vector<16xi32>
      tpu.vector_store_idx %arg5[%add3A_366, %broadcast_in_dim3A_52], %gather3A_363 : memref<576x65xf32, #tpu.memory_space<vmem>>[vector<16xi32>, vector<16xi32>], vector<16xf32>,
      %broadcast_in_dim3A_367 = arith.constant 4 : i32
      %broadcast_in_dim3A_368 = vector.broadcast %broadcast_in_dim3A_367 : i32 to vector<16xi32>
      %add3A_369 = arith.constant 48 : i32
      %add3A_370 = vector.broadcast %add3A_369 : i32 to vector<16xi32>
      %add3A_371 = arith.addi %add3A_370, %iota3A : vector<16xi32>
      %gather3A_372 = tpu.vector_load_idx %arg4[%broadcast_in_dim3A, %broadcast_in_dim3A_368, %broadcast_in_dim3A_51, %add3A_371] : memref<8x9x8x128xf32, #tpu.memory_space<vmem>>[vector<16xi32>, vector<16xi32>, vector<16xi32>, vector<16xi32>], vector<16xf32>,
      %add3A_373 = arith.constant 560 : i32
      %add3A_374 = vector.broadcast %add3A_373 : i32 to vector<16xi32>
      %add3A_375 = arith.addi %add3A_374, %iota3A : vector<16xi32>
      tpu.vector_store_idx %arg5[%add3A_375, %broadcast_in_dim3A_52], %gather3A_372 : memref<576x65xf32, #tpu.memory_space<vmem>>[vector<16xi32>, vector<16xi32>], vector<16xf32>,
    }
    %scan3A_9 = arith.constant 64 : i32
    %add3A_10 = arith.constant 0 : i32
    %add3A_11 = arith.addi %mul3A_2, %add3A_10 : i32
    "tpu.region"() ({
      %run_scoped3A = tpu.sem_alloc : memref<!tpu.dma_semaphore, #tpu.memory_space<semaphore_mem>>
      %dma_start3A = arith.constant 0 : i32
      %dma_start3A_20 = arith.constant 0 : i32
      %dma_start3A_21 = tpu.memref_slice %arg5[%dma_start3A, %dma_start3A_20] : memref<576x65xf32, #tpu.memory_space<vmem>> -> memref<576x64xf32, #tpu.memory_space<vmem>>
      %dma_start3A_22 = arith.constant 0 : i32
      %dma_start3A_23 = tpu.memref_slice %arg3[%add3A_11, %dma_start3A_22] : memref<36864x64xf32, #tpu.memory_space<hbm>> -> memref<576x64xf32, #tpu.memory_space<hbm>>
      %dma_start3A_24 = arith.constant 0 : i32
      %dma_start3A_25 = tpu.memref_slice %arg3[%add3A_11, %dma_start3A_24] : memref<36864x64xf32, #tpu.memory_space<hbm>> -> memref<576x64xf32, #tpu.memory_space<hbm>>
      %dma_start3A_26 = arith.constant 0 : i32
      %dma_start3A_27 = arith.constant 0 : i32
      %dma_start3A_28 = tpu.memref_slice %arg5[%dma_start3A_26, %dma_start3A_27] : memref<576x65xf32, #tpu.memory_space<vmem>> -> memref<576x64xf32, #tpu.memory_space<vmem>>
      tpu.enqueue_dma source(%dma_start3A_28 : memref<576x64xf32, #tpu.memory_space<vmem>>) target(%dma_start3A_25 : memref<576x64xf32, #tpu.memory_space<hbm>>) target_semaphore(%run_scoped3A : memref<!tpu.dma_semaphore, #tpu.memory_space<semaphore_mem>>)
      %dma_wait3A = arith.constant 0 : i32
      %dma_wait3A_29 = arith.constant 0 : i32
      %dma_wait3A_30 = tpu.memref_slice %arg5[%dma_wait3A, %dma_wait3A_29] : memref<576x65xf32, #tpu.memory_space<vmem>> -> memref<576x64xf32, #tpu.memory_space<vmem>>
      %dma_wait3A_31 = arith.constant 0 : i32
      %dma_wait3A_32 = tpu.memref_slice %arg3[%add3A_11, %dma_wait3A_31] : memref<36864x64xf32, #tpu.memory_space<hbm>> -> memref<576x64xf32, #tpu.memory_space<hbm>>
      %dma_wait3A_33 = arith.constant 0 : i32
      %dma_wait3A_34 = tpu.memref_slice %arg3[%add3A_11, %dma_wait3A_33] : memref<36864x64xf32, #tpu.memory_space<hbm>> -> memref<576x64xf32, #tpu.memory_space<hbm>>
      %dma_wait3A_35 = arith.constant 0 : i32
      %dma_wait3A_36 = arith.constant 0 : i32
      %dma_wait3A_37 = tpu.memref_slice %arg5[%dma_wait3A_35, %dma_wait3A_36] : memref<576x65xf32, #tpu.memory_space<vmem>> -> memref<576x64xf32, #tpu.memory_space<vmem>>
      tpu.wait_dma2 semaphore(%run_scoped3A : memref<!tpu.dma_semaphore, #tpu.memory_space<semaphore_mem>>) src(%dma_wait3A_37 : memref<576x64xf32, #tpu.memory_space<vmem>>) dst(%dma_wait3A_34 : memref<576x64xf32, #tpu.memory_space<hbm>>)
      tpu.yield
    }) : () -> ()
    %scan3A_12 = arith.constant 0 : i32
    %scan3A_13 = arith.constant 0 : i32
    %scan3A_14 = arith.constant 64 : i32
    %scan3A_15 = arith.addi %scan3A_13, %scan3A_14 : i32
    %scan3A_16 = arith.constant 1 : i32
    scf.for %scan3A_20 = %scan3A_13 to %scan3A_15 step %scan3A_16  : i32 {
      %jit3A = arith.constant 8 : i32
      %div3A = arith.divsi %scan3A_20, %jit3A : i32
      %sign3A = arith.constant 0 : i32
      %sign3A_21 = arith.cmpi sgt, %scan3A_20, %sign3A : i32
      %sign3A_22 = arith.extui %sign3A_21 : i1 to i32
      %sign3A_23 = arith.constant 0 : i32
      %sign3A_24 = arith.cmpi slt, %scan3A_20, %sign3A_23 : i32
      %sign3A_25 = arith.extui %sign3A_24 : i1 to i32
      %sign3A_26 = arith.subi %sign3A_22, %sign3A_25 : i32
      %sign3A_27 = arith.constant 0 : i32
      %sign3A_28 = arith.cmpi sgt, %jit3A, %sign3A_27 : i32
      %sign3A_29 = arith.extui %sign3A_28 : i1 to i32
      %sign3A_30 = arith.constant 0 : i32
      %sign3A_31 = arith.cmpi slt, %jit3A, %sign3A_30 : i32
      %sign3A_32 = arith.extui %sign3A_31 : i1 to i32
      %sign3A_33 = arith.subi %sign3A_29, %sign3A_32 : i32
      %ne3A = arith.cmpi ne, %sign3A_26, %sign3A_33 : i32
      %rem3A = arith.remsi %scan3A_20, %jit3A : i32
      %ne3A_34 = arith.constant 0 : i32
      %ne3A_35 = arith.cmpi ne, %rem3A, %ne3A_34 : i32
      %and3A = arith.andi %ne3A, %ne3A_35 : i1
      %sub3A = arith.constant 1 : i32
      %sub3A_36 = arith.subi %div3A, %sub3A : i32
      %select_n3A = arith.select %and3A, %sub3A_36, %div3A : i32
      %broadcast_in_dim3A = vector.broadcast %select_n3A : i32 to vector<16xi32>
      %jit3A_37 = arith.constant 8 : i32
      %eq3A = arith.constant 0 : i32
      %eq3A_38 = arith.cmpi eq, %jit3A_37, %eq3A : i32
      %jit3A_39 = arith.constant 1 : i32
      %select_n3A_40 = arith.select %eq3A_38, %jit3A_39, %jit3A_37 : i32
      %rem3A_41 = arith.remsi %scan3A_20, %select_n3A_40 : i32
      %ne3A_42 = arith.constant 0 : i32
      %ne3A_43 = arith.cmpi ne, %rem3A_41, %ne3A_42 : i32
      %lt3A = arith.constant 0 : i32
      %lt3A_44 = arith.cmpi slt, %rem3A_41, %lt3A : i32
      %lt3A_45 = arith.constant 0 : i32
      %lt3A_46 = arith.cmpi slt, %select_n3A_40, %lt3A_45 : i32
      %ne3A_47 = arith.xori %lt3A_44, %lt3A_46 : i1
      %and3A_48 = arith.andi %ne3A_47, %ne3A_43 : i1
      %add3A_49 = arith.addi %rem3A_41, %select_n3A_40 : i32
      %select_n3A_50 = arith.select %and3A_48, %add3A_49, %rem3A_41 : i32
      %broadcast_in_dim3A_51 = vector.broadcast %select_n3A_50 : i32 to vector<16xi32>
      %broadcast_in_dim3A_52 = vector.broadcast %scan3A_20 : i32 to vector<16xi32>
      %broadcast_in_dim3A_53 = arith.constant 4 : i32
      %broadcast_in_dim3A_54 = vector.broadcast %broadcast_in_dim3A_53 : i32 to vector<16xi32>
      %add3A_55 = arith.constant 64 : i32
      %add3A_56 = vector.broadcast %add3A_55 : i32 to vector<16xi32>
      %add3A_57 = arith.addi %add3A_56, %iota3A : vector<16xi32>
      %gather3A = tpu.vector_load_idx %arg4[%broadcast_in_dim3A, %broadcast_in_dim3A_54, %broadcast_in_dim3A_51, %add3A_57] : memref<8x9x8x128xf32, #tpu.memory_space<vmem>>[vector<16xi32>, vector<16xi32>, vector<16xi32>, vector<16xi32>], vector<16xf32>,
      %add3A_58 = arith.constant 0 : i32
      %add3A_59 = vector.broadcast %add3A_58 : i32 to vector<16xi32>
      %add3A_60 = arith.addi %add3A_59, %iota3A : vector<16xi32>
      tpu.vector_store_idx %arg5[%add3A_60, %broadcast_in_dim3A_52], %gather3A : memref<576x65xf32, #tpu.memory_space<vmem>>[vector<16xi32>, vector<16xi32>], vector<16xf32>,
      %broadcast_in_dim3A_61 = arith.constant 4 : i32
      %broadcast_in_dim3A_62 = vector.broadcast %broadcast_in_dim3A_61 : i32 to vector<16xi32>
      %add3A_63 = arith.constant 80 : i32
      %add3A_64 = vector.broadcast %add3A_63 : i32 to vector<16xi32>
      %add3A_65 = arith.addi %add3A_64, %iota3A : vector<16xi32>
      %gather3A_66 = tpu.vector_load_idx %arg4[%broadcast_in_dim3A, %broadcast_in_dim3A_62, %broadcast_in_dim3A_51, %add3A_65] : memref<8x9x8x128xf32, #tpu.memory_space<vmem>>[vector<16xi32>, vector<16xi32>, vector<16xi32>, vector<16xi32>], vector<16xf32>,
      %add3A_67 = arith.constant 16 : i32
      %add3A_68 = vector.broadcast %add3A_67 : i32 to vector<16xi32>
      %add3A_69 = arith.addi %add3A_68, %iota3A : vector<16xi32>
      tpu.vector_store_idx %arg5[%add3A_69, %broadcast_in_dim3A_52], %gather3A_66 : memref<576x65xf32, #tpu.memory_space<vmem>>[vector<16xi32>, vector<16xi32>], vector<16xf32>,
      %broadcast_in_dim3A_70 = arith.constant 4 : i32
      %broadcast_in_dim3A_71 = vector.broadcast %broadcast_in_dim3A_70 : i32 to vector<16xi32>
      %add3A_72 = arith.constant 96 : i32
      %add3A_73 = vector.broadcast %add3A_72 : i32 to vector<16xi32>
      %add3A_74 = arith.addi %add3A_73, %iota3A : vector<16xi32>
      %gather3A_75 = tpu.vector_load_idx %arg4[%broadcast_in_dim3A, %broadcast_in_dim3A_71, %broadcast_in_dim3A_51, %add3A_74] : memref<8x9x8x128xf32, #tpu.memory_space<vmem>>[vector<16xi32>, vector<16xi32>, vector<16xi32>, vector<16xi32>], vector<16xf32>,
      %add3A_76 = arith.constant 32 : i32
      %add3A_77 = vector.broadcast %add3A_76 : i32 to vector<16xi32>
      %add3A_78 = arith.addi %add3A_77, %iota3A : vector<16xi32>
      tpu.vector_store_idx %arg5[%add3A_78, %broadcast_in_dim3A_52], %gather3A_75 : memref<576x65xf32, #tpu.memory_space<vmem>>[vector<16xi32>, vector<16xi32>], vector<16xf32>,
      %broadcast_in_dim3A_79 = arith.constant 4 : i32
      %broadcast_in_dim3A_80 = vector.broadcast %broadcast_in_dim3A_79 : i32 to vector<16xi32>
      %add3A_81 = arith.constant 112 : i32
      %add3A_82 = vector.broadcast %add3A_81 : i32 to vector<16xi32>
      %add3A_83 = arith.addi %add3A_82, %iota3A : vector<16xi32>
      %gather3A_84 = tpu.vector_load_idx %arg4[%broadcast_in_dim3A, %broadcast_in_dim3A_80, %broadcast_in_dim3A_51, %add3A_83] : memref<8x9x8x128xf32, #tpu.memory_space<vmem>>[vector<16xi32>, vector<16xi32>, vector<16xi32>, vector<16xi32>], vector<16xf32>,
      %add3A_85 = arith.constant 48 : i32
      %add3A_86 = vector.broadcast %add3A_85 : i32 to vector<16xi32>
      %add3A_87 = arith.addi %add3A_86, %iota3A : vector<16xi32>
      tpu.vector_store_idx %arg5[%add3A_87, %broadcast_in_dim3A_52], %gather3A_84 : memref<576x65xf32, #tpu.memory_space<vmem>>[vector<16xi32>, vector<16xi32>], vector<16xf32>,
      %broadcast_in_dim3A_88 = arith.constant 5 : i32
      %broadcast_in_dim3A_89 = vector.broadcast %broadcast_in_dim3A_88 : i32 to vector<16xi32>
      %add3A_90 = arith.constant 0 : i32
      %add3A_91 = vector.broadcast %add3A_90 : i32 to vector<16xi32>
      %add3A_92 = arith.addi %add3A_91, %iota3A : vector<16xi32>
      %gather3A_93 = tpu.vector_load_idx %arg4[%broadcast_in_dim3A, %broadcast_in_dim3A_89, %broadcast_in_dim3A_51, %add3A_92] : memref<8x9x8x128xf32, #tpu.memory_space<vmem>>[vector<16xi32>, vector<16xi32>, vector<16xi32>, vector<16xi32>], vector<16xf32>,
      %add3A_94 = arith.constant 64 : i32
      %add3A_95 = vector.broadcast %add3A_94 : i32 to vector<16xi32>
      %add3A_96 = arith.addi %add3A_95, %iota3A : vector<16xi32>
      tpu.vector_store_idx %arg5[%add3A_96, %broadcast_in_dim3A_52], %gather3A_93 : memref<576x65xf32, #tpu.memory_space<vmem>>[vector<16xi32>, vector<16xi32>], vector<16xf32>,
      %broadcast_in_dim3A_97 = arith.constant 5 : i32
      %broadcast_in_dim3A_98 = vector.broadcast %broadcast_in_dim3A_97 : i32 to vector<16xi32>
      %add3A_99 = arith.constant 16 : i32
      %add3A_100 = vector.broadcast %add3A_99 : i32 to vector<16xi32>
      %add3A_101 = arith.addi %add3A_100, %iota3A : vector<16xi32>
      %gather3A_102 = tpu.vector_load_idx %arg4[%broadcast_in_dim3A, %broadcast_in_dim3A_98, %broadcast_in_dim3A_51, %add3A_101] : memref<8x9x8x128xf32, #tpu.memory_space<vmem>>[vector<16xi32>, vector<16xi32>, vector<16xi32>, vector<16xi32>], vector<16xf32>,
      %add3A_103 = arith.constant 80 : i32
      %add3A_104 = vector.broadcast %add3A_103 : i32 to vector<16xi32>
      %add3A_105 = arith.addi %add3A_104, %iota3A : vector<16xi32>
      tpu.vector_store_idx %arg5[%add3A_105, %broadcast_in_dim3A_52], %gather3A_102 : memref<576x65xf32, #tpu.memory_space<vmem>>[vector<16xi32>, vector<16xi32>], vector<16xf32>,
      %broadcast_in_dim3A_106 = arith.constant 5 : i32
      %broadcast_in_dim3A_107 = vector.broadcast %broadcast_in_dim3A_106 : i32 to vector<16xi32>
      %add3A_108 = arith.constant 32 : i32
      %add3A_109 = vector.broadcast %add3A_108 : i32 to vector<16xi32>
      %add3A_110 = arith.addi %add3A_109, %iota3A : vector<16xi32>
      %gather3A_111 = tpu.vector_load_idx %arg4[%broadcast_in_dim3A, %broadcast_in_dim3A_107, %broadcast_in_dim3A_51, %add3A_110] : memref<8x9x8x128xf32, #tpu.memory_space<vmem>>[vector<16xi32>, vector<16xi32>, vector<16xi32>, vector<16xi32>], vector<16xf32>,
      %add3A_112 = arith.constant 96 : i32
      %add3A_113 = vector.broadcast %add3A_112 : i32 to vector<16xi32>
      %add3A_114 = arith.addi %add3A_113, %iota3A : vector<16xi32>
      tpu.vector_store_idx %arg5[%add3A_114, %broadcast_in_dim3A_52], %gather3A_111 : memref<576x65xf32, #tpu.memory_space<vmem>>[vector<16xi32>, vector<16xi32>], vector<16xf32>,
      %broadcast_in_dim3A_115 = arith.constant 5 : i32
      %broadcast_in_dim3A_116 = vector.broadcast %broadcast_in_dim3A_115 : i32 to vector<16xi32>
      %add3A_117 = arith.constant 48 : i32
      %add3A_118 = vector.broadcast %add3A_117 : i32 to vector<16xi32>
      %add3A_119 = arith.addi %add3A_118, %iota3A : vector<16xi32>
      %gather3A_120 = tpu.vector_load_idx %arg4[%broadcast_in_dim3A, %broadcast_in_dim3A_116, %broadcast_in_dim3A_51, %add3A_119] : memref<8x9x8x128xf32, #tpu.memory_space<vmem>>[vector<16xi32>, vector<16xi32>, vector<16xi32>, vector<16xi32>], vector<16xf32>,
      %add3A_121 = arith.constant 112 : i32
      %add3A_122 = vector.broadcast %add3A_121 : i32 to vector<16xi32>
      %add3A_123 = arith.addi %add3A_122, %iota3A : vector<16xi32>
      tpu.vector_store_idx %arg5[%add3A_123, %broadcast_in_dim3A_52], %gather3A_120 : memref<576x65xf32, #tpu.memory_space<vmem>>[vector<16xi32>, vector<16xi32>], vector<16xf32>,
      %broadcast_in_dim3A_124 = arith.constant 5 : i32
      %broadcast_in_dim3A_125 = vector.broadcast %broadcast_in_dim3A_124 : i32 to vector<16xi32>
      %add3A_126 = arith.constant 64 : i32
      %add3A_127 = vector.broadcast %add3A_126 : i32 to vector<16xi32>
      %add3A_128 = arith.addi %add3A_127, %iota3A : vector<16xi32>
      %gather3A_129 = tpu.vector_load_idx %arg4[%broadcast_in_dim3A, %broadcast_in_dim3A_125, %broadcast_in_dim3A_51, %add3A_128] : memref<8x9x8x128xf32, #tpu.memory_space<vmem>>[vector<16xi32>, vector<16xi32>, vector<16xi32>, vector<16xi32>], vector<16xf32>,
      %add3A_130 = arith.constant 128 : i32
      %add3A_131 = vector.broadcast %add3A_130 : i32 to vector<16xi32>
      %add3A_132 = arith.addi %add3A_131, %iota3A : vector<16xi32>
      tpu.vector_store_idx %arg5[%add3A_132, %broadcast_in_dim3A_52], %gather3A_129 : memref<576x65xf32, #tpu.memory_space<vmem>>[vector<16xi32>, vector<16xi32>], vector<16xf32>,
      %broadcast_in_dim3A_133 = arith.constant 5 : i32
      %broadcast_in_dim3A_134 = vector.broadcast %broadcast_in_dim3A_133 : i32 to vector<16xi32>
      %add3A_135 = arith.constant 80 : i32
      %add3A_136 = vector.broadcast %add3A_135 : i32 to vector<16xi32>
      %add3A_137 = arith.addi %add3A_136, %iota3A : vector<16xi32>
      %gather3A_138 = tpu.vector_load_idx %arg4[%broadcast_in_dim3A, %broadcast_in_dim3A_134, %broadcast_in_dim3A_51, %add3A_137] : memref<8x9x8x128xf32, #tpu.memory_space<vmem>>[vector<16xi32>, vector<16xi32>, vector<16xi32>, vector<16xi32>], vector<16xf32>,
      %add3A_139 = arith.constant 144 : i32
      %add3A_140 = vector.broadcast %add3A_139 : i32 to vector<16xi32>
      %add3A_141 = arith.addi %add3A_140, %iota3A : vector<16xi32>
      tpu.vector_store_idx %arg5[%add3A_141, %broadcast_in_dim3A_52], %gather3A_138 : memref<576x65xf32, #tpu.memory_space<vmem>>[vector<16xi32>, vector<16xi32>], vector<16xf32>,
      %broadcast_in_dim3A_142 = arith.constant 5 : i32
      %broadcast_in_dim3A_143 = vector.broadcast %broadcast_in_dim3A_142 : i32 to vector<16xi32>
      %add3A_144 = arith.constant 96 : i32
      %add3A_145 = vector.broadcast %add3A_144 : i32 to vector<16xi32>
      %add3A_146 = arith.addi %add3A_145, %iota3A : vector<16xi32>
      %gather3A_147 = tpu.vector_load_idx %arg4[%broadcast_in_dim3A, %broadcast_in_dim3A_143, %broadcast_in_dim3A_51, %add3A_146] : memref<8x9x8x128xf32, #tpu.memory_space<vmem>>[vector<16xi32>, vector<16xi32>, vector<16xi32>, vector<16xi32>], vector<16xf32>,
      %add3A_148 = arith.constant 160 : i32
      %add3A_149 = vector.broadcast %add3A_148 : i32 to vector<16xi32>
      %add3A_150 = arith.addi %add3A_149, %iota3A : vector<16xi32>
      tpu.vector_store_idx %arg5[%add3A_150, %broadcast_in_dim3A_52], %gather3A_147 : memref<576x65xf32, #tpu.memory_space<vmem>>[vector<16xi32>, vector<16xi32>], vector<16xf32>,
      %broadcast_in_dim3A_151 = arith.constant 5 : i32
      %broadcast_in_dim3A_152 = vector.broadcast %broadcast_in_dim3A_151 : i32 to vector<16xi32>
      %add3A_153 = arith.constant 112 : i32
      %add3A_154 = vector.broadcast %add3A_153 : i32 to vector<16xi32>
      %add3A_155 = arith.addi %add3A_154, %iota3A : vector<16xi32>
      %gather3A_156 = tpu.vector_load_idx %arg4[%broadcast_in_dim3A, %broadcast_in_dim3A_152, %broadcast_in_dim3A_51, %add3A_155] : memref<8x9x8x128xf32, #tpu.memory_space<vmem>>[vector<16xi32>, vector<16xi32>, vector<16xi32>, vector<16xi32>], vector<16xf32>,
      %add3A_157 = arith.constant 176 : i32
      %add3A_158 = vector.broadcast %add3A_157 : i32 to vector<16xi32>
      %add3A_159 = arith.addi %add3A_158, %iota3A : vector<16xi32>
      tpu.vector_store_idx %arg5[%add3A_159, %broadcast_in_dim3A_52], %gather3A_156 : memref<576x65xf32, #tpu.memory_space<vmem>>[vector<16xi32>, vector<16xi32>], vector<16xf32>,
      %broadcast_in_dim3A_160 = arith.constant 6 : i32
      %broadcast_in_dim3A_161 = vector.broadcast %broadcast_in_dim3A_160 : i32 to vector<16xi32>
      %add3A_162 = arith.constant 0 : i32
      %add3A_163 = vector.broadcast %add3A_162 : i32 to vector<16xi32>
      %add3A_164 = arith.addi %add3A_163, %iota3A : vector<16xi32>
      %gather3A_165 = tpu.vector_load_idx %arg4[%broadcast_in_dim3A, %broadcast_in_dim3A_161, %broadcast_in_dim3A_51, %add3A_164] : memref<8x9x8x128xf32, #tpu.memory_space<vmem>>[vector<16xi32>, vector<16xi32>, vector<16xi32>, vector<16xi32>], vector<16xf32>,
      %add3A_166 = arith.constant 192 : i32
      %add3A_167 = vector.broadcast %add3A_166 : i32 to vector<16xi32>
      %add3A_168 = arith.addi %add3A_167, %iota3A : vector<16xi32>
      tpu.vector_store_idx %arg5[%add3A_168, %broadcast_in_dim3A_52], %gather3A_165 : memref<576x65xf32, #tpu.memory_space<vmem>>[vector<16xi32>, vector<16xi32>], vector<16xf32>,
      %broadcast_in_dim3A_169 = arith.constant 6 : i32
      %broadcast_in_dim3A_170 = vector.broadcast %broadcast_in_dim3A_169 : i32 to vector<16xi32>
      %add3A_171 = arith.constant 16 : i32
      %add3A_172 = vector.broadcast %add3A_171 : i32 to vector<16xi32>
      %add3A_173 = arith.addi %add3A_172, %iota3A : vector<16xi32>
      %gather3A_174 = tpu.vector_load_idx %arg4[%broadcast_in_dim3A, %broadcast_in_dim3A_170, %broadcast_in_dim3A_51, %add3A_173] : memref<8x9x8x128xf32, #tpu.memory_space<vmem>>[vector<16xi32>, vector<16xi32>, vector<16xi32>, vector<16xi32>], vector<16xf32>,
      %add3A_175 = arith.constant 208 : i32
      %add3A_176 = vector.broadcast %add3A_175 : i32 to vector<16xi32>
      %add3A_177 = arith.addi %add3A_176, %iota3A : vector<16xi32>
      tpu.vector_store_idx %arg5[%add3A_177, %broadcast_in_dim3A_52], %gather3A_174 : memref<576x65xf32, #tpu.memory_space<vmem>>[vector<16xi32>, vector<16xi32>], vector<16xf32>,
      %broadcast_in_dim3A_178 = arith.constant 6 : i32
      %broadcast_in_dim3A_179 = vector.broadcast %broadcast_in_dim3A_178 : i32 to vector<16xi32>
      %add3A_180 = arith.constant 32 : i32
      %add3A_181 = vector.broadcast %add3A_180 : i32 to vector<16xi32>
      %add3A_182 = arith.addi %add3A_181, %iota3A : vector<16xi32>
      %gather3A_183 = tpu.vector_load_idx %arg4[%broadcast_in_dim3A, %broadcast_in_dim3A_179, %broadcast_in_dim3A_51, %add3A_182] : memref<8x9x8x128xf32, #tpu.memory_space<vmem>>[vector<16xi32>, vector<16xi32>, vector<16xi32>, vector<16xi32>], vector<16xf32>,
      %add3A_184 = arith.constant 224 : i32
      %add3A_185 = vector.broadcast %add3A_184 : i32 to vector<16xi32>
      %add3A_186 = arith.addi %add3A_185, %iota3A : vector<16xi32>
      tpu.vector_store_idx %arg5[%add3A_186, %broadcast_in_dim3A_52], %gather3A_183 : memref<576x65xf32, #tpu.memory_space<vmem>>[vector<16xi32>, vector<16xi32>], vector<16xf32>,
      %broadcast_in_dim3A_187 = arith.constant 6 : i32
      %broadcast_in_dim3A_188 = vector.broadcast %broadcast_in_dim3A_187 : i32 to vector<16xi32>
      %add3A_189 = arith.constant 48 : i32
      %add3A_190 = vector.broadcast %add3A_189 : i32 to vector<16xi32>
      %add3A_191 = arith.addi %add3A_190, %iota3A : vector<16xi32>
      %gather3A_192 = tpu.vector_load_idx %arg4[%broadcast_in_dim3A, %broadcast_in_dim3A_188, %broadcast_in_dim3A_51, %add3A_191] : memref<8x9x8x128xf32, #tpu.memory_space<vmem>>[vector<16xi32>, vector<16xi32>, vector<16xi32>, vector<16xi32>], vector<16xf32>,
      %add3A_193 = arith.constant 240 : i32
      %add3A_194 = vector.broadcast %add3A_193 : i32 to vector<16xi32>
      %add3A_195 = arith.addi %add3A_194, %iota3A : vector<16xi32>
      tpu.vector_store_idx %arg5[%add3A_195, %broadcast_in_dim3A_52], %gather3A_192 : memref<576x65xf32, #tpu.memory_space<vmem>>[vector<16xi32>, vector<16xi32>], vector<16xf32>,
      %broadcast_in_dim3A_196 = arith.constant 6 : i32
      %broadcast_in_dim3A_197 = vector.broadcast %broadcast_in_dim3A_196 : i32 to vector<16xi32>
      %add3A_198 = arith.constant 64 : i32
      %add3A_199 = vector.broadcast %add3A_198 : i32 to vector<16xi32>
      %add3A_200 = arith.addi %add3A_199, %iota3A : vector<16xi32>
      %gather3A_201 = tpu.vector_load_idx %arg4[%broadcast_in_dim3A, %broadcast_in_dim3A_197, %broadcast_in_dim3A_51, %add3A_200] : memref<8x9x8x128xf32, #tpu.memory_space<vmem>>[vector<16xi32>, vector<16xi32>, vector<16xi32>, vector<16xi32>], vector<16xf32>,
      %add3A_202 = arith.constant 256 : i32
      %add3A_203 = vector.broadcast %add3A_202 : i32 to vector<16xi32>
      %add3A_204 = arith.addi %add3A_203, %iota3A : vector<16xi32>
      tpu.vector_store_idx %arg5[%add3A_204, %broadcast_in_dim3A_52], %gather3A_201 : memref<576x65xf32, #tpu.memory_space<vmem>>[vector<16xi32>, vector<16xi32>], vector<16xf32>,
      %broadcast_in_dim3A_205 = arith.constant 6 : i32
      %broadcast_in_dim3A_206 = vector.broadcast %broadcast_in_dim3A_205 : i32 to vector<16xi32>
      %add3A_207 = arith.constant 80 : i32
      %add3A_208 = vector.broadcast %add3A_207 : i32 to vector<16xi32>
      %add3A_209 = arith.addi %add3A_208, %iota3A : vector<16xi32>
      %gather3A_210 = tpu.vector_load_idx %arg4[%broadcast_in_dim3A, %broadcast_in_dim3A_206, %broadcast_in_dim3A_51, %add3A_209] : memref<8x9x8x128xf32, #tpu.memory_space<vmem>>[vector<16xi32>, vector<16xi32>, vector<16xi32>, vector<16xi32>], vector<16xf32>,
      %add3A_211 = arith.constant 272 : i32
      %add3A_212 = vector.broadcast %add3A_211 : i32 to vector<16xi32>
      %add3A_213 = arith.addi %add3A_212, %iota3A : vector<16xi32>
      tpu.vector_store_idx %arg5[%add3A_213, %broadcast_in_dim3A_52], %gather3A_210 : memref<576x65xf32, #tpu.memory_space<vmem>>[vector<16xi32>, vector<16xi32>], vector<16xf32>,
      %broadcast_in_dim3A_214 = arith.constant 6 : i32
      %broadcast_in_dim3A_215 = vector.broadcast %broadcast_in_dim3A_214 : i32 to vector<16xi32>
      %add3A_216 = arith.constant 96 : i32
      %add3A_217 = vector.broadcast %add3A_216 : i32 to vector<16xi32>
      %add3A_218 = arith.addi %add3A_217, %iota3A : vector<16xi32>
      %gather3A_219 = tpu.vector_load_idx %arg4[%broadcast_in_dim3A, %broadcast_in_dim3A_215, %broadcast_in_dim3A_51, %add3A_218] : memref<8x9x8x128xf32, #tpu.memory_space<vmem>>[vector<16xi32>, vector<16xi32>, vector<16xi32>, vector<16xi32>], vector<16xf32>,
      %add3A_220 = arith.constant 288 : i32
      %add3A_221 = vector.broadcast %add3A_220 : i32 to vector<16xi32>
      %add3A_222 = arith.addi %add3A_221, %iota3A : vector<16xi32>
      tpu.vector_store_idx %arg5[%add3A_222, %broadcast_in_dim3A_52], %gather3A_219 : memref<576x65xf32, #tpu.memory_space<vmem>>[vector<16xi32>, vector<16xi32>], vector<16xf32>,
      %broadcast_in_dim3A_223 = arith.constant 6 : i32
      %broadcast_in_dim3A_224 = vector.broadcast %broadcast_in_dim3A_223 : i32 to vector<16xi32>
      %add3A_225 = arith.constant 112 : i32
      %add3A_226 = vector.broadcast %add3A_225 : i32 to vector<16xi32>
      %add3A_227 = arith.addi %add3A_226, %iota3A : vector<16xi32>
      %gather3A_228 = tpu.vector_load_idx %arg4[%broadcast_in_dim3A, %broadcast_in_dim3A_224, %broadcast_in_dim3A_51, %add3A_227] : memref<8x9x8x128xf32, #tpu.memory_space<vmem>>[vector<16xi32>, vector<16xi32>, vector<16xi32>, vector<16xi32>], vector<16xf32>,
      %add3A_229 = arith.constant 304 : i32
      %add3A_230 = vector.broadcast %add3A_229 : i32 to vector<16xi32>
      %add3A_231 = arith.addi %add3A_230, %iota3A : vector<16xi32>
      tpu.vector_store_idx %arg5[%add3A_231, %broadcast_in_dim3A_52], %gather3A_228 : memref<576x65xf32, #tpu.memory_space<vmem>>[vector<16xi32>, vector<16xi32>], vector<16xf32>,
      %broadcast_in_dim3A_232 = arith.constant 7 : i32
      %broadcast_in_dim3A_233 = vector.broadcast %broadcast_in_dim3A_232 : i32 to vector<16xi32>
      %add3A_234 = arith.constant 0 : i32
      %add3A_235 = vector.broadcast %add3A_234 : i32 to vector<16xi32>
      %add3A_236 = arith.addi %add3A_235, %iota3A : vector<16xi32>
      %gather3A_237 = tpu.vector_load_idx %arg4[%broadcast_in_dim3A, %broadcast_in_dim3A_233, %broadcast_in_dim3A_51, %add3A_236] : memref<8x9x8x128xf32, #tpu.memory_space<vmem>>[vector<16xi32>, vector<16xi32>, vector<16xi32>, vector<16xi32>], vector<16xf32>,
      %add3A_238 = arith.constant 320 : i32
      %add3A_239 = vector.broadcast %add3A_238 : i32 to vector<16xi32>
      %add3A_240 = arith.addi %add3A_239, %iota3A : vector<16xi32>
      tpu.vector_store_idx %arg5[%add3A_240, %broadcast_in_dim3A_52], %gather3A_237 : memref<576x65xf32, #tpu.memory_space<vmem>>[vector<16xi32>, vector<16xi32>], vector<16xf32>,
      %broadcast_in_dim3A_241 = arith.constant 7 : i32
      %broadcast_in_dim3A_242 = vector.broadcast %broadcast_in_dim3A_241 : i32 to vector<16xi32>
      %add3A_243 = arith.constant 16 : i32
      %add3A_244 = vector.broadcast %add3A_243 : i32 to vector<16xi32>
      %add3A_245 = arith.addi %add3A_244, %iota3A : vector<16xi32>
      %gather3A_246 = tpu.vector_load_idx %arg4[%broadcast_in_dim3A, %broadcast_in_dim3A_242, %broadcast_in_dim3A_51, %add3A_245] : memref<8x9x8x128xf32, #tpu.memory_space<vmem>>[vector<16xi32>, vector<16xi32>, vector<16xi32>, vector<16xi32>], vector<16xf32>,
      %add3A_247 = arith.constant 336 : i32
      %add3A_248 = vector.broadcast %add3A_247 : i32 to vector<16xi32>
      %add3A_249 = arith.addi %add3A_248, %iota3A : vector<16xi32>
      tpu.vector_store_idx %arg5[%add3A_249, %broadcast_in_dim3A_52], %gather3A_246 : memref<576x65xf32, #tpu.memory_space<vmem>>[vector<16xi32>, vector<16xi32>], vector<16xf32>,
      %broadcast_in_dim3A_250 = arith.constant 7 : i32
      %broadcast_in_dim3A_251 = vector.broadcast %broadcast_in_dim3A_250 : i32 to vector<16xi32>
      %add3A_252 = arith.constant 32 : i32
      %add3A_253 = vector.broadcast %add3A_252 : i32 to vector<16xi32>
      %add3A_254 = arith.addi %add3A_253, %iota3A : vector<16xi32>
      %gather3A_255 = tpu.vector_load_idx %arg4[%broadcast_in_dim3A, %broadcast_in_dim3A_251, %broadcast_in_dim3A_51, %add3A_254] : memref<8x9x8x128xf32, #tpu.memory_space<vmem>>[vector<16xi32>, vector<16xi32>, vector<16xi32>, vector<16xi32>], vector<16xf32>,
      %add3A_256 = arith.constant 352 : i32
      %add3A_257 = vector.broadcast %add3A_256 : i32 to vector<16xi32>
      %add3A_258 = arith.addi %add3A_257, %iota3A : vector<16xi32>
      tpu.vector_store_idx %arg5[%add3A_258, %broadcast_in_dim3A_52], %gather3A_255 : memref<576x65xf32, #tpu.memory_space<vmem>>[vector<16xi32>, vector<16xi32>], vector<16xf32>,
      %broadcast_in_dim3A_259 = arith.constant 7 : i32
      %broadcast_in_dim3A_260 = vector.broadcast %broadcast_in_dim3A_259 : i32 to vector<16xi32>
      %add3A_261 = arith.constant 48 : i32
      %add3A_262 = vector.broadcast %add3A_261 : i32 to vector<16xi32>
      %add3A_263 = arith.addi %add3A_262, %iota3A : vector<16xi32>
      %gather3A_264 = tpu.vector_load_idx %arg4[%broadcast_in_dim3A, %broadcast_in_dim3A_260, %broadcast_in_dim3A_51, %add3A_263] : memref<8x9x8x128xf32, #tpu.memory_space<vmem>>[vector<16xi32>, vector<16xi32>, vector<16xi32>, vector<16xi32>], vector<16xf32>,
      %add3A_265 = arith.constant 368 : i32
      %add3A_266 = vector.broadcast %add3A_265 : i32 to vector<16xi32>
      %add3A_267 = arith.addi %add3A_266, %iota3A : vector<16xi32>
      tpu.vector_store_idx %arg5[%add3A_267, %broadcast_in_dim3A_52], %gather3A_264 : memref<576x65xf32, #tpu.memory_space<vmem>>[vector<16xi32>, vector<16xi32>], vector<16xf32>,
      %broadcast_in_dim3A_268 = arith.constant 7 : i32
      %broadcast_in_dim3A_269 = vector.broadcast %broadcast_in_dim3A_268 : i32 to vector<16xi32>
      %add3A_270 = arith.constant 64 : i32
      %add3A_271 = vector.broadcast %add3A_270 : i32 to vector<16xi32>
      %add3A_272 = arith.addi %add3A_271, %iota3A : vector<16xi32>
      %gather3A_273 = tpu.vector_load_idx %arg4[%broadcast_in_dim3A, %broadcast_in_dim3A_269, %broadcast_in_dim3A_51, %add3A_272] : memref<8x9x8x128xf32, #tpu.memory_space<vmem>>[vector<16xi32>, vector<16xi32>, vector<16xi32>, vector<16xi32>], vector<16xf32>,
      %add3A_274 = arith.constant 384 : i32
      %add3A_275 = vector.broadcast %add3A_274 : i32 to vector<16xi32>
      %add3A_276 = arith.addi %add3A_275, %iota3A : vector<16xi32>
      tpu.vector_store_idx %arg5[%add3A_276, %broadcast_in_dim3A_52], %gather3A_273 : memref<576x65xf32, #tpu.memory_space<vmem>>[vector<16xi32>, vector<16xi32>], vector<16xf32>,
      %broadcast_in_dim3A_277 = arith.constant 7 : i32
      %broadcast_in_dim3A_278 = vector.broadcast %broadcast_in_dim3A_277 : i32 to vector<16xi32>
      %add3A_279 = arith.constant 80 : i32
      %add3A_280 = vector.broadcast %add3A_279 : i32 to vector<16xi32>
      %add3A_281 = arith.addi %add3A_280, %iota3A : vector<16xi32>
      %gather3A_282 = tpu.vector_load_idx %arg4[%broadcast_in_dim3A, %broadcast_in_dim3A_278, %broadcast_in_dim3A_51, %add3A_281] : memref<8x9x8x128xf32, #tpu.memory_space<vmem>>[vector<16xi32>, vector<16xi32>, vector<16xi32>, vector<16xi32>], vector<16xf32>,
      %add3A_283 = arith.constant 400 : i32
      %add3A_284 = vector.broadcast %add3A_283 : i32 to vector<16xi32>
      %add3A_285 = arith.addi %add3A_284, %iota3A : vector<16xi32>
      tpu.vector_store_idx %arg5[%add3A_285, %broadcast_in_dim3A_52], %gather3A_282 : memref<576x65xf32, #tpu.memory_space<vmem>>[vector<16xi32>, vector<16xi32>], vector<16xf32>,
      %broadcast_in_dim3A_286 = arith.constant 7 : i32
      %broadcast_in_dim3A_287 = vector.broadcast %broadcast_in_dim3A_286 : i32 to vector<16xi32>
      %add3A_288 = arith.constant 96 : i32
      %add3A_289 = vector.broadcast %add3A_288 : i32 to vector<16xi32>
      %add3A_290 = arith.addi %add3A_289, %iota3A : vector<16xi32>
      %gather3A_291 = tpu.vector_load_idx %arg4[%broadcast_in_dim3A, %broadcast_in_dim3A_287, %broadcast_in_dim3A_51, %add3A_290] : memref<8x9x8x128xf32, #tpu.memory_space<vmem>>[vector<16xi32>, vector<16xi32>, vector<16xi32>, vector<16xi32>], vector<16xf32>,
      %add3A_292 = arith.constant 416 : i32
      %add3A_293 = vector.broadcast %add3A_292 : i32 to vector<16xi32>
      %add3A_294 = arith.addi %add3A_293, %iota3A : vector<16xi32>
      tpu.vector_store_idx %arg5[%add3A_294, %broadcast_in_dim3A_52], %gather3A_291 : memref<576x65xf32, #tpu.memory_space<vmem>>[vector<16xi32>, vector<16xi32>], vector<16xf32>,
      %broadcast_in_dim3A_295 = arith.constant 7 : i32
      %broadcast_in_dim3A_296 = vector.broadcast %broadcast_in_dim3A_295 : i32 to vector<16xi32>
      %add3A_297 = arith.constant 112 : i32
      %add3A_298 = vector.broadcast %add3A_297 : i32 to vector<16xi32>
      %add3A_299 = arith.addi %add3A_298, %iota3A : vector<16xi32>
      %gather3A_300 = tpu.vector_load_idx %arg4[%broadcast_in_dim3A, %broadcast_in_dim3A_296, %broadcast_in_dim3A_51, %add3A_299] : memref<8x9x8x128xf32, #tpu.memory_space<vmem>>[vector<16xi32>, vector<16xi32>, vector<16xi32>, vector<16xi32>], vector<16xf32>,
      %add3A_301 = arith.constant 432 : i32
      %add3A_302 = vector.broadcast %add3A_301 : i32 to vector<16xi32>
      %add3A_303 = arith.addi %add3A_302, %iota3A : vector<16xi32>
      tpu.vector_store_idx %arg5[%add3A_303, %broadcast_in_dim3A_52], %gather3A_300 : memref<576x65xf32, #tpu.memory_space<vmem>>[vector<16xi32>, vector<16xi32>], vector<16xf32>,
      %broadcast_in_dim3A_304 = arith.constant 8 : i32
      %broadcast_in_dim3A_305 = vector.broadcast %broadcast_in_dim3A_304 : i32 to vector<16xi32>
      %add3A_306 = arith.constant 0 : i32
      %add3A_307 = vector.broadcast %add3A_306 : i32 to vector<16xi32>
      %add3A_308 = arith.addi %add3A_307, %iota3A : vector<16xi32>
      %gather3A_309 = tpu.vector_load_idx %arg4[%broadcast_in_dim3A, %broadcast_in_dim3A_305, %broadcast_in_dim3A_51, %add3A_308] : memref<8x9x8x128xf32, #tpu.memory_space<vmem>>[vector<16xi32>, vector<16xi32>, vector<16xi32>, vector<16xi32>], vector<16xf32>,
      %add3A_310 = arith.constant 448 : i32
      %add3A_311 = vector.broadcast %add3A_310 : i32 to vector<16xi32>
      %add3A_312 = arith.addi %add3A_311, %iota3A : vector<16xi32>
      tpu.vector_store_idx %arg5[%add3A_312, %broadcast_in_dim3A_52], %gather3A_309 : memref<576x65xf32, #tpu.memory_space<vmem>>[vector<16xi32>, vector<16xi32>], vector<16xf32>,
      %broadcast_in_dim3A_313 = arith.constant 8 : i32
      %broadcast_in_dim3A_314 = vector.broadcast %broadcast_in_dim3A_313 : i32 to vector<16xi32>
      %add3A_315 = arith.constant 16 : i32
      %add3A_316 = vector.broadcast %add3A_315 : i32 to vector<16xi32>
      %add3A_317 = arith.addi %add3A_316, %iota3A : vector<16xi32>
      %gather3A_318 = tpu.vector_load_idx %arg4[%broadcast_in_dim3A, %broadcast_in_dim3A_314, %broadcast_in_dim3A_51, %add3A_317] : memref<8x9x8x128xf32, #tpu.memory_space<vmem>>[vector<16xi32>, vector<16xi32>, vector<16xi32>, vector<16xi32>], vector<16xf32>,
      %add3A_319 = arith.constant 464 : i32
      %add3A_320 = vector.broadcast %add3A_319 : i32 to vector<16xi32>
      %add3A_321 = arith.addi %add3A_320, %iota3A : vector<16xi32>
      tpu.vector_store_idx %arg5[%add3A_321, %broadcast_in_dim3A_52], %gather3A_318 : memref<576x65xf32, #tpu.memory_space<vmem>>[vector<16xi32>, vector<16xi32>], vector<16xf32>,
      %broadcast_in_dim3A_322 = arith.constant 8 : i32
      %broadcast_in_dim3A_323 = vector.broadcast %broadcast_in_dim3A_322 : i32 to vector<16xi32>
      %add3A_324 = arith.constant 32 : i32
      %add3A_325 = vector.broadcast %add3A_324 : i32 to vector<16xi32>
      %add3A_326 = arith.addi %add3A_325, %iota3A : vector<16xi32>
      %gather3A_327 = tpu.vector_load_idx %arg4[%broadcast_in_dim3A, %broadcast_in_dim3A_323, %broadcast_in_dim3A_51, %add3A_326] : memref<8x9x8x128xf32, #tpu.memory_space<vmem>>[vector<16xi32>, vector<16xi32>, vector<16xi32>, vector<16xi32>], vector<16xf32>,
      %add3A_328 = arith.constant 480 : i32
      %add3A_329 = vector.broadcast %add3A_328 : i32 to vector<16xi32>
      %add3A_330 = arith.addi %add3A_329, %iota3A : vector<16xi32>
      tpu.vector_store_idx %arg5[%add3A_330, %broadcast_in_dim3A_52], %gather3A_327 : memref<576x65xf32, #tpu.memory_space<vmem>>[vector<16xi32>, vector<16xi32>], vector<16xf32>,
      %broadcast_in_dim3A_331 = arith.constant 8 : i32
      %broadcast_in_dim3A_332 = vector.broadcast %broadcast_in_dim3A_331 : i32 to vector<16xi32>
      %add3A_333 = arith.constant 48 : i32
      %add3A_334 = vector.broadcast %add3A_333 : i32 to vector<16xi32>
      %add3A_335 = arith.addi %add3A_334, %iota3A : vector<16xi32>
      %gather3A_336 = tpu.vector_load_idx %arg4[%broadcast_in_dim3A, %broadcast_in_dim3A_332, %broadcast_in_dim3A_51, %add3A_335] : memref<8x9x8x128xf32, #tpu.memory_space<vmem>>[vector<16xi32>, vector<16xi32>, vector<16xi32>, vector<16xi32>], vector<16xf32>,
      %add3A_337 = arith.constant 496 : i32
      %add3A_338 = vector.broadcast %add3A_337 : i32 to vector<16xi32>
      %add3A_339 = arith.addi %add3A_338, %iota3A : vector<16xi32>
      tpu.vector_store_idx %arg5[%add3A_339, %broadcast_in_dim3A_52], %gather3A_336 : memref<576x65xf32, #tpu.memory_space<vmem>>[vector<16xi32>, vector<16xi32>], vector<16xf32>,
      %broadcast_in_dim3A_340 = arith.constant 8 : i32
      %broadcast_in_dim3A_341 = vector.broadcast %broadcast_in_dim3A_340 : i32 to vector<16xi32>
      %add3A_342 = arith.constant 64 : i32
      %add3A_343 = vector.broadcast %add3A_342 : i32 to vector<16xi32>
      %add3A_344 = arith.addi %add3A_343, %iota3A : vector<16xi32>
      %gather3A_345 = tpu.vector_load_idx %arg4[%broadcast_in_dim3A, %broadcast_in_dim3A_341, %broadcast_in_dim3A_51, %add3A_344] : memref<8x9x8x128xf32, #tpu.memory_space<vmem>>[vector<16xi32>, vector<16xi32>, vector<16xi32>, vector<16xi32>], vector<16xf32>,
      %add3A_346 = arith.constant 512 : i32
      %add3A_347 = vector.broadcast %add3A_346 : i32 to vector<16xi32>
      %add3A_348 = arith.addi %add3A_347, %iota3A : vector<16xi32>
      tpu.vector_store_idx %arg5[%add3A_348, %broadcast_in_dim3A_52], %gather3A_345 : memref<576x65xf32, #tpu.memory_space<vmem>>[vector<16xi32>, vector<16xi32>], vector<16xf32>,
      %broadcast_in_dim3A_349 = arith.constant 8 : i32
      %broadcast_in_dim3A_350 = vector.broadcast %broadcast_in_dim3A_349 : i32 to vector<16xi32>
      %add3A_351 = arith.constant 80 : i32
      %add3A_352 = vector.broadcast %add3A_351 : i32 to vector<16xi32>
      %add3A_353 = arith.addi %add3A_352, %iota3A : vector<16xi32>
      %gather3A_354 = tpu.vector_load_idx %arg4[%broadcast_in_dim3A, %broadcast_in_dim3A_350, %broadcast_in_dim3A_51, %add3A_353] : memref<8x9x8x128xf32, #tpu.memory_space<vmem>>[vector<16xi32>, vector<16xi32>, vector<16xi32>, vector<16xi32>], vector<16xf32>,
      %add3A_355 = arith.constant 528 : i32
      %add3A_356 = vector.broadcast %add3A_355 : i32 to vector<16xi32>
      %add3A_357 = arith.addi %add3A_356, %iota3A : vector<16xi32>
      tpu.vector_store_idx %arg5[%add3A_357, %broadcast_in_dim3A_52], %gather3A_354 : memref<576x65xf32, #tpu.memory_space<vmem>>[vector<16xi32>, vector<16xi32>], vector<16xf32>,
      %broadcast_in_dim3A_358 = arith.constant 8 : i32
      %broadcast_in_dim3A_359 = vector.broadcast %broadcast_in_dim3A_358 : i32 to vector<16xi32>
      %add3A_360 = arith.constant 96 : i32
      %add3A_361 = vector.broadcast %add3A_360 : i32 to vector<16xi32>
      %add3A_362 = arith.addi %add3A_361, %iota3A : vector<16xi32>
      %gather3A_363 = tpu.vector_load_idx %arg4[%broadcast_in_dim3A, %broadcast_in_dim3A_359, %broadcast_in_dim3A_51, %add3A_362] : memref<8x9x8x128xf32, #tpu.memory_space<vmem>>[vector<16xi32>, vector<16xi32>, vector<16xi32>, vector<16xi32>], vector<16xf32>,
      %add3A_364 = arith.constant 544 : i32
      %add3A_365 = vector.broadcast %add3A_364 : i32 to vector<16xi32>
      %add3A_366 = arith.addi %add3A_365, %iota3A : vector<16xi32>
      tpu.vector_store_idx %arg5[%add3A_366, %broadcast_in_dim3A_52], %gather3A_363 : memref<576x65xf32, #tpu.memory_space<vmem>>[vector<16xi32>, vector<16xi32>], vector<16xf32>,
      %broadcast_in_dim3A_367 = arith.constant 8 : i32
      %broadcast_in_dim3A_368 = vector.broadcast %broadcast_in_dim3A_367 : i32 to vector<16xi32>
      %add3A_369 = arith.constant 112 : i32
      %add3A_370 = vector.broadcast %add3A_369 : i32 to vector<16xi32>
      %add3A_371 = arith.addi %add3A_370, %iota3A : vector<16xi32>
      %gather3A_372 = tpu.vector_load_idx %arg4[%broadcast_in_dim3A, %broadcast_in_dim3A_368, %broadcast_in_dim3A_51, %add3A_371] : memref<8x9x8x128xf32, #tpu.memory_space<vmem>>[vector<16xi32>, vector<16xi32>, vector<16xi32>, vector<16xi32>], vector<16xf32>,
      %add3A_373 = arith.constant 560 : i32
      %add3A_374 = vector.broadcast %add3A_373 : i32 to vector<16xi32>
      %add3A_375 = arith.addi %add3A_374, %iota3A : vector<16xi32>
      tpu.vector_store_idx %arg5[%add3A_375, %broadcast_in_dim3A_52], %gather3A_372 : memref<576x65xf32, #tpu.memory_space<vmem>>[vector<16xi32>, vector<16xi32>], vector<16xf32>,
    }
    %scan3A_17 = arith.constant 64 : i32
    %add3A_18 = arith.constant 576 : i32
    %add3A_19 = arith.addi %mul3A_2, %add3A_18 : i32
    "tpu.region"() ({
      %run_scoped3A = tpu.sem_alloc : memref<!tpu.dma_semaphore, #tpu.memory_space<semaphore_mem>>
      %dma_start3A = arith.constant 0 : i32
      %dma_start3A_20 = arith.constant 0 : i32
      %dma_start3A_21 = tpu.memref_slice %arg5[%dma_start3A, %dma_start3A_20] : memref<576x65xf32, #tpu.memory_space<vmem>> -> memref<576x64xf32, #tpu.memory_space<vmem>>
      %dma_start3A_22 = arith.constant 0 : i32
      %dma_start3A_23 = tpu.memref_slice %arg3[%add3A_19, %dma_start3A_22] : memref<36864x64xf32, #tpu.memory_space<hbm>> -> memref<576x64xf32, #tpu.memory_space<hbm>>
      %dma_start3A_24 = arith.constant 0 : i32
      %dma_start3A_25 = tpu.memref_slice %arg3[%add3A_19, %dma_start3A_24] : memref<36864x64xf32, #tpu.memory_space<hbm>> -> memref<576x64xf32, #tpu.memory_space<hbm>>
      %dma_start3A_26 = arith.constant 0 : i32
      %dma_start3A_27 = arith.constant 0 : i32
      %dma_start3A_28 = tpu.memref_slice %arg5[%dma_start3A_26, %dma_start3A_27] : memref<576x65xf32, #tpu.memory_space<vmem>> -> memref<576x64xf32, #tpu.memory_space<vmem>>
      tpu.enqueue_dma source(%dma_start3A_28 : memref<576x64xf32, #tpu.memory_space<vmem>>) target(%dma_start3A_25 : memref<576x64xf32, #tpu.memory_space<hbm>>) target_semaphore(%run_scoped3A : memref<!tpu.dma_semaphore, #tpu.memory_space<semaphore_mem>>)
      %dma_wait3A = arith.constant 0 : i32
      %dma_wait3A_29 = arith.constant 0 : i32
      %dma_wait3A_30 = tpu.memref_slice %arg5[%dma_wait3A, %dma_wait3A_29] : memref<576x65xf32, #tpu.memory_space<vmem>> -> memref<576x64xf32, #tpu.memory_space<vmem>>
      %dma_wait3A_31 = arith.constant 0 : i32
      %dma_wait3A_32 = tpu.memref_slice %arg3[%add3A_19, %dma_wait3A_31] : memref<36864x64xf32, #tpu.memory_space<hbm>> -> memref<576x64xf32, #tpu.memory_space<hbm>>
      %dma_wait3A_33 = arith.constant 0 : i32
      %dma_wait3A_34 = tpu.memref_slice %arg3[%add3A_19, %dma_wait3A_33] : memref<36864x64xf32, #tpu.memory_space<hbm>> -> memref<576x64xf32, #tpu.memory_space<hbm>>
      %dma_wait3A_35 = arith.constant 0 : i32
      %dma_wait3A_36 = arith.constant 0 : i32
      %dma_wait3A_37 = tpu.memref_slice %arg5[%dma_wait3A_35, %dma_wait3A_36] : memref<576x65xf32, #tpu.memory_space<vmem>> -> memref<576x64xf32, #tpu.memory_space<vmem>>
      tpu.wait_dma2 semaphore(%run_scoped3A : memref<!tpu.dma_semaphore, #tpu.memory_space<semaphore_mem>>) src(%dma_wait3A_37 : memref<576x64xf32, #tpu.memory_space<vmem>>) dst(%dma_wait3A_34 : memref<576x64xf32, #tpu.memory_space<hbm>>)
      tpu.yield
    }) : () -> ()
    return
  }
}

#map = affine_map<(d0, d1) -> (0, 0)>
#map1 = affine_map<(d0, d1) -> (0, 0, 0)>
module attributes {stable_mosaic.version = 14 : i64} {
  func.func @body(%arg0: i32, %arg1: i32, %arg2: memref<36864x64xf32, #tpu.memory_space<hbm>>, %arg3: memref<32x9x128xi32, #tpu.memory_space<hbm>>, %arg4: memref<2x64x1024xf32, #tpu.memory_space<hbm>>, %arg5: memref<2x16x1024xf32, #tpu.memory_space<hbm>>, %arg6: memref<9x128xi32, #tpu.memory_space<vmem>>, %arg7: memref<1152x64xf32, #tpu.memory_space<vmem>>, %arg8: memref<128x16xf32, #tpu.memory_space<vmem>>, %arg9: memref<64x64xf32, #tpu.memory_space<vmem>>, %arg10: memref<64x65xf32, #tpu.memory_space<vmem>>, %arg11: memref<1024x64xf32, #tpu.memory_space<vmem_shared>>, %arg12: memref<1024x16xf32, #tpu.memory_space<vmem_shared>>) attributes {dimension_semantics = [#tpu.dimension_semantics<core_parallel>, #tpu.dimension_semantics<subcore_parallel>], iteration_bounds = array<i64: 2, 16>, scalar_prefetch = 0 : i64, scratch_operands = 7 : i64, tpu.core_type = #tpu.core_type<sc_vector_subcore>, window_params = [{transform_indices = #map}, {transform_indices = #map1}, {transform_indices = #map1}, {transform_indices = #map1}]} {
    %mul3A = arith.constant 2 : i32
    %mul3A_0 = arith.muli %arg1, %mul3A : i32
    %add3A = arith.addi %mul3A_0, %arg0 : i32
    %iota3A = tpu.iota {dimensions = array<i32: 0>} : vector<16xi32>
    %broadcast_in_dim3A = arith.constant 0.000000e+00 : f32
    %broadcast_in_dim3A_1 = vector.broadcast %broadcast_in_dim3A : f32 to vector<16xf32>
    %broadcast_in_dim3A_2 = arith.constant 1.000000e+00 : f32
    %broadcast_in_dim3A_3 = vector.broadcast %broadcast_in_dim3A_2 : f32 to vector<16xf32>
    %swap3A = arith.constant 0 : i32
    %swap3A_4 = arith.index_cast %swap3A : i32 to index
    %swap3A_5 = arith.constant 0 : index
    %swap3A_6 = tpu.vector_load %arg9[%swap3A_4, %swap3A_5] {strides = array<i32>} : memref<64x64xf32, #tpu.memory_space<vmem>>, vector<16xf32>,
    tpu.vector_store %arg9[%swap3A_4, %swap3A_5], %broadcast_in_dim3A_1 {strides = array<i32>} : memref<64x64xf32, #tpu.memory_space<vmem>>, vector<16xf32>,
    %swap3A_7 = arith.constant 0 : i32
    %swap3A_8 = arith.index_cast %swap3A_7 : i32 to index
    %swap3A_9 = arith.constant 16 : index
    %swap3A_10 = tpu.vector_load %arg9[%swap3A_8, %swap3A_9] {strides = array<i32>} : memref<64x64xf32, #tpu.memory_space<vmem>>, vector<16xf32>,
    tpu.vector_store %arg9[%swap3A_8, %swap3A_9], %broadcast_in_dim3A_1 {strides = array<i32>} : memref<64x64xf32, #tpu.memory_space<vmem>>, vector<16xf32>,
    %swap3A_11 = arith.constant 0 : i32
    %swap3A_12 = arith.index_cast %swap3A_11 : i32 to index
    %swap3A_13 = arith.constant 32 : index
    %swap3A_14 = tpu.vector_load %arg9[%swap3A_12, %swap3A_13] {strides = array<i32>} : memref<64x64xf32, #tpu.memory_space<vmem>>, vector<16xf32>,
    tpu.vector_store %arg9[%swap3A_12, %swap3A_13], %broadcast_in_dim3A_1 {strides = array<i32>} : memref<64x64xf32, #tpu.memory_space<vmem>>, vector<16xf32>,
    %swap3A_15 = arith.constant 0 : i32
    %swap3A_16 = arith.index_cast %swap3A_15 : i32 to index
    %swap3A_17 = arith.constant 48 : index
    %swap3A_18 = tpu.vector_load %arg9[%swap3A_16, %swap3A_17] {strides = array<i32>} : memref<64x64xf32, #tpu.memory_space<vmem>>, vector<16xf32>,
    tpu.vector_store %arg9[%swap3A_16, %swap3A_17], %broadcast_in_dim3A_1 {strides = array<i32>} : memref<64x64xf32, #tpu.memory_space<vmem>>, vector<16xf32>,
    %swap3A_19 = arith.constant 1 : i32
    %swap3A_20 = arith.index_cast %swap3A_19 : i32 to index
    %swap3A_21 = arith.constant 0 : index
    %swap3A_22 = tpu.vector_load %arg9[%swap3A_20, %swap3A_21] {strides = array<i32>} : memref<64x64xf32, #tpu.memory_space<vmem>>, vector<16xf32>,
    tpu.vector_store %arg9[%swap3A_20, %swap3A_21], %broadcast_in_dim3A_1 {strides = array<i32>} : memref<64x64xf32, #tpu.memory_space<vmem>>, vector<16xf32>,
    %swap3A_23 = arith.constant 1 : i32
    %swap3A_24 = arith.index_cast %swap3A_23 : i32 to index
    %swap3A_25 = arith.constant 16 : index
    %swap3A_26 = tpu.vector_load %arg9[%swap3A_24, %swap3A_25] {strides = array<i32>} : memref<64x64xf32, #tpu.memory_space<vmem>>, vector<16xf32>,
    tpu.vector_store %arg9[%swap3A_24, %swap3A_25], %broadcast_in_dim3A_1 {strides = array<i32>} : memref<64x64xf32, #tpu.memory_space<vmem>>, vector<16xf32>,
    %swap3A_27 = arith.constant 1 : i32
    %swap3A_28 = arith.index_cast %swap3A_27 : i32 to index
    %swap3A_29 = arith.constant 32 : index
    %swap3A_30 = tpu.vector_load %arg9[%swap3A_28, %swap3A_29] {strides = array<i32>} : memref<64x64xf32, #tpu.memory_space<vmem>>, vector<16xf32>,
    tpu.vector_store %arg9[%swap3A_28, %swap3A_29], %broadcast_in_dim3A_1 {strides = array<i32>} : memref<64x64xf32, #tpu.memory_space<vmem>>, vector<16xf32>,
    %swap3A_31 = arith.constant 1 : i32
    %swap3A_32 = arith.index_cast %swap3A_31 : i32 to index
    %swap3A_33 = arith.constant 48 : index
    %swap3A_34 = tpu.vector_load %arg9[%swap3A_32, %swap3A_33] {strides = array<i32>} : memref<64x64xf32, #tpu.memory_space<vmem>>, vector<16xf32>,
    tpu.vector_store %arg9[%swap3A_32, %swap3A_33], %broadcast_in_dim3A_1 {strides = array<i32>} : memref<64x64xf32, #tpu.memory_space<vmem>>, vector<16xf32>,
    %swap3A_35 = arith.constant 2 : i32
    %swap3A_36 = arith.index_cast %swap3A_35 : i32 to index
    %swap3A_37 = arith.constant 0 : index
    %swap3A_38 = tpu.vector_load %arg9[%swap3A_36, %swap3A_37] {strides = array<i32>} : memref<64x64xf32, #tpu.memory_space<vmem>>, vector<16xf32>,
    tpu.vector_store %arg9[%swap3A_36, %swap3A_37], %broadcast_in_dim3A_1 {strides = array<i32>} : memref<64x64xf32, #tpu.memory_space<vmem>>, vector<16xf32>,
    %swap3A_39 = arith.constant 2 : i32
    %swap3A_40 = arith.index_cast %swap3A_39 : i32 to index
    %swap3A_41 = arith.constant 16 : index
    %swap3A_42 = tpu.vector_load %arg9[%swap3A_40, %swap3A_41] {strides = array<i32>} : memref<64x64xf32, #tpu.memory_space<vmem>>, vector<16xf32>,
    tpu.vector_store %arg9[%swap3A_40, %swap3A_41], %broadcast_in_dim3A_1 {strides = array<i32>} : memref<64x64xf32, #tpu.memory_space<vmem>>, vector<16xf32>,
    %swap3A_43 = arith.constant 2 : i32
    %swap3A_44 = arith.index_cast %swap3A_43 : i32 to index
    %swap3A_45 = arith.constant 32 : index
    %swap3A_46 = tpu.vector_load %arg9[%swap3A_44, %swap3A_45] {strides = array<i32>} : memref<64x64xf32, #tpu.memory_space<vmem>>, vector<16xf32>,
    tpu.vector_store %arg9[%swap3A_44, %swap3A_45], %broadcast_in_dim3A_1 {strides = array<i32>} : memref<64x64xf32, #tpu.memory_space<vmem>>, vector<16xf32>,
    %swap3A_47 = arith.constant 2 : i32
    %swap3A_48 = arith.index_cast %swap3A_47 : i32 to index
    %swap3A_49 = arith.constant 48 : index
    %swap3A_50 = tpu.vector_load %arg9[%swap3A_48, %swap3A_49] {strides = array<i32>} : memref<64x64xf32, #tpu.memory_space<vmem>>, vector<16xf32>,
    tpu.vector_store %arg9[%swap3A_48, %swap3A_49], %broadcast_in_dim3A_1 {strides = array<i32>} : memref<64x64xf32, #tpu.memory_space<vmem>>, vector<16xf32>,
    %swap3A_51 = arith.constant 3 : i32
    %swap3A_52 = arith.index_cast %swap3A_51 : i32 to index
    %swap3A_53 = arith.constant 0 : index
    %swap3A_54 = tpu.vector_load %arg9[%swap3A_52, %swap3A_53] {strides = array<i32>} : memref<64x64xf32, #tpu.memory_space<vmem>>, vector<16xf32>,
    tpu.vector_store %arg9[%swap3A_52, %swap3A_53], %broadcast_in_dim3A_1 {strides = array<i32>} : memref<64x64xf32, #tpu.memory_space<vmem>>, vector<16xf32>,
    %swap3A_55 = arith.constant 3 : i32
    %swap3A_56 = arith.index_cast %swap3A_55 : i32 to index
    %swap3A_57 = arith.constant 16 : index
    %swap3A_58 = tpu.vector_load %arg9[%swap3A_56, %swap3A_57] {strides = array<i32>} : memref<64x64xf32, #tpu.memory_space<vmem>>, vector<16xf32>,
    tpu.vector_store %arg9[%swap3A_56, %swap3A_57], %broadcast_in_dim3A_1 {strides = array<i32>} : memref<64x64xf32, #tpu.memory_space<vmem>>, vector<16xf32>,
    %swap3A_59 = arith.constant 3 : i32
    %swap3A_60 = arith.index_cast %swap3A_59 : i32 to index
    %swap3A_61 = arith.constant 32 : index
    %swap3A_62 = tpu.vector_load %arg9[%swap3A_60, %swap3A_61] {strides = array<i32>} : memref<64x64xf32, #tpu.memory_space<vmem>>, vector<16xf32>,
    tpu.vector_store %arg9[%swap3A_60, %swap3A_61], %broadcast_in_dim3A_1 {strides = array<i32>} : memref<64x64xf32, #tpu.memory_space<vmem>>, vector<16xf32>,
    %swap3A_63 = arith.constant 3 : i32
    %swap3A_64 = arith.index_cast %swap3A_63 : i32 to index
    %swap3A_65 = arith.constant 48 : index
    %swap3A_66 = tpu.vector_load %arg9[%swap3A_64, %swap3A_65] {strides = array<i32>} : memref<64x64xf32, #tpu.memory_space<vmem>>, vector<16xf32>,
    tpu.vector_store %arg9[%swap3A_64, %swap3A_65], %broadcast_in_dim3A_1 {strides = array<i32>} : memref<64x64xf32, #tpu.memory_space<vmem>>, vector<16xf32>,
    %swap3A_67 = arith.constant 4 : i32
    %swap3A_68 = arith.index_cast %swap3A_67 : i32 to index
    %swap3A_69 = arith.constant 0 : index
    %swap3A_70 = tpu.vector_load %arg9[%swap3A_68, %swap3A_69] {strides = array<i32>} : memref<64x64xf32, #tpu.memory_space<vmem>>, vector<16xf32>,
    tpu.vector_store %arg9[%swap3A_68, %swap3A_69], %broadcast_in_dim3A_1 {strides = array<i32>} : memref<64x64xf32, #tpu.memory_space<vmem>>, vector<16xf32>,
    %swap3A_71 = arith.constant 4 : i32
    %swap3A_72 = arith.index_cast %swap3A_71 : i32 to index
    %swap3A_73 = arith.constant 16 : index
    %swap3A_74 = tpu.vector_load %arg9[%swap3A_72, %swap3A_73] {strides = array<i32>} : memref<64x64xf32, #tpu.memory_space<vmem>>, vector<16xf32>,
    tpu.vector_store %arg9[%swap3A_72, %swap3A_73], %broadcast_in_dim3A_1 {strides = array<i32>} : memref<64x64xf32, #tpu.memory_space<vmem>>, vector<16xf32>,
    %swap3A_75 = arith.constant 4 : i32
    %swap3A_76 = arith.index_cast %swap3A_75 : i32 to index
    %swap3A_77 = arith.constant 32 : index
    %swap3A_78 = tpu.vector_load %arg9[%swap3A_76, %swap3A_77] {strides = array<i32>} : memref<64x64xf32, #tpu.memory_space<vmem>>, vector<16xf32>,
    tpu.vector_store %arg9[%swap3A_76, %swap3A_77], %broadcast_in_dim3A_1 {strides = array<i32>} : memref<64x64xf32, #tpu.memory_space<vmem>>, vector<16xf32>,
    %swap3A_79 = arith.constant 4 : i32
    %swap3A_80 = arith.index_cast %swap3A_79 : i32 to index
    %swap3A_81 = arith.constant 48 : index
    %swap3A_82 = tpu.vector_load %arg9[%swap3A_80, %swap3A_81] {strides = array<i32>} : memref<64x64xf32, #tpu.memory_space<vmem>>, vector<16xf32>,
    tpu.vector_store %arg9[%swap3A_80, %swap3A_81], %broadcast_in_dim3A_1 {strides = array<i32>} : memref<64x64xf32, #tpu.memory_space<vmem>>, vector<16xf32>,
    %swap3A_83 = arith.constant 5 : i32
    %swap3A_84 = arith.index_cast %swap3A_83 : i32 to index
    %swap3A_85 = arith.constant 0 : index
    %swap3A_86 = tpu.vector_load %arg9[%swap3A_84, %swap3A_85] {strides = array<i32>} : memref<64x64xf32, #tpu.memory_space<vmem>>, vector<16xf32>,
    tpu.vector_store %arg9[%swap3A_84, %swap3A_85], %broadcast_in_dim3A_1 {strides = array<i32>} : memref<64x64xf32, #tpu.memory_space<vmem>>, vector<16xf32>,
    %swap3A_87 = arith.constant 5 : i32
    %swap3A_88 = arith.index_cast %swap3A_87 : i32 to index
    %swap3A_89 = arith.constant 16 : index
    %swap3A_90 = tpu.vector_load %arg9[%swap3A_88, %swap3A_89] {strides = array<i32>} : memref<64x64xf32, #tpu.memory_space<vmem>>, vector<16xf32>,
    tpu.vector_store %arg9[%swap3A_88, %swap3A_89], %broadcast_in_dim3A_1 {strides = array<i32>} : memref<64x64xf32, #tpu.memory_space<vmem>>, vector<16xf32>,
    %swap3A_91 = arith.constant 5 : i32
    %swap3A_92 = arith.index_cast %swap3A_91 : i32 to index
    %swap3A_93 = arith.constant 32 : index
    %swap3A_94 = tpu.vector_load %arg9[%swap3A_92, %swap3A_93] {strides = array<i32>} : memref<64x64xf32, #tpu.memory_space<vmem>>, vector<16xf32>,
    tpu.vector_store %arg9[%swap3A_92, %swap3A_93], %broadcast_in_dim3A_1 {strides = array<i32>} : memref<64x64xf32, #tpu.memory_space<vmem>>, vector<16xf32>,
    %swap3A_95 = arith.constant 5 : i32
    %swap3A_96 = arith.index_cast %swap3A_95 : i32 to index
    %swap3A_97 = arith.constant 48 : index
    %swap3A_98 = tpu.vector_load %arg9[%swap3A_96, %swap3A_97] {strides = array<i32>} : memref<64x64xf32, #tpu.memory_space<vmem>>, vector<16xf32>,
    tpu.vector_store %arg9[%swap3A_96, %swap3A_97], %broadcast_in_dim3A_1 {strides = array<i32>} : memref<64x64xf32, #tpu.memory_space<vmem>>, vector<16xf32>,
    %swap3A_99 = arith.constant 6 : i32
    %swap3A_100 = arith.index_cast %swap3A_99 : i32 to index
    %swap3A_101 = arith.constant 0 : index
    %swap3A_102 = tpu.vector_load %arg9[%swap3A_100, %swap3A_101] {strides = array<i32>} : memref<64x64xf32, #tpu.memory_space<vmem>>, vector<16xf32>,
    tpu.vector_store %arg9[%swap3A_100, %swap3A_101], %broadcast_in_dim3A_1 {strides = array<i32>} : memref<64x64xf32, #tpu.memory_space<vmem>>, vector<16xf32>,
    %swap3A_103 = arith.constant 6 : i32
    %swap3A_104 = arith.index_cast %swap3A_103 : i32 to index
    %swap3A_105 = arith.constant 16 : index
    %swap3A_106 = tpu.vector_load %arg9[%swap3A_104, %swap3A_105] {strides = array<i32>} : memref<64x64xf32, #tpu.memory_space<vmem>>, vector<16xf32>,
    tpu.vector_store %arg9[%swap3A_104, %swap3A_105], %broadcast_in_dim3A_1 {strides = array<i32>} : memref<64x64xf32, #tpu.memory_space<vmem>>, vector<16xf32>,
    %swap3A_107 = arith.constant 6 : i32
    %swap3A_108 = arith.index_cast %swap3A_107 : i32 to index
    %swap3A_109 = arith.constant 32 : index
    %swap3A_110 = tpu.vector_load %arg9[%swap3A_108, %swap3A_109] {strides = array<i32>} : memref<64x64xf32, #tpu.memory_space<vmem>>, vector<16xf32>,
    tpu.vector_store %arg9[%swap3A_108, %swap3A_109], %broadcast_in_dim3A_1 {strides = array<i32>} : memref<64x64xf32, #tpu.memory_space<vmem>>, vector<16xf32>,
    %swap3A_111 = arith.constant 6 : i32
    %swap3A_112 = arith.index_cast %swap3A_111 : i32 to index
    %swap3A_113 = arith.constant 48 : index
    %swap3A_114 = tpu.vector_load %arg9[%swap3A_112, %swap3A_113] {strides = array<i32>} : memref<64x64xf32, #tpu.memory_space<vmem>>, vector<16xf32>,
    tpu.vector_store %arg9[%swap3A_112, %swap3A_113], %broadcast_in_dim3A_1 {strides = array<i32>} : memref<64x64xf32, #tpu.memory_space<vmem>>, vector<16xf32>,
    %swap3A_115 = arith.constant 7 : i32
    %swap3A_116 = arith.index_cast %swap3A_115 : i32 to index
    %swap3A_117 = arith.constant 0 : index
    %swap3A_118 = tpu.vector_load %arg9[%swap3A_116, %swap3A_117] {strides = array<i32>} : memref<64x64xf32, #tpu.memory_space<vmem>>, vector<16xf32>,
    tpu.vector_store %arg9[%swap3A_116, %swap3A_117], %broadcast_in_dim3A_1 {strides = array<i32>} : memref<64x64xf32, #tpu.memory_space<vmem>>, vector<16xf32>,
    %swap3A_119 = arith.constant 7 : i32
    %swap3A_120 = arith.index_cast %swap3A_119 : i32 to index
    %swap3A_121 = arith.constant 16 : index
    %swap3A_122 = tpu.vector_load %arg9[%swap3A_120, %swap3A_121] {strides = array<i32>} : memref<64x64xf32, #tpu.memory_space<vmem>>, vector<16xf32>,
    tpu.vector_store %arg9[%swap3A_120, %swap3A_121], %broadcast_in_dim3A_1 {strides = array<i32>} : memref<64x64xf32, #tpu.memory_space<vmem>>, vector<16xf32>,
    %swap3A_123 = arith.constant 7 : i32
    %swap3A_124 = arith.index_cast %swap3A_123 : i32 to index
    %swap3A_125 = arith.constant 32 : index
    %swap3A_126 = tpu.vector_load %arg9[%swap3A_124, %swap3A_125] {strides = array<i32>} : memref<64x64xf32, #tpu.memory_space<vmem>>, vector<16xf32>,
    tpu.vector_store %arg9[%swap3A_124, %swap3A_125], %broadcast_in_dim3A_1 {strides = array<i32>} : memref<64x64xf32, #tpu.memory_space<vmem>>, vector<16xf32>,
    %swap3A_127 = arith.constant 7 : i32
    %swap3A_128 = arith.index_cast %swap3A_127 : i32 to index
    %swap3A_129 = arith.constant 48 : index
    %swap3A_130 = tpu.vector_load %arg9[%swap3A_128, %swap3A_129] {strides = array<i32>} : memref<64x64xf32, #tpu.memory_space<vmem>>, vector<16xf32>,
    tpu.vector_store %arg9[%swap3A_128, %swap3A_129], %broadcast_in_dim3A_1 {strides = array<i32>} : memref<64x64xf32, #tpu.memory_space<vmem>>, vector<16xf32>,
    %swap3A_131 = arith.constant 8 : i32
    %swap3A_132 = arith.index_cast %swap3A_131 : i32 to index
    %swap3A_133 = arith.constant 0 : index
    %swap3A_134 = tpu.vector_load %arg9[%swap3A_132, %swap3A_133] {strides = array<i32>} : memref<64x64xf32, #tpu.memory_space<vmem>>, vector<16xf32>,
    tpu.vector_store %arg9[%swap3A_132, %swap3A_133], %broadcast_in_dim3A_1 {strides = array<i32>} : memref<64x64xf32, #tpu.memory_space<vmem>>, vector<16xf32>,
    %swap3A_135 = arith.constant 8 : i32
    %swap3A_136 = arith.index_cast %swap3A_135 : i32 to index
    %swap3A_137 = arith.constant 16 : index
    %swap3A_138 = tpu.vector_load %arg9[%swap3A_136, %swap3A_137] {strides = array<i32>} : memref<64x64xf32, #tpu.memory_space<vmem>>, vector<16xf32>,
    tpu.vector_store %arg9[%swap3A_136, %swap3A_137], %broadcast_in_dim3A_1 {strides = array<i32>} : memref<64x64xf32, #tpu.memory_space<vmem>>, vector<16xf32>,
    %swap3A_139 = arith.constant 8 : i32
    %swap3A_140 = arith.index_cast %swap3A_139 : i32 to index
    %swap3A_141 = arith.constant 32 : index
    %swap3A_142 = tpu.vector_load %arg9[%swap3A_140, %swap3A_141] {strides = array<i32>} : memref<64x64xf32, #tpu.memory_space<vmem>>, vector<16xf32>,
    tpu.vector_store %arg9[%swap3A_140, %swap3A_141], %broadcast_in_dim3A_1 {strides = array<i32>} : memref<64x64xf32, #tpu.memory_space<vmem>>, vector<16xf32>,
    %swap3A_143 = arith.constant 8 : i32
    %swap3A_144 = arith.index_cast %swap3A_143 : i32 to index
    %swap3A_145 = arith.constant 48 : index
    %swap3A_146 = tpu.vector_load %arg9[%swap3A_144, %swap3A_145] {strides = array<i32>} : memref<64x64xf32, #tpu.memory_space<vmem>>, vector<16xf32>,
    tpu.vector_store %arg9[%swap3A_144, %swap3A_145], %broadcast_in_dim3A_1 {strides = array<i32>} : memref<64x64xf32, #tpu.memory_space<vmem>>, vector<16xf32>,
    %swap3A_147 = arith.constant 9 : i32
    %swap3A_148 = arith.index_cast %swap3A_147 : i32 to index
    %swap3A_149 = arith.constant 0 : index
    %swap3A_150 = tpu.vector_load %arg9[%swap3A_148, %swap3A_149] {strides = array<i32>} : memref<64x64xf32, #tpu.memory_space<vmem>>, vector<16xf32>,
    tpu.vector_store %arg9[%swap3A_148, %swap3A_149], %broadcast_in_dim3A_1 {strides = array<i32>} : memref<64x64xf32, #tpu.memory_space<vmem>>, vector<16xf32>,
    %swap3A_151 = arith.constant 9 : i32
    %swap3A_152 = arith.index_cast %swap3A_151 : i32 to index
    %swap3A_153 = arith.constant 16 : index
    %swap3A_154 = tpu.vector_load %arg9[%swap3A_152, %swap3A_153] {strides = array<i32>} : memref<64x64xf32, #tpu.memory_space<vmem>>, vector<16xf32>,
    tpu.vector_store %arg9[%swap3A_152, %swap3A_153], %broadcast_in_dim3A_1 {strides = array<i32>} : memref<64x64xf32, #tpu.memory_space<vmem>>, vector<16xf32>,
    %swap3A_155 = arith.constant 9 : i32
    %swap3A_156 = arith.index_cast %swap3A_155 : i32 to index
    %swap3A_157 = arith.constant 32 : index
    %swap3A_158 = tpu.vector_load %arg9[%swap3A_156, %swap3A_157] {strides = array<i32>} : memref<64x64xf32, #tpu.memory_space<vmem>>, vector<16xf32>,
    tpu.vector_store %arg9[%swap3A_156, %swap3A_157], %broadcast_in_dim3A_1 {strides = array<i32>} : memref<64x64xf32, #tpu.memory_space<vmem>>, vector<16xf32>,
    %swap3A_159 = arith.constant 9 : i32
    %swap3A_160 = arith.index_cast %swap3A_159 : i32 to index
    %swap3A_161 = arith.constant 48 : index
    %swap3A_162 = tpu.vector_load %arg9[%swap3A_160, %swap3A_161] {strides = array<i32>} : memref<64x64xf32, #tpu.memory_space<vmem>>, vector<16xf32>,
    tpu.vector_store %arg9[%swap3A_160, %swap3A_161], %broadcast_in_dim3A_1 {strides = array<i32>} : memref<64x64xf32, #tpu.memory_space<vmem>>, vector<16xf32>,
    %swap3A_163 = arith.constant 10 : i32
    %swap3A_164 = arith.index_cast %swap3A_163 : i32 to index
    %swap3A_165 = arith.constant 0 : index
    %swap3A_166 = tpu.vector_load %arg9[%swap3A_164, %swap3A_165] {strides = array<i32>} : memref<64x64xf32, #tpu.memory_space<vmem>>, vector<16xf32>,
    tpu.vector_store %arg9[%swap3A_164, %swap3A_165], %broadcast_in_dim3A_1 {strides = array<i32>} : memref<64x64xf32, #tpu.memory_space<vmem>>, vector<16xf32>,
    %swap3A_167 = arith.constant 10 : i32
    %swap3A_168 = arith.index_cast %swap3A_167 : i32 to index
    %swap3A_169 = arith.constant 16 : index
    %swap3A_170 = tpu.vector_load %arg9[%swap3A_168, %swap3A_169] {strides = array<i32>} : memref<64x64xf32, #tpu.memory_space<vmem>>, vector<16xf32>,
    tpu.vector_store %arg9[%swap3A_168, %swap3A_169], %broadcast_in_dim3A_1 {strides = array<i32>} : memref<64x64xf32, #tpu.memory_space<vmem>>, vector<16xf32>,
    %swap3A_171 = arith.constant 10 : i32
    %swap3A_172 = arith.index_cast %swap3A_171 : i32 to index
    %swap3A_173 = arith.constant 32 : index
    %swap3A_174 = tpu.vector_load %arg9[%swap3A_172, %swap3A_173] {strides = array<i32>} : memref<64x64xf32, #tpu.memory_space<vmem>>, vector<16xf32>,
    tpu.vector_store %arg9[%swap3A_172, %swap3A_173], %broadcast_in_dim3A_1 {strides = array<i32>} : memref<64x64xf32, #tpu.memory_space<vmem>>, vector<16xf32>,
    %swap3A_175 = arith.constant 10 : i32
    %swap3A_176 = arith.index_cast %swap3A_175 : i32 to index
    %swap3A_177 = arith.constant 48 : index
    %swap3A_178 = tpu.vector_load %arg9[%swap3A_176, %swap3A_177] {strides = array<i32>} : memref<64x64xf32, #tpu.memory_space<vmem>>, vector<16xf32>,
    tpu.vector_store %arg9[%swap3A_176, %swap3A_177], %broadcast_in_dim3A_1 {strides = array<i32>} : memref<64x64xf32, #tpu.memory_space<vmem>>, vector<16xf32>,
    %swap3A_179 = arith.constant 11 : i32
    %swap3A_180 = arith.index_cast %swap3A_179 : i32 to index
    %swap3A_181 = arith.constant 0 : index
    %swap3A_182 = tpu.vector_load %arg9[%swap3A_180, %swap3A_181] {strides = array<i32>} : memref<64x64xf32, #tpu.memory_space<vmem>>, vector<16xf32>,
    tpu.vector_store %arg9[%swap3A_180, %swap3A_181], %broadcast_in_dim3A_1 {strides = array<i32>} : memref<64x64xf32, #tpu.memory_space<vmem>>, vector<16xf32>,
    %swap3A_183 = arith.constant 11 : i32
    %swap3A_184 = arith.index_cast %swap3A_183 : i32 to index
    %swap3A_185 = arith.constant 16 : index
    %swap3A_186 = tpu.vector_load %arg9[%swap3A_184, %swap3A_185] {strides = array<i32>} : memref<64x64xf32, #tpu.memory_space<vmem>>, vector<16xf32>,
    tpu.vector_store %arg9[%swap3A_184, %swap3A_185], %broadcast_in_dim3A_1 {strides = array<i32>} : memref<64x64xf32, #tpu.memory_space<vmem>>, vector<16xf32>,
    %swap3A_187 = arith.constant 11 : i32
    %swap3A_188 = arith.index_cast %swap3A_187 : i32 to index
    %swap3A_189 = arith.constant 32 : index
    %swap3A_190 = tpu.vector_load %arg9[%swap3A_188, %swap3A_189] {strides = array<i32>} : memref<64x64xf32, #tpu.memory_space<vmem>>, vector<16xf32>,
    tpu.vector_store %arg9[%swap3A_188, %swap3A_189], %broadcast_in_dim3A_1 {strides = array<i32>} : memref<64x64xf32, #tpu.memory_space<vmem>>, vector<16xf32>,
    %swap3A_191 = arith.constant 11 : i32
    %swap3A_192 = arith.index_cast %swap3A_191 : i32 to index
    %swap3A_193 = arith.constant 48 : index
    %swap3A_194 = tpu.vector_load %arg9[%swap3A_192, %swap3A_193] {strides = array<i32>} : memref<64x64xf32, #tpu.memory_space<vmem>>, vector<16xf32>,
    tpu.vector_store %arg9[%swap3A_192, %swap3A_193], %broadcast_in_dim3A_1 {strides = array<i32>} : memref<64x64xf32, #tpu.memory_space<vmem>>, vector<16xf32>,
    %swap3A_195 = arith.constant 12 : i32
    %swap3A_196 = arith.index_cast %swap3A_195 : i32 to index
    %swap3A_197 = arith.constant 0 : index
    %swap3A_198 = tpu.vector_load %arg9[%swap3A_196, %swap3A_197] {strides = array<i32>} : memref<64x64xf32, #tpu.memory_space<vmem>>, vector<16xf32>,
    tpu.vector_store %arg9[%swap3A_196, %swap3A_197], %broadcast_in_dim3A_1 {strides = array<i32>} : memref<64x64xf32, #tpu.memory_space<vmem>>, vector<16xf32>,
    %swap3A_199 = arith.constant 12 : i32
    %swap3A_200 = arith.index_cast %swap3A_199 : i32 to index
    %swap3A_201 = arith.constant 16 : index
    %swap3A_202 = tpu.vector_load %arg9[%swap3A_200, %swap3A_201] {strides = array<i32>} : memref<64x64xf32, #tpu.memory_space<vmem>>, vector<16xf32>,
    tpu.vector_store %arg9[%swap3A_200, %swap3A_201], %broadcast_in_dim3A_1 {strides = array<i32>} : memref<64x64xf32, #tpu.memory_space<vmem>>, vector<16xf32>,
    %swap3A_203 = arith.constant 12 : i32
    %swap3A_204 = arith.index_cast %swap3A_203 : i32 to index
    %swap3A_205 = arith.constant 32 : index
    %swap3A_206 = tpu.vector_load %arg9[%swap3A_204, %swap3A_205] {strides = array<i32>} : memref<64x64xf32, #tpu.memory_space<vmem>>, vector<16xf32>,
    tpu.vector_store %arg9[%swap3A_204, %swap3A_205], %broadcast_in_dim3A_1 {strides = array<i32>} : memref<64x64xf32, #tpu.memory_space<vmem>>, vector<16xf32>,
    %swap3A_207 = arith.constant 12 : i32
    %swap3A_208 = arith.index_cast %swap3A_207 : i32 to index
    %swap3A_209 = arith.constant 48 : index
    %swap3A_210 = tpu.vector_load %arg9[%swap3A_208, %swap3A_209] {strides = array<i32>} : memref<64x64xf32, #tpu.memory_space<vmem>>, vector<16xf32>,
    tpu.vector_store %arg9[%swap3A_208, %swap3A_209], %broadcast_in_dim3A_1 {strides = array<i32>} : memref<64x64xf32, #tpu.memory_space<vmem>>, vector<16xf32>,
    %swap3A_211 = arith.constant 13 : i32
    %swap3A_212 = arith.index_cast %swap3A_211 : i32 to index
    %swap3A_213 = arith.constant 0 : index
    %swap3A_214 = tpu.vector_load %arg9[%swap3A_212, %swap3A_213] {strides = array<i32>} : memref<64x64xf32, #tpu.memory_space<vmem>>, vector<16xf32>,
    tpu.vector_store %arg9[%swap3A_212, %swap3A_213], %broadcast_in_dim3A_1 {strides = array<i32>} : memref<64x64xf32, #tpu.memory_space<vmem>>, vector<16xf32>,
    %swap3A_215 = arith.constant 13 : i32
    %swap3A_216 = arith.index_cast %swap3A_215 : i32 to index
    %swap3A_217 = arith.constant 16 : index
    %swap3A_218 = tpu.vector_load %arg9[%swap3A_216, %swap3A_217] {strides = array<i32>} : memref<64x64xf32, #tpu.memory_space<vmem>>, vector<16xf32>,
    tpu.vector_store %arg9[%swap3A_216, %swap3A_217], %broadcast_in_dim3A_1 {strides = array<i32>} : memref<64x64xf32, #tpu.memory_space<vmem>>, vector<16xf32>,
    %swap3A_219 = arith.constant 13 : i32
    %swap3A_220 = arith.index_cast %swap3A_219 : i32 to index
    %swap3A_221 = arith.constant 32 : index
    %swap3A_222 = tpu.vector_load %arg9[%swap3A_220, %swap3A_221] {strides = array<i32>} : memref<64x64xf32, #tpu.memory_space<vmem>>, vector<16xf32>,
    tpu.vector_store %arg9[%swap3A_220, %swap3A_221], %broadcast_in_dim3A_1 {strides = array<i32>} : memref<64x64xf32, #tpu.memory_space<vmem>>, vector<16xf32>,
    %swap3A_223 = arith.constant 13 : i32
    %swap3A_224 = arith.index_cast %swap3A_223 : i32 to index
    %swap3A_225 = arith.constant 48 : index
    %swap3A_226 = tpu.vector_load %arg9[%swap3A_224, %swap3A_225] {strides = array<i32>} : memref<64x64xf32, #tpu.memory_space<vmem>>, vector<16xf32>,
    tpu.vector_store %arg9[%swap3A_224, %swap3A_225], %broadcast_in_dim3A_1 {strides = array<i32>} : memref<64x64xf32, #tpu.memory_space<vmem>>, vector<16xf32>,
    %swap3A_227 = arith.constant 14 : i32
    %swap3A_228 = arith.index_cast %swap3A_227 : i32 to index
    %swap3A_229 = arith.constant 0 : index
    %swap3A_230 = tpu.vector_load %arg9[%swap3A_228, %swap3A_229] {strides = array<i32>} : memref<64x64xf32, #tpu.memory_space<vmem>>, vector<16xf32>,
    tpu.vector_store %arg9[%swap3A_228, %swap3A_229], %broadcast_in_dim3A_1 {strides = array<i32>} : memref<64x64xf32, #tpu.memory_space<vmem>>, vector<16xf32>,
    %swap3A_231 = arith.constant 14 : i32
    %swap3A_232 = arith.index_cast %swap3A_231 : i32 to index
    %swap3A_233 = arith.constant 16 : index
    %swap3A_234 = tpu.vector_load %arg9[%swap3A_232, %swap3A_233] {strides = array<i32>} : memref<64x64xf32, #tpu.memory_space<vmem>>, vector<16xf32>,
    tpu.vector_store %arg9[%swap3A_232, %swap3A_233], %broadcast_in_dim3A_1 {strides = array<i32>} : memref<64x64xf32, #tpu.memory_space<vmem>>, vector<16xf32>,
    %swap3A_235 = arith.constant 14 : i32
    %swap3A_236 = arith.index_cast %swap3A_235 : i32 to index
    %swap3A_237 = arith.constant 32 : index
    %swap3A_238 = tpu.vector_load %arg9[%swap3A_236, %swap3A_237] {strides = array<i32>} : memref<64x64xf32, #tpu.memory_space<vmem>>, vector<16xf32>,
    tpu.vector_store %arg9[%swap3A_236, %swap3A_237], %broadcast_in_dim3A_1 {strides = array<i32>} : memref<64x64xf32, #tpu.memory_space<vmem>>, vector<16xf32>,
    %swap3A_239 = arith.constant 14 : i32
    %swap3A_240 = arith.index_cast %swap3A_239 : i32 to index
    %swap3A_241 = arith.constant 48 : index
    %swap3A_242 = tpu.vector_load %arg9[%swap3A_240, %swap3A_241] {strides = array<i32>} : memref<64x64xf32, #tpu.memory_space<vmem>>, vector<16xf32>,
    tpu.vector_store %arg9[%swap3A_240, %swap3A_241], %broadcast_in_dim3A_1 {strides = array<i32>} : memref<64x64xf32, #tpu.memory_space<vmem>>, vector<16xf32>,
    %swap3A_243 = arith.constant 15 : i32
    %swap3A_244 = arith.index_cast %swap3A_243 : i32 to index
    %swap3A_245 = arith.constant 0 : index
    %swap3A_246 = tpu.vector_load %arg9[%swap3A_244, %swap3A_245] {strides = array<i32>} : memref<64x64xf32, #tpu.memory_space<vmem>>, vector<16xf32>,
    tpu.vector_store %arg9[%swap3A_244, %swap3A_245], %broadcast_in_dim3A_1 {strides = array<i32>} : memref<64x64xf32, #tpu.memory_space<vmem>>, vector<16xf32>,
    %swap3A_247 = arith.constant 15 : i32
    %swap3A_248 = arith.index_cast %swap3A_247 : i32 to index
    %swap3A_249 = arith.constant 16 : index
    %swap3A_250 = tpu.vector_load %arg9[%swap3A_248, %swap3A_249] {strides = array<i32>} : memref<64x64xf32, #tpu.memory_space<vmem>>, vector<16xf32>,
    tpu.vector_store %arg9[%swap3A_248, %swap3A_249], %broadcast_in_dim3A_1 {strides = array<i32>} : memref<64x64xf32, #tpu.memory_space<vmem>>, vector<16xf32>,
    %swap3A_251 = arith.constant 15 : i32
    %swap3A_252 = arith.index_cast %swap3A_251 : i32 to index
    %swap3A_253 = arith.constant 32 : index
    %swap3A_254 = tpu.vector_load %arg9[%swap3A_252, %swap3A_253] {strides = array<i32>} : memref<64x64xf32, #tpu.memory_space<vmem>>, vector<16xf32>,
    tpu.vector_store %arg9[%swap3A_252, %swap3A_253], %broadcast_in_dim3A_1 {strides = array<i32>} : memref<64x64xf32, #tpu.memory_space<vmem>>, vector<16xf32>,
    %swap3A_255 = arith.constant 15 : i32
    %swap3A_256 = arith.index_cast %swap3A_255 : i32 to index
    %swap3A_257 = arith.constant 48 : index
    %swap3A_258 = tpu.vector_load %arg9[%swap3A_256, %swap3A_257] {strides = array<i32>} : memref<64x64xf32, #tpu.memory_space<vmem>>, vector<16xf32>,
    tpu.vector_store %arg9[%swap3A_256, %swap3A_257], %broadcast_in_dim3A_1 {strides = array<i32>} : memref<64x64xf32, #tpu.memory_space<vmem>>, vector<16xf32>,
    %swap3A_259 = arith.constant 16 : i32
    %swap3A_260 = arith.index_cast %swap3A_259 : i32 to index
    %swap3A_261 = arith.constant 0 : index
    %swap3A_262 = tpu.vector_load %arg9[%swap3A_260, %swap3A_261] {strides = array<i32>} : memref<64x64xf32, #tpu.memory_space<vmem>>, vector<16xf32>,
    tpu.vector_store %arg9[%swap3A_260, %swap3A_261], %broadcast_in_dim3A_1 {strides = array<i32>} : memref<64x64xf32, #tpu.memory_space<vmem>>, vector<16xf32>,
    %swap3A_263 = arith.constant 16 : i32
    %swap3A_264 = arith.index_cast %swap3A_263 : i32 to index
    %swap3A_265 = arith.constant 16 : index
    %swap3A_266 = tpu.vector_load %arg9[%swap3A_264, %swap3A_265] {strides = array<i32>} : memref<64x64xf32, #tpu.memory_space<vmem>>, vector<16xf32>,
    tpu.vector_store %arg9[%swap3A_264, %swap3A_265], %broadcast_in_dim3A_1 {strides = array<i32>} : memref<64x64xf32, #tpu.memory_space<vmem>>, vector<16xf32>,
    %swap3A_267 = arith.constant 16 : i32
    %swap3A_268 = arith.index_cast %swap3A_267 : i32 to index
    %swap3A_269 = arith.constant 32 : index
    %swap3A_270 = tpu.vector_load %arg9[%swap3A_268, %swap3A_269] {strides = array<i32>} : memref<64x64xf32, #tpu.memory_space<vmem>>, vector<16xf32>,
    tpu.vector_store %arg9[%swap3A_268, %swap3A_269], %broadcast_in_dim3A_1 {strides = array<i32>} : memref<64x64xf32, #tpu.memory_space<vmem>>, vector<16xf32>,
    %swap3A_271 = arith.constant 16 : i32
    %swap3A_272 = arith.index_cast %swap3A_271 : i32 to index
    %swap3A_273 = arith.constant 48 : index
    %swap3A_274 = tpu.vector_load %arg9[%swap3A_272, %swap3A_273] {strides = array<i32>} : memref<64x64xf32, #tpu.memory_space<vmem>>, vector<16xf32>,
    tpu.vector_store %arg9[%swap3A_272, %swap3A_273], %broadcast_in_dim3A_1 {strides = array<i32>} : memref<64x64xf32, #tpu.memory_space<vmem>>, vector<16xf32>,
    %swap3A_275 = arith.constant 17 : i32
    %swap3A_276 = arith.index_cast %swap3A_275 : i32 to index
    %swap3A_277 = arith.constant 0 : index
    %swap3A_278 = tpu.vector_load %arg9[%swap3A_276, %swap3A_277] {strides = array<i32>} : memref<64x64xf32, #tpu.memory_space<vmem>>, vector<16xf32>,
    tpu.vector_store %arg9[%swap3A_276, %swap3A_277], %broadcast_in_dim3A_1 {strides = array<i32>} : memref<64x64xf32, #tpu.memory_space<vmem>>, vector<16xf32>,
    %swap3A_279 = arith.constant 17 : i32
    %swap3A_280 = arith.index_cast %swap3A_279 : i32 to index
    %swap3A_281 = arith.constant 16 : index
    %swap3A_282 = tpu.vector_load %arg9[%swap3A_280, %swap3A_281] {strides = array<i32>} : memref<64x64xf32, #tpu.memory_space<vmem>>, vector<16xf32>,
    tpu.vector_store %arg9[%swap3A_280, %swap3A_281], %broadcast_in_dim3A_1 {strides = array<i32>} : memref<64x64xf32, #tpu.memory_space<vmem>>, vector<16xf32>,
    %swap3A_283 = arith.constant 17 : i32
    %swap3A_284 = arith.index_cast %swap3A_283 : i32 to index
    %swap3A_285 = arith.constant 32 : index
    %swap3A_286 = tpu.vector_load %arg9[%swap3A_284, %swap3A_285] {strides = array<i32>} : memref<64x64xf32, #tpu.memory_space<vmem>>, vector<16xf32>,
    tpu.vector_store %arg9[%swap3A_284, %swap3A_285], %broadcast_in_dim3A_1 {strides = array<i32>} : memref<64x64xf32, #tpu.memory_space<vmem>>, vector<16xf32>,
    %swap3A_287 = arith.constant 17 : i32
    %swap3A_288 = arith.index_cast %swap3A_287 : i32 to index
    %swap3A_289 = arith.constant 48 : index
    %swap3A_290 = tpu.vector_load %arg9[%swap3A_288, %swap3A_289] {strides = array<i32>} : memref<64x64xf32, #tpu.memory_space<vmem>>, vector<16xf32>,
    tpu.vector_store %arg9[%swap3A_288, %swap3A_289], %broadcast_in_dim3A_1 {strides = array<i32>} : memref<64x64xf32, #tpu.memory_space<vmem>>, vector<16xf32>,
    %swap3A_291 = arith.constant 18 : i32
    %swap3A_292 = arith.index_cast %swap3A_291 : i32 to index
    %swap3A_293 = arith.constant 0 : index
    %swap3A_294 = tpu.vector_load %arg9[%swap3A_292, %swap3A_293] {strides = array<i32>} : memref<64x64xf32, #tpu.memory_space<vmem>>, vector<16xf32>,
    tpu.vector_store %arg9[%swap3A_292, %swap3A_293], %broadcast_in_dim3A_1 {strides = array<i32>} : memref<64x64xf32, #tpu.memory_space<vmem>>, vector<16xf32>,
    %swap3A_295 = arith.constant 18 : i32
    %swap3A_296 = arith.index_cast %swap3A_295 : i32 to index
    %swap3A_297 = arith.constant 16 : index
    %swap3A_298 = tpu.vector_load %arg9[%swap3A_296, %swap3A_297] {strides = array<i32>} : memref<64x64xf32, #tpu.memory_space<vmem>>, vector<16xf32>,
    tpu.vector_store %arg9[%swap3A_296, %swap3A_297], %broadcast_in_dim3A_1 {strides = array<i32>} : memref<64x64xf32, #tpu.memory_space<vmem>>, vector<16xf32>,
    %swap3A_299 = arith.constant 18 : i32
    %swap3A_300 = arith.index_cast %swap3A_299 : i32 to index
    %swap3A_301 = arith.constant 32 : index
    %swap3A_302 = tpu.vector_load %arg9[%swap3A_300, %swap3A_301] {strides = array<i32>} : memref<64x64xf32, #tpu.memory_space<vmem>>, vector<16xf32>,
    tpu.vector_store %arg9[%swap3A_300, %swap3A_301], %broadcast_in_dim3A_1 {strides = array<i32>} : memref<64x64xf32, #tpu.memory_space<vmem>>, vector<16xf32>,
    %swap3A_303 = arith.constant 18 : i32
    %swap3A_304 = arith.index_cast %swap3A_303 : i32 to index
    %swap3A_305 = arith.constant 48 : index
    %swap3A_306 = tpu.vector_load %arg9[%swap3A_304, %swap3A_305] {strides = array<i32>} : memref<64x64xf32, #tpu.memory_space<vmem>>, vector<16xf32>,
    tpu.vector_store %arg9[%swap3A_304, %swap3A_305], %broadcast_in_dim3A_1 {strides = array<i32>} : memref<64x64xf32, #tpu.memory_space<vmem>>, vector<16xf32>,
    %swap3A_307 = arith.constant 19 : i32
    %swap3A_308 = arith.index_cast %swap3A_307 : i32 to index
    %swap3A_309 = arith.constant 0 : index
    %swap3A_310 = tpu.vector_load %arg9[%swap3A_308, %swap3A_309] {strides = array<i32>} : memref<64x64xf32, #tpu.memory_space<vmem>>, vector<16xf32>,
    tpu.vector_store %arg9[%swap3A_308, %swap3A_309], %broadcast_in_dim3A_1 {strides = array<i32>} : memref<64x64xf32, #tpu.memory_space<vmem>>, vector<16xf32>,
    %swap3A_311 = arith.constant 19 : i32
    %swap3A_312 = arith.index_cast %swap3A_311 : i32 to index
    %swap3A_313 = arith.constant 16 : index
    %swap3A_314 = tpu.vector_load %arg9[%swap3A_312, %swap3A_313] {strides = array<i32>} : memref<64x64xf32, #tpu.memory_space<vmem>>, vector<16xf32>,
    tpu.vector_store %arg9[%swap3A_312, %swap3A_313], %broadcast_in_dim3A_1 {strides = array<i32>} : memref<64x64xf32, #tpu.memory_space<vmem>>, vector<16xf32>,
    %swap3A_315 = arith.constant 19 : i32
    %swap3A_316 = arith.index_cast %swap3A_315 : i32 to index
    %swap3A_317 = arith.constant 32 : index
    %swap3A_318 = tpu.vector_load %arg9[%swap3A_316, %swap3A_317] {strides = array<i32>} : memref<64x64xf32, #tpu.memory_space<vmem>>, vector<16xf32>,
    tpu.vector_store %arg9[%swap3A_316, %swap3A_317], %broadcast_in_dim3A_1 {strides = array<i32>} : memref<64x64xf32, #tpu.memory_space<vmem>>, vector<16xf32>,
    %swap3A_319 = arith.constant 19 : i32
    %swap3A_320 = arith.index_cast %swap3A_319 : i32 to index
    %swap3A_321 = arith.constant 48 : index
    %swap3A_322 = tpu.vector_load %arg9[%swap3A_320, %swap3A_321] {strides = array<i32>} : memref<64x64xf32, #tpu.memory_space<vmem>>, vector<16xf32>,
    tpu.vector_store %arg9[%swap3A_320, %swap3A_321], %broadcast_in_dim3A_1 {strides = array<i32>} : memref<64x64xf32, #tpu.memory_space<vmem>>, vector<16xf32>,
    %swap3A_323 = arith.constant 20 : i32
    %swap3A_324 = arith.index_cast %swap3A_323 : i32 to index
    %swap3A_325 = arith.constant 0 : index
    %swap3A_326 = tpu.vector_load %arg9[%swap3A_324, %swap3A_325] {strides = array<i32>} : memref<64x64xf32, #tpu.memory_space<vmem>>, vector<16xf32>,
    tpu.vector_store %arg9[%swap3A_324, %swap3A_325], %broadcast_in_dim3A_1 {strides = array<i32>} : memref<64x64xf32, #tpu.memory_space<vmem>>, vector<16xf32>,
    %swap3A_327 = arith.constant 20 : i32
    %swap3A_328 = arith.index_cast %swap3A_327 : i32 to index
    %swap3A_329 = arith.constant 16 : index
    %swap3A_330 = tpu.vector_load %arg9[%swap3A_328, %swap3A_329] {strides = array<i32>} : memref<64x64xf32, #tpu.memory_space<vmem>>, vector<16xf32>,
    tpu.vector_store %arg9[%swap3A_328, %swap3A_329], %broadcast_in_dim3A_1 {strides = array<i32>} : memref<64x64xf32, #tpu.memory_space<vmem>>, vector<16xf32>,
    %swap3A_331 = arith.constant 20 : i32
    %swap3A_332 = arith.index_cast %swap3A_331 : i32 to index
    %swap3A_333 = arith.constant 32 : index
    %swap3A_334 = tpu.vector_load %arg9[%swap3A_332, %swap3A_333] {strides = array<i32>} : memref<64x64xf32, #tpu.memory_space<vmem>>, vector<16xf32>,
    tpu.vector_store %arg9[%swap3A_332, %swap3A_333], %broadcast_in_dim3A_1 {strides = array<i32>} : memref<64x64xf32, #tpu.memory_space<vmem>>, vector<16xf32>,
    %swap3A_335 = arith.constant 20 : i32
    %swap3A_336 = arith.index_cast %swap3A_335 : i32 to index
    %swap3A_337 = arith.constant 48 : index
    %swap3A_338 = tpu.vector_load %arg9[%swap3A_336, %swap3A_337] {strides = array<i32>} : memref<64x64xf32, #tpu.memory_space<vmem>>, vector<16xf32>,
    tpu.vector_store %arg9[%swap3A_336, %swap3A_337], %broadcast_in_dim3A_1 {strides = array<i32>} : memref<64x64xf32, #tpu.memory_space<vmem>>, vector<16xf32>,
    %swap3A_339 = arith.constant 21 : i32
    %swap3A_340 = arith.index_cast %swap3A_339 : i32 to index
    %swap3A_341 = arith.constant 0 : index
    %swap3A_342 = tpu.vector_load %arg9[%swap3A_340, %swap3A_341] {strides = array<i32>} : memref<64x64xf32, #tpu.memory_space<vmem>>, vector<16xf32>,
    tpu.vector_store %arg9[%swap3A_340, %swap3A_341], %broadcast_in_dim3A_1 {strides = array<i32>} : memref<64x64xf32, #tpu.memory_space<vmem>>, vector<16xf32>,
    %swap3A_343 = arith.constant 21 : i32
    %swap3A_344 = arith.index_cast %swap3A_343 : i32 to index
    %swap3A_345 = arith.constant 16 : index
    %swap3A_346 = tpu.vector_load %arg9[%swap3A_344, %swap3A_345] {strides = array<i32>} : memref<64x64xf32, #tpu.memory_space<vmem>>, vector<16xf32>,
    tpu.vector_store %arg9[%swap3A_344, %swap3A_345], %broadcast_in_dim3A_1 {strides = array<i32>} : memref<64x64xf32, #tpu.memory_space<vmem>>, vector<16xf32>,
    %swap3A_347 = arith.constant 21 : i32
    %swap3A_348 = arith.index_cast %swap3A_347 : i32 to index
    %swap3A_349 = arith.constant 32 : index
    %swap3A_350 = tpu.vector_load %arg9[%swap3A_348, %swap3A_349] {strides = array<i32>} : memref<64x64xf32, #tpu.memory_space<vmem>>, vector<16xf32>,
    tpu.vector_store %arg9[%swap3A_348, %swap3A_349], %broadcast_in_dim3A_1 {strides = array<i32>} : memref<64x64xf32, #tpu.memory_space<vmem>>, vector<16xf32>,
    %swap3A_351 = arith.constant 21 : i32
    %swap3A_352 = arith.index_cast %swap3A_351 : i32 to index
    %swap3A_353 = arith.constant 48 : index
    %swap3A_354 = tpu.vector_load %arg9[%swap3A_352, %swap3A_353] {strides = array<i32>} : memref<64x64xf32, #tpu.memory_space<vmem>>, vector<16xf32>,
    tpu.vector_store %arg9[%swap3A_352, %swap3A_353], %broadcast_in_dim3A_1 {strides = array<i32>} : memref<64x64xf32, #tpu.memory_space<vmem>>, vector<16xf32>,
    %swap3A_355 = arith.constant 22 : i32
    %swap3A_356 = arith.index_cast %swap3A_355 : i32 to index
    %swap3A_357 = arith.constant 0 : index
    %swap3A_358 = tpu.vector_load %arg9[%swap3A_356, %swap3A_357] {strides = array<i32>} : memref<64x64xf32, #tpu.memory_space<vmem>>, vector<16xf32>,
    tpu.vector_store %arg9[%swap3A_356, %swap3A_357], %broadcast_in_dim3A_1 {strides = array<i32>} : memref<64x64xf32, #tpu.memory_space<vmem>>, vector<16xf32>,
    %swap3A_359 = arith.constant 22 : i32
    %swap3A_360 = arith.index_cast %swap3A_359 : i32 to index
    %swap3A_361 = arith.constant 16 : index
    %swap3A_362 = tpu.vector_load %arg9[%swap3A_360, %swap3A_361] {strides = array<i32>} : memref<64x64xf32, #tpu.memory_space<vmem>>, vector<16xf32>,
    tpu.vector_store %arg9[%swap3A_360, %swap3A_361], %broadcast_in_dim3A_1 {strides = array<i32>} : memref<64x64xf32, #tpu.memory_space<vmem>>, vector<16xf32>,
    %swap3A_363 = arith.constant 22 : i32
    %swap3A_364 = arith.index_cast %swap3A_363 : i32 to index
    %swap3A_365 = arith.constant 32 : index
    %swap3A_366 = tpu.vector_load %arg9[%swap3A_364, %swap3A_365] {strides = array<i32>} : memref<64x64xf32, #tpu.memory_space<vmem>>, vector<16xf32>,
    tpu.vector_store %arg9[%swap3A_364, %swap3A_365], %broadcast_in_dim3A_1 {strides = array<i32>} : memref<64x64xf32, #tpu.memory_space<vmem>>, vector<16xf32>,
    %swap3A_367 = arith.constant 22 : i32
    %swap3A_368 = arith.index_cast %swap3A_367 : i32 to index
    %swap3A_369 = arith.constant 48 : index
    %swap3A_370 = tpu.vector_load %arg9[%swap3A_368, %swap3A_369] {strides = array<i32>} : memref<64x64xf32, #tpu.memory_space<vmem>>, vector<16xf32>,
    tpu.vector_store %arg9[%swap3A_368, %swap3A_369], %broadcast_in_dim3A_1 {strides = array<i32>} : memref<64x64xf32, #tpu.memory_space<vmem>>, vector<16xf32>,
    %swap3A_371 = arith.constant 23 : i32
    %swap3A_372 = arith.index_cast %swap3A_371 : i32 to index
    %swap3A_373 = arith.constant 0 : index
    %swap3A_374 = tpu.vector_load %arg9[%swap3A_372, %swap3A_373] {strides = array<i32>} : memref<64x64xf32, #tpu.memory_space<vmem>>, vector<16xf32>,
    tpu.vector_store %arg9[%swap3A_372, %swap3A_373], %broadcast_in_dim3A_1 {strides = array<i32>} : memref<64x64xf32, #tpu.memory_space<vmem>>, vector<16xf32>,
    %swap3A_375 = arith.constant 23 : i32
    %swap3A_376 = arith.index_cast %swap3A_375 : i32 to index
    %swap3A_377 = arith.constant 16 : index
    %swap3A_378 = tpu.vector_load %arg9[%swap3A_376, %swap3A_377] {strides = array<i32>} : memref<64x64xf32, #tpu.memory_space<vmem>>, vector<16xf32>,
    tpu.vector_store %arg9[%swap3A_376, %swap3A_377], %broadcast_in_dim3A_1 {strides = array<i32>} : memref<64x64xf32, #tpu.memory_space<vmem>>, vector<16xf32>,
    %swap3A_379 = arith.constant 23 : i32
    %swap3A_380 = arith.index_cast %swap3A_379 : i32 to index
    %swap3A_381 = arith.constant 32 : index
    %swap3A_382 = tpu.vector_load %arg9[%swap3A_380, %swap3A_381] {strides = array<i32>} : memref<64x64xf32, #tpu.memory_space<vmem>>, vector<16xf32>,
    tpu.vector_store %arg9[%swap3A_380, %swap3A_381], %broadcast_in_dim3A_1 {strides = array<i32>} : memref<64x64xf32, #tpu.memory_space<vmem>>, vector<16xf32>,
    %swap3A_383 = arith.constant 23 : i32
    %swap3A_384 = arith.index_cast %swap3A_383 : i32 to index
    %swap3A_385 = arith.constant 48 : index
    %swap3A_386 = tpu.vector_load %arg9[%swap3A_384, %swap3A_385] {strides = array<i32>} : memref<64x64xf32, #tpu.memory_space<vmem>>, vector<16xf32>,
    tpu.vector_store %arg9[%swap3A_384, %swap3A_385], %broadcast_in_dim3A_1 {strides = array<i32>} : memref<64x64xf32, #tpu.memory_space<vmem>>, vector<16xf32>,
    %swap3A_387 = arith.constant 24 : i32
    %swap3A_388 = arith.index_cast %swap3A_387 : i32 to index
    %swap3A_389 = arith.constant 0 : index
    %swap3A_390 = tpu.vector_load %arg9[%swap3A_388, %swap3A_389] {strides = array<i32>} : memref<64x64xf32, #tpu.memory_space<vmem>>, vector<16xf32>,
    tpu.vector_store %arg9[%swap3A_388, %swap3A_389], %broadcast_in_dim3A_1 {strides = array<i32>} : memref<64x64xf32, #tpu.memory_space<vmem>>, vector<16xf32>,
    %swap3A_391 = arith.constant 24 : i32
    %swap3A_392 = arith.index_cast %swap3A_391 : i32 to index
    %swap3A_393 = arith.constant 16 : index
    %swap3A_394 = tpu.vector_load %arg9[%swap3A_392, %swap3A_393] {strides = array<i32>} : memref<64x64xf32, #tpu.memory_space<vmem>>, vector<16xf32>,
    tpu.vector_store %arg9[%swap3A_392, %swap3A_393], %broadcast_in_dim3A_1 {strides = array<i32>} : memref<64x64xf32, #tpu.memory_space<vmem>>, vector<16xf32>,
    %swap3A_395 = arith.constant 24 : i32
    %swap3A_396 = arith.index_cast %swap3A_395 : i32 to index
    %swap3A_397 = arith.constant 32 : index
    %swap3A_398 = tpu.vector_load %arg9[%swap3A_396, %swap3A_397] {strides = array<i32>} : memref<64x64xf32, #tpu.memory_space<vmem>>, vector<16xf32>,
    tpu.vector_store %arg9[%swap3A_396, %swap3A_397], %broadcast_in_dim3A_1 {strides = array<i32>} : memref<64x64xf32, #tpu.memory_space<vmem>>, vector<16xf32>,
    %swap3A_399 = arith.constant 24 : i32
    %swap3A_400 = arith.index_cast %swap3A_399 : i32 to index
    %swap3A_401 = arith.constant 48 : index
    %swap3A_402 = tpu.vector_load %arg9[%swap3A_400, %swap3A_401] {strides = array<i32>} : memref<64x64xf32, #tpu.memory_space<vmem>>, vector<16xf32>,
    tpu.vector_store %arg9[%swap3A_400, %swap3A_401], %broadcast_in_dim3A_1 {strides = array<i32>} : memref<64x64xf32, #tpu.memory_space<vmem>>, vector<16xf32>,
    %swap3A_403 = arith.constant 25 : i32
    %swap3A_404 = arith.index_cast %swap3A_403 : i32 to index
    %swap3A_405 = arith.constant 0 : index
    %swap3A_406 = tpu.vector_load %arg9[%swap3A_404, %swap3A_405] {strides = array<i32>} : memref<64x64xf32, #tpu.memory_space<vmem>>, vector<16xf32>,
    tpu.vector_store %arg9[%swap3A_404, %swap3A_405], %broadcast_in_dim3A_1 {strides = array<i32>} : memref<64x64xf32, #tpu.memory_space<vmem>>, vector<16xf32>,
    %swap3A_407 = arith.constant 25 : i32
    %swap3A_408 = arith.index_cast %swap3A_407 : i32 to index
    %swap3A_409 = arith.constant 16 : index
    %swap3A_410 = tpu.vector_load %arg9[%swap3A_408, %swap3A_409] {strides = array<i32>} : memref<64x64xf32, #tpu.memory_space<vmem>>, vector<16xf32>,
    tpu.vector_store %arg9[%swap3A_408, %swap3A_409], %broadcast_in_dim3A_1 {strides = array<i32>} : memref<64x64xf32, #tpu.memory_space<vmem>>, vector<16xf32>,
    %swap3A_411 = arith.constant 25 : i32
    %swap3A_412 = arith.index_cast %swap3A_411 : i32 to index
    %swap3A_413 = arith.constant 32 : index
    %swap3A_414 = tpu.vector_load %arg9[%swap3A_412, %swap3A_413] {strides = array<i32>} : memref<64x64xf32, #tpu.memory_space<vmem>>, vector<16xf32>,
    tpu.vector_store %arg9[%swap3A_412, %swap3A_413], %broadcast_in_dim3A_1 {strides = array<i32>} : memref<64x64xf32, #tpu.memory_space<vmem>>, vector<16xf32>,
    %swap3A_415 = arith.constant 25 : i32
    %swap3A_416 = arith.index_cast %swap3A_415 : i32 to index
    %swap3A_417 = arith.constant 48 : index
    %swap3A_418 = tpu.vector_load %arg9[%swap3A_416, %swap3A_417] {strides = array<i32>} : memref<64x64xf32, #tpu.memory_space<vmem>>, vector<16xf32>,
    tpu.vector_store %arg9[%swap3A_416, %swap3A_417], %broadcast_in_dim3A_1 {strides = array<i32>} : memref<64x64xf32, #tpu.memory_space<vmem>>, vector<16xf32>,
    %swap3A_419 = arith.constant 26 : i32
    %swap3A_420 = arith.index_cast %swap3A_419 : i32 to index
    %swap3A_421 = arith.constant 0 : index
    %swap3A_422 = tpu.vector_load %arg9[%swap3A_420, %swap3A_421] {strides = array<i32>} : memref<64x64xf32, #tpu.memory_space<vmem>>, vector<16xf32>,
    tpu.vector_store %arg9[%swap3A_420, %swap3A_421], %broadcast_in_dim3A_1 {strides = array<i32>} : memref<64x64xf32, #tpu.memory_space<vmem>>, vector<16xf32>,
    %swap3A_423 = arith.constant 26 : i32
    %swap3A_424 = arith.index_cast %swap3A_423 : i32 to index
    %swap3A_425 = arith.constant 16 : index
    %swap3A_426 = tpu.vector_load %arg9[%swap3A_424, %swap3A_425] {strides = array<i32>} : memref<64x64xf32, #tpu.memory_space<vmem>>, vector<16xf32>,
    tpu.vector_store %arg9[%swap3A_424, %swap3A_425], %broadcast_in_dim3A_1 {strides = array<i32>} : memref<64x64xf32, #tpu.memory_space<vmem>>, vector<16xf32>,
    %swap3A_427 = arith.constant 26 : i32
    %swap3A_428 = arith.index_cast %swap3A_427 : i32 to index
    %swap3A_429 = arith.constant 32 : index
    %swap3A_430 = tpu.vector_load %arg9[%swap3A_428, %swap3A_429] {strides = array<i32>} : memref<64x64xf32, #tpu.memory_space<vmem>>, vector<16xf32>,
    tpu.vector_store %arg9[%swap3A_428, %swap3A_429], %broadcast_in_dim3A_1 {strides = array<i32>} : memref<64x64xf32, #tpu.memory_space<vmem>>, vector<16xf32>,
    %swap3A_431 = arith.constant 26 : i32
    %swap3A_432 = arith.index_cast %swap3A_431 : i32 to index
    %swap3A_433 = arith.constant 48 : index
    %swap3A_434 = tpu.vector_load %arg9[%swap3A_432, %swap3A_433] {strides = array<i32>} : memref<64x64xf32, #tpu.memory_space<vmem>>, vector<16xf32>,
    tpu.vector_store %arg9[%swap3A_432, %swap3A_433], %broadcast_in_dim3A_1 {strides = array<i32>} : memref<64x64xf32, #tpu.memory_space<vmem>>, vector<16xf32>,
    %swap3A_435 = arith.constant 27 : i32
    %swap3A_436 = arith.index_cast %swap3A_435 : i32 to index
    %swap3A_437 = arith.constant 0 : index
    %swap3A_438 = tpu.vector_load %arg9[%swap3A_436, %swap3A_437] {strides = array<i32>} : memref<64x64xf32, #tpu.memory_space<vmem>>, vector<16xf32>,
    tpu.vector_store %arg9[%swap3A_436, %swap3A_437], %broadcast_in_dim3A_1 {strides = array<i32>} : memref<64x64xf32, #tpu.memory_space<vmem>>, vector<16xf32>,
    %swap3A_439 = arith.constant 27 : i32
    %swap3A_440 = arith.index_cast %swap3A_439 : i32 to index
    %swap3A_441 = arith.constant 16 : index
    %swap3A_442 = tpu.vector_load %arg9[%swap3A_440, %swap3A_441] {strides = array<i32>} : memref<64x64xf32, #tpu.memory_space<vmem>>, vector<16xf32>,
    tpu.vector_store %arg9[%swap3A_440, %swap3A_441], %broadcast_in_dim3A_1 {strides = array<i32>} : memref<64x64xf32, #tpu.memory_space<vmem>>, vector<16xf32>,
    %swap3A_443 = arith.constant 27 : i32
    %swap3A_444 = arith.index_cast %swap3A_443 : i32 to index
    %swap3A_445 = arith.constant 32 : index
    %swap3A_446 = tpu.vector_load %arg9[%swap3A_444, %swap3A_445] {strides = array<i32>} : memref<64x64xf32, #tpu.memory_space<vmem>>, vector<16xf32>,
    tpu.vector_store %arg9[%swap3A_444, %swap3A_445], %broadcast_in_dim3A_1 {strides = array<i32>} : memref<64x64xf32, #tpu.memory_space<vmem>>, vector<16xf32>,
    %swap3A_447 = arith.constant 27 : i32
    %swap3A_448 = arith.index_cast %swap3A_447 : i32 to index
    %swap3A_449 = arith.constant 48 : index
    %swap3A_450 = tpu.vector_load %arg9[%swap3A_448, %swap3A_449] {strides = array<i32>} : memref<64x64xf32, #tpu.memory_space<vmem>>, vector<16xf32>,
    tpu.vector_store %arg9[%swap3A_448, %swap3A_449], %broadcast_in_dim3A_1 {strides = array<i32>} : memref<64x64xf32, #tpu.memory_space<vmem>>, vector<16xf32>,
    %swap3A_451 = arith.constant 28 : i32
    %swap3A_452 = arith.index_cast %swap3A_451 : i32 to index
    %swap3A_453 = arith.constant 0 : index
    %swap3A_454 = tpu.vector_load %arg9[%swap3A_452, %swap3A_453] {strides = array<i32>} : memref<64x64xf32, #tpu.memory_space<vmem>>, vector<16xf32>,
    tpu.vector_store %arg9[%swap3A_452, %swap3A_453], %broadcast_in_dim3A_1 {strides = array<i32>} : memref<64x64xf32, #tpu.memory_space<vmem>>, vector<16xf32>,
    %swap3A_455 = arith.constant 28 : i32
    %swap3A_456 = arith.index_cast %swap3A_455 : i32 to index
    %swap3A_457 = arith.constant 16 : index
    %swap3A_458 = tpu.vector_load %arg9[%swap3A_456, %swap3A_457] {strides = array<i32>} : memref<64x64xf32, #tpu.memory_space<vmem>>, vector<16xf32>,
    tpu.vector_store %arg9[%swap3A_456, %swap3A_457], %broadcast_in_dim3A_1 {strides = array<i32>} : memref<64x64xf32, #tpu.memory_space<vmem>>, vector<16xf32>,
    %swap3A_459 = arith.constant 28 : i32
    %swap3A_460 = arith.index_cast %swap3A_459 : i32 to index
    %swap3A_461 = arith.constant 32 : index
    %swap3A_462 = tpu.vector_load %arg9[%swap3A_460, %swap3A_461] {strides = array<i32>} : memref<64x64xf32, #tpu.memory_space<vmem>>, vector<16xf32>,
    tpu.vector_store %arg9[%swap3A_460, %swap3A_461], %broadcast_in_dim3A_1 {strides = array<i32>} : memref<64x64xf32, #tpu.memory_space<vmem>>, vector<16xf32>,
    %swap3A_463 = arith.constant 28 : i32
    %swap3A_464 = arith.index_cast %swap3A_463 : i32 to index
    %swap3A_465 = arith.constant 48 : index
    %swap3A_466 = tpu.vector_load %arg9[%swap3A_464, %swap3A_465] {strides = array<i32>} : memref<64x64xf32, #tpu.memory_space<vmem>>, vector<16xf32>,
    tpu.vector_store %arg9[%swap3A_464, %swap3A_465], %broadcast_in_dim3A_1 {strides = array<i32>} : memref<64x64xf32, #tpu.memory_space<vmem>>, vector<16xf32>,
    %swap3A_467 = arith.constant 29 : i32
    %swap3A_468 = arith.index_cast %swap3A_467 : i32 to index
    %swap3A_469 = arith.constant 0 : index
    %swap3A_470 = tpu.vector_load %arg9[%swap3A_468, %swap3A_469] {strides = array<i32>} : memref<64x64xf32, #tpu.memory_space<vmem>>, vector<16xf32>,
    tpu.vector_store %arg9[%swap3A_468, %swap3A_469], %broadcast_in_dim3A_1 {strides = array<i32>} : memref<64x64xf32, #tpu.memory_space<vmem>>, vector<16xf32>,
    %swap3A_471 = arith.constant 29 : i32
    %swap3A_472 = arith.index_cast %swap3A_471 : i32 to index
    %swap3A_473 = arith.constant 16 : index
    %swap3A_474 = tpu.vector_load %arg9[%swap3A_472, %swap3A_473] {strides = array<i32>} : memref<64x64xf32, #tpu.memory_space<vmem>>, vector<16xf32>,
    tpu.vector_store %arg9[%swap3A_472, %swap3A_473], %broadcast_in_dim3A_1 {strides = array<i32>} : memref<64x64xf32, #tpu.memory_space<vmem>>, vector<16xf32>,
    %swap3A_475 = arith.constant 29 : i32
    %swap3A_476 = arith.index_cast %swap3A_475 : i32 to index
    %swap3A_477 = arith.constant 32 : index
    %swap3A_478 = tpu.vector_load %arg9[%swap3A_476, %swap3A_477] {strides = array<i32>} : memref<64x64xf32, #tpu.memory_space<vmem>>, vector<16xf32>,
    tpu.vector_store %arg9[%swap3A_476, %swap3A_477], %broadcast_in_dim3A_1 {strides = array<i32>} : memref<64x64xf32, #tpu.memory_space<vmem>>, vector<16xf32>,
    %swap3A_479 = arith.constant 29 : i32
    %swap3A_480 = arith.index_cast %swap3A_479 : i32 to index
    %swap3A_481 = arith.constant 48 : index
    %swap3A_482 = tpu.vector_load %arg9[%swap3A_480, %swap3A_481] {strides = array<i32>} : memref<64x64xf32, #tpu.memory_space<vmem>>, vector<16xf32>,
    tpu.vector_store %arg9[%swap3A_480, %swap3A_481], %broadcast_in_dim3A_1 {strides = array<i32>} : memref<64x64xf32, #tpu.memory_space<vmem>>, vector<16xf32>,
    %swap3A_483 = arith.constant 30 : i32
    %swap3A_484 = arith.index_cast %swap3A_483 : i32 to index
    %swap3A_485 = arith.constant 0 : index
    %swap3A_486 = tpu.vector_load %arg9[%swap3A_484, %swap3A_485] {strides = array<i32>} : memref<64x64xf32, #tpu.memory_space<vmem>>, vector<16xf32>,
    tpu.vector_store %arg9[%swap3A_484, %swap3A_485], %broadcast_in_dim3A_1 {strides = array<i32>} : memref<64x64xf32, #tpu.memory_space<vmem>>, vector<16xf32>,
    %swap3A_487 = arith.constant 30 : i32
    %swap3A_488 = arith.index_cast %swap3A_487 : i32 to index
    %swap3A_489 = arith.constant 16 : index
    %swap3A_490 = tpu.vector_load %arg9[%swap3A_488, %swap3A_489] {strides = array<i32>} : memref<64x64xf32, #tpu.memory_space<vmem>>, vector<16xf32>,
    tpu.vector_store %arg9[%swap3A_488, %swap3A_489], %broadcast_in_dim3A_1 {strides = array<i32>} : memref<64x64xf32, #tpu.memory_space<vmem>>, vector<16xf32>,
    %swap3A_491 = arith.constant 30 : i32
    %swap3A_492 = arith.index_cast %swap3A_491 : i32 to index
    %swap3A_493 = arith.constant 32 : index
    %swap3A_494 = tpu.vector_load %arg9[%swap3A_492, %swap3A_493] {strides = array<i32>} : memref<64x64xf32, #tpu.memory_space<vmem>>, vector<16xf32>,
    tpu.vector_store %arg9[%swap3A_492, %swap3A_493], %broadcast_in_dim3A_1 {strides = array<i32>} : memref<64x64xf32, #tpu.memory_space<vmem>>, vector<16xf32>,
    %swap3A_495 = arith.constant 30 : i32
    %swap3A_496 = arith.index_cast %swap3A_495 : i32 to index
    %swap3A_497 = arith.constant 48 : index
    %swap3A_498 = tpu.vector_load %arg9[%swap3A_496, %swap3A_497] {strides = array<i32>} : memref<64x64xf32, #tpu.memory_space<vmem>>, vector<16xf32>,
    tpu.vector_store %arg9[%swap3A_496, %swap3A_497], %broadcast_in_dim3A_1 {strides = array<i32>} : memref<64x64xf32, #tpu.memory_space<vmem>>, vector<16xf32>,
    %swap3A_499 = arith.constant 31 : i32
    %swap3A_500 = arith.index_cast %swap3A_499 : i32 to index
    %swap3A_501 = arith.constant 0 : index
    %swap3A_502 = tpu.vector_load %arg9[%swap3A_500, %swap3A_501] {strides = array<i32>} : memref<64x64xf32, #tpu.memory_space<vmem>>, vector<16xf32>,
    tpu.vector_store %arg9[%swap3A_500, %swap3A_501], %broadcast_in_dim3A_1 {strides = array<i32>} : memref<64x64xf32, #tpu.memory_space<vmem>>, vector<16xf32>,
    %swap3A_503 = arith.constant 31 : i32
    %swap3A_504 = arith.index_cast %swap3A_503 : i32 to index
    %swap3A_505 = arith.constant 16 : index
    %swap3A_506 = tpu.vector_load %arg9[%swap3A_504, %swap3A_505] {strides = array<i32>} : memref<64x64xf32, #tpu.memory_space<vmem>>, vector<16xf32>,
    tpu.vector_store %arg9[%swap3A_504, %swap3A_505], %broadcast_in_dim3A_1 {strides = array<i32>} : memref<64x64xf32, #tpu.memory_space<vmem>>, vector<16xf32>,
    %swap3A_507 = arith.constant 31 : i32
    %swap3A_508 = arith.index_cast %swap3A_507 : i32 to index
    %swap3A_509 = arith.constant 32 : index
    %swap3A_510 = tpu.vector_load %arg9[%swap3A_508, %swap3A_509] {strides = array<i32>} : memref<64x64xf32, #tpu.memory_space<vmem>>, vector<16xf32>,
    tpu.vector_store %arg9[%swap3A_508, %swap3A_509], %broadcast_in_dim3A_1 {strides = array<i32>} : memref<64x64xf32, #tpu.memory_space<vmem>>, vector<16xf32>,
    %swap3A_511 = arith.constant 31 : i32
    %swap3A_512 = arith.index_cast %swap3A_511 : i32 to index
    %swap3A_513 = arith.constant 48 : index
    %swap3A_514 = tpu.vector_load %arg9[%swap3A_512, %swap3A_513] {strides = array<i32>} : memref<64x64xf32, #tpu.memory_space<vmem>>, vector<16xf32>,
    tpu.vector_store %arg9[%swap3A_512, %swap3A_513], %broadcast_in_dim3A_1 {strides = array<i32>} : memref<64x64xf32, #tpu.memory_space<vmem>>, vector<16xf32>,
    %swap3A_515 = arith.constant 32 : i32
    %swap3A_516 = arith.index_cast %swap3A_515 : i32 to index
    %swap3A_517 = arith.constant 0 : index
    %swap3A_518 = tpu.vector_load %arg9[%swap3A_516, %swap3A_517] {strides = array<i32>} : memref<64x64xf32, #tpu.memory_space<vmem>>, vector<16xf32>,
    tpu.vector_store %arg9[%swap3A_516, %swap3A_517], %broadcast_in_dim3A_1 {strides = array<i32>} : memref<64x64xf32, #tpu.memory_space<vmem>>, vector<16xf32>,
    %swap3A_519 = arith.constant 32 : i32
    %swap3A_520 = arith.index_cast %swap3A_519 : i32 to index
    %swap3A_521 = arith.constant 16 : index
    %swap3A_522 = tpu.vector_load %arg9[%swap3A_520, %swap3A_521] {strides = array<i32>} : memref<64x64xf32, #tpu.memory_space<vmem>>, vector<16xf32>,
    tpu.vector_store %arg9[%swap3A_520, %swap3A_521], %broadcast_in_dim3A_1 {strides = array<i32>} : memref<64x64xf32, #tpu.memory_space<vmem>>, vector<16xf32>,
    %swap3A_523 = arith.constant 32 : i32
    %swap3A_524 = arith.index_cast %swap3A_523 : i32 to index
    %swap3A_525 = arith.constant 32 : index
    %swap3A_526 = tpu.vector_load %arg9[%swap3A_524, %swap3A_525] {strides = array<i32>} : memref<64x64xf32, #tpu.memory_space<vmem>>, vector<16xf32>,
    tpu.vector_store %arg9[%swap3A_524, %swap3A_525], %broadcast_in_dim3A_1 {strides = array<i32>} : memref<64x64xf32, #tpu.memory_space<vmem>>, vector<16xf32>,
    %swap3A_527 = arith.constant 32 : i32
    %swap3A_528 = arith.index_cast %swap3A_527 : i32 to index
    %swap3A_529 = arith.constant 48 : index
    %swap3A_530 = tpu.vector_load %arg9[%swap3A_528, %swap3A_529] {strides = array<i32>} : memref<64x64xf32, #tpu.memory_space<vmem>>, vector<16xf32>,
    tpu.vector_store %arg9[%swap3A_528, %swap3A_529], %broadcast_in_dim3A_1 {strides = array<i32>} : memref<64x64xf32, #tpu.memory_space<vmem>>, vector<16xf32>,
    %swap3A_531 = arith.constant 33 : i32
    %swap3A_532 = arith.index_cast %swap3A_531 : i32 to index
    %swap3A_533 = arith.constant 0 : index
    %swap3A_534 = tpu.vector_load %arg9[%swap3A_532, %swap3A_533] {strides = array<i32>} : memref<64x64xf32, #tpu.memory_space<vmem>>, vector<16xf32>,
    tpu.vector_store %arg9[%swap3A_532, %swap3A_533], %broadcast_in_dim3A_1 {strides = array<i32>} : memref<64x64xf32, #tpu.memory_space<vmem>>, vector<16xf32>,
    %swap3A_535 = arith.constant 33 : i32
    %swap3A_536 = arith.index_cast %swap3A_535 : i32 to index
    %swap3A_537 = arith.constant 16 : index
    %swap3A_538 = tpu.vector_load %arg9[%swap3A_536, %swap3A_537] {strides = array<i32>} : memref<64x64xf32, #tpu.memory_space<vmem>>, vector<16xf32>,
    tpu.vector_store %arg9[%swap3A_536, %swap3A_537], %broadcast_in_dim3A_1 {strides = array<i32>} : memref<64x64xf32, #tpu.memory_space<vmem>>, vector<16xf32>,
    %swap3A_539 = arith.constant 33 : i32
    %swap3A_540 = arith.index_cast %swap3A_539 : i32 to index
    %swap3A_541 = arith.constant 32 : index
    %swap3A_542 = tpu.vector_load %arg9[%swap3A_540, %swap3A_541] {strides = array<i32>} : memref<64x64xf32, #tpu.memory_space<vmem>>, vector<16xf32>,
    tpu.vector_store %arg9[%swap3A_540, %swap3A_541], %broadcast_in_dim3A_1 {strides = array<i32>} : memref<64x64xf32, #tpu.memory_space<vmem>>, vector<16xf32>,
    %swap3A_543 = arith.constant 33 : i32
    %swap3A_544 = arith.index_cast %swap3A_543 : i32 to index
    %swap3A_545 = arith.constant 48 : index
    %swap3A_546 = tpu.vector_load %arg9[%swap3A_544, %swap3A_545] {strides = array<i32>} : memref<64x64xf32, #tpu.memory_space<vmem>>, vector<16xf32>,
    tpu.vector_store %arg9[%swap3A_544, %swap3A_545], %broadcast_in_dim3A_1 {strides = array<i32>} : memref<64x64xf32, #tpu.memory_space<vmem>>, vector<16xf32>,
    %swap3A_547 = arith.constant 34 : i32
    %swap3A_548 = arith.index_cast %swap3A_547 : i32 to index
    %swap3A_549 = arith.constant 0 : index
    %swap3A_550 = tpu.vector_load %arg9[%swap3A_548, %swap3A_549] {strides = array<i32>} : memref<64x64xf32, #tpu.memory_space<vmem>>, vector<16xf32>,
    tpu.vector_store %arg9[%swap3A_548, %swap3A_549], %broadcast_in_dim3A_1 {strides = array<i32>} : memref<64x64xf32, #tpu.memory_space<vmem>>, vector<16xf32>,
    %swap3A_551 = arith.constant 34 : i32
    %swap3A_552 = arith.index_cast %swap3A_551 : i32 to index
    %swap3A_553 = arith.constant 16 : index
    %swap3A_554 = tpu.vector_load %arg9[%swap3A_552, %swap3A_553] {strides = array<i32>} : memref<64x64xf32, #tpu.memory_space<vmem>>, vector<16xf32>,
    tpu.vector_store %arg9[%swap3A_552, %swap3A_553], %broadcast_in_dim3A_1 {strides = array<i32>} : memref<64x64xf32, #tpu.memory_space<vmem>>, vector<16xf32>,
    %swap3A_555 = arith.constant 34 : i32
    %swap3A_556 = arith.index_cast %swap3A_555 : i32 to index
    %swap3A_557 = arith.constant 32 : index
    %swap3A_558 = tpu.vector_load %arg9[%swap3A_556, %swap3A_557] {strides = array<i32>} : memref<64x64xf32, #tpu.memory_space<vmem>>, vector<16xf32>,
    tpu.vector_store %arg9[%swap3A_556, %swap3A_557], %broadcast_in_dim3A_1 {strides = array<i32>} : memref<64x64xf32, #tpu.memory_space<vmem>>, vector<16xf32>,
    %swap3A_559 = arith.constant 34 : i32
    %swap3A_560 = arith.index_cast %swap3A_559 : i32 to index
    %swap3A_561 = arith.constant 48 : index
    %swap3A_562 = tpu.vector_load %arg9[%swap3A_560, %swap3A_561] {strides = array<i32>} : memref<64x64xf32, #tpu.memory_space<vmem>>, vector<16xf32>,
    tpu.vector_store %arg9[%swap3A_560, %swap3A_561], %broadcast_in_dim3A_1 {strides = array<i32>} : memref<64x64xf32, #tpu.memory_space<vmem>>, vector<16xf32>,
    %swap3A_563 = arith.constant 35 : i32
    %swap3A_564 = arith.index_cast %swap3A_563 : i32 to index
    %swap3A_565 = arith.constant 0 : index
    %swap3A_566 = tpu.vector_load %arg9[%swap3A_564, %swap3A_565] {strides = array<i32>} : memref<64x64xf32, #tpu.memory_space<vmem>>, vector<16xf32>,
    tpu.vector_store %arg9[%swap3A_564, %swap3A_565], %broadcast_in_dim3A_1 {strides = array<i32>} : memref<64x64xf32, #tpu.memory_space<vmem>>, vector<16xf32>,
    %swap3A_567 = arith.constant 35 : i32
    %swap3A_568 = arith.index_cast %swap3A_567 : i32 to index
    %swap3A_569 = arith.constant 16 : index
    %swap3A_570 = tpu.vector_load %arg9[%swap3A_568, %swap3A_569] {strides = array<i32>} : memref<64x64xf32, #tpu.memory_space<vmem>>, vector<16xf32>,
    tpu.vector_store %arg9[%swap3A_568, %swap3A_569], %broadcast_in_dim3A_1 {strides = array<i32>} : memref<64x64xf32, #tpu.memory_space<vmem>>, vector<16xf32>,
    %swap3A_571 = arith.constant 35 : i32
    %swap3A_572 = arith.index_cast %swap3A_571 : i32 to index
    %swap3A_573 = arith.constant 32 : index
    %swap3A_574 = tpu.vector_load %arg9[%swap3A_572, %swap3A_573] {strides = array<i32>} : memref<64x64xf32, #tpu.memory_space<vmem>>, vector<16xf32>,
    tpu.vector_store %arg9[%swap3A_572, %swap3A_573], %broadcast_in_dim3A_1 {strides = array<i32>} : memref<64x64xf32, #tpu.memory_space<vmem>>, vector<16xf32>,
    %swap3A_575 = arith.constant 35 : i32
    %swap3A_576 = arith.index_cast %swap3A_575 : i32 to index
    %swap3A_577 = arith.constant 48 : index
    %swap3A_578 = tpu.vector_load %arg9[%swap3A_576, %swap3A_577] {strides = array<i32>} : memref<64x64xf32, #tpu.memory_space<vmem>>, vector<16xf32>,
    tpu.vector_store %arg9[%swap3A_576, %swap3A_577], %broadcast_in_dim3A_1 {strides = array<i32>} : memref<64x64xf32, #tpu.memory_space<vmem>>, vector<16xf32>,
    %swap3A_579 = arith.constant 36 : i32
    %swap3A_580 = arith.index_cast %swap3A_579 : i32 to index
    %swap3A_581 = arith.constant 0 : index
    %swap3A_582 = tpu.vector_load %arg9[%swap3A_580, %swap3A_581] {strides = array<i32>} : memref<64x64xf32, #tpu.memory_space<vmem>>, vector<16xf32>,
    tpu.vector_store %arg9[%swap3A_580, %swap3A_581], %broadcast_in_dim3A_1 {strides = array<i32>} : memref<64x64xf32, #tpu.memory_space<vmem>>, vector<16xf32>,
    %swap3A_583 = arith.constant 36 : i32
    %swap3A_584 = arith.index_cast %swap3A_583 : i32 to index
    %swap3A_585 = arith.constant 16 : index
    %swap3A_586 = tpu.vector_load %arg9[%swap3A_584, %swap3A_585] {strides = array<i32>} : memref<64x64xf32, #tpu.memory_space<vmem>>, vector<16xf32>,
    tpu.vector_store %arg9[%swap3A_584, %swap3A_585], %broadcast_in_dim3A_1 {strides = array<i32>} : memref<64x64xf32, #tpu.memory_space<vmem>>, vector<16xf32>,
    %swap3A_587 = arith.constant 36 : i32
    %swap3A_588 = arith.index_cast %swap3A_587 : i32 to index
    %swap3A_589 = arith.constant 32 : index
    %swap3A_590 = tpu.vector_load %arg9[%swap3A_588, %swap3A_589] {strides = array<i32>} : memref<64x64xf32, #tpu.memory_space<vmem>>, vector<16xf32>,
    tpu.vector_store %arg9[%swap3A_588, %swap3A_589], %broadcast_in_dim3A_1 {strides = array<i32>} : memref<64x64xf32, #tpu.memory_space<vmem>>, vector<16xf32>,
    %swap3A_591 = arith.constant 36 : i32
    %swap3A_592 = arith.index_cast %swap3A_591 : i32 to index
    %swap3A_593 = arith.constant 48 : index
    %swap3A_594 = tpu.vector_load %arg9[%swap3A_592, %swap3A_593] {strides = array<i32>} : memref<64x64xf32, #tpu.memory_space<vmem>>, vector<16xf32>,
    tpu.vector_store %arg9[%swap3A_592, %swap3A_593], %broadcast_in_dim3A_1 {strides = array<i32>} : memref<64x64xf32, #tpu.memory_space<vmem>>, vector<16xf32>,
    %swap3A_595 = arith.constant 37 : i32
    %swap3A_596 = arith.index_cast %swap3A_595 : i32 to index
    %swap3A_597 = arith.constant 0 : index
    %swap3A_598 = tpu.vector_load %arg9[%swap3A_596, %swap3A_597] {strides = array<i32>} : memref<64x64xf32, #tpu.memory_space<vmem>>, vector<16xf32>,
    tpu.vector_store %arg9[%swap3A_596, %swap3A_597], %broadcast_in_dim3A_1 {strides = array<i32>} : memref<64x64xf32, #tpu.memory_space<vmem>>, vector<16xf32>,
    %swap3A_599 = arith.constant 37 : i32
    %swap3A_600 = arith.index_cast %swap3A_599 : i32 to index
    %swap3A_601 = arith.constant 16 : index
    %swap3A_602 = tpu.vector_load %arg9[%swap3A_600, %swap3A_601] {strides = array<i32>} : memref<64x64xf32, #tpu.memory_space<vmem>>, vector<16xf32>,
    tpu.vector_store %arg9[%swap3A_600, %swap3A_601], %broadcast_in_dim3A_1 {strides = array<i32>} : memref<64x64xf32, #tpu.memory_space<vmem>>, vector<16xf32>,
    %swap3A_603 = arith.constant 37 : i32
    %swap3A_604 = arith.index_cast %swap3A_603 : i32 to index
    %swap3A_605 = arith.constant 32 : index
    %swap3A_606 = tpu.vector_load %arg9[%swap3A_604, %swap3A_605] {strides = array<i32>} : memref<64x64xf32, #tpu.memory_space<vmem>>, vector<16xf32>,
    tpu.vector_store %arg9[%swap3A_604, %swap3A_605], %broadcast_in_dim3A_1 {strides = array<i32>} : memref<64x64xf32, #tpu.memory_space<vmem>>, vector<16xf32>,
    %swap3A_607 = arith.constant 37 : i32
    %swap3A_608 = arith.index_cast %swap3A_607 : i32 to index
    %swap3A_609 = arith.constant 48 : index
    %swap3A_610 = tpu.vector_load %arg9[%swap3A_608, %swap3A_609] {strides = array<i32>} : memref<64x64xf32, #tpu.memory_space<vmem>>, vector<16xf32>,
    tpu.vector_store %arg9[%swap3A_608, %swap3A_609], %broadcast_in_dim3A_1 {strides = array<i32>} : memref<64x64xf32, #tpu.memory_space<vmem>>, vector<16xf32>,
    %swap3A_611 = arith.constant 38 : i32
    %swap3A_612 = arith.index_cast %swap3A_611 : i32 to index
    %swap3A_613 = arith.constant 0 : index
    %swap3A_614 = tpu.vector_load %arg9[%swap3A_612, %swap3A_613] {strides = array<i32>} : memref<64x64xf32, #tpu.memory_space<vmem>>, vector<16xf32>,
    tpu.vector_store %arg9[%swap3A_612, %swap3A_613], %broadcast_in_dim3A_1 {strides = array<i32>} : memref<64x64xf32, #tpu.memory_space<vmem>>, vector<16xf32>,
    %swap3A_615 = arith.constant 38 : i32
    %swap3A_616 = arith.index_cast %swap3A_615 : i32 to index
    %swap3A_617 = arith.constant 16 : index
    %swap3A_618 = tpu.vector_load %arg9[%swap3A_616, %swap3A_617] {strides = array<i32>} : memref<64x64xf32, #tpu.memory_space<vmem>>, vector<16xf32>,
    tpu.vector_store %arg9[%swap3A_616, %swap3A_617], %broadcast_in_dim3A_1 {strides = array<i32>} : memref<64x64xf32, #tpu.memory_space<vmem>>, vector<16xf32>,
    %swap3A_619 = arith.constant 38 : i32
    %swap3A_620 = arith.index_cast %swap3A_619 : i32 to index
    %swap3A_621 = arith.constant 32 : index
    %swap3A_622 = tpu.vector_load %arg9[%swap3A_620, %swap3A_621] {strides = array<i32>} : memref<64x64xf32, #tpu.memory_space<vmem>>, vector<16xf32>,
    tpu.vector_store %arg9[%swap3A_620, %swap3A_621], %broadcast_in_dim3A_1 {strides = array<i32>} : memref<64x64xf32, #tpu.memory_space<vmem>>, vector<16xf32>,
    %swap3A_623 = arith.constant 38 : i32
    %swap3A_624 = arith.index_cast %swap3A_623 : i32 to index
    %swap3A_625 = arith.constant 48 : index
    %swap3A_626 = tpu.vector_load %arg9[%swap3A_624, %swap3A_625] {strides = array<i32>} : memref<64x64xf32, #tpu.memory_space<vmem>>, vector<16xf32>,
    tpu.vector_store %arg9[%swap3A_624, %swap3A_625], %broadcast_in_dim3A_1 {strides = array<i32>} : memref<64x64xf32, #tpu.memory_space<vmem>>, vector<16xf32>,
    %swap3A_627 = arith.constant 39 : i32
    %swap3A_628 = arith.index_cast %swap3A_627 : i32 to index
    %swap3A_629 = arith.constant 0 : index
    %swap3A_630 = tpu.vector_load %arg9[%swap3A_628, %swap3A_629] {strides = array<i32>} : memref<64x64xf32, #tpu.memory_space<vmem>>, vector<16xf32>,
    tpu.vector_store %arg9[%swap3A_628, %swap3A_629], %broadcast_in_dim3A_1 {strides = array<i32>} : memref<64x64xf32, #tpu.memory_space<vmem>>, vector<16xf32>,
    %swap3A_631 = arith.constant 39 : i32
    %swap3A_632 = arith.index_cast %swap3A_631 : i32 to index
    %swap3A_633 = arith.constant 16 : index
    %swap3A_634 = tpu.vector_load %arg9[%swap3A_632, %swap3A_633] {strides = array<i32>} : memref<64x64xf32, #tpu.memory_space<vmem>>, vector<16xf32>,
    tpu.vector_store %arg9[%swap3A_632, %swap3A_633], %broadcast_in_dim3A_1 {strides = array<i32>} : memref<64x64xf32, #tpu.memory_space<vmem>>, vector<16xf32>,
    %swap3A_635 = arith.constant 39 : i32
    %swap3A_636 = arith.index_cast %swap3A_635 : i32 to index
    %swap3A_637 = arith.constant 32 : index
    %swap3A_638 = tpu.vector_load %arg9[%swap3A_636, %swap3A_637] {strides = array<i32>} : memref<64x64xf32, #tpu.memory_space<vmem>>, vector<16xf32>,
    tpu.vector_store %arg9[%swap3A_636, %swap3A_637], %broadcast_in_dim3A_1 {strides = array<i32>} : memref<64x64xf32, #tpu.memory_space<vmem>>, vector<16xf32>,
    %swap3A_639 = arith.constant 39 : i32
    %swap3A_640 = arith.index_cast %swap3A_639 : i32 to index
    %swap3A_641 = arith.constant 48 : index
    %swap3A_642 = tpu.vector_load %arg9[%swap3A_640, %swap3A_641] {strides = array<i32>} : memref<64x64xf32, #tpu.memory_space<vmem>>, vector<16xf32>,
    tpu.vector_store %arg9[%swap3A_640, %swap3A_641], %broadcast_in_dim3A_1 {strides = array<i32>} : memref<64x64xf32, #tpu.memory_space<vmem>>, vector<16xf32>,
    %swap3A_643 = arith.constant 40 : i32
    %swap3A_644 = arith.index_cast %swap3A_643 : i32 to index
    %swap3A_645 = arith.constant 0 : index
    %swap3A_646 = tpu.vector_load %arg9[%swap3A_644, %swap3A_645] {strides = array<i32>} : memref<64x64xf32, #tpu.memory_space<vmem>>, vector<16xf32>,
    tpu.vector_store %arg9[%swap3A_644, %swap3A_645], %broadcast_in_dim3A_1 {strides = array<i32>} : memref<64x64xf32, #tpu.memory_space<vmem>>, vector<16xf32>,
    %swap3A_647 = arith.constant 40 : i32
    %swap3A_648 = arith.index_cast %swap3A_647 : i32 to index
    %swap3A_649 = arith.constant 16 : index
    %swap3A_650 = tpu.vector_load %arg9[%swap3A_648, %swap3A_649] {strides = array<i32>} : memref<64x64xf32, #tpu.memory_space<vmem>>, vector<16xf32>,
    tpu.vector_store %arg9[%swap3A_648, %swap3A_649], %broadcast_in_dim3A_1 {strides = array<i32>} : memref<64x64xf32, #tpu.memory_space<vmem>>, vector<16xf32>,
    %swap3A_651 = arith.constant 40 : i32
    %swap3A_652 = arith.index_cast %swap3A_651 : i32 to index
    %swap3A_653 = arith.constant 32 : index
    %swap3A_654 = tpu.vector_load %arg9[%swap3A_652, %swap3A_653] {strides = array<i32>} : memref<64x64xf32, #tpu.memory_space<vmem>>, vector<16xf32>,
    tpu.vector_store %arg9[%swap3A_652, %swap3A_653], %broadcast_in_dim3A_1 {strides = array<i32>} : memref<64x64xf32, #tpu.memory_space<vmem>>, vector<16xf32>,
    %swap3A_655 = arith.constant 40 : i32
    %swap3A_656 = arith.index_cast %swap3A_655 : i32 to index
    %swap3A_657 = arith.constant 48 : index
    %swap3A_658 = tpu.vector_load %arg9[%swap3A_656, %swap3A_657] {strides = array<i32>} : memref<64x64xf32, #tpu.memory_space<vmem>>, vector<16xf32>,
    tpu.vector_store %arg9[%swap3A_656, %swap3A_657], %broadcast_in_dim3A_1 {strides = array<i32>} : memref<64x64xf32, #tpu.memory_space<vmem>>, vector<16xf32>,
    %swap3A_659 = arith.constant 41 : i32
    %swap3A_660 = arith.index_cast %swap3A_659 : i32 to index
    %swap3A_661 = arith.constant 0 : index
    %swap3A_662 = tpu.vector_load %arg9[%swap3A_660, %swap3A_661] {strides = array<i32>} : memref<64x64xf32, #tpu.memory_space<vmem>>, vector<16xf32>,
    tpu.vector_store %arg9[%swap3A_660, %swap3A_661], %broadcast_in_dim3A_1 {strides = array<i32>} : memref<64x64xf32, #tpu.memory_space<vmem>>, vector<16xf32>,
    %swap3A_663 = arith.constant 41 : i32
    %swap3A_664 = arith.index_cast %swap3A_663 : i32 to index
    %swap3A_665 = arith.constant 16 : index
    %swap3A_666 = tpu.vector_load %arg9[%swap3A_664, %swap3A_665] {strides = array<i32>} : memref<64x64xf32, #tpu.memory_space<vmem>>, vector<16xf32>,
    tpu.vector_store %arg9[%swap3A_664, %swap3A_665], %broadcast_in_dim3A_1 {strides = array<i32>} : memref<64x64xf32, #tpu.memory_space<vmem>>, vector<16xf32>,
    %swap3A_667 = arith.constant 41 : i32
    %swap3A_668 = arith.index_cast %swap3A_667 : i32 to index
    %swap3A_669 = arith.constant 32 : index
    %swap3A_670 = tpu.vector_load %arg9[%swap3A_668, %swap3A_669] {strides = array<i32>} : memref<64x64xf32, #tpu.memory_space<vmem>>, vector<16xf32>,
    tpu.vector_store %arg9[%swap3A_668, %swap3A_669], %broadcast_in_dim3A_1 {strides = array<i32>} : memref<64x64xf32, #tpu.memory_space<vmem>>, vector<16xf32>,
    %swap3A_671 = arith.constant 41 : i32
    %swap3A_672 = arith.index_cast %swap3A_671 : i32 to index
    %swap3A_673 = arith.constant 48 : index
    %swap3A_674 = tpu.vector_load %arg9[%swap3A_672, %swap3A_673] {strides = array<i32>} : memref<64x64xf32, #tpu.memory_space<vmem>>, vector<16xf32>,
    tpu.vector_store %arg9[%swap3A_672, %swap3A_673], %broadcast_in_dim3A_1 {strides = array<i32>} : memref<64x64xf32, #tpu.memory_space<vmem>>, vector<16xf32>,
    %swap3A_675 = arith.constant 42 : i32
    %swap3A_676 = arith.index_cast %swap3A_675 : i32 to index
    %swap3A_677 = arith.constant 0 : index
    %swap3A_678 = tpu.vector_load %arg9[%swap3A_676, %swap3A_677] {strides = array<i32>} : memref<64x64xf32, #tpu.memory_space<vmem>>, vector<16xf32>,
    tpu.vector_store %arg9[%swap3A_676, %swap3A_677], %broadcast_in_dim3A_1 {strides = array<i32>} : memref<64x64xf32, #tpu.memory_space<vmem>>, vector<16xf32>,
    %swap3A_679 = arith.constant 42 : i32
    %swap3A_680 = arith.index_cast %swap3A_679 : i32 to index
    %swap3A_681 = arith.constant 16 : index
    %swap3A_682 = tpu.vector_load %arg9[%swap3A_680, %swap3A_681] {strides = array<i32>} : memref<64x64xf32, #tpu.memory_space<vmem>>, vector<16xf32>,
    tpu.vector_store %arg9[%swap3A_680, %swap3A_681], %broadcast_in_dim3A_1 {strides = array<i32>} : memref<64x64xf32, #tpu.memory_space<vmem>>, vector<16xf32>,
    %swap3A_683 = arith.constant 42 : i32
    %swap3A_684 = arith.index_cast %swap3A_683 : i32 to index
    %swap3A_685 = arith.constant 32 : index
    %swap3A_686 = tpu.vector_load %arg9[%swap3A_684, %swap3A_685] {strides = array<i32>} : memref<64x64xf32, #tpu.memory_space<vmem>>, vector<16xf32>,
    tpu.vector_store %arg9[%swap3A_684, %swap3A_685], %broadcast_in_dim3A_1 {strides = array<i32>} : memref<64x64xf32, #tpu.memory_space<vmem>>, vector<16xf32>,
    %swap3A_687 = arith.constant 42 : i32
    %swap3A_688 = arith.index_cast %swap3A_687 : i32 to index
    %swap3A_689 = arith.constant 48 : index
    %swap3A_690 = tpu.vector_load %arg9[%swap3A_688, %swap3A_689] {strides = array<i32>} : memref<64x64xf32, #tpu.memory_space<vmem>>, vector<16xf32>,
    tpu.vector_store %arg9[%swap3A_688, %swap3A_689], %broadcast_in_dim3A_1 {strides = array<i32>} : memref<64x64xf32, #tpu.memory_space<vmem>>, vector<16xf32>,
    %swap3A_691 = arith.constant 43 : i32
    %swap3A_692 = arith.index_cast %swap3A_691 : i32 to index
    %swap3A_693 = arith.constant 0 : index
    %swap3A_694 = tpu.vector_load %arg9[%swap3A_692, %swap3A_693] {strides = array<i32>} : memref<64x64xf32, #tpu.memory_space<vmem>>, vector<16xf32>,
    tpu.vector_store %arg9[%swap3A_692, %swap3A_693], %broadcast_in_dim3A_1 {strides = array<i32>} : memref<64x64xf32, #tpu.memory_space<vmem>>, vector<16xf32>,
    %swap3A_695 = arith.constant 43 : i32
    %swap3A_696 = arith.index_cast %swap3A_695 : i32 to index
    %swap3A_697 = arith.constant 16 : index
    %swap3A_698 = tpu.vector_load %arg9[%swap3A_696, %swap3A_697] {strides = array<i32>} : memref<64x64xf32, #tpu.memory_space<vmem>>, vector<16xf32>,
    tpu.vector_store %arg9[%swap3A_696, %swap3A_697], %broadcast_in_dim3A_1 {strides = array<i32>} : memref<64x64xf32, #tpu.memory_space<vmem>>, vector<16xf32>,
    %swap3A_699 = arith.constant 43 : i32
    %swap3A_700 = arith.index_cast %swap3A_699 : i32 to index
    %swap3A_701 = arith.constant 32 : index
    %swap3A_702 = tpu.vector_load %arg9[%swap3A_700, %swap3A_701] {strides = array<i32>} : memref<64x64xf32, #tpu.memory_space<vmem>>, vector<16xf32>,
    tpu.vector_store %arg9[%swap3A_700, %swap3A_701], %broadcast_in_dim3A_1 {strides = array<i32>} : memref<64x64xf32, #tpu.memory_space<vmem>>, vector<16xf32>,
    %swap3A_703 = arith.constant 43 : i32
    %swap3A_704 = arith.index_cast %swap3A_703 : i32 to index
    %swap3A_705 = arith.constant 48 : index
    %swap3A_706 = tpu.vector_load %arg9[%swap3A_704, %swap3A_705] {strides = array<i32>} : memref<64x64xf32, #tpu.memory_space<vmem>>, vector<16xf32>,
    tpu.vector_store %arg9[%swap3A_704, %swap3A_705], %broadcast_in_dim3A_1 {strides = array<i32>} : memref<64x64xf32, #tpu.memory_space<vmem>>, vector<16xf32>,
    %swap3A_707 = arith.constant 44 : i32
    %swap3A_708 = arith.index_cast %swap3A_707 : i32 to index
    %swap3A_709 = arith.constant 0 : index
    %swap3A_710 = tpu.vector_load %arg9[%swap3A_708, %swap3A_709] {strides = array<i32>} : memref<64x64xf32, #tpu.memory_space<vmem>>, vector<16xf32>,
    tpu.vector_store %arg9[%swap3A_708, %swap3A_709], %broadcast_in_dim3A_1 {strides = array<i32>} : memref<64x64xf32, #tpu.memory_space<vmem>>, vector<16xf32>,
    %swap3A_711 = arith.constant 44 : i32
    %swap3A_712 = arith.index_cast %swap3A_711 : i32 to index
    %swap3A_713 = arith.constant 16 : index
    %swap3A_714 = tpu.vector_load %arg9[%swap3A_712, %swap3A_713] {strides = array<i32>} : memref<64x64xf32, #tpu.memory_space<vmem>>, vector<16xf32>,
    tpu.vector_store %arg9[%swap3A_712, %swap3A_713], %broadcast_in_dim3A_1 {strides = array<i32>} : memref<64x64xf32, #tpu.memory_space<vmem>>, vector<16xf32>,
    %swap3A_715 = arith.constant 44 : i32
    %swap3A_716 = arith.index_cast %swap3A_715 : i32 to index
    %swap3A_717 = arith.constant 32 : index
    %swap3A_718 = tpu.vector_load %arg9[%swap3A_716, %swap3A_717] {strides = array<i32>} : memref<64x64xf32, #tpu.memory_space<vmem>>, vector<16xf32>,
    tpu.vector_store %arg9[%swap3A_716, %swap3A_717], %broadcast_in_dim3A_1 {strides = array<i32>} : memref<64x64xf32, #tpu.memory_space<vmem>>, vector<16xf32>,
    %swap3A_719 = arith.constant 44 : i32
    %swap3A_720 = arith.index_cast %swap3A_719 : i32 to index
    %swap3A_721 = arith.constant 48 : index
    %swap3A_722 = tpu.vector_load %arg9[%swap3A_720, %swap3A_721] {strides = array<i32>} : memref<64x64xf32, #tpu.memory_space<vmem>>, vector<16xf32>,
    tpu.vector_store %arg9[%swap3A_720, %swap3A_721], %broadcast_in_dim3A_1 {strides = array<i32>} : memref<64x64xf32, #tpu.memory_space<vmem>>, vector<16xf32>,
    %swap3A_723 = arith.constant 45 : i32
    %swap3A_724 = arith.index_cast %swap3A_723 : i32 to index
    %swap3A_725 = arith.constant 0 : index
    %swap3A_726 = tpu.vector_load %arg9[%swap3A_724, %swap3A_725] {strides = array<i32>} : memref<64x64xf32, #tpu.memory_space<vmem>>, vector<16xf32>,
    tpu.vector_store %arg9[%swap3A_724, %swap3A_725], %broadcast_in_dim3A_1 {strides = array<i32>} : memref<64x64xf32, #tpu.memory_space<vmem>>, vector<16xf32>,
    %swap3A_727 = arith.constant 45 : i32
    %swap3A_728 = arith.index_cast %swap3A_727 : i32 to index
    %swap3A_729 = arith.constant 16 : index
    %swap3A_730 = tpu.vector_load %arg9[%swap3A_728, %swap3A_729] {strides = array<i32>} : memref<64x64xf32, #tpu.memory_space<vmem>>, vector<16xf32>,
    tpu.vector_store %arg9[%swap3A_728, %swap3A_729], %broadcast_in_dim3A_1 {strides = array<i32>} : memref<64x64xf32, #tpu.memory_space<vmem>>, vector<16xf32>,
    %swap3A_731 = arith.constant 45 : i32
    %swap3A_732 = arith.index_cast %swap3A_731 : i32 to index
    %swap3A_733 = arith.constant 32 : index
    %swap3A_734 = tpu.vector_load %arg9[%swap3A_732, %swap3A_733] {strides = array<i32>} : memref<64x64xf32, #tpu.memory_space<vmem>>, vector<16xf32>,
    tpu.vector_store %arg9[%swap3A_732, %swap3A_733], %broadcast_in_dim3A_1 {strides = array<i32>} : memref<64x64xf32, #tpu.memory_space<vmem>>, vector<16xf32>,
    %swap3A_735 = arith.constant 45 : i32
    %swap3A_736 = arith.index_cast %swap3A_735 : i32 to index
    %swap3A_737 = arith.constant 48 : index
    %swap3A_738 = tpu.vector_load %arg9[%swap3A_736, %swap3A_737] {strides = array<i32>} : memref<64x64xf32, #tpu.memory_space<vmem>>, vector<16xf32>,
    tpu.vector_store %arg9[%swap3A_736, %swap3A_737], %broadcast_in_dim3A_1 {strides = array<i32>} : memref<64x64xf32, #tpu.memory_space<vmem>>, vector<16xf32>,
    %swap3A_739 = arith.constant 46 : i32
    %swap3A_740 = arith.index_cast %swap3A_739 : i32 to index
    %swap3A_741 = arith.constant 0 : index
    %swap3A_742 = tpu.vector_load %arg9[%swap3A_740, %swap3A_741] {strides = array<i32>} : memref<64x64xf32, #tpu.memory_space<vmem>>, vector<16xf32>,
    tpu.vector_store %arg9[%swap3A_740, %swap3A_741], %broadcast_in_dim3A_1 {strides = array<i32>} : memref<64x64xf32, #tpu.memory_space<vmem>>, vector<16xf32>,
    %swap3A_743 = arith.constant 46 : i32
    %swap3A_744 = arith.index_cast %swap3A_743 : i32 to index
    %swap3A_745 = arith.constant 16 : index
    %swap3A_746 = tpu.vector_load %arg9[%swap3A_744, %swap3A_745] {strides = array<i32>} : memref<64x64xf32, #tpu.memory_space<vmem>>, vector<16xf32>,
    tpu.vector_store %arg9[%swap3A_744, %swap3A_745], %broadcast_in_dim3A_1 {strides = array<i32>} : memref<64x64xf32, #tpu.memory_space<vmem>>, vector<16xf32>,
    %swap3A_747 = arith.constant 46 : i32
    %swap3A_748 = arith.index_cast %swap3A_747 : i32 to index
    %swap3A_749 = arith.constant 32 : index
    %swap3A_750 = tpu.vector_load %arg9[%swap3A_748, %swap3A_749] {strides = array<i32>} : memref<64x64xf32, #tpu.memory_space<vmem>>, vector<16xf32>,
    tpu.vector_store %arg9[%swap3A_748, %swap3A_749], %broadcast_in_dim3A_1 {strides = array<i32>} : memref<64x64xf32, #tpu.memory_space<vmem>>, vector<16xf32>,
    %swap3A_751 = arith.constant 46 : i32
    %swap3A_752 = arith.index_cast %swap3A_751 : i32 to index
    %swap3A_753 = arith.constant 48 : index
    %swap3A_754 = tpu.vector_load %arg9[%swap3A_752, %swap3A_753] {strides = array<i32>} : memref<64x64xf32, #tpu.memory_space<vmem>>, vector<16xf32>,
    tpu.vector_store %arg9[%swap3A_752, %swap3A_753], %broadcast_in_dim3A_1 {strides = array<i32>} : memref<64x64xf32, #tpu.memory_space<vmem>>, vector<16xf32>,
    %swap3A_755 = arith.constant 47 : i32
    %swap3A_756 = arith.index_cast %swap3A_755 : i32 to index
    %swap3A_757 = arith.constant 0 : index
    %swap3A_758 = tpu.vector_load %arg9[%swap3A_756, %swap3A_757] {strides = array<i32>} : memref<64x64xf32, #tpu.memory_space<vmem>>, vector<16xf32>,
    tpu.vector_store %arg9[%swap3A_756, %swap3A_757], %broadcast_in_dim3A_1 {strides = array<i32>} : memref<64x64xf32, #tpu.memory_space<vmem>>, vector<16xf32>,
    %swap3A_759 = arith.constant 47 : i32
    %swap3A_760 = arith.index_cast %swap3A_759 : i32 to index
    %swap3A_761 = arith.constant 16 : index
    %swap3A_762 = tpu.vector_load %arg9[%swap3A_760, %swap3A_761] {strides = array<i32>} : memref<64x64xf32, #tpu.memory_space<vmem>>, vector<16xf32>,
    tpu.vector_store %arg9[%swap3A_760, %swap3A_761], %broadcast_in_dim3A_1 {strides = array<i32>} : memref<64x64xf32, #tpu.memory_space<vmem>>, vector<16xf32>,
    %swap3A_763 = arith.constant 47 : i32
    %swap3A_764 = arith.index_cast %swap3A_763 : i32 to index
    %swap3A_765 = arith.constant 32 : index
    %swap3A_766 = tpu.vector_load %arg9[%swap3A_764, %swap3A_765] {strides = array<i32>} : memref<64x64xf32, #tpu.memory_space<vmem>>, vector<16xf32>,
    tpu.vector_store %arg9[%swap3A_764, %swap3A_765], %broadcast_in_dim3A_1 {strides = array<i32>} : memref<64x64xf32, #tpu.memory_space<vmem>>, vector<16xf32>,
    %swap3A_767 = arith.constant 47 : i32
    %swap3A_768 = arith.index_cast %swap3A_767 : i32 to index
    %swap3A_769 = arith.constant 48 : index
    %swap3A_770 = tpu.vector_load %arg9[%swap3A_768, %swap3A_769] {strides = array<i32>} : memref<64x64xf32, #tpu.memory_space<vmem>>, vector<16xf32>,
    tpu.vector_store %arg9[%swap3A_768, %swap3A_769], %broadcast_in_dim3A_1 {strides = array<i32>} : memref<64x64xf32, #tpu.memory_space<vmem>>, vector<16xf32>,
    %swap3A_771 = arith.constant 48 : i32
    %swap3A_772 = arith.index_cast %swap3A_771 : i32 to index
    %swap3A_773 = arith.constant 0 : index
    %swap3A_774 = tpu.vector_load %arg9[%swap3A_772, %swap3A_773] {strides = array<i32>} : memref<64x64xf32, #tpu.memory_space<vmem>>, vector<16xf32>,
    tpu.vector_store %arg9[%swap3A_772, %swap3A_773], %broadcast_in_dim3A_1 {strides = array<i32>} : memref<64x64xf32, #tpu.memory_space<vmem>>, vector<16xf32>,
    %swap3A_775 = arith.constant 48 : i32
    %swap3A_776 = arith.index_cast %swap3A_775 : i32 to index
    %swap3A_777 = arith.constant 16 : index
    %swap3A_778 = tpu.vector_load %arg9[%swap3A_776, %swap3A_777] {strides = array<i32>} : memref<64x64xf32, #tpu.memory_space<vmem>>, vector<16xf32>,
    tpu.vector_store %arg9[%swap3A_776, %swap3A_777], %broadcast_in_dim3A_1 {strides = array<i32>} : memref<64x64xf32, #tpu.memory_space<vmem>>, vector<16xf32>,
    %swap3A_779 = arith.constant 48 : i32
    %swap3A_780 = arith.index_cast %swap3A_779 : i32 to index
    %swap3A_781 = arith.constant 32 : index
    %swap3A_782 = tpu.vector_load %arg9[%swap3A_780, %swap3A_781] {strides = array<i32>} : memref<64x64xf32, #tpu.memory_space<vmem>>, vector<16xf32>,
    tpu.vector_store %arg9[%swap3A_780, %swap3A_781], %broadcast_in_dim3A_1 {strides = array<i32>} : memref<64x64xf32, #tpu.memory_space<vmem>>, vector<16xf32>,
    %swap3A_783 = arith.constant 48 : i32
    %swap3A_784 = arith.index_cast %swap3A_783 : i32 to index
    %swap3A_785 = arith.constant 48 : index
    %swap3A_786 = tpu.vector_load %arg9[%swap3A_784, %swap3A_785] {strides = array<i32>} : memref<64x64xf32, #tpu.memory_space<vmem>>, vector<16xf32>,
    tpu.vector_store %arg9[%swap3A_784, %swap3A_785], %broadcast_in_dim3A_1 {strides = array<i32>} : memref<64x64xf32, #tpu.memory_space<vmem>>, vector<16xf32>,
    %swap3A_787 = arith.constant 49 : i32
    %swap3A_788 = arith.index_cast %swap3A_787 : i32 to index
    %swap3A_789 = arith.constant 0 : index
    %swap3A_790 = tpu.vector_load %arg9[%swap3A_788, %swap3A_789] {strides = array<i32>} : memref<64x64xf32, #tpu.memory_space<vmem>>, vector<16xf32>,
    tpu.vector_store %arg9[%swap3A_788, %swap3A_789], %broadcast_in_dim3A_1 {strides = array<i32>} : memref<64x64xf32, #tpu.memory_space<vmem>>, vector<16xf32>,
    %swap3A_791 = arith.constant 49 : i32
    %swap3A_792 = arith.index_cast %swap3A_791 : i32 to index
    %swap3A_793 = arith.constant 16 : index
    %swap3A_794 = tpu.vector_load %arg9[%swap3A_792, %swap3A_793] {strides = array<i32>} : memref<64x64xf32, #tpu.memory_space<vmem>>, vector<16xf32>,
    tpu.vector_store %arg9[%swap3A_792, %swap3A_793], %broadcast_in_dim3A_1 {strides = array<i32>} : memref<64x64xf32, #tpu.memory_space<vmem>>, vector<16xf32>,
    %swap3A_795 = arith.constant 49 : i32
    %swap3A_796 = arith.index_cast %swap3A_795 : i32 to index
    %swap3A_797 = arith.constant 32 : index
    %swap3A_798 = tpu.vector_load %arg9[%swap3A_796, %swap3A_797] {strides = array<i32>} : memref<64x64xf32, #tpu.memory_space<vmem>>, vector<16xf32>,
    tpu.vector_store %arg9[%swap3A_796, %swap3A_797], %broadcast_in_dim3A_1 {strides = array<i32>} : memref<64x64xf32, #tpu.memory_space<vmem>>, vector<16xf32>,
    %swap3A_799 = arith.constant 49 : i32
    %swap3A_800 = arith.index_cast %swap3A_799 : i32 to index
    %swap3A_801 = arith.constant 48 : index
    %swap3A_802 = tpu.vector_load %arg9[%swap3A_800, %swap3A_801] {strides = array<i32>} : memref<64x64xf32, #tpu.memory_space<vmem>>, vector<16xf32>,
    tpu.vector_store %arg9[%swap3A_800, %swap3A_801], %broadcast_in_dim3A_1 {strides = array<i32>} : memref<64x64xf32, #tpu.memory_space<vmem>>, vector<16xf32>,
    %swap3A_803 = arith.constant 50 : i32
    %swap3A_804 = arith.index_cast %swap3A_803 : i32 to index
    %swap3A_805 = arith.constant 0 : index
    %swap3A_806 = tpu.vector_load %arg9[%swap3A_804, %swap3A_805] {strides = array<i32>} : memref<64x64xf32, #tpu.memory_space<vmem>>, vector<16xf32>,
    tpu.vector_store %arg9[%swap3A_804, %swap3A_805], %broadcast_in_dim3A_1 {strides = array<i32>} : memref<64x64xf32, #tpu.memory_space<vmem>>, vector<16xf32>,
    %swap3A_807 = arith.constant 50 : i32
    %swap3A_808 = arith.index_cast %swap3A_807 : i32 to index
    %swap3A_809 = arith.constant 16 : index
    %swap3A_810 = tpu.vector_load %arg9[%swap3A_808, %swap3A_809] {strides = array<i32>} : memref<64x64xf32, #tpu.memory_space<vmem>>, vector<16xf32>,
    tpu.vector_store %arg9[%swap3A_808, %swap3A_809], %broadcast_in_dim3A_1 {strides = array<i32>} : memref<64x64xf32, #tpu.memory_space<vmem>>, vector<16xf32>,
    %swap3A_811 = arith.constant 50 : i32
    %swap3A_812 = arith.index_cast %swap3A_811 : i32 to index
    %swap3A_813 = arith.constant 32 : index
    %swap3A_814 = tpu.vector_load %arg9[%swap3A_812, %swap3A_813] {strides = array<i32>} : memref<64x64xf32, #tpu.memory_space<vmem>>, vector<16xf32>,
    tpu.vector_store %arg9[%swap3A_812, %swap3A_813], %broadcast_in_dim3A_1 {strides = array<i32>} : memref<64x64xf32, #tpu.memory_space<vmem>>, vector<16xf32>,
    %swap3A_815 = arith.constant 50 : i32
    %swap3A_816 = arith.index_cast %swap3A_815 : i32 to index
    %swap3A_817 = arith.constant 48 : index
    %swap3A_818 = tpu.vector_load %arg9[%swap3A_816, %swap3A_817] {strides = array<i32>} : memref<64x64xf32, #tpu.memory_space<vmem>>, vector<16xf32>,
    tpu.vector_store %arg9[%swap3A_816, %swap3A_817], %broadcast_in_dim3A_1 {strides = array<i32>} : memref<64x64xf32, #tpu.memory_space<vmem>>, vector<16xf32>,
    %swap3A_819 = arith.constant 51 : i32
    %swap3A_820 = arith.index_cast %swap3A_819 : i32 to index
    %swap3A_821 = arith.constant 0 : index
    %swap3A_822 = tpu.vector_load %arg9[%swap3A_820, %swap3A_821] {strides = array<i32>} : memref<64x64xf32, #tpu.memory_space<vmem>>, vector<16xf32>,
    tpu.vector_store %arg9[%swap3A_820, %swap3A_821], %broadcast_in_dim3A_1 {strides = array<i32>} : memref<64x64xf32, #tpu.memory_space<vmem>>, vector<16xf32>,
    %swap3A_823 = arith.constant 51 : i32
    %swap3A_824 = arith.index_cast %swap3A_823 : i32 to index
    %swap3A_825 = arith.constant 16 : index
    %swap3A_826 = tpu.vector_load %arg9[%swap3A_824, %swap3A_825] {strides = array<i32>} : memref<64x64xf32, #tpu.memory_space<vmem>>, vector<16xf32>,
    tpu.vector_store %arg9[%swap3A_824, %swap3A_825], %broadcast_in_dim3A_1 {strides = array<i32>} : memref<64x64xf32, #tpu.memory_space<vmem>>, vector<16xf32>,
    %swap3A_827 = arith.constant 51 : i32
    %swap3A_828 = arith.index_cast %swap3A_827 : i32 to index
    %swap3A_829 = arith.constant 32 : index
    %swap3A_830 = tpu.vector_load %arg9[%swap3A_828, %swap3A_829] {strides = array<i32>} : memref<64x64xf32, #tpu.memory_space<vmem>>, vector<16xf32>,
    tpu.vector_store %arg9[%swap3A_828, %swap3A_829], %broadcast_in_dim3A_1 {strides = array<i32>} : memref<64x64xf32, #tpu.memory_space<vmem>>, vector<16xf32>,
    %swap3A_831 = arith.constant 51 : i32
    %swap3A_832 = arith.index_cast %swap3A_831 : i32 to index
    %swap3A_833 = arith.constant 48 : index
    %swap3A_834 = tpu.vector_load %arg9[%swap3A_832, %swap3A_833] {strides = array<i32>} : memref<64x64xf32, #tpu.memory_space<vmem>>, vector<16xf32>,
    tpu.vector_store %arg9[%swap3A_832, %swap3A_833], %broadcast_in_dim3A_1 {strides = array<i32>} : memref<64x64xf32, #tpu.memory_space<vmem>>, vector<16xf32>,
    %swap3A_835 = arith.constant 52 : i32
    %swap3A_836 = arith.index_cast %swap3A_835 : i32 to index
    %swap3A_837 = arith.constant 0 : index
    %swap3A_838 = tpu.vector_load %arg9[%swap3A_836, %swap3A_837] {strides = array<i32>} : memref<64x64xf32, #tpu.memory_space<vmem>>, vector<16xf32>,
    tpu.vector_store %arg9[%swap3A_836, %swap3A_837], %broadcast_in_dim3A_1 {strides = array<i32>} : memref<64x64xf32, #tpu.memory_space<vmem>>, vector<16xf32>,
    %swap3A_839 = arith.constant 52 : i32
    %swap3A_840 = arith.index_cast %swap3A_839 : i32 to index
    %swap3A_841 = arith.constant 16 : index
    %swap3A_842 = tpu.vector_load %arg9[%swap3A_840, %swap3A_841] {strides = array<i32>} : memref<64x64xf32, #tpu.memory_space<vmem>>, vector<16xf32>,
    tpu.vector_store %arg9[%swap3A_840, %swap3A_841], %broadcast_in_dim3A_1 {strides = array<i32>} : memref<64x64xf32, #tpu.memory_space<vmem>>, vector<16xf32>,
    %swap3A_843 = arith.constant 52 : i32
    %swap3A_844 = arith.index_cast %swap3A_843 : i32 to index
    %swap3A_845 = arith.constant 32 : index
    %swap3A_846 = tpu.vector_load %arg9[%swap3A_844, %swap3A_845] {strides = array<i32>} : memref<64x64xf32, #tpu.memory_space<vmem>>, vector<16xf32>,
    tpu.vector_store %arg9[%swap3A_844, %swap3A_845], %broadcast_in_dim3A_1 {strides = array<i32>} : memref<64x64xf32, #tpu.memory_space<vmem>>, vector<16xf32>,
    %swap3A_847 = arith.constant 52 : i32
    %swap3A_848 = arith.index_cast %swap3A_847 : i32 to index
    %swap3A_849 = arith.constant 48 : index
    %swap3A_850 = tpu.vector_load %arg9[%swap3A_848, %swap3A_849] {strides = array<i32>} : memref<64x64xf32, #tpu.memory_space<vmem>>, vector<16xf32>,
    tpu.vector_store %arg9[%swap3A_848, %swap3A_849], %broadcast_in_dim3A_1 {strides = array<i32>} : memref<64x64xf32, #tpu.memory_space<vmem>>, vector<16xf32>,
    %swap3A_851 = arith.constant 53 : i32
    %swap3A_852 = arith.index_cast %swap3A_851 : i32 to index
    %swap3A_853 = arith.constant 0 : index
    %swap3A_854 = tpu.vector_load %arg9[%swap3A_852, %swap3A_853] {strides = array<i32>} : memref<64x64xf32, #tpu.memory_space<vmem>>, vector<16xf32>,
    tpu.vector_store %arg9[%swap3A_852, %swap3A_853], %broadcast_in_dim3A_1 {strides = array<i32>} : memref<64x64xf32, #tpu.memory_space<vmem>>, vector<16xf32>,
    %swap3A_855 = arith.constant 53 : i32
    %swap3A_856 = arith.index_cast %swap3A_855 : i32 to index
    %swap3A_857 = arith.constant 16 : index
    %swap3A_858 = tpu.vector_load %arg9[%swap3A_856, %swap3A_857] {strides = array<i32>} : memref<64x64xf32, #tpu.memory_space<vmem>>, vector<16xf32>,
    tpu.vector_store %arg9[%swap3A_856, %swap3A_857], %broadcast_in_dim3A_1 {strides = array<i32>} : memref<64x64xf32, #tpu.memory_space<vmem>>, vector<16xf32>,
    %swap3A_859 = arith.constant 53 : i32
    %swap3A_860 = arith.index_cast %swap3A_859 : i32 to index
    %swap3A_861 = arith.constant 32 : index
    %swap3A_862 = tpu.vector_load %arg9[%swap3A_860, %swap3A_861] {strides = array<i32>} : memref<64x64xf32, #tpu.memory_space<vmem>>, vector<16xf32>,
    tpu.vector_store %arg9[%swap3A_860, %swap3A_861], %broadcast_in_dim3A_1 {strides = array<i32>} : memref<64x64xf32, #tpu.memory_space<vmem>>, vector<16xf32>,
    %swap3A_863 = arith.constant 53 : i32
    %swap3A_864 = arith.index_cast %swap3A_863 : i32 to index
    %swap3A_865 = arith.constant 48 : index
    %swap3A_866 = tpu.vector_load %arg9[%swap3A_864, %swap3A_865] {strides = array<i32>} : memref<64x64xf32, #tpu.memory_space<vmem>>, vector<16xf32>,
    tpu.vector_store %arg9[%swap3A_864, %swap3A_865], %broadcast_in_dim3A_1 {strides = array<i32>} : memref<64x64xf32, #tpu.memory_space<vmem>>, vector<16xf32>,
    %swap3A_867 = arith.constant 54 : i32
    %swap3A_868 = arith.index_cast %swap3A_867 : i32 to index
    %swap3A_869 = arith.constant 0 : index
    %swap3A_870 = tpu.vector_load %arg9[%swap3A_868, %swap3A_869] {strides = array<i32>} : memref<64x64xf32, #tpu.memory_space<vmem>>, vector<16xf32>,
    tpu.vector_store %arg9[%swap3A_868, %swap3A_869], %broadcast_in_dim3A_1 {strides = array<i32>} : memref<64x64xf32, #tpu.memory_space<vmem>>, vector<16xf32>,
    %swap3A_871 = arith.constant 54 : i32
    %swap3A_872 = arith.index_cast %swap3A_871 : i32 to index
    %swap3A_873 = arith.constant 16 : index
    %swap3A_874 = tpu.vector_load %arg9[%swap3A_872, %swap3A_873] {strides = array<i32>} : memref<64x64xf32, #tpu.memory_space<vmem>>, vector<16xf32>,
    tpu.vector_store %arg9[%swap3A_872, %swap3A_873], %broadcast_in_dim3A_1 {strides = array<i32>} : memref<64x64xf32, #tpu.memory_space<vmem>>, vector<16xf32>,
    %swap3A_875 = arith.constant 54 : i32
    %swap3A_876 = arith.index_cast %swap3A_875 : i32 to index
    %swap3A_877 = arith.constant 32 : index
    %swap3A_878 = tpu.vector_load %arg9[%swap3A_876, %swap3A_877] {strides = array<i32>} : memref<64x64xf32, #tpu.memory_space<vmem>>, vector<16xf32>,
    tpu.vector_store %arg9[%swap3A_876, %swap3A_877], %broadcast_in_dim3A_1 {strides = array<i32>} : memref<64x64xf32, #tpu.memory_space<vmem>>, vector<16xf32>,
    %swap3A_879 = arith.constant 54 : i32
    %swap3A_880 = arith.index_cast %swap3A_879 : i32 to index
    %swap3A_881 = arith.constant 48 : index
    %swap3A_882 = tpu.vector_load %arg9[%swap3A_880, %swap3A_881] {strides = array<i32>} : memref<64x64xf32, #tpu.memory_space<vmem>>, vector<16xf32>,
    tpu.vector_store %arg9[%swap3A_880, %swap3A_881], %broadcast_in_dim3A_1 {strides = array<i32>} : memref<64x64xf32, #tpu.memory_space<vmem>>, vector<16xf32>,
    %swap3A_883 = arith.constant 55 : i32
    %swap3A_884 = arith.index_cast %swap3A_883 : i32 to index
    %swap3A_885 = arith.constant 0 : index
    %swap3A_886 = tpu.vector_load %arg9[%swap3A_884, %swap3A_885] {strides = array<i32>} : memref<64x64xf32, #tpu.memory_space<vmem>>, vector<16xf32>,
    tpu.vector_store %arg9[%swap3A_884, %swap3A_885], %broadcast_in_dim3A_1 {strides = array<i32>} : memref<64x64xf32, #tpu.memory_space<vmem>>, vector<16xf32>,
    %swap3A_887 = arith.constant 55 : i32
    %swap3A_888 = arith.index_cast %swap3A_887 : i32 to index
    %swap3A_889 = arith.constant 16 : index
    %swap3A_890 = tpu.vector_load %arg9[%swap3A_888, %swap3A_889] {strides = array<i32>} : memref<64x64xf32, #tpu.memory_space<vmem>>, vector<16xf32>,
    tpu.vector_store %arg9[%swap3A_888, %swap3A_889], %broadcast_in_dim3A_1 {strides = array<i32>} : memref<64x64xf32, #tpu.memory_space<vmem>>, vector<16xf32>,
    %swap3A_891 = arith.constant 55 : i32
    %swap3A_892 = arith.index_cast %swap3A_891 : i32 to index
    %swap3A_893 = arith.constant 32 : index
    %swap3A_894 = tpu.vector_load %arg9[%swap3A_892, %swap3A_893] {strides = array<i32>} : memref<64x64xf32, #tpu.memory_space<vmem>>, vector<16xf32>,
    tpu.vector_store %arg9[%swap3A_892, %swap3A_893], %broadcast_in_dim3A_1 {strides = array<i32>} : memref<64x64xf32, #tpu.memory_space<vmem>>, vector<16xf32>,
    %swap3A_895 = arith.constant 55 : i32
    %swap3A_896 = arith.index_cast %swap3A_895 : i32 to index
    %swap3A_897 = arith.constant 48 : index
    %swap3A_898 = tpu.vector_load %arg9[%swap3A_896, %swap3A_897] {strides = array<i32>} : memref<64x64xf32, #tpu.memory_space<vmem>>, vector<16xf32>,
    tpu.vector_store %arg9[%swap3A_896, %swap3A_897], %broadcast_in_dim3A_1 {strides = array<i32>} : memref<64x64xf32, #tpu.memory_space<vmem>>, vector<16xf32>,
    %swap3A_899 = arith.constant 56 : i32
    %swap3A_900 = arith.index_cast %swap3A_899 : i32 to index
    %swap3A_901 = arith.constant 0 : index
    %swap3A_902 = tpu.vector_load %arg9[%swap3A_900, %swap3A_901] {strides = array<i32>} : memref<64x64xf32, #tpu.memory_space<vmem>>, vector<16xf32>,
    tpu.vector_store %arg9[%swap3A_900, %swap3A_901], %broadcast_in_dim3A_1 {strides = array<i32>} : memref<64x64xf32, #tpu.memory_space<vmem>>, vector<16xf32>,
    %swap3A_903 = arith.constant 56 : i32
    %swap3A_904 = arith.index_cast %swap3A_903 : i32 to index
    %swap3A_905 = arith.constant 16 : index
    %swap3A_906 = tpu.vector_load %arg9[%swap3A_904, %swap3A_905] {strides = array<i32>} : memref<64x64xf32, #tpu.memory_space<vmem>>, vector<16xf32>,
    tpu.vector_store %arg9[%swap3A_904, %swap3A_905], %broadcast_in_dim3A_1 {strides = array<i32>} : memref<64x64xf32, #tpu.memory_space<vmem>>, vector<16xf32>,
    %swap3A_907 = arith.constant 56 : i32
    %swap3A_908 = arith.index_cast %swap3A_907 : i32 to index
    %swap3A_909 = arith.constant 32 : index
    %swap3A_910 = tpu.vector_load %arg9[%swap3A_908, %swap3A_909] {strides = array<i32>} : memref<64x64xf32, #tpu.memory_space<vmem>>, vector<16xf32>,
    tpu.vector_store %arg9[%swap3A_908, %swap3A_909], %broadcast_in_dim3A_1 {strides = array<i32>} : memref<64x64xf32, #tpu.memory_space<vmem>>, vector<16xf32>,
    %swap3A_911 = arith.constant 56 : i32
    %swap3A_912 = arith.index_cast %swap3A_911 : i32 to index
    %swap3A_913 = arith.constant 48 : index
    %swap3A_914 = tpu.vector_load %arg9[%swap3A_912, %swap3A_913] {strides = array<i32>} : memref<64x64xf32, #tpu.memory_space<vmem>>, vector<16xf32>,
    tpu.vector_store %arg9[%swap3A_912, %swap3A_913], %broadcast_in_dim3A_1 {strides = array<i32>} : memref<64x64xf32, #tpu.memory_space<vmem>>, vector<16xf32>,
    %swap3A_915 = arith.constant 57 : i32
    %swap3A_916 = arith.index_cast %swap3A_915 : i32 to index
    %swap3A_917 = arith.constant 0 : index
    %swap3A_918 = tpu.vector_load %arg9[%swap3A_916, %swap3A_917] {strides = array<i32>} : memref<64x64xf32, #tpu.memory_space<vmem>>, vector<16xf32>,
    tpu.vector_store %arg9[%swap3A_916, %swap3A_917], %broadcast_in_dim3A_1 {strides = array<i32>} : memref<64x64xf32, #tpu.memory_space<vmem>>, vector<16xf32>,
    %swap3A_919 = arith.constant 57 : i32
    %swap3A_920 = arith.index_cast %swap3A_919 : i32 to index
    %swap3A_921 = arith.constant 16 : index
    %swap3A_922 = tpu.vector_load %arg9[%swap3A_920, %swap3A_921] {strides = array<i32>} : memref<64x64xf32, #tpu.memory_space<vmem>>, vector<16xf32>,
    tpu.vector_store %arg9[%swap3A_920, %swap3A_921], %broadcast_in_dim3A_1 {strides = array<i32>} : memref<64x64xf32, #tpu.memory_space<vmem>>, vector<16xf32>,
    %swap3A_923 = arith.constant 57 : i32
    %swap3A_924 = arith.index_cast %swap3A_923 : i32 to index
    %swap3A_925 = arith.constant 32 : index
    %swap3A_926 = tpu.vector_load %arg9[%swap3A_924, %swap3A_925] {strides = array<i32>} : memref<64x64xf32, #tpu.memory_space<vmem>>, vector<16xf32>,
    tpu.vector_store %arg9[%swap3A_924, %swap3A_925], %broadcast_in_dim3A_1 {strides = array<i32>} : memref<64x64xf32, #tpu.memory_space<vmem>>, vector<16xf32>,
    %swap3A_927 = arith.constant 57 : i32
    %swap3A_928 = arith.index_cast %swap3A_927 : i32 to index
    %swap3A_929 = arith.constant 48 : index
    %swap3A_930 = tpu.vector_load %arg9[%swap3A_928, %swap3A_929] {strides = array<i32>} : memref<64x64xf32, #tpu.memory_space<vmem>>, vector<16xf32>,
    tpu.vector_store %arg9[%swap3A_928, %swap3A_929], %broadcast_in_dim3A_1 {strides = array<i32>} : memref<64x64xf32, #tpu.memory_space<vmem>>, vector<16xf32>,
    %swap3A_931 = arith.constant 58 : i32
    %swap3A_932 = arith.index_cast %swap3A_931 : i32 to index
    %swap3A_933 = arith.constant 0 : index
    %swap3A_934 = tpu.vector_load %arg9[%swap3A_932, %swap3A_933] {strides = array<i32>} : memref<64x64xf32, #tpu.memory_space<vmem>>, vector<16xf32>,
    tpu.vector_store %arg9[%swap3A_932, %swap3A_933], %broadcast_in_dim3A_1 {strides = array<i32>} : memref<64x64xf32, #tpu.memory_space<vmem>>, vector<16xf32>,
    %swap3A_935 = arith.constant 58 : i32
    %swap3A_936 = arith.index_cast %swap3A_935 : i32 to index
    %swap3A_937 = arith.constant 16 : index
    %swap3A_938 = tpu.vector_load %arg9[%swap3A_936, %swap3A_937] {strides = array<i32>} : memref<64x64xf32, #tpu.memory_space<vmem>>, vector<16xf32>,
    tpu.vector_store %arg9[%swap3A_936, %swap3A_937], %broadcast_in_dim3A_1 {strides = array<i32>} : memref<64x64xf32, #tpu.memory_space<vmem>>, vector<16xf32>,
    %swap3A_939 = arith.constant 58 : i32
    %swap3A_940 = arith.index_cast %swap3A_939 : i32 to index
    %swap3A_941 = arith.constant 32 : index
    %swap3A_942 = tpu.vector_load %arg9[%swap3A_940, %swap3A_941] {strides = array<i32>} : memref<64x64xf32, #tpu.memory_space<vmem>>, vector<16xf32>,
    tpu.vector_store %arg9[%swap3A_940, %swap3A_941], %broadcast_in_dim3A_1 {strides = array<i32>} : memref<64x64xf32, #tpu.memory_space<vmem>>, vector<16xf32>,
    %swap3A_943 = arith.constant 58 : i32
    %swap3A_944 = arith.index_cast %swap3A_943 : i32 to index
    %swap3A_945 = arith.constant 48 : index
    %swap3A_946 = tpu.vector_load %arg9[%swap3A_944, %swap3A_945] {strides = array<i32>} : memref<64x64xf32, #tpu.memory_space<vmem>>, vector<16xf32>,
    tpu.vector_store %arg9[%swap3A_944, %swap3A_945], %broadcast_in_dim3A_1 {strides = array<i32>} : memref<64x64xf32, #tpu.memory_space<vmem>>, vector<16xf32>,
    %swap3A_947 = arith.constant 59 : i32
    %swap3A_948 = arith.index_cast %swap3A_947 : i32 to index
    %swap3A_949 = arith.constant 0 : index
    %swap3A_950 = tpu.vector_load %arg9[%swap3A_948, %swap3A_949] {strides = array<i32>} : memref<64x64xf32, #tpu.memory_space<vmem>>, vector<16xf32>,
    tpu.vector_store %arg9[%swap3A_948, %swap3A_949], %broadcast_in_dim3A_1 {strides = array<i32>} : memref<64x64xf32, #tpu.memory_space<vmem>>, vector<16xf32>,
    %swap3A_951 = arith.constant 59 : i32
    %swap3A_952 = arith.index_cast %swap3A_951 : i32 to index
    %swap3A_953 = arith.constant 16 : index
    %swap3A_954 = tpu.vector_load %arg9[%swap3A_952, %swap3A_953] {strides = array<i32>} : memref<64x64xf32, #tpu.memory_space<vmem>>, vector<16xf32>,
    tpu.vector_store %arg9[%swap3A_952, %swap3A_953], %broadcast_in_dim3A_1 {strides = array<i32>} : memref<64x64xf32, #tpu.memory_space<vmem>>, vector<16xf32>,
    %swap3A_955 = arith.constant 59 : i32
    %swap3A_956 = arith.index_cast %swap3A_955 : i32 to index
    %swap3A_957 = arith.constant 32 : index
    %swap3A_958 = tpu.vector_load %arg9[%swap3A_956, %swap3A_957] {strides = array<i32>} : memref<64x64xf32, #tpu.memory_space<vmem>>, vector<16xf32>,
    tpu.vector_store %arg9[%swap3A_956, %swap3A_957], %broadcast_in_dim3A_1 {strides = array<i32>} : memref<64x64xf32, #tpu.memory_space<vmem>>, vector<16xf32>,
    %swap3A_959 = arith.constant 59 : i32
    %swap3A_960 = arith.index_cast %swap3A_959 : i32 to index
    %swap3A_961 = arith.constant 48 : index
    %swap3A_962 = tpu.vector_load %arg9[%swap3A_960, %swap3A_961] {strides = array<i32>} : memref<64x64xf32, #tpu.memory_space<vmem>>, vector<16xf32>,
    tpu.vector_store %arg9[%swap3A_960, %swap3A_961], %broadcast_in_dim3A_1 {strides = array<i32>} : memref<64x64xf32, #tpu.memory_space<vmem>>, vector<16xf32>,
    %swap3A_963 = arith.constant 60 : i32
    %swap3A_964 = arith.index_cast %swap3A_963 : i32 to index
    %swap3A_965 = arith.constant 0 : index
    %swap3A_966 = tpu.vector_load %arg9[%swap3A_964, %swap3A_965] {strides = array<i32>} : memref<64x64xf32, #tpu.memory_space<vmem>>, vector<16xf32>,
    tpu.vector_store %arg9[%swap3A_964, %swap3A_965], %broadcast_in_dim3A_1 {strides = array<i32>} : memref<64x64xf32, #tpu.memory_space<vmem>>, vector<16xf32>,
    %swap3A_967 = arith.constant 60 : i32
    %swap3A_968 = arith.index_cast %swap3A_967 : i32 to index
    %swap3A_969 = arith.constant 16 : index
    %swap3A_970 = tpu.vector_load %arg9[%swap3A_968, %swap3A_969] {strides = array<i32>} : memref<64x64xf32, #tpu.memory_space<vmem>>, vector<16xf32>,
    tpu.vector_store %arg9[%swap3A_968, %swap3A_969], %broadcast_in_dim3A_1 {strides = array<i32>} : memref<64x64xf32, #tpu.memory_space<vmem>>, vector<16xf32>,
    %swap3A_971 = arith.constant 60 : i32
    %swap3A_972 = arith.index_cast %swap3A_971 : i32 to index
    %swap3A_973 = arith.constant 32 : index
    %swap3A_974 = tpu.vector_load %arg9[%swap3A_972, %swap3A_973] {strides = array<i32>} : memref<64x64xf32, #tpu.memory_space<vmem>>, vector<16xf32>,
    tpu.vector_store %arg9[%swap3A_972, %swap3A_973], %broadcast_in_dim3A_1 {strides = array<i32>} : memref<64x64xf32, #tpu.memory_space<vmem>>, vector<16xf32>,
    %swap3A_975 = arith.constant 60 : i32
    %swap3A_976 = arith.index_cast %swap3A_975 : i32 to index
    %swap3A_977 = arith.constant 48 : index
    %swap3A_978 = tpu.vector_load %arg9[%swap3A_976, %swap3A_977] {strides = array<i32>} : memref<64x64xf32, #tpu.memory_space<vmem>>, vector<16xf32>,
    tpu.vector_store %arg9[%swap3A_976, %swap3A_977], %broadcast_in_dim3A_1 {strides = array<i32>} : memref<64x64xf32, #tpu.memory_space<vmem>>, vector<16xf32>,
    %swap3A_979 = arith.constant 61 : i32
    %swap3A_980 = arith.index_cast %swap3A_979 : i32 to index
    %swap3A_981 = arith.constant 0 : index
    %swap3A_982 = tpu.vector_load %arg9[%swap3A_980, %swap3A_981] {strides = array<i32>} : memref<64x64xf32, #tpu.memory_space<vmem>>, vector<16xf32>,
    tpu.vector_store %arg9[%swap3A_980, %swap3A_981], %broadcast_in_dim3A_1 {strides = array<i32>} : memref<64x64xf32, #tpu.memory_space<vmem>>, vector<16xf32>,
    %swap3A_983 = arith.constant 61 : i32
    %swap3A_984 = arith.index_cast %swap3A_983 : i32 to index
    %swap3A_985 = arith.constant 16 : index
    %swap3A_986 = tpu.vector_load %arg9[%swap3A_984, %swap3A_985] {strides = array<i32>} : memref<64x64xf32, #tpu.memory_space<vmem>>, vector<16xf32>,
    tpu.vector_store %arg9[%swap3A_984, %swap3A_985], %broadcast_in_dim3A_1 {strides = array<i32>} : memref<64x64xf32, #tpu.memory_space<vmem>>, vector<16xf32>,
    %swap3A_987 = arith.constant 61 : i32
    %swap3A_988 = arith.index_cast %swap3A_987 : i32 to index
    %swap3A_989 = arith.constant 32 : index
    %swap3A_990 = tpu.vector_load %arg9[%swap3A_988, %swap3A_989] {strides = array<i32>} : memref<64x64xf32, #tpu.memory_space<vmem>>, vector<16xf32>,
    tpu.vector_store %arg9[%swap3A_988, %swap3A_989], %broadcast_in_dim3A_1 {strides = array<i32>} : memref<64x64xf32, #tpu.memory_space<vmem>>, vector<16xf32>,
    %swap3A_991 = arith.constant 61 : i32
    %swap3A_992 = arith.index_cast %swap3A_991 : i32 to index
    %swap3A_993 = arith.constant 48 : index
    %swap3A_994 = tpu.vector_load %arg9[%swap3A_992, %swap3A_993] {strides = array<i32>} : memref<64x64xf32, #tpu.memory_space<vmem>>, vector<16xf32>,
    tpu.vector_store %arg9[%swap3A_992, %swap3A_993], %broadcast_in_dim3A_1 {strides = array<i32>} : memref<64x64xf32, #tpu.memory_space<vmem>>, vector<16xf32>,
    %swap3A_995 = arith.constant 62 : i32
    %swap3A_996 = arith.index_cast %swap3A_995 : i32 to index
    %swap3A_997 = arith.constant 0 : index
    %swap3A_998 = tpu.vector_load %arg9[%swap3A_996, %swap3A_997] {strides = array<i32>} : memref<64x64xf32, #tpu.memory_space<vmem>>, vector<16xf32>,
    tpu.vector_store %arg9[%swap3A_996, %swap3A_997], %broadcast_in_dim3A_1 {strides = array<i32>} : memref<64x64xf32, #tpu.memory_space<vmem>>, vector<16xf32>,
    %swap3A_999 = arith.constant 62 : i32
    %swap3A_1000 = arith.index_cast %swap3A_999 : i32 to index
    %swap3A_1001 = arith.constant 16 : index
    %swap3A_1002 = tpu.vector_load %arg9[%swap3A_1000, %swap3A_1001] {strides = array<i32>} : memref<64x64xf32, #tpu.memory_space<vmem>>, vector<16xf32>,
    tpu.vector_store %arg9[%swap3A_1000, %swap3A_1001], %broadcast_in_dim3A_1 {strides = array<i32>} : memref<64x64xf32, #tpu.memory_space<vmem>>, vector<16xf32>,
    %swap3A_1003 = arith.constant 62 : i32
    %swap3A_1004 = arith.index_cast %swap3A_1003 : i32 to index
    %swap3A_1005 = arith.constant 32 : index
    %swap3A_1006 = tpu.vector_load %arg9[%swap3A_1004, %swap3A_1005] {strides = array<i32>} : memref<64x64xf32, #tpu.memory_space<vmem>>, vector<16xf32>,
    tpu.vector_store %arg9[%swap3A_1004, %swap3A_1005], %broadcast_in_dim3A_1 {strides = array<i32>} : memref<64x64xf32, #tpu.memory_space<vmem>>, vector<16xf32>,
    %swap3A_1007 = arith.constant 62 : i32
    %swap3A_1008 = arith.index_cast %swap3A_1007 : i32 to index
    %swap3A_1009 = arith.constant 48 : index
    %swap3A_1010 = tpu.vector_load %arg9[%swap3A_1008, %swap3A_1009] {strides = array<i32>} : memref<64x64xf32, #tpu.memory_space<vmem>>, vector<16xf32>,
    tpu.vector_store %arg9[%swap3A_1008, %swap3A_1009], %broadcast_in_dim3A_1 {strides = array<i32>} : memref<64x64xf32, #tpu.memory_space<vmem>>, vector<16xf32>,
    %swap3A_1011 = arith.constant 63 : i32
    %swap3A_1012 = arith.index_cast %swap3A_1011 : i32 to index
    %swap3A_1013 = arith.constant 0 : index
    %swap3A_1014 = tpu.vector_load %arg9[%swap3A_1012, %swap3A_1013] {strides = array<i32>} : memref<64x64xf32, #tpu.memory_space<vmem>>, vector<16xf32>,
    tpu.vector_store %arg9[%swap3A_1012, %swap3A_1013], %broadcast_in_dim3A_1 {strides = array<i32>} : memref<64x64xf32, #tpu.memory_space<vmem>>, vector<16xf32>,
    %swap3A_1015 = arith.constant 63 : i32
    %swap3A_1016 = arith.index_cast %swap3A_1015 : i32 to index
    %swap3A_1017 = arith.constant 16 : index
    %swap3A_1018 = tpu.vector_load %arg9[%swap3A_1016, %swap3A_1017] {strides = array<i32>} : memref<64x64xf32, #tpu.memory_space<vmem>>, vector<16xf32>,
    tpu.vector_store %arg9[%swap3A_1016, %swap3A_1017], %broadcast_in_dim3A_1 {strides = array<i32>} : memref<64x64xf32, #tpu.memory_space<vmem>>, vector<16xf32>,
    %swap3A_1019 = arith.constant 63 : i32
    %swap3A_1020 = arith.index_cast %swap3A_1019 : i32 to index
    %swap3A_1021 = arith.constant 32 : index
    %swap3A_1022 = tpu.vector_load %arg9[%swap3A_1020, %swap3A_1021] {strides = array<i32>} : memref<64x64xf32, #tpu.memory_space<vmem>>, vector<16xf32>,
    tpu.vector_store %arg9[%swap3A_1020, %swap3A_1021], %broadcast_in_dim3A_1 {strides = array<i32>} : memref<64x64xf32, #tpu.memory_space<vmem>>, vector<16xf32>,
    %swap3A_1023 = arith.constant 63 : i32
    %swap3A_1024 = arith.index_cast %swap3A_1023 : i32 to index
    %swap3A_1025 = arith.constant 48 : index
    %swap3A_1026 = tpu.vector_load %arg9[%swap3A_1024, %swap3A_1025] {strides = array<i32>} : memref<64x64xf32, #tpu.memory_space<vmem>>, vector<16xf32>,
    tpu.vector_store %arg9[%swap3A_1024, %swap3A_1025], %broadcast_in_dim3A_1 {strides = array<i32>} : memref<64x64xf32, #tpu.memory_space<vmem>>, vector<16xf32>,
    %swap3A_1027 = arith.constant 0 : i32
    %swap3A_1028 = arith.index_cast %swap3A_1027 : i32 to index
    %swap3A_1029 = arith.constant 0 : index
    %swap3A_1030 = tpu.vector_load %arg8[%swap3A_1028, %swap3A_1029] {strides = array<i32>} : memref<128x16xf32, #tpu.memory_space<vmem>>, vector<16xf32>,
    tpu.vector_store %arg8[%swap3A_1028, %swap3A_1029], %broadcast_in_dim3A_3 {strides = array<i32>} : memref<128x16xf32, #tpu.memory_space<vmem>>, vector<16xf32>,
    %swap3A_1031 = arith.constant 1 : i32
    %swap3A_1032 = arith.index_cast %swap3A_1031 : i32 to index
    %swap3A_1033 = arith.constant 0 : index
    %swap3A_1034 = tpu.vector_load %arg8[%swap3A_1032, %swap3A_1033] {strides = array<i32>} : memref<128x16xf32, #tpu.memory_space<vmem>>, vector<16xf32>,
    tpu.vector_store %arg8[%swap3A_1032, %swap3A_1033], %broadcast_in_dim3A_3 {strides = array<i32>} : memref<128x16xf32, #tpu.memory_space<vmem>>, vector<16xf32>,
    %swap3A_1035 = arith.constant 2 : i32
    %swap3A_1036 = arith.index_cast %swap3A_1035 : i32 to index
    %swap3A_1037 = arith.constant 0 : index
    %swap3A_1038 = tpu.vector_load %arg8[%swap3A_1036, %swap3A_1037] {strides = array<i32>} : memref<128x16xf32, #tpu.memory_space<vmem>>, vector<16xf32>,
    tpu.vector_store %arg8[%swap3A_1036, %swap3A_1037], %broadcast_in_dim3A_3 {strides = array<i32>} : memref<128x16xf32, #tpu.memory_space<vmem>>, vector<16xf32>,
    %swap3A_1039 = arith.constant 3 : i32
    %swap3A_1040 = arith.index_cast %swap3A_1039 : i32 to index
    %swap3A_1041 = arith.constant 0 : index
    %swap3A_1042 = tpu.vector_load %arg8[%swap3A_1040, %swap3A_1041] {strides = array<i32>} : memref<128x16xf32, #tpu.memory_space<vmem>>, vector<16xf32>,
    tpu.vector_store %arg8[%swap3A_1040, %swap3A_1041], %broadcast_in_dim3A_3 {strides = array<i32>} : memref<128x16xf32, #tpu.memory_space<vmem>>, vector<16xf32>,
    %swap3A_1043 = arith.constant 4 : i32
    %swap3A_1044 = arith.index_cast %swap3A_1043 : i32 to index
    %swap3A_1045 = arith.constant 0 : index
    %swap3A_1046 = tpu.vector_load %arg8[%swap3A_1044, %swap3A_1045] {strides = array<i32>} : memref<128x16xf32, #tpu.memory_space<vmem>>, vector<16xf32>,
    tpu.vector_store %arg8[%swap3A_1044, %swap3A_1045], %broadcast_in_dim3A_3 {strides = array<i32>} : memref<128x16xf32, #tpu.memory_space<vmem>>, vector<16xf32>,
    %swap3A_1047 = arith.constant 5 : i32
    %swap3A_1048 = arith.index_cast %swap3A_1047 : i32 to index
    %swap3A_1049 = arith.constant 0 : index
    %swap3A_1050 = tpu.vector_load %arg8[%swap3A_1048, %swap3A_1049] {strides = array<i32>} : memref<128x16xf32, #tpu.memory_space<vmem>>, vector<16xf32>,
    tpu.vector_store %arg8[%swap3A_1048, %swap3A_1049], %broadcast_in_dim3A_3 {strides = array<i32>} : memref<128x16xf32, #tpu.memory_space<vmem>>, vector<16xf32>,
    %swap3A_1051 = arith.constant 6 : i32
    %swap3A_1052 = arith.index_cast %swap3A_1051 : i32 to index
    %swap3A_1053 = arith.constant 0 : index
    %swap3A_1054 = tpu.vector_load %arg8[%swap3A_1052, %swap3A_1053] {strides = array<i32>} : memref<128x16xf32, #tpu.memory_space<vmem>>, vector<16xf32>,
    tpu.vector_store %arg8[%swap3A_1052, %swap3A_1053], %broadcast_in_dim3A_3 {strides = array<i32>} : memref<128x16xf32, #tpu.memory_space<vmem>>, vector<16xf32>,
    %swap3A_1055 = arith.constant 7 : i32
    %swap3A_1056 = arith.index_cast %swap3A_1055 : i32 to index
    %swap3A_1057 = arith.constant 0 : index
    %swap3A_1058 = tpu.vector_load %arg8[%swap3A_1056, %swap3A_1057] {strides = array<i32>} : memref<128x16xf32, #tpu.memory_space<vmem>>, vector<16xf32>,
    tpu.vector_store %arg8[%swap3A_1056, %swap3A_1057], %broadcast_in_dim3A_3 {strides = array<i32>} : memref<128x16xf32, #tpu.memory_space<vmem>>, vector<16xf32>,
    %swap3A_1059 = arith.constant 8 : i32
    %swap3A_1060 = arith.index_cast %swap3A_1059 : i32 to index
    %swap3A_1061 = arith.constant 0 : index
    %swap3A_1062 = tpu.vector_load %arg8[%swap3A_1060, %swap3A_1061] {strides = array<i32>} : memref<128x16xf32, #tpu.memory_space<vmem>>, vector<16xf32>,
    tpu.vector_store %arg8[%swap3A_1060, %swap3A_1061], %broadcast_in_dim3A_3 {strides = array<i32>} : memref<128x16xf32, #tpu.memory_space<vmem>>, vector<16xf32>,
    %swap3A_1063 = arith.constant 9 : i32
    %swap3A_1064 = arith.index_cast %swap3A_1063 : i32 to index
    %swap3A_1065 = arith.constant 0 : index
    %swap3A_1066 = tpu.vector_load %arg8[%swap3A_1064, %swap3A_1065] {strides = array<i32>} : memref<128x16xf32, #tpu.memory_space<vmem>>, vector<16xf32>,
    tpu.vector_store %arg8[%swap3A_1064, %swap3A_1065], %broadcast_in_dim3A_3 {strides = array<i32>} : memref<128x16xf32, #tpu.memory_space<vmem>>, vector<16xf32>,
    %swap3A_1067 = arith.constant 10 : i32
    %swap3A_1068 = arith.index_cast %swap3A_1067 : i32 to index
    %swap3A_1069 = arith.constant 0 : index
    %swap3A_1070 = tpu.vector_load %arg8[%swap3A_1068, %swap3A_1069] {strides = array<i32>} : memref<128x16xf32, #tpu.memory_space<vmem>>, vector<16xf32>,
    tpu.vector_store %arg8[%swap3A_1068, %swap3A_1069], %broadcast_in_dim3A_3 {strides = array<i32>} : memref<128x16xf32, #tpu.memory_space<vmem>>, vector<16xf32>,
    %swap3A_1071 = arith.constant 11 : i32
    %swap3A_1072 = arith.index_cast %swap3A_1071 : i32 to index
    %swap3A_1073 = arith.constant 0 : index
    %swap3A_1074 = tpu.vector_load %arg8[%swap3A_1072, %swap3A_1073] {strides = array<i32>} : memref<128x16xf32, #tpu.memory_space<vmem>>, vector<16xf32>,
    tpu.vector_store %arg8[%swap3A_1072, %swap3A_1073], %broadcast_in_dim3A_3 {strides = array<i32>} : memref<128x16xf32, #tpu.memory_space<vmem>>, vector<16xf32>,
    %swap3A_1075 = arith.constant 12 : i32
    %swap3A_1076 = arith.index_cast %swap3A_1075 : i32 to index
    %swap3A_1077 = arith.constant 0 : index
    %swap3A_1078 = tpu.vector_load %arg8[%swap3A_1076, %swap3A_1077] {strides = array<i32>} : memref<128x16xf32, #tpu.memory_space<vmem>>, vector<16xf32>,
    tpu.vector_store %arg8[%swap3A_1076, %swap3A_1077], %broadcast_in_dim3A_3 {strides = array<i32>} : memref<128x16xf32, #tpu.memory_space<vmem>>, vector<16xf32>,
    %swap3A_1079 = arith.constant 13 : i32
    %swap3A_1080 = arith.index_cast %swap3A_1079 : i32 to index
    %swap3A_1081 = arith.constant 0 : index
    %swap3A_1082 = tpu.vector_load %arg8[%swap3A_1080, %swap3A_1081] {strides = array<i32>} : memref<128x16xf32, #tpu.memory_space<vmem>>, vector<16xf32>,
    tpu.vector_store %arg8[%swap3A_1080, %swap3A_1081], %broadcast_in_dim3A_3 {strides = array<i32>} : memref<128x16xf32, #tpu.memory_space<vmem>>, vector<16xf32>,
    %swap3A_1083 = arith.constant 14 : i32
    %swap3A_1084 = arith.index_cast %swap3A_1083 : i32 to index
    %swap3A_1085 = arith.constant 0 : index
    %swap3A_1086 = tpu.vector_load %arg8[%swap3A_1084, %swap3A_1085] {strides = array<i32>} : memref<128x16xf32, #tpu.memory_space<vmem>>, vector<16xf32>,
    tpu.vector_store %arg8[%swap3A_1084, %swap3A_1085], %broadcast_in_dim3A_3 {strides = array<i32>} : memref<128x16xf32, #tpu.memory_space<vmem>>, vector<16xf32>,
    %swap3A_1087 = arith.constant 15 : i32
    %swap3A_1088 = arith.index_cast %swap3A_1087 : i32 to index
    %swap3A_1089 = arith.constant 0 : index
    %swap3A_1090 = tpu.vector_load %arg8[%swap3A_1088, %swap3A_1089] {strides = array<i32>} : memref<128x16xf32, #tpu.memory_space<vmem>>, vector<16xf32>,
    tpu.vector_store %arg8[%swap3A_1088, %swap3A_1089], %broadcast_in_dim3A_3 {strides = array<i32>} : memref<128x16xf32, #tpu.memory_space<vmem>>, vector<16xf32>,
    %swap3A_1091 = arith.constant 16 : i32
    %swap3A_1092 = arith.index_cast %swap3A_1091 : i32 to index
    %swap3A_1093 = arith.constant 0 : index
    %swap3A_1094 = tpu.vector_load %arg8[%swap3A_1092, %swap3A_1093] {strides = array<i32>} : memref<128x16xf32, #tpu.memory_space<vmem>>, vector<16xf32>,
    tpu.vector_store %arg8[%swap3A_1092, %swap3A_1093], %broadcast_in_dim3A_3 {strides = array<i32>} : memref<128x16xf32, #tpu.memory_space<vmem>>, vector<16xf32>,
    %swap3A_1095 = arith.constant 17 : i32
    %swap3A_1096 = arith.index_cast %swap3A_1095 : i32 to index
    %swap3A_1097 = arith.constant 0 : index
    %swap3A_1098 = tpu.vector_load %arg8[%swap3A_1096, %swap3A_1097] {strides = array<i32>} : memref<128x16xf32, #tpu.memory_space<vmem>>, vector<16xf32>,
    tpu.vector_store %arg8[%swap3A_1096, %swap3A_1097], %broadcast_in_dim3A_3 {strides = array<i32>} : memref<128x16xf32, #tpu.memory_space<vmem>>, vector<16xf32>,
    %swap3A_1099 = arith.constant 18 : i32
    %swap3A_1100 = arith.index_cast %swap3A_1099 : i32 to index
    %swap3A_1101 = arith.constant 0 : index
    %swap3A_1102 = tpu.vector_load %arg8[%swap3A_1100, %swap3A_1101] {strides = array<i32>} : memref<128x16xf32, #tpu.memory_space<vmem>>, vector<16xf32>,
    tpu.vector_store %arg8[%swap3A_1100, %swap3A_1101], %broadcast_in_dim3A_3 {strides = array<i32>} : memref<128x16xf32, #tpu.memory_space<vmem>>, vector<16xf32>,
    %swap3A_1103 = arith.constant 19 : i32
    %swap3A_1104 = arith.index_cast %swap3A_1103 : i32 to index
    %swap3A_1105 = arith.constant 0 : index
    %swap3A_1106 = tpu.vector_load %arg8[%swap3A_1104, %swap3A_1105] {strides = array<i32>} : memref<128x16xf32, #tpu.memory_space<vmem>>, vector<16xf32>,
    tpu.vector_store %arg8[%swap3A_1104, %swap3A_1105], %broadcast_in_dim3A_3 {strides = array<i32>} : memref<128x16xf32, #tpu.memory_space<vmem>>, vector<16xf32>,
    %swap3A_1107 = arith.constant 20 : i32
    %swap3A_1108 = arith.index_cast %swap3A_1107 : i32 to index
    %swap3A_1109 = arith.constant 0 : index
    %swap3A_1110 = tpu.vector_load %arg8[%swap3A_1108, %swap3A_1109] {strides = array<i32>} : memref<128x16xf32, #tpu.memory_space<vmem>>, vector<16xf32>,
    tpu.vector_store %arg8[%swap3A_1108, %swap3A_1109], %broadcast_in_dim3A_3 {strides = array<i32>} : memref<128x16xf32, #tpu.memory_space<vmem>>, vector<16xf32>,
    %swap3A_1111 = arith.constant 21 : i32
    %swap3A_1112 = arith.index_cast %swap3A_1111 : i32 to index
    %swap3A_1113 = arith.constant 0 : index
    %swap3A_1114 = tpu.vector_load %arg8[%swap3A_1112, %swap3A_1113] {strides = array<i32>} : memref<128x16xf32, #tpu.memory_space<vmem>>, vector<16xf32>,
    tpu.vector_store %arg8[%swap3A_1112, %swap3A_1113], %broadcast_in_dim3A_3 {strides = array<i32>} : memref<128x16xf32, #tpu.memory_space<vmem>>, vector<16xf32>,
    %swap3A_1115 = arith.constant 22 : i32
    %swap3A_1116 = arith.index_cast %swap3A_1115 : i32 to index
    %swap3A_1117 = arith.constant 0 : index
    %swap3A_1118 = tpu.vector_load %arg8[%swap3A_1116, %swap3A_1117] {strides = array<i32>} : memref<128x16xf32, #tpu.memory_space<vmem>>, vector<16xf32>,
    tpu.vector_store %arg8[%swap3A_1116, %swap3A_1117], %broadcast_in_dim3A_3 {strides = array<i32>} : memref<128x16xf32, #tpu.memory_space<vmem>>, vector<16xf32>,
    %swap3A_1119 = arith.constant 23 : i32
    %swap3A_1120 = arith.index_cast %swap3A_1119 : i32 to index
    %swap3A_1121 = arith.constant 0 : index
    %swap3A_1122 = tpu.vector_load %arg8[%swap3A_1120, %swap3A_1121] {strides = array<i32>} : memref<128x16xf32, #tpu.memory_space<vmem>>, vector<16xf32>,
    tpu.vector_store %arg8[%swap3A_1120, %swap3A_1121], %broadcast_in_dim3A_3 {strides = array<i32>} : memref<128x16xf32, #tpu.memory_space<vmem>>, vector<16xf32>,
    %swap3A_1123 = arith.constant 24 : i32
    %swap3A_1124 = arith.index_cast %swap3A_1123 : i32 to index
    %swap3A_1125 = arith.constant 0 : index
    %swap3A_1126 = tpu.vector_load %arg8[%swap3A_1124, %swap3A_1125] {strides = array<i32>} : memref<128x16xf32, #tpu.memory_space<vmem>>, vector<16xf32>,
    tpu.vector_store %arg8[%swap3A_1124, %swap3A_1125], %broadcast_in_dim3A_3 {strides = array<i32>} : memref<128x16xf32, #tpu.memory_space<vmem>>, vector<16xf32>,
    %swap3A_1127 = arith.constant 25 : i32
    %swap3A_1128 = arith.index_cast %swap3A_1127 : i32 to index
    %swap3A_1129 = arith.constant 0 : index
    %swap3A_1130 = tpu.vector_load %arg8[%swap3A_1128, %swap3A_1129] {strides = array<i32>} : memref<128x16xf32, #tpu.memory_space<vmem>>, vector<16xf32>,
    tpu.vector_store %arg8[%swap3A_1128, %swap3A_1129], %broadcast_in_dim3A_3 {strides = array<i32>} : memref<128x16xf32, #tpu.memory_space<vmem>>, vector<16xf32>,
    %swap3A_1131 = arith.constant 26 : i32
    %swap3A_1132 = arith.index_cast %swap3A_1131 : i32 to index
    %swap3A_1133 = arith.constant 0 : index
    %swap3A_1134 = tpu.vector_load %arg8[%swap3A_1132, %swap3A_1133] {strides = array<i32>} : memref<128x16xf32, #tpu.memory_space<vmem>>, vector<16xf32>,
    tpu.vector_store %arg8[%swap3A_1132, %swap3A_1133], %broadcast_in_dim3A_3 {strides = array<i32>} : memref<128x16xf32, #tpu.memory_space<vmem>>, vector<16xf32>,
    %swap3A_1135 = arith.constant 27 : i32
    %swap3A_1136 = arith.index_cast %swap3A_1135 : i32 to index
    %swap3A_1137 = arith.constant 0 : index
    %swap3A_1138 = tpu.vector_load %arg8[%swap3A_1136, %swap3A_1137] {strides = array<i32>} : memref<128x16xf32, #tpu.memory_space<vmem>>, vector<16xf32>,
    tpu.vector_store %arg8[%swap3A_1136, %swap3A_1137], %broadcast_in_dim3A_3 {strides = array<i32>} : memref<128x16xf32, #tpu.memory_space<vmem>>, vector<16xf32>,
    %swap3A_1139 = arith.constant 28 : i32
    %swap3A_1140 = arith.index_cast %swap3A_1139 : i32 to index
    %swap3A_1141 = arith.constant 0 : index
    %swap3A_1142 = tpu.vector_load %arg8[%swap3A_1140, %swap3A_1141] {strides = array<i32>} : memref<128x16xf32, #tpu.memory_space<vmem>>, vector<16xf32>,
    tpu.vector_store %arg8[%swap3A_1140, %swap3A_1141], %broadcast_in_dim3A_3 {strides = array<i32>} : memref<128x16xf32, #tpu.memory_space<vmem>>, vector<16xf32>,
    %swap3A_1143 = arith.constant 29 : i32
    %swap3A_1144 = arith.index_cast %swap3A_1143 : i32 to index
    %swap3A_1145 = arith.constant 0 : index
    %swap3A_1146 = tpu.vector_load %arg8[%swap3A_1144, %swap3A_1145] {strides = array<i32>} : memref<128x16xf32, #tpu.memory_space<vmem>>, vector<16xf32>,
    tpu.vector_store %arg8[%swap3A_1144, %swap3A_1145], %broadcast_in_dim3A_3 {strides = array<i32>} : memref<128x16xf32, #tpu.memory_space<vmem>>, vector<16xf32>,
    %swap3A_1147 = arith.constant 30 : i32
    %swap3A_1148 = arith.index_cast %swap3A_1147 : i32 to index
    %swap3A_1149 = arith.constant 0 : index
    %swap3A_1150 = tpu.vector_load %arg8[%swap3A_1148, %swap3A_1149] {strides = array<i32>} : memref<128x16xf32, #tpu.memory_space<vmem>>, vector<16xf32>,
    tpu.vector_store %arg8[%swap3A_1148, %swap3A_1149], %broadcast_in_dim3A_3 {strides = array<i32>} : memref<128x16xf32, #tpu.memory_space<vmem>>, vector<16xf32>,
    %swap3A_1151 = arith.constant 31 : i32
    %swap3A_1152 = arith.index_cast %swap3A_1151 : i32 to index
    %swap3A_1153 = arith.constant 0 : index
    %swap3A_1154 = tpu.vector_load %arg8[%swap3A_1152, %swap3A_1153] {strides = array<i32>} : memref<128x16xf32, #tpu.memory_space<vmem>>, vector<16xf32>,
    tpu.vector_store %arg8[%swap3A_1152, %swap3A_1153], %broadcast_in_dim3A_3 {strides = array<i32>} : memref<128x16xf32, #tpu.memory_space<vmem>>, vector<16xf32>,
    %swap3A_1155 = arith.constant 32 : i32
    %swap3A_1156 = arith.index_cast %swap3A_1155 : i32 to index
    %swap3A_1157 = arith.constant 0 : index
    %swap3A_1158 = tpu.vector_load %arg8[%swap3A_1156, %swap3A_1157] {strides = array<i32>} : memref<128x16xf32, #tpu.memory_space<vmem>>, vector<16xf32>,
    tpu.vector_store %arg8[%swap3A_1156, %swap3A_1157], %broadcast_in_dim3A_3 {strides = array<i32>} : memref<128x16xf32, #tpu.memory_space<vmem>>, vector<16xf32>,
    %swap3A_1159 = arith.constant 33 : i32
    %swap3A_1160 = arith.index_cast %swap3A_1159 : i32 to index
    %swap3A_1161 = arith.constant 0 : index
    %swap3A_1162 = tpu.vector_load %arg8[%swap3A_1160, %swap3A_1161] {strides = array<i32>} : memref<128x16xf32, #tpu.memory_space<vmem>>, vector<16xf32>,
    tpu.vector_store %arg8[%swap3A_1160, %swap3A_1161], %broadcast_in_dim3A_3 {strides = array<i32>} : memref<128x16xf32, #tpu.memory_space<vmem>>, vector<16xf32>,
    %swap3A_1163 = arith.constant 34 : i32
    %swap3A_1164 = arith.index_cast %swap3A_1163 : i32 to index
    %swap3A_1165 = arith.constant 0 : index
    %swap3A_1166 = tpu.vector_load %arg8[%swap3A_1164, %swap3A_1165] {strides = array<i32>} : memref<128x16xf32, #tpu.memory_space<vmem>>, vector<16xf32>,
    tpu.vector_store %arg8[%swap3A_1164, %swap3A_1165], %broadcast_in_dim3A_3 {strides = array<i32>} : memref<128x16xf32, #tpu.memory_space<vmem>>, vector<16xf32>,
    %swap3A_1167 = arith.constant 35 : i32
    %swap3A_1168 = arith.index_cast %swap3A_1167 : i32 to index
    %swap3A_1169 = arith.constant 0 : index
    %swap3A_1170 = tpu.vector_load %arg8[%swap3A_1168, %swap3A_1169] {strides = array<i32>} : memref<128x16xf32, #tpu.memory_space<vmem>>, vector<16xf32>,
    tpu.vector_store %arg8[%swap3A_1168, %swap3A_1169], %broadcast_in_dim3A_3 {strides = array<i32>} : memref<128x16xf32, #tpu.memory_space<vmem>>, vector<16xf32>,
    %swap3A_1171 = arith.constant 36 : i32
    %swap3A_1172 = arith.index_cast %swap3A_1171 : i32 to index
    %swap3A_1173 = arith.constant 0 : index
    %swap3A_1174 = tpu.vector_load %arg8[%swap3A_1172, %swap3A_1173] {strides = array<i32>} : memref<128x16xf32, #tpu.memory_space<vmem>>, vector<16xf32>,
    tpu.vector_store %arg8[%swap3A_1172, %swap3A_1173], %broadcast_in_dim3A_3 {strides = array<i32>} : memref<128x16xf32, #tpu.memory_space<vmem>>, vector<16xf32>,
    %swap3A_1175 = arith.constant 37 : i32
    %swap3A_1176 = arith.index_cast %swap3A_1175 : i32 to index
    %swap3A_1177 = arith.constant 0 : index
    %swap3A_1178 = tpu.vector_load %arg8[%swap3A_1176, %swap3A_1177] {strides = array<i32>} : memref<128x16xf32, #tpu.memory_space<vmem>>, vector<16xf32>,
    tpu.vector_store %arg8[%swap3A_1176, %swap3A_1177], %broadcast_in_dim3A_3 {strides = array<i32>} : memref<128x16xf32, #tpu.memory_space<vmem>>, vector<16xf32>,
    %swap3A_1179 = arith.constant 38 : i32
    %swap3A_1180 = arith.index_cast %swap3A_1179 : i32 to index
    %swap3A_1181 = arith.constant 0 : index
    %swap3A_1182 = tpu.vector_load %arg8[%swap3A_1180, %swap3A_1181] {strides = array<i32>} : memref<128x16xf32, #tpu.memory_space<vmem>>, vector<16xf32>,
    tpu.vector_store %arg8[%swap3A_1180, %swap3A_1181], %broadcast_in_dim3A_3 {strides = array<i32>} : memref<128x16xf32, #tpu.memory_space<vmem>>, vector<16xf32>,
    %swap3A_1183 = arith.constant 39 : i32
    %swap3A_1184 = arith.index_cast %swap3A_1183 : i32 to index
    %swap3A_1185 = arith.constant 0 : index
    %swap3A_1186 = tpu.vector_load %arg8[%swap3A_1184, %swap3A_1185] {strides = array<i32>} : memref<128x16xf32, #tpu.memory_space<vmem>>, vector<16xf32>,
    tpu.vector_store %arg8[%swap3A_1184, %swap3A_1185], %broadcast_in_dim3A_3 {strides = array<i32>} : memref<128x16xf32, #tpu.memory_space<vmem>>, vector<16xf32>,
    %swap3A_1187 = arith.constant 40 : i32
    %swap3A_1188 = arith.index_cast %swap3A_1187 : i32 to index
    %swap3A_1189 = arith.constant 0 : index
    %swap3A_1190 = tpu.vector_load %arg8[%swap3A_1188, %swap3A_1189] {strides = array<i32>} : memref<128x16xf32, #tpu.memory_space<vmem>>, vector<16xf32>,
    tpu.vector_store %arg8[%swap3A_1188, %swap3A_1189], %broadcast_in_dim3A_3 {strides = array<i32>} : memref<128x16xf32, #tpu.memory_space<vmem>>, vector<16xf32>,
    %swap3A_1191 = arith.constant 41 : i32
    %swap3A_1192 = arith.index_cast %swap3A_1191 : i32 to index
    %swap3A_1193 = arith.constant 0 : index
    %swap3A_1194 = tpu.vector_load %arg8[%swap3A_1192, %swap3A_1193] {strides = array<i32>} : memref<128x16xf32, #tpu.memory_space<vmem>>, vector<16xf32>,
    tpu.vector_store %arg8[%swap3A_1192, %swap3A_1193], %broadcast_in_dim3A_3 {strides = array<i32>} : memref<128x16xf32, #tpu.memory_space<vmem>>, vector<16xf32>,
    %swap3A_1195 = arith.constant 42 : i32
    %swap3A_1196 = arith.index_cast %swap3A_1195 : i32 to index
    %swap3A_1197 = arith.constant 0 : index
    %swap3A_1198 = tpu.vector_load %arg8[%swap3A_1196, %swap3A_1197] {strides = array<i32>} : memref<128x16xf32, #tpu.memory_space<vmem>>, vector<16xf32>,
    tpu.vector_store %arg8[%swap3A_1196, %swap3A_1197], %broadcast_in_dim3A_3 {strides = array<i32>} : memref<128x16xf32, #tpu.memory_space<vmem>>, vector<16xf32>,
    %swap3A_1199 = arith.constant 43 : i32
    %swap3A_1200 = arith.index_cast %swap3A_1199 : i32 to index
    %swap3A_1201 = arith.constant 0 : index
    %swap3A_1202 = tpu.vector_load %arg8[%swap3A_1200, %swap3A_1201] {strides = array<i32>} : memref<128x16xf32, #tpu.memory_space<vmem>>, vector<16xf32>,
    tpu.vector_store %arg8[%swap3A_1200, %swap3A_1201], %broadcast_in_dim3A_3 {strides = array<i32>} : memref<128x16xf32, #tpu.memory_space<vmem>>, vector<16xf32>,
    %swap3A_1203 = arith.constant 44 : i32
    %swap3A_1204 = arith.index_cast %swap3A_1203 : i32 to index
    %swap3A_1205 = arith.constant 0 : index
    %swap3A_1206 = tpu.vector_load %arg8[%swap3A_1204, %swap3A_1205] {strides = array<i32>} : memref<128x16xf32, #tpu.memory_space<vmem>>, vector<16xf32>,
    tpu.vector_store %arg8[%swap3A_1204, %swap3A_1205], %broadcast_in_dim3A_3 {strides = array<i32>} : memref<128x16xf32, #tpu.memory_space<vmem>>, vector<16xf32>,
    %swap3A_1207 = arith.constant 45 : i32
    %swap3A_1208 = arith.index_cast %swap3A_1207 : i32 to index
    %swap3A_1209 = arith.constant 0 : index
    %swap3A_1210 = tpu.vector_load %arg8[%swap3A_1208, %swap3A_1209] {strides = array<i32>} : memref<128x16xf32, #tpu.memory_space<vmem>>, vector<16xf32>,
    tpu.vector_store %arg8[%swap3A_1208, %swap3A_1209], %broadcast_in_dim3A_3 {strides = array<i32>} : memref<128x16xf32, #tpu.memory_space<vmem>>, vector<16xf32>,
    %swap3A_1211 = arith.constant 46 : i32
    %swap3A_1212 = arith.index_cast %swap3A_1211 : i32 to index
    %swap3A_1213 = arith.constant 0 : index
    %swap3A_1214 = tpu.vector_load %arg8[%swap3A_1212, %swap3A_1213] {strides = array<i32>} : memref<128x16xf32, #tpu.memory_space<vmem>>, vector<16xf32>,
    tpu.vector_store %arg8[%swap3A_1212, %swap3A_1213], %broadcast_in_dim3A_3 {strides = array<i32>} : memref<128x16xf32, #tpu.memory_space<vmem>>, vector<16xf32>,
    %swap3A_1215 = arith.constant 47 : i32
    %swap3A_1216 = arith.index_cast %swap3A_1215 : i32 to index
    %swap3A_1217 = arith.constant 0 : index
    %swap3A_1218 = tpu.vector_load %arg8[%swap3A_1216, %swap3A_1217] {strides = array<i32>} : memref<128x16xf32, #tpu.memory_space<vmem>>, vector<16xf32>,
    tpu.vector_store %arg8[%swap3A_1216, %swap3A_1217], %broadcast_in_dim3A_3 {strides = array<i32>} : memref<128x16xf32, #tpu.memory_space<vmem>>, vector<16xf32>,
    %swap3A_1219 = arith.constant 48 : i32
    %swap3A_1220 = arith.index_cast %swap3A_1219 : i32 to index
    %swap3A_1221 = arith.constant 0 : index
    %swap3A_1222 = tpu.vector_load %arg8[%swap3A_1220, %swap3A_1221] {strides = array<i32>} : memref<128x16xf32, #tpu.memory_space<vmem>>, vector<16xf32>,
    tpu.vector_store %arg8[%swap3A_1220, %swap3A_1221], %broadcast_in_dim3A_3 {strides = array<i32>} : memref<128x16xf32, #tpu.memory_space<vmem>>, vector<16xf32>,
    %swap3A_1223 = arith.constant 49 : i32
    %swap3A_1224 = arith.index_cast %swap3A_1223 : i32 to index
    %swap3A_1225 = arith.constant 0 : index
    %swap3A_1226 = tpu.vector_load %arg8[%swap3A_1224, %swap3A_1225] {strides = array<i32>} : memref<128x16xf32, #tpu.memory_space<vmem>>, vector<16xf32>,
    tpu.vector_store %arg8[%swap3A_1224, %swap3A_1225], %broadcast_in_dim3A_3 {strides = array<i32>} : memref<128x16xf32, #tpu.memory_space<vmem>>, vector<16xf32>,
    %swap3A_1227 = arith.constant 50 : i32
    %swap3A_1228 = arith.index_cast %swap3A_1227 : i32 to index
    %swap3A_1229 = arith.constant 0 : index
    %swap3A_1230 = tpu.vector_load %arg8[%swap3A_1228, %swap3A_1229] {strides = array<i32>} : memref<128x16xf32, #tpu.memory_space<vmem>>, vector<16xf32>,
    tpu.vector_store %arg8[%swap3A_1228, %swap3A_1229], %broadcast_in_dim3A_3 {strides = array<i32>} : memref<128x16xf32, #tpu.memory_space<vmem>>, vector<16xf32>,
    %swap3A_1231 = arith.constant 51 : i32
    %swap3A_1232 = arith.index_cast %swap3A_1231 : i32 to index
    %swap3A_1233 = arith.constant 0 : index
    %swap3A_1234 = tpu.vector_load %arg8[%swap3A_1232, %swap3A_1233] {strides = array<i32>} : memref<128x16xf32, #tpu.memory_space<vmem>>, vector<16xf32>,
    tpu.vector_store %arg8[%swap3A_1232, %swap3A_1233], %broadcast_in_dim3A_3 {strides = array<i32>} : memref<128x16xf32, #tpu.memory_space<vmem>>, vector<16xf32>,
    %swap3A_1235 = arith.constant 52 : i32
    %swap3A_1236 = arith.index_cast %swap3A_1235 : i32 to index
    %swap3A_1237 = arith.constant 0 : index
    %swap3A_1238 = tpu.vector_load %arg8[%swap3A_1236, %swap3A_1237] {strides = array<i32>} : memref<128x16xf32, #tpu.memory_space<vmem>>, vector<16xf32>,
    tpu.vector_store %arg8[%swap3A_1236, %swap3A_1237], %broadcast_in_dim3A_3 {strides = array<i32>} : memref<128x16xf32, #tpu.memory_space<vmem>>, vector<16xf32>,
    %swap3A_1239 = arith.constant 53 : i32
    %swap3A_1240 = arith.index_cast %swap3A_1239 : i32 to index
    %swap3A_1241 = arith.constant 0 : index
    %swap3A_1242 = tpu.vector_load %arg8[%swap3A_1240, %swap3A_1241] {strides = array<i32>} : memref<128x16xf32, #tpu.memory_space<vmem>>, vector<16xf32>,
    tpu.vector_store %arg8[%swap3A_1240, %swap3A_1241], %broadcast_in_dim3A_3 {strides = array<i32>} : memref<128x16xf32, #tpu.memory_space<vmem>>, vector<16xf32>,
    %swap3A_1243 = arith.constant 54 : i32
    %swap3A_1244 = arith.index_cast %swap3A_1243 : i32 to index
    %swap3A_1245 = arith.constant 0 : index
    %swap3A_1246 = tpu.vector_load %arg8[%swap3A_1244, %swap3A_1245] {strides = array<i32>} : memref<128x16xf32, #tpu.memory_space<vmem>>, vector<16xf32>,
    tpu.vector_store %arg8[%swap3A_1244, %swap3A_1245], %broadcast_in_dim3A_3 {strides = array<i32>} : memref<128x16xf32, #tpu.memory_space<vmem>>, vector<16xf32>,
    %swap3A_1247 = arith.constant 55 : i32
    %swap3A_1248 = arith.index_cast %swap3A_1247 : i32 to index
    %swap3A_1249 = arith.constant 0 : index
    %swap3A_1250 = tpu.vector_load %arg8[%swap3A_1248, %swap3A_1249] {strides = array<i32>} : memref<128x16xf32, #tpu.memory_space<vmem>>, vector<16xf32>,
    tpu.vector_store %arg8[%swap3A_1248, %swap3A_1249], %broadcast_in_dim3A_3 {strides = array<i32>} : memref<128x16xf32, #tpu.memory_space<vmem>>, vector<16xf32>,
    %swap3A_1251 = arith.constant 56 : i32
    %swap3A_1252 = arith.index_cast %swap3A_1251 : i32 to index
    %swap3A_1253 = arith.constant 0 : index
    %swap3A_1254 = tpu.vector_load %arg8[%swap3A_1252, %swap3A_1253] {strides = array<i32>} : memref<128x16xf32, #tpu.memory_space<vmem>>, vector<16xf32>,
    tpu.vector_store %arg8[%swap3A_1252, %swap3A_1253], %broadcast_in_dim3A_3 {strides = array<i32>} : memref<128x16xf32, #tpu.memory_space<vmem>>, vector<16xf32>,
    %swap3A_1255 = arith.constant 57 : i32
    %swap3A_1256 = arith.index_cast %swap3A_1255 : i32 to index
    %swap3A_1257 = arith.constant 0 : index
    %swap3A_1258 = tpu.vector_load %arg8[%swap3A_1256, %swap3A_1257] {strides = array<i32>} : memref<128x16xf32, #tpu.memory_space<vmem>>, vector<16xf32>,
    tpu.vector_store %arg8[%swap3A_1256, %swap3A_1257], %broadcast_in_dim3A_3 {strides = array<i32>} : memref<128x16xf32, #tpu.memory_space<vmem>>, vector<16xf32>,
    %swap3A_1259 = arith.constant 58 : i32
    %swap3A_1260 = arith.index_cast %swap3A_1259 : i32 to index
    %swap3A_1261 = arith.constant 0 : index
    %swap3A_1262 = tpu.vector_load %arg8[%swap3A_1260, %swap3A_1261] {strides = array<i32>} : memref<128x16xf32, #tpu.memory_space<vmem>>, vector<16xf32>,
    tpu.vector_store %arg8[%swap3A_1260, %swap3A_1261], %broadcast_in_dim3A_3 {strides = array<i32>} : memref<128x16xf32, #tpu.memory_space<vmem>>, vector<16xf32>,
    %swap3A_1263 = arith.constant 59 : i32
    %swap3A_1264 = arith.index_cast %swap3A_1263 : i32 to index
    %swap3A_1265 = arith.constant 0 : index
    %swap3A_1266 = tpu.vector_load %arg8[%swap3A_1264, %swap3A_1265] {strides = array<i32>} : memref<128x16xf32, #tpu.memory_space<vmem>>, vector<16xf32>,
    tpu.vector_store %arg8[%swap3A_1264, %swap3A_1265], %broadcast_in_dim3A_3 {strides = array<i32>} : memref<128x16xf32, #tpu.memory_space<vmem>>, vector<16xf32>,
    %swap3A_1267 = arith.constant 60 : i32
    %swap3A_1268 = arith.index_cast %swap3A_1267 : i32 to index
    %swap3A_1269 = arith.constant 0 : index
    %swap3A_1270 = tpu.vector_load %arg8[%swap3A_1268, %swap3A_1269] {strides = array<i32>} : memref<128x16xf32, #tpu.memory_space<vmem>>, vector<16xf32>,
    tpu.vector_store %arg8[%swap3A_1268, %swap3A_1269], %broadcast_in_dim3A_3 {strides = array<i32>} : memref<128x16xf32, #tpu.memory_space<vmem>>, vector<16xf32>,
    %swap3A_1271 = arith.constant 61 : i32
    %swap3A_1272 = arith.index_cast %swap3A_1271 : i32 to index
    %swap3A_1273 = arith.constant 0 : index
    %swap3A_1274 = tpu.vector_load %arg8[%swap3A_1272, %swap3A_1273] {strides = array<i32>} : memref<128x16xf32, #tpu.memory_space<vmem>>, vector<16xf32>,
    tpu.vector_store %arg8[%swap3A_1272, %swap3A_1273], %broadcast_in_dim3A_3 {strides = array<i32>} : memref<128x16xf32, #tpu.memory_space<vmem>>, vector<16xf32>,
    %swap3A_1275 = arith.constant 62 : i32
    %swap3A_1276 = arith.index_cast %swap3A_1275 : i32 to index
    %swap3A_1277 = arith.constant 0 : index
    %swap3A_1278 = tpu.vector_load %arg8[%swap3A_1276, %swap3A_1277] {strides = array<i32>} : memref<128x16xf32, #tpu.memory_space<vmem>>, vector<16xf32>,
    tpu.vector_store %arg8[%swap3A_1276, %swap3A_1277], %broadcast_in_dim3A_3 {strides = array<i32>} : memref<128x16xf32, #tpu.memory_space<vmem>>, vector<16xf32>,
    %swap3A_1279 = arith.constant 63 : i32
    %swap3A_1280 = arith.index_cast %swap3A_1279 : i32 to index
    %swap3A_1281 = arith.constant 0 : index
    %swap3A_1282 = tpu.vector_load %arg8[%swap3A_1280, %swap3A_1281] {strides = array<i32>} : memref<128x16xf32, #tpu.memory_space<vmem>>, vector<16xf32>,
    tpu.vector_store %arg8[%swap3A_1280, %swap3A_1281], %broadcast_in_dim3A_3 {strides = array<i32>} : memref<128x16xf32, #tpu.memory_space<vmem>>, vector<16xf32>,
    %swap3A_1283 = arith.constant 64 : i32
    %swap3A_1284 = arith.index_cast %swap3A_1283 : i32 to index
    %swap3A_1285 = arith.constant 0 : index
    %swap3A_1286 = tpu.vector_load %arg8[%swap3A_1284, %swap3A_1285] {strides = array<i32>} : memref<128x16xf32, #tpu.memory_space<vmem>>, vector<16xf32>,
    tpu.vector_store %arg8[%swap3A_1284, %swap3A_1285], %broadcast_in_dim3A_3 {strides = array<i32>} : memref<128x16xf32, #tpu.memory_space<vmem>>, vector<16xf32>,
    %swap3A_1287 = arith.constant 65 : i32
    %swap3A_1288 = arith.index_cast %swap3A_1287 : i32 to index
    %swap3A_1289 = arith.constant 0 : index
    %swap3A_1290 = tpu.vector_load %arg8[%swap3A_1288, %swap3A_1289] {strides = array<i32>} : memref<128x16xf32, #tpu.memory_space<vmem>>, vector<16xf32>,
    tpu.vector_store %arg8[%swap3A_1288, %swap3A_1289], %broadcast_in_dim3A_3 {strides = array<i32>} : memref<128x16xf32, #tpu.memory_space<vmem>>, vector<16xf32>,
    %swap3A_1291 = arith.constant 66 : i32
    %swap3A_1292 = arith.index_cast %swap3A_1291 : i32 to index
    %swap3A_1293 = arith.constant 0 : index
    %swap3A_1294 = tpu.vector_load %arg8[%swap3A_1292, %swap3A_1293] {strides = array<i32>} : memref<128x16xf32, #tpu.memory_space<vmem>>, vector<16xf32>,
    tpu.vector_store %arg8[%swap3A_1292, %swap3A_1293], %broadcast_in_dim3A_3 {strides = array<i32>} : memref<128x16xf32, #tpu.memory_space<vmem>>, vector<16xf32>,
    %swap3A_1295 = arith.constant 67 : i32
    %swap3A_1296 = arith.index_cast %swap3A_1295 : i32 to index
    %swap3A_1297 = arith.constant 0 : index
    %swap3A_1298 = tpu.vector_load %arg8[%swap3A_1296, %swap3A_1297] {strides = array<i32>} : memref<128x16xf32, #tpu.memory_space<vmem>>, vector<16xf32>,
    tpu.vector_store %arg8[%swap3A_1296, %swap3A_1297], %broadcast_in_dim3A_3 {strides = array<i32>} : memref<128x16xf32, #tpu.memory_space<vmem>>, vector<16xf32>,
    %swap3A_1299 = arith.constant 68 : i32
    %swap3A_1300 = arith.index_cast %swap3A_1299 : i32 to index
    %swap3A_1301 = arith.constant 0 : index
    %swap3A_1302 = tpu.vector_load %arg8[%swap3A_1300, %swap3A_1301] {strides = array<i32>} : memref<128x16xf32, #tpu.memory_space<vmem>>, vector<16xf32>,
    tpu.vector_store %arg8[%swap3A_1300, %swap3A_1301], %broadcast_in_dim3A_3 {strides = array<i32>} : memref<128x16xf32, #tpu.memory_space<vmem>>, vector<16xf32>,
    %swap3A_1303 = arith.constant 69 : i32
    %swap3A_1304 = arith.index_cast %swap3A_1303 : i32 to index
    %swap3A_1305 = arith.constant 0 : index
    %swap3A_1306 = tpu.vector_load %arg8[%swap3A_1304, %swap3A_1305] {strides = array<i32>} : memref<128x16xf32, #tpu.memory_space<vmem>>, vector<16xf32>,
    tpu.vector_store %arg8[%swap3A_1304, %swap3A_1305], %broadcast_in_dim3A_3 {strides = array<i32>} : memref<128x16xf32, #tpu.memory_space<vmem>>, vector<16xf32>,
    %swap3A_1307 = arith.constant 70 : i32
    %swap3A_1308 = arith.index_cast %swap3A_1307 : i32 to index
    %swap3A_1309 = arith.constant 0 : index
    %swap3A_1310 = tpu.vector_load %arg8[%swap3A_1308, %swap3A_1309] {strides = array<i32>} : memref<128x16xf32, #tpu.memory_space<vmem>>, vector<16xf32>,
    tpu.vector_store %arg8[%swap3A_1308, %swap3A_1309], %broadcast_in_dim3A_3 {strides = array<i32>} : memref<128x16xf32, #tpu.memory_space<vmem>>, vector<16xf32>,
    %swap3A_1311 = arith.constant 71 : i32
    %swap3A_1312 = arith.index_cast %swap3A_1311 : i32 to index
    %swap3A_1313 = arith.constant 0 : index
    %swap3A_1314 = tpu.vector_load %arg8[%swap3A_1312, %swap3A_1313] {strides = array<i32>} : memref<128x16xf32, #tpu.memory_space<vmem>>, vector<16xf32>,
    tpu.vector_store %arg8[%swap3A_1312, %swap3A_1313], %broadcast_in_dim3A_3 {strides = array<i32>} : memref<128x16xf32, #tpu.memory_space<vmem>>, vector<16xf32>,
    %swap3A_1315 = arith.constant 72 : i32
    %swap3A_1316 = arith.index_cast %swap3A_1315 : i32 to index
    %swap3A_1317 = arith.constant 0 : index
    %swap3A_1318 = tpu.vector_load %arg8[%swap3A_1316, %swap3A_1317] {strides = array<i32>} : memref<128x16xf32, #tpu.memory_space<vmem>>, vector<16xf32>,
    tpu.vector_store %arg8[%swap3A_1316, %swap3A_1317], %broadcast_in_dim3A_3 {strides = array<i32>} : memref<128x16xf32, #tpu.memory_space<vmem>>, vector<16xf32>,
    %swap3A_1319 = arith.constant 73 : i32
    %swap3A_1320 = arith.index_cast %swap3A_1319 : i32 to index
    %swap3A_1321 = arith.constant 0 : index
    %swap3A_1322 = tpu.vector_load %arg8[%swap3A_1320, %swap3A_1321] {strides = array<i32>} : memref<128x16xf32, #tpu.memory_space<vmem>>, vector<16xf32>,
    tpu.vector_store %arg8[%swap3A_1320, %swap3A_1321], %broadcast_in_dim3A_3 {strides = array<i32>} : memref<128x16xf32, #tpu.memory_space<vmem>>, vector<16xf32>,
    %swap3A_1323 = arith.constant 74 : i32
    %swap3A_1324 = arith.index_cast %swap3A_1323 : i32 to index
    %swap3A_1325 = arith.constant 0 : index
    %swap3A_1326 = tpu.vector_load %arg8[%swap3A_1324, %swap3A_1325] {strides = array<i32>} : memref<128x16xf32, #tpu.memory_space<vmem>>, vector<16xf32>,
    tpu.vector_store %arg8[%swap3A_1324, %swap3A_1325], %broadcast_in_dim3A_3 {strides = array<i32>} : memref<128x16xf32, #tpu.memory_space<vmem>>, vector<16xf32>,
    %swap3A_1327 = arith.constant 75 : i32
    %swap3A_1328 = arith.index_cast %swap3A_1327 : i32 to index
    %swap3A_1329 = arith.constant 0 : index
    %swap3A_1330 = tpu.vector_load %arg8[%swap3A_1328, %swap3A_1329] {strides = array<i32>} : memref<128x16xf32, #tpu.memory_space<vmem>>, vector<16xf32>,
    tpu.vector_store %arg8[%swap3A_1328, %swap3A_1329], %broadcast_in_dim3A_3 {strides = array<i32>} : memref<128x16xf32, #tpu.memory_space<vmem>>, vector<16xf32>,
    %swap3A_1331 = arith.constant 76 : i32
    %swap3A_1332 = arith.index_cast %swap3A_1331 : i32 to index
    %swap3A_1333 = arith.constant 0 : index
    %swap3A_1334 = tpu.vector_load %arg8[%swap3A_1332, %swap3A_1333] {strides = array<i32>} : memref<128x16xf32, #tpu.memory_space<vmem>>, vector<16xf32>,
    tpu.vector_store %arg8[%swap3A_1332, %swap3A_1333], %broadcast_in_dim3A_3 {strides = array<i32>} : memref<128x16xf32, #tpu.memory_space<vmem>>, vector<16xf32>,
    %swap3A_1335 = arith.constant 77 : i32
    %swap3A_1336 = arith.index_cast %swap3A_1335 : i32 to index
    %swap3A_1337 = arith.constant 0 : index
    %swap3A_1338 = tpu.vector_load %arg8[%swap3A_1336, %swap3A_1337] {strides = array<i32>} : memref<128x16xf32, #tpu.memory_space<vmem>>, vector<16xf32>,
    tpu.vector_store %arg8[%swap3A_1336, %swap3A_1337], %broadcast_in_dim3A_3 {strides = array<i32>} : memref<128x16xf32, #tpu.memory_space<vmem>>, vector<16xf32>,
    %swap3A_1339 = arith.constant 78 : i32
    %swap3A_1340 = arith.index_cast %swap3A_1339 : i32 to index
    %swap3A_1341 = arith.constant 0 : index
    %swap3A_1342 = tpu.vector_load %arg8[%swap3A_1340, %swap3A_1341] {strides = array<i32>} : memref<128x16xf32, #tpu.memory_space<vmem>>, vector<16xf32>,
    tpu.vector_store %arg8[%swap3A_1340, %swap3A_1341], %broadcast_in_dim3A_3 {strides = array<i32>} : memref<128x16xf32, #tpu.memory_space<vmem>>, vector<16xf32>,
    %swap3A_1343 = arith.constant 79 : i32
    %swap3A_1344 = arith.index_cast %swap3A_1343 : i32 to index
    %swap3A_1345 = arith.constant 0 : index
    %swap3A_1346 = tpu.vector_load %arg8[%swap3A_1344, %swap3A_1345] {strides = array<i32>} : memref<128x16xf32, #tpu.memory_space<vmem>>, vector<16xf32>,
    tpu.vector_store %arg8[%swap3A_1344, %swap3A_1345], %broadcast_in_dim3A_3 {strides = array<i32>} : memref<128x16xf32, #tpu.memory_space<vmem>>, vector<16xf32>,
    %swap3A_1347 = arith.constant 80 : i32
    %swap3A_1348 = arith.index_cast %swap3A_1347 : i32 to index
    %swap3A_1349 = arith.constant 0 : index
    %swap3A_1350 = tpu.vector_load %arg8[%swap3A_1348, %swap3A_1349] {strides = array<i32>} : memref<128x16xf32, #tpu.memory_space<vmem>>, vector<16xf32>,
    tpu.vector_store %arg8[%swap3A_1348, %swap3A_1349], %broadcast_in_dim3A_3 {strides = array<i32>} : memref<128x16xf32, #tpu.memory_space<vmem>>, vector<16xf32>,
    %swap3A_1351 = arith.constant 81 : i32
    %swap3A_1352 = arith.index_cast %swap3A_1351 : i32 to index
    %swap3A_1353 = arith.constant 0 : index
    %swap3A_1354 = tpu.vector_load %arg8[%swap3A_1352, %swap3A_1353] {strides = array<i32>} : memref<128x16xf32, #tpu.memory_space<vmem>>, vector<16xf32>,
    tpu.vector_store %arg8[%swap3A_1352, %swap3A_1353], %broadcast_in_dim3A_3 {strides = array<i32>} : memref<128x16xf32, #tpu.memory_space<vmem>>, vector<16xf32>,
    %swap3A_1355 = arith.constant 82 : i32
    %swap3A_1356 = arith.index_cast %swap3A_1355 : i32 to index
    %swap3A_1357 = arith.constant 0 : index
    %swap3A_1358 = tpu.vector_load %arg8[%swap3A_1356, %swap3A_1357] {strides = array<i32>} : memref<128x16xf32, #tpu.memory_space<vmem>>, vector<16xf32>,
    tpu.vector_store %arg8[%swap3A_1356, %swap3A_1357], %broadcast_in_dim3A_3 {strides = array<i32>} : memref<128x16xf32, #tpu.memory_space<vmem>>, vector<16xf32>,
    %swap3A_1359 = arith.constant 83 : i32
    %swap3A_1360 = arith.index_cast %swap3A_1359 : i32 to index
    %swap3A_1361 = arith.constant 0 : index
    %swap3A_1362 = tpu.vector_load %arg8[%swap3A_1360, %swap3A_1361] {strides = array<i32>} : memref<128x16xf32, #tpu.memory_space<vmem>>, vector<16xf32>,
    tpu.vector_store %arg8[%swap3A_1360, %swap3A_1361], %broadcast_in_dim3A_3 {strides = array<i32>} : memref<128x16xf32, #tpu.memory_space<vmem>>, vector<16xf32>,
    %swap3A_1363 = arith.constant 84 : i32
    %swap3A_1364 = arith.index_cast %swap3A_1363 : i32 to index
    %swap3A_1365 = arith.constant 0 : index
    %swap3A_1366 = tpu.vector_load %arg8[%swap3A_1364, %swap3A_1365] {strides = array<i32>} : memref<128x16xf32, #tpu.memory_space<vmem>>, vector<16xf32>,
    tpu.vector_store %arg8[%swap3A_1364, %swap3A_1365], %broadcast_in_dim3A_3 {strides = array<i32>} : memref<128x16xf32, #tpu.memory_space<vmem>>, vector<16xf32>,
    %swap3A_1367 = arith.constant 85 : i32
    %swap3A_1368 = arith.index_cast %swap3A_1367 : i32 to index
    %swap3A_1369 = arith.constant 0 : index
    %swap3A_1370 = tpu.vector_load %arg8[%swap3A_1368, %swap3A_1369] {strides = array<i32>} : memref<128x16xf32, #tpu.memory_space<vmem>>, vector<16xf32>,
    tpu.vector_store %arg8[%swap3A_1368, %swap3A_1369], %broadcast_in_dim3A_3 {strides = array<i32>} : memref<128x16xf32, #tpu.memory_space<vmem>>, vector<16xf32>,
    %swap3A_1371 = arith.constant 86 : i32
    %swap3A_1372 = arith.index_cast %swap3A_1371 : i32 to index
    %swap3A_1373 = arith.constant 0 : index
    %swap3A_1374 = tpu.vector_load %arg8[%swap3A_1372, %swap3A_1373] {strides = array<i32>} : memref<128x16xf32, #tpu.memory_space<vmem>>, vector<16xf32>,
    tpu.vector_store %arg8[%swap3A_1372, %swap3A_1373], %broadcast_in_dim3A_3 {strides = array<i32>} : memref<128x16xf32, #tpu.memory_space<vmem>>, vector<16xf32>,
    %swap3A_1375 = arith.constant 87 : i32
    %swap3A_1376 = arith.index_cast %swap3A_1375 : i32 to index
    %swap3A_1377 = arith.constant 0 : index
    %swap3A_1378 = tpu.vector_load %arg8[%swap3A_1376, %swap3A_1377] {strides = array<i32>} : memref<128x16xf32, #tpu.memory_space<vmem>>, vector<16xf32>,
    tpu.vector_store %arg8[%swap3A_1376, %swap3A_1377], %broadcast_in_dim3A_3 {strides = array<i32>} : memref<128x16xf32, #tpu.memory_space<vmem>>, vector<16xf32>,
    %swap3A_1379 = arith.constant 88 : i32
    %swap3A_1380 = arith.index_cast %swap3A_1379 : i32 to index
    %swap3A_1381 = arith.constant 0 : index
    %swap3A_1382 = tpu.vector_load %arg8[%swap3A_1380, %swap3A_1381] {strides = array<i32>} : memref<128x16xf32, #tpu.memory_space<vmem>>, vector<16xf32>,
    tpu.vector_store %arg8[%swap3A_1380, %swap3A_1381], %broadcast_in_dim3A_3 {strides = array<i32>} : memref<128x16xf32, #tpu.memory_space<vmem>>, vector<16xf32>,
    %swap3A_1383 = arith.constant 89 : i32
    %swap3A_1384 = arith.index_cast %swap3A_1383 : i32 to index
    %swap3A_1385 = arith.constant 0 : index
    %swap3A_1386 = tpu.vector_load %arg8[%swap3A_1384, %swap3A_1385] {strides = array<i32>} : memref<128x16xf32, #tpu.memory_space<vmem>>, vector<16xf32>,
    tpu.vector_store %arg8[%swap3A_1384, %swap3A_1385], %broadcast_in_dim3A_3 {strides = array<i32>} : memref<128x16xf32, #tpu.memory_space<vmem>>, vector<16xf32>,
    %swap3A_1387 = arith.constant 90 : i32
    %swap3A_1388 = arith.index_cast %swap3A_1387 : i32 to index
    %swap3A_1389 = arith.constant 0 : index
    %swap3A_1390 = tpu.vector_load %arg8[%swap3A_1388, %swap3A_1389] {strides = array<i32>} : memref<128x16xf32, #tpu.memory_space<vmem>>, vector<16xf32>,
    tpu.vector_store %arg8[%swap3A_1388, %swap3A_1389], %broadcast_in_dim3A_3 {strides = array<i32>} : memref<128x16xf32, #tpu.memory_space<vmem>>, vector<16xf32>,
    %swap3A_1391 = arith.constant 91 : i32
    %swap3A_1392 = arith.index_cast %swap3A_1391 : i32 to index
    %swap3A_1393 = arith.constant 0 : index
    %swap3A_1394 = tpu.vector_load %arg8[%swap3A_1392, %swap3A_1393] {strides = array<i32>} : memref<128x16xf32, #tpu.memory_space<vmem>>, vector<16xf32>,
    tpu.vector_store %arg8[%swap3A_1392, %swap3A_1393], %broadcast_in_dim3A_3 {strides = array<i32>} : memref<128x16xf32, #tpu.memory_space<vmem>>, vector<16xf32>,
    %swap3A_1395 = arith.constant 92 : i32
    %swap3A_1396 = arith.index_cast %swap3A_1395 : i32 to index
    %swap3A_1397 = arith.constant 0 : index
    %swap3A_1398 = tpu.vector_load %arg8[%swap3A_1396, %swap3A_1397] {strides = array<i32>} : memref<128x16xf32, #tpu.memory_space<vmem>>, vector<16xf32>,
    tpu.vector_store %arg8[%swap3A_1396, %swap3A_1397], %broadcast_in_dim3A_3 {strides = array<i32>} : memref<128x16xf32, #tpu.memory_space<vmem>>, vector<16xf32>,
    %swap3A_1399 = arith.constant 93 : i32
    %swap3A_1400 = arith.index_cast %swap3A_1399 : i32 to index
    %swap3A_1401 = arith.constant 0 : index
    %swap3A_1402 = tpu.vector_load %arg8[%swap3A_1400, %swap3A_1401] {strides = array<i32>} : memref<128x16xf32, #tpu.memory_space<vmem>>, vector<16xf32>,
    tpu.vector_store %arg8[%swap3A_1400, %swap3A_1401], %broadcast_in_dim3A_3 {strides = array<i32>} : memref<128x16xf32, #tpu.memory_space<vmem>>, vector<16xf32>,
    %swap3A_1403 = arith.constant 94 : i32
    %swap3A_1404 = arith.index_cast %swap3A_1403 : i32 to index
    %swap3A_1405 = arith.constant 0 : index
    %swap3A_1406 = tpu.vector_load %arg8[%swap3A_1404, %swap3A_1405] {strides = array<i32>} : memref<128x16xf32, #tpu.memory_space<vmem>>, vector<16xf32>,
    tpu.vector_store %arg8[%swap3A_1404, %swap3A_1405], %broadcast_in_dim3A_3 {strides = array<i32>} : memref<128x16xf32, #tpu.memory_space<vmem>>, vector<16xf32>,
    %swap3A_1407 = arith.constant 95 : i32
    %swap3A_1408 = arith.index_cast %swap3A_1407 : i32 to index
    %swap3A_1409 = arith.constant 0 : index
    %swap3A_1410 = tpu.vector_load %arg8[%swap3A_1408, %swap3A_1409] {strides = array<i32>} : memref<128x16xf32, #tpu.memory_space<vmem>>, vector<16xf32>,
    tpu.vector_store %arg8[%swap3A_1408, %swap3A_1409], %broadcast_in_dim3A_3 {strides = array<i32>} : memref<128x16xf32, #tpu.memory_space<vmem>>, vector<16xf32>,
    %swap3A_1411 = arith.constant 96 : i32
    %swap3A_1412 = arith.index_cast %swap3A_1411 : i32 to index
    %swap3A_1413 = arith.constant 0 : index
    %swap3A_1414 = tpu.vector_load %arg8[%swap3A_1412, %swap3A_1413] {strides = array<i32>} : memref<128x16xf32, #tpu.memory_space<vmem>>, vector<16xf32>,
    tpu.vector_store %arg8[%swap3A_1412, %swap3A_1413], %broadcast_in_dim3A_3 {strides = array<i32>} : memref<128x16xf32, #tpu.memory_space<vmem>>, vector<16xf32>,
    %swap3A_1415 = arith.constant 97 : i32
    %swap3A_1416 = arith.index_cast %swap3A_1415 : i32 to index
    %swap3A_1417 = arith.constant 0 : index
    %swap3A_1418 = tpu.vector_load %arg8[%swap3A_1416, %swap3A_1417] {strides = array<i32>} : memref<128x16xf32, #tpu.memory_space<vmem>>, vector<16xf32>,
    tpu.vector_store %arg8[%swap3A_1416, %swap3A_1417], %broadcast_in_dim3A_3 {strides = array<i32>} : memref<128x16xf32, #tpu.memory_space<vmem>>, vector<16xf32>,
    %swap3A_1419 = arith.constant 98 : i32
    %swap3A_1420 = arith.index_cast %swap3A_1419 : i32 to index
    %swap3A_1421 = arith.constant 0 : index
    %swap3A_1422 = tpu.vector_load %arg8[%swap3A_1420, %swap3A_1421] {strides = array<i32>} : memref<128x16xf32, #tpu.memory_space<vmem>>, vector<16xf32>,
    tpu.vector_store %arg8[%swap3A_1420, %swap3A_1421], %broadcast_in_dim3A_3 {strides = array<i32>} : memref<128x16xf32, #tpu.memory_space<vmem>>, vector<16xf32>,
    %swap3A_1423 = arith.constant 99 : i32
    %swap3A_1424 = arith.index_cast %swap3A_1423 : i32 to index
    %swap3A_1425 = arith.constant 0 : index
    %swap3A_1426 = tpu.vector_load %arg8[%swap3A_1424, %swap3A_1425] {strides = array<i32>} : memref<128x16xf32, #tpu.memory_space<vmem>>, vector<16xf32>,
    tpu.vector_store %arg8[%swap3A_1424, %swap3A_1425], %broadcast_in_dim3A_3 {strides = array<i32>} : memref<128x16xf32, #tpu.memory_space<vmem>>, vector<16xf32>,
    %swap3A_1427 = arith.constant 100 : i32
    %swap3A_1428 = arith.index_cast %swap3A_1427 : i32 to index
    %swap3A_1429 = arith.constant 0 : index
    %swap3A_1430 = tpu.vector_load %arg8[%swap3A_1428, %swap3A_1429] {strides = array<i32>} : memref<128x16xf32, #tpu.memory_space<vmem>>, vector<16xf32>,
    tpu.vector_store %arg8[%swap3A_1428, %swap3A_1429], %broadcast_in_dim3A_3 {strides = array<i32>} : memref<128x16xf32, #tpu.memory_space<vmem>>, vector<16xf32>,
    %swap3A_1431 = arith.constant 101 : i32
    %swap3A_1432 = arith.index_cast %swap3A_1431 : i32 to index
    %swap3A_1433 = arith.constant 0 : index
    %swap3A_1434 = tpu.vector_load %arg8[%swap3A_1432, %swap3A_1433] {strides = array<i32>} : memref<128x16xf32, #tpu.memory_space<vmem>>, vector<16xf32>,
    tpu.vector_store %arg8[%swap3A_1432, %swap3A_1433], %broadcast_in_dim3A_3 {strides = array<i32>} : memref<128x16xf32, #tpu.memory_space<vmem>>, vector<16xf32>,
    %swap3A_1435 = arith.constant 102 : i32
    %swap3A_1436 = arith.index_cast %swap3A_1435 : i32 to index
    %swap3A_1437 = arith.constant 0 : index
    %swap3A_1438 = tpu.vector_load %arg8[%swap3A_1436, %swap3A_1437] {strides = array<i32>} : memref<128x16xf32, #tpu.memory_space<vmem>>, vector<16xf32>,
    tpu.vector_store %arg8[%swap3A_1436, %swap3A_1437], %broadcast_in_dim3A_3 {strides = array<i32>} : memref<128x16xf32, #tpu.memory_space<vmem>>, vector<16xf32>,
    %swap3A_1439 = arith.constant 103 : i32
    %swap3A_1440 = arith.index_cast %swap3A_1439 : i32 to index
    %swap3A_1441 = arith.constant 0 : index
    %swap3A_1442 = tpu.vector_load %arg8[%swap3A_1440, %swap3A_1441] {strides = array<i32>} : memref<128x16xf32, #tpu.memory_space<vmem>>, vector<16xf32>,
    tpu.vector_store %arg8[%swap3A_1440, %swap3A_1441], %broadcast_in_dim3A_3 {strides = array<i32>} : memref<128x16xf32, #tpu.memory_space<vmem>>, vector<16xf32>,
    %swap3A_1443 = arith.constant 104 : i32
    %swap3A_1444 = arith.index_cast %swap3A_1443 : i32 to index
    %swap3A_1445 = arith.constant 0 : index
    %swap3A_1446 = tpu.vector_load %arg8[%swap3A_1444, %swap3A_1445] {strides = array<i32>} : memref<128x16xf32, #tpu.memory_space<vmem>>, vector<16xf32>,
    tpu.vector_store %arg8[%swap3A_1444, %swap3A_1445], %broadcast_in_dim3A_3 {strides = array<i32>} : memref<128x16xf32, #tpu.memory_space<vmem>>, vector<16xf32>,
    %swap3A_1447 = arith.constant 105 : i32
    %swap3A_1448 = arith.index_cast %swap3A_1447 : i32 to index
    %swap3A_1449 = arith.constant 0 : index
    %swap3A_1450 = tpu.vector_load %arg8[%swap3A_1448, %swap3A_1449] {strides = array<i32>} : memref<128x16xf32, #tpu.memory_space<vmem>>, vector<16xf32>,
    tpu.vector_store %arg8[%swap3A_1448, %swap3A_1449], %broadcast_in_dim3A_3 {strides = array<i32>} : memref<128x16xf32, #tpu.memory_space<vmem>>, vector<16xf32>,
    %swap3A_1451 = arith.constant 106 : i32
    %swap3A_1452 = arith.index_cast %swap3A_1451 : i32 to index
    %swap3A_1453 = arith.constant 0 : index
    %swap3A_1454 = tpu.vector_load %arg8[%swap3A_1452, %swap3A_1453] {strides = array<i32>} : memref<128x16xf32, #tpu.memory_space<vmem>>, vector<16xf32>,
    tpu.vector_store %arg8[%swap3A_1452, %swap3A_1453], %broadcast_in_dim3A_3 {strides = array<i32>} : memref<128x16xf32, #tpu.memory_space<vmem>>, vector<16xf32>,
    %swap3A_1455 = arith.constant 107 : i32
    %swap3A_1456 = arith.index_cast %swap3A_1455 : i32 to index
    %swap3A_1457 = arith.constant 0 : index
    %swap3A_1458 = tpu.vector_load %arg8[%swap3A_1456, %swap3A_1457] {strides = array<i32>} : memref<128x16xf32, #tpu.memory_space<vmem>>, vector<16xf32>,
    tpu.vector_store %arg8[%swap3A_1456, %swap3A_1457], %broadcast_in_dim3A_3 {strides = array<i32>} : memref<128x16xf32, #tpu.memory_space<vmem>>, vector<16xf32>,
    %swap3A_1459 = arith.constant 108 : i32
    %swap3A_1460 = arith.index_cast %swap3A_1459 : i32 to index
    %swap3A_1461 = arith.constant 0 : index
    %swap3A_1462 = tpu.vector_load %arg8[%swap3A_1460, %swap3A_1461] {strides = array<i32>} : memref<128x16xf32, #tpu.memory_space<vmem>>, vector<16xf32>,
    tpu.vector_store %arg8[%swap3A_1460, %swap3A_1461], %broadcast_in_dim3A_3 {strides = array<i32>} : memref<128x16xf32, #tpu.memory_space<vmem>>, vector<16xf32>,
    %swap3A_1463 = arith.constant 109 : i32
    %swap3A_1464 = arith.index_cast %swap3A_1463 : i32 to index
    %swap3A_1465 = arith.constant 0 : index
    %swap3A_1466 = tpu.vector_load %arg8[%swap3A_1464, %swap3A_1465] {strides = array<i32>} : memref<128x16xf32, #tpu.memory_space<vmem>>, vector<16xf32>,
    tpu.vector_store %arg8[%swap3A_1464, %swap3A_1465], %broadcast_in_dim3A_3 {strides = array<i32>} : memref<128x16xf32, #tpu.memory_space<vmem>>, vector<16xf32>,
    %swap3A_1467 = arith.constant 110 : i32
    %swap3A_1468 = arith.index_cast %swap3A_1467 : i32 to index
    %swap3A_1469 = arith.constant 0 : index
    %swap3A_1470 = tpu.vector_load %arg8[%swap3A_1468, %swap3A_1469] {strides = array<i32>} : memref<128x16xf32, #tpu.memory_space<vmem>>, vector<16xf32>,
    tpu.vector_store %arg8[%swap3A_1468, %swap3A_1469], %broadcast_in_dim3A_3 {strides = array<i32>} : memref<128x16xf32, #tpu.memory_space<vmem>>, vector<16xf32>,
    %swap3A_1471 = arith.constant 111 : i32
    %swap3A_1472 = arith.index_cast %swap3A_1471 : i32 to index
    %swap3A_1473 = arith.constant 0 : index
    %swap3A_1474 = tpu.vector_load %arg8[%swap3A_1472, %swap3A_1473] {strides = array<i32>} : memref<128x16xf32, #tpu.memory_space<vmem>>, vector<16xf32>,
    tpu.vector_store %arg8[%swap3A_1472, %swap3A_1473], %broadcast_in_dim3A_3 {strides = array<i32>} : memref<128x16xf32, #tpu.memory_space<vmem>>, vector<16xf32>,
    %swap3A_1475 = arith.constant 112 : i32
    %swap3A_1476 = arith.index_cast %swap3A_1475 : i32 to index
    %swap3A_1477 = arith.constant 0 : index
    %swap3A_1478 = tpu.vector_load %arg8[%swap3A_1476, %swap3A_1477] {strides = array<i32>} : memref<128x16xf32, #tpu.memory_space<vmem>>, vector<16xf32>,
    tpu.vector_store %arg8[%swap3A_1476, %swap3A_1477], %broadcast_in_dim3A_3 {strides = array<i32>} : memref<128x16xf32, #tpu.memory_space<vmem>>, vector<16xf32>,
    %swap3A_1479 = arith.constant 113 : i32
    %swap3A_1480 = arith.index_cast %swap3A_1479 : i32 to index
    %swap3A_1481 = arith.constant 0 : index
    %swap3A_1482 = tpu.vector_load %arg8[%swap3A_1480, %swap3A_1481] {strides = array<i32>} : memref<128x16xf32, #tpu.memory_space<vmem>>, vector<16xf32>,
    tpu.vector_store %arg8[%swap3A_1480, %swap3A_1481], %broadcast_in_dim3A_3 {strides = array<i32>} : memref<128x16xf32, #tpu.memory_space<vmem>>, vector<16xf32>,
    %swap3A_1483 = arith.constant 114 : i32
    %swap3A_1484 = arith.index_cast %swap3A_1483 : i32 to index
    %swap3A_1485 = arith.constant 0 : index
    %swap3A_1486 = tpu.vector_load %arg8[%swap3A_1484, %swap3A_1485] {strides = array<i32>} : memref<128x16xf32, #tpu.memory_space<vmem>>, vector<16xf32>,
    tpu.vector_store %arg8[%swap3A_1484, %swap3A_1485], %broadcast_in_dim3A_3 {strides = array<i32>} : memref<128x16xf32, #tpu.memory_space<vmem>>, vector<16xf32>,
    %swap3A_1487 = arith.constant 115 : i32
    %swap3A_1488 = arith.index_cast %swap3A_1487 : i32 to index
    %swap3A_1489 = arith.constant 0 : index
    %swap3A_1490 = tpu.vector_load %arg8[%swap3A_1488, %swap3A_1489] {strides = array<i32>} : memref<128x16xf32, #tpu.memory_space<vmem>>, vector<16xf32>,
    tpu.vector_store %arg8[%swap3A_1488, %swap3A_1489], %broadcast_in_dim3A_3 {strides = array<i32>} : memref<128x16xf32, #tpu.memory_space<vmem>>, vector<16xf32>,
    %swap3A_1491 = arith.constant 116 : i32
    %swap3A_1492 = arith.index_cast %swap3A_1491 : i32 to index
    %swap3A_1493 = arith.constant 0 : index
    %swap3A_1494 = tpu.vector_load %arg8[%swap3A_1492, %swap3A_1493] {strides = array<i32>} : memref<128x16xf32, #tpu.memory_space<vmem>>, vector<16xf32>,
    tpu.vector_store %arg8[%swap3A_1492, %swap3A_1493], %broadcast_in_dim3A_3 {strides = array<i32>} : memref<128x16xf32, #tpu.memory_space<vmem>>, vector<16xf32>,
    %swap3A_1495 = arith.constant 117 : i32
    %swap3A_1496 = arith.index_cast %swap3A_1495 : i32 to index
    %swap3A_1497 = arith.constant 0 : index
    %swap3A_1498 = tpu.vector_load %arg8[%swap3A_1496, %swap3A_1497] {strides = array<i32>} : memref<128x16xf32, #tpu.memory_space<vmem>>, vector<16xf32>,
    tpu.vector_store %arg8[%swap3A_1496, %swap3A_1497], %broadcast_in_dim3A_3 {strides = array<i32>} : memref<128x16xf32, #tpu.memory_space<vmem>>, vector<16xf32>,
    %swap3A_1499 = arith.constant 118 : i32
    %swap3A_1500 = arith.index_cast %swap3A_1499 : i32 to index
    %swap3A_1501 = arith.constant 0 : index
    %swap3A_1502 = tpu.vector_load %arg8[%swap3A_1500, %swap3A_1501] {strides = array<i32>} : memref<128x16xf32, #tpu.memory_space<vmem>>, vector<16xf32>,
    tpu.vector_store %arg8[%swap3A_1500, %swap3A_1501], %broadcast_in_dim3A_3 {strides = array<i32>} : memref<128x16xf32, #tpu.memory_space<vmem>>, vector<16xf32>,
    %swap3A_1503 = arith.constant 119 : i32
    %swap3A_1504 = arith.index_cast %swap3A_1503 : i32 to index
    %swap3A_1505 = arith.constant 0 : index
    %swap3A_1506 = tpu.vector_load %arg8[%swap3A_1504, %swap3A_1505] {strides = array<i32>} : memref<128x16xf32, #tpu.memory_space<vmem>>, vector<16xf32>,
    tpu.vector_store %arg8[%swap3A_1504, %swap3A_1505], %broadcast_in_dim3A_3 {strides = array<i32>} : memref<128x16xf32, #tpu.memory_space<vmem>>, vector<16xf32>,
    %swap3A_1507 = arith.constant 120 : i32
    %swap3A_1508 = arith.index_cast %swap3A_1507 : i32 to index
    %swap3A_1509 = arith.constant 0 : index
    %swap3A_1510 = tpu.vector_load %arg8[%swap3A_1508, %swap3A_1509] {strides = array<i32>} : memref<128x16xf32, #tpu.memory_space<vmem>>, vector<16xf32>,
    tpu.vector_store %arg8[%swap3A_1508, %swap3A_1509], %broadcast_in_dim3A_3 {strides = array<i32>} : memref<128x16xf32, #tpu.memory_space<vmem>>, vector<16xf32>,
    %swap3A_1511 = arith.constant 121 : i32
    %swap3A_1512 = arith.index_cast %swap3A_1511 : i32 to index
    %swap3A_1513 = arith.constant 0 : index
    %swap3A_1514 = tpu.vector_load %arg8[%swap3A_1512, %swap3A_1513] {strides = array<i32>} : memref<128x16xf32, #tpu.memory_space<vmem>>, vector<16xf32>,
    tpu.vector_store %arg8[%swap3A_1512, %swap3A_1513], %broadcast_in_dim3A_3 {strides = array<i32>} : memref<128x16xf32, #tpu.memory_space<vmem>>, vector<16xf32>,
    %swap3A_1515 = arith.constant 122 : i32
    %swap3A_1516 = arith.index_cast %swap3A_1515 : i32 to index
    %swap3A_1517 = arith.constant 0 : index
    %swap3A_1518 = tpu.vector_load %arg8[%swap3A_1516, %swap3A_1517] {strides = array<i32>} : memref<128x16xf32, #tpu.memory_space<vmem>>, vector<16xf32>,
    tpu.vector_store %arg8[%swap3A_1516, %swap3A_1517], %broadcast_in_dim3A_3 {strides = array<i32>} : memref<128x16xf32, #tpu.memory_space<vmem>>, vector<16xf32>,
    %swap3A_1519 = arith.constant 123 : i32
    %swap3A_1520 = arith.index_cast %swap3A_1519 : i32 to index
    %swap3A_1521 = arith.constant 0 : index
    %swap3A_1522 = tpu.vector_load %arg8[%swap3A_1520, %swap3A_1521] {strides = array<i32>} : memref<128x16xf32, #tpu.memory_space<vmem>>, vector<16xf32>,
    tpu.vector_store %arg8[%swap3A_1520, %swap3A_1521], %broadcast_in_dim3A_3 {strides = array<i32>} : memref<128x16xf32, #tpu.memory_space<vmem>>, vector<16xf32>,
    %swap3A_1523 = arith.constant 124 : i32
    %swap3A_1524 = arith.index_cast %swap3A_1523 : i32 to index
    %swap3A_1525 = arith.constant 0 : index
    %swap3A_1526 = tpu.vector_load %arg8[%swap3A_1524, %swap3A_1525] {strides = array<i32>} : memref<128x16xf32, #tpu.memory_space<vmem>>, vector<16xf32>,
    tpu.vector_store %arg8[%swap3A_1524, %swap3A_1525], %broadcast_in_dim3A_3 {strides = array<i32>} : memref<128x16xf32, #tpu.memory_space<vmem>>, vector<16xf32>,
    %swap3A_1527 = arith.constant 125 : i32
    %swap3A_1528 = arith.index_cast %swap3A_1527 : i32 to index
    %swap3A_1529 = arith.constant 0 : index
    %swap3A_1530 = tpu.vector_load %arg8[%swap3A_1528, %swap3A_1529] {strides = array<i32>} : memref<128x16xf32, #tpu.memory_space<vmem>>, vector<16xf32>,
    tpu.vector_store %arg8[%swap3A_1528, %swap3A_1529], %broadcast_in_dim3A_3 {strides = array<i32>} : memref<128x16xf32, #tpu.memory_space<vmem>>, vector<16xf32>,
    %swap3A_1531 = arith.constant 126 : i32
    %swap3A_1532 = arith.index_cast %swap3A_1531 : i32 to index
    %swap3A_1533 = arith.constant 0 : index
    %swap3A_1534 = tpu.vector_load %arg8[%swap3A_1532, %swap3A_1533] {strides = array<i32>} : memref<128x16xf32, #tpu.memory_space<vmem>>, vector<16xf32>,
    tpu.vector_store %arg8[%swap3A_1532, %swap3A_1533], %broadcast_in_dim3A_3 {strides = array<i32>} : memref<128x16xf32, #tpu.memory_space<vmem>>, vector<16xf32>,
    %swap3A_1535 = arith.constant 127 : i32
    %swap3A_1536 = arith.index_cast %swap3A_1535 : i32 to index
    %swap3A_1537 = arith.constant 0 : index
    %swap3A_1538 = tpu.vector_load %arg8[%swap3A_1536, %swap3A_1537] {strides = array<i32>} : memref<128x16xf32, #tpu.memory_space<vmem>>, vector<16xf32>,
    tpu.vector_store %arg8[%swap3A_1536, %swap3A_1537], %broadcast_in_dim3A_3 {strides = array<i32>} : memref<128x16xf32, #tpu.memory_space<vmem>>, vector<16xf32>,
    %mul3A_1539 = arith.constant 64 : i32
    %mul3A_1540 = arith.muli %arg1, %mul3A_1539 : i32
    "tpu.region"() ({
      %run_scoped3A_1582 = tpu.sem_alloc : memref<!tpu.dma_semaphore, #tpu.memory_space<semaphore_mem>>
      %dma_start3A = arith.constant 0 : i32
      %dma_start3A_1583 = tpu.memref_slice %arg11[%mul3A_1540, %dma_start3A] : memref<1024x64xf32, #tpu.memory_space<vmem_shared>> -> memref<64x64xf32, #tpu.memory_space<vmem_shared>>
      %dma_start3A_1584 = arith.constant 0 : i32
      %dma_start3A_1585 = tpu.memref_slice %arg11[%mul3A_1540, %dma_start3A_1584] : memref<1024x64xf32, #tpu.memory_space<vmem_shared>> -> memref<64x64xf32, #tpu.memory_space<vmem_shared>>
      tpu.enqueue_dma source(%arg9 : memref<64x64xf32, #tpu.memory_space<vmem>>) target(%dma_start3A_1585 : memref<64x64xf32, #tpu.memory_space<vmem_shared>>) target_semaphore(%run_scoped3A_1582 : memref<!tpu.dma_semaphore, #tpu.memory_space<semaphore_mem>>)
      %dma_wait3A = arith.constant 0 : i32
      %dma_wait3A_1586 = tpu.memref_slice %arg11[%mul3A_1540, %dma_wait3A] : memref<1024x64xf32, #tpu.memory_space<vmem_shared>> -> memref<64x64xf32, #tpu.memory_space<vmem_shared>>
      %dma_wait3A_1587 = arith.constant 0 : i32
      %dma_wait3A_1588 = tpu.memref_slice %arg11[%mul3A_1540, %dma_wait3A_1587] : memref<1024x64xf32, #tpu.memory_space<vmem_shared>> -> memref<64x64xf32, #tpu.memory_space<vmem_shared>>
      tpu.wait_dma2 semaphore(%run_scoped3A_1582 : memref<!tpu.dma_semaphore, #tpu.memory_space<semaphore_mem>>) src(%arg9 : memref<64x64xf32, #tpu.memory_space<vmem>>) dst(%dma_wait3A_1588 : memref<64x64xf32, #tpu.memory_space<vmem_shared>>)
      tpu.yield
    }) : () -> ()
    %mul3A_1541 = arith.constant 64 : i32
    %mul3A_1542 = arith.muli %arg1, %mul3A_1541 : i32
    "tpu.region"() ({
      %run_scoped3A_1582 = tpu.sem_alloc : memref<!tpu.dma_semaphore, #tpu.memory_space<semaphore_mem>>
      %dma_start3A = arith.constant 0 : i32
      %dma_start3A_1583 = arith.constant 0 : i32
      %dma_start3A_1584 = tpu.memref_slice %arg9[%dma_start3A, %dma_start3A_1583] : memref<64x64xf32, #tpu.memory_space<vmem>> -> memref<64x16xf32, #tpu.memory_space<vmem>>
      %dma_start3A_1585 = arith.constant 0 : i32
      %dma_start3A_1586 = tpu.memref_slice %arg12[%mul3A_1542, %dma_start3A_1585] : memref<1024x16xf32, #tpu.memory_space<vmem_shared>> -> memref<64x16xf32, #tpu.memory_space<vmem_shared>>
      %dma_start3A_1587 = arith.constant 0 : i32
      %dma_start3A_1588 = tpu.memref_slice %arg12[%mul3A_1542, %dma_start3A_1587] : memref<1024x16xf32, #tpu.memory_space<vmem_shared>> -> memref<64x16xf32, #tpu.memory_space<vmem_shared>>
      %dma_start3A_1589 = arith.constant 0 : i32
      %dma_start3A_1590 = arith.constant 0 : i32
      %dma_start3A_1591 = tpu.memref_slice %arg9[%dma_start3A_1589, %dma_start3A_1590] : memref<64x64xf32, #tpu.memory_space<vmem>> -> memref<64x16xf32, #tpu.memory_space<vmem>>
      tpu.enqueue_dma source(%dma_start3A_1591 : memref<64x16xf32, #tpu.memory_space<vmem>>) target(%dma_start3A_1588 : memref<64x16xf32, #tpu.memory_space<vmem_shared>>) target_semaphore(%run_scoped3A_1582 : memref<!tpu.dma_semaphore, #tpu.memory_space<semaphore_mem>>)
      %dma_wait3A = arith.constant 0 : i32
      %dma_wait3A_1592 = arith.constant 0 : i32
      %dma_wait3A_1593 = tpu.memref_slice %arg9[%dma_wait3A, %dma_wait3A_1592] : memref<64x64xf32, #tpu.memory_space<vmem>> -> memref<64x16xf32, #tpu.memory_space<vmem>>
      %dma_wait3A_1594 = arith.constant 0 : i32
      %dma_wait3A_1595 = tpu.memref_slice %arg12[%mul3A_1542, %dma_wait3A_1594] : memref<1024x16xf32, #tpu.memory_space<vmem_shared>> -> memref<64x16xf32, #tpu.memory_space<vmem_shared>>
      %dma_wait3A_1596 = arith.constant 0 : i32
      %dma_wait3A_1597 = tpu.memref_slice %arg12[%mul3A_1542, %dma_wait3A_1596] : memref<1024x16xf32, #tpu.memory_space<vmem_shared>> -> memref<64x16xf32, #tpu.memory_space<vmem_shared>>
      %dma_wait3A_1598 = arith.constant 0 : i32
      %dma_wait3A_1599 = arith.constant 0 : i32
      %dma_wait3A_1600 = tpu.memref_slice %arg9[%dma_wait3A_1598, %dma_wait3A_1599] : memref<64x64xf32, #tpu.memory_space<vmem>> -> memref<64x16xf32, #tpu.memory_space<vmem>>
      tpu.wait_dma2 semaphore(%run_scoped3A_1582 : memref<!tpu.dma_semaphore, #tpu.memory_space<semaphore_mem>>) src(%dma_wait3A_1600 : memref<64x16xf32, #tpu.memory_space<vmem>>) dst(%dma_wait3A_1597 : memref<64x16xf32, #tpu.memory_space<vmem_shared>>)
      tpu.yield
    }) : () -> ()
    "tpu.region"() ({
      %run_scoped3A_1582 = tpu.sem_alloc : memref<!tpu.dma_semaphore, #tpu.memory_space<semaphore_mem>>
      %dma_start3A = arith.constant 0 : i32
      %dma_start3A_1583 = arith.constant 0 : i32
      %dma_start3A_1584 = tpu.memref_slice %arg3[%add3A, %dma_start3A, %dma_start3A_1583] : memref<32x9x128xi32, #tpu.memory_space<hbm>> -> memref<1x9x128xi32, #tpu.memory_space<hbm>>
      %dma_start3A_1585 = tpu.memref_squeeze %dma_start3A_1584 : memref<1x9x128xi32, #tpu.memory_space<hbm>> -> memref<9x128xi32, #tpu.memory_space<hbm>>
      %dma_start3A_1586 = arith.constant 0 : i32
      %dma_start3A_1587 = arith.constant 0 : i32
      %dma_start3A_1588 = tpu.memref_slice %arg3[%add3A, %dma_start3A_1586, %dma_start3A_1587] : memref<32x9x128xi32, #tpu.memory_space<hbm>> -> memref<1x9x128xi32, #tpu.memory_space<hbm>>
      %dma_start3A_1589 = tpu.memref_squeeze %dma_start3A_1588 : memref<1x9x128xi32, #tpu.memory_space<hbm>> -> memref<9x128xi32, #tpu.memory_space<hbm>>
      tpu.enqueue_dma source(%dma_start3A_1589 : memref<9x128xi32, #tpu.memory_space<hbm>>) target(%arg6 : memref<9x128xi32, #tpu.memory_space<vmem>>) target_semaphore(%run_scoped3A_1582 : memref<!tpu.dma_semaphore, #tpu.memory_space<semaphore_mem>>)
      %dma_wait3A = arith.constant 0 : i32
      %dma_wait3A_1590 = arith.constant 0 : i32
      %dma_wait3A_1591 = tpu.memref_slice %arg3[%add3A, %dma_wait3A, %dma_wait3A_1590] : memref<32x9x128xi32, #tpu.memory_space<hbm>> -> memref<1x9x128xi32, #tpu.memory_space<hbm>>
      %dma_wait3A_1592 = tpu.memref_squeeze %dma_wait3A_1591 : memref<1x9x128xi32, #tpu.memory_space<hbm>> -> memref<9x128xi32, #tpu.memory_space<hbm>>
      %dma_wait3A_1593 = arith.constant 0 : i32
      %dma_wait3A_1594 = arith.constant 0 : i32
      %dma_wait3A_1595 = tpu.memref_slice %arg3[%add3A, %dma_wait3A_1593, %dma_wait3A_1594] : memref<32x9x128xi32, #tpu.memory_space<hbm>> -> memref<1x9x128xi32, #tpu.memory_space<hbm>>
      %dma_wait3A_1596 = tpu.memref_squeeze %dma_wait3A_1595 : memref<1x9x128xi32, #tpu.memory_space<hbm>> -> memref<9x128xi32, #tpu.memory_space<hbm>>
      tpu.wait_dma2 semaphore(%run_scoped3A_1582 : memref<!tpu.dma_semaphore, #tpu.memory_space<semaphore_mem>>) src(%dma_wait3A_1596 : memref<9x128xi32, #tpu.memory_space<hbm>>) dst(%arg6 : memref<9x128xi32, #tpu.memory_space<vmem>>)
      tpu.yield
    }) : () -> ()
    %mul3A_1543 = arith.constant 1152 : i32
    %mul3A_1544 = arith.muli %add3A, %mul3A_1543 : i32
    "tpu.region"() ({
      %run_scoped3A_1582 = tpu.sem_alloc : memref<!tpu.dma_semaphore, #tpu.memory_space<semaphore_mem>>
      %dma_start3A = arith.constant 0 : i32
      %dma_start3A_1583 = tpu.memref_slice %arg2[%mul3A_1544, %dma_start3A] : memref<36864x64xf32, #tpu.memory_space<hbm>> -> memref<1152x64xf32, #tpu.memory_space<hbm>>
      %dma_start3A_1584 = arith.constant 0 : i32
      %dma_start3A_1585 = tpu.memref_slice %arg2[%mul3A_1544, %dma_start3A_1584] : memref<36864x64xf32, #tpu.memory_space<hbm>> -> memref<1152x64xf32, #tpu.memory_space<hbm>>
      tpu.enqueue_dma source(%dma_start3A_1585 : memref<1152x64xf32, #tpu.memory_space<hbm>>) target(%arg7 : memref<1152x64xf32, #tpu.memory_space<vmem>>) target_semaphore(%run_scoped3A_1582 : memref<!tpu.dma_semaphore, #tpu.memory_space<semaphore_mem>>)
      %dma_wait3A = arith.constant 0 : i32
      %dma_wait3A_1586 = tpu.memref_slice %arg2[%mul3A_1544, %dma_wait3A] : memref<36864x64xf32, #tpu.memory_space<hbm>> -> memref<1152x64xf32, #tpu.memory_space<hbm>>
      %dma_wait3A_1587 = arith.constant 0 : i32
      %dma_wait3A_1588 = tpu.memref_slice %arg2[%mul3A_1544, %dma_wait3A_1587] : memref<36864x64xf32, #tpu.memory_space<hbm>> -> memref<1152x64xf32, #tpu.memory_space<hbm>>
      tpu.wait_dma2 semaphore(%run_scoped3A_1582 : memref<!tpu.dma_semaphore, #tpu.memory_space<semaphore_mem>>) src(%dma_wait3A_1588 : memref<1152x64xf32, #tpu.memory_space<hbm>>) dst(%arg7 : memref<1152x64xf32, #tpu.memory_space<vmem>>)
      tpu.yield
    }) : () -> ()
    %barrier3A = arith.constant 0 : index
    tpu.barrier barrier_id(%barrier3A)
    %run_scoped3A = arith.constant 0 : i32
    "tpu.region"() ({
      %run_scoped3A_1582 = tpu.sem_alloc : memref<!tpu.dma_semaphore, #tpu.memory_space<semaphore_mem>>
      %dma_start3A = arith.constant 0 : i32
      %dma_start3A_1583 = arith.constant 0 : i32
      %dma_start3A_1584 = tpu.memref_slice %arg7[%dma_start3A, %dma_start3A_1583] : memref<1152x64xf32, #tpu.memory_space<vmem>> -> memref<128x64xf32, #tpu.memory_space<vmem>>
      %dma_start3A_1585 = arith.constant 0 : i32
      %dma_start3A_1586 = tpu.memref_slice %arg6[%run_scoped3A, %dma_start3A_1585] : memref<9x128xi32, #tpu.memory_space<vmem>> -> memref<1x128xi32, #tpu.memory_space<vmem>>
      %dma_start3A_1587 = tpu.memref_squeeze %dma_start3A_1586 : memref<1x128xi32, #tpu.memory_space<vmem>> -> memref<128xi32, #tpu.memory_space<vmem>>
      %dma_start3A_1588 = arith.constant 0 : i32
      %dma_start3A_1589 = arith.constant 0 : i32
      %dma_start3A_1590 = tpu.memref_slice %arg11[%dma_start3A_1588, %dma_start3A_1589] : memref<1024x64xf32, #tpu.memory_space<vmem_shared>> -> memref<1024x64xf32, #tpu.memory_space<vmem_shared>>
      tpu.enqueue_indirect_dma source(%dma_start3A_1584 : memref<128x64xf32, #tpu.memory_space<vmem>>) target(%dma_start3A_1590 : memref<1024x64xf32, #tpu.memory_space<vmem_shared>>) offsets(%dma_start3A_1587 : memref<128xi32, #tpu.memory_space<vmem>>) semaphore(%run_scoped3A_1582 : memref<!tpu.dma_semaphore, #tpu.memory_space<semaphore_mem>>) {add = true}
      %dma_wait3A = arith.constant 0 : i32
      %dma_wait3A_1591 = arith.constant 0 : i32
      %dma_wait3A_1592 = tpu.memref_slice %arg7[%dma_wait3A, %dma_wait3A_1591] : memref<1152x64xf32, #tpu.memory_space<vmem>> -> memref<128x64xf32, #tpu.memory_space<vmem>>
      %dma_wait3A_1593 = arith.constant 0 : i32
      %dma_wait3A_1594 = tpu.memref_slice %arg6[%run_scoped3A, %dma_wait3A_1593] : memref<9x128xi32, #tpu.memory_space<vmem>> -> memref<1x128xi32, #tpu.memory_space<vmem>>
      %dma_wait3A_1595 = tpu.memref_squeeze %dma_wait3A_1594 : memref<1x128xi32, #tpu.memory_space<vmem>> -> memref<128xi32, #tpu.memory_space<vmem>>
      %dma_wait3A_1596 = arith.constant 0 : i32
      %dma_wait3A_1597 = arith.constant 0 : i32
      %dma_wait3A_1598 = tpu.memref_slice %arg11[%dma_wait3A_1596, %dma_wait3A_1597] : memref<1024x64xf32, #tpu.memory_space<vmem_shared>> -> memref<1024x64xf32, #tpu.memory_space<vmem_shared>>
      tpu.wait_indirect_dma semaphore(%run_scoped3A_1582 : memref<!tpu.dma_semaphore, #tpu.memory_space<semaphore_mem>>) src(%dma_wait3A_1592 : memref<128x64xf32, #tpu.memory_space<vmem>>) dst(%dma_wait3A_1598 : memref<1024x64xf32, #tpu.memory_space<vmem_shared>>)
      tpu.yield
    }) : () -> ()
    %run_scoped3A_1545 = arith.constant 0 : i32
    "tpu.region"() ({
      %run_scoped3A_1582 = tpu.sem_alloc : memref<!tpu.dma_semaphore, #tpu.memory_space<semaphore_mem>>
      %dma_start3A = arith.constant 0 : i32
      %dma_start3A_1583 = tpu.memref_slice %arg6[%run_scoped3A_1545, %dma_start3A] : memref<9x128xi32, #tpu.memory_space<vmem>> -> memref<1x128xi32, #tpu.memory_space<vmem>>
      %dma_start3A_1584 = tpu.memref_squeeze %dma_start3A_1583 : memref<1x128xi32, #tpu.memory_space<vmem>> -> memref<128xi32, #tpu.memory_space<vmem>>
      %dma_start3A_1585 = arith.constant 0 : i32
      %dma_start3A_1586 = arith.constant 0 : i32
      %dma_start3A_1587 = tpu.memref_slice %arg12[%dma_start3A_1585, %dma_start3A_1586] : memref<1024x16xf32, #tpu.memory_space<vmem_shared>> -> memref<1024x16xf32, #tpu.memory_space<vmem_shared>>
      tpu.enqueue_indirect_dma source(%arg8 : memref<128x16xf32, #tpu.memory_space<vmem>>) target(%dma_start3A_1587 : memref<1024x16xf32, #tpu.memory_space<vmem_shared>>) offsets(%dma_start3A_1584 : memref<128xi32, #tpu.memory_space<vmem>>) semaphore(%run_scoped3A_1582 : memref<!tpu.dma_semaphore, #tpu.memory_space<semaphore_mem>>) {add = true}
      %dma_wait3A = arith.constant 0 : i32
      %dma_wait3A_1588 = tpu.memref_slice %arg6[%run_scoped3A_1545, %dma_wait3A] : memref<9x128xi32, #tpu.memory_space<vmem>> -> memref<1x128xi32, #tpu.memory_space<vmem>>
      %dma_wait3A_1589 = tpu.memref_squeeze %dma_wait3A_1588 : memref<1x128xi32, #tpu.memory_space<vmem>> -> memref<128xi32, #tpu.memory_space<vmem>>
      %dma_wait3A_1590 = arith.constant 0 : i32
      %dma_wait3A_1591 = arith.constant 0 : i32
      %dma_wait3A_1592 = tpu.memref_slice %arg12[%dma_wait3A_1590, %dma_wait3A_1591] : memref<1024x16xf32, #tpu.memory_space<vmem_shared>> -> memref<1024x16xf32, #tpu.memory_space<vmem_shared>>
      tpu.wait_indirect_dma semaphore(%run_scoped3A_1582 : memref<!tpu.dma_semaphore, #tpu.memory_space<semaphore_mem>>) src(%arg8 : memref<128x16xf32, #tpu.memory_space<vmem>>) dst(%dma_wait3A_1592 : memref<1024x16xf32, #tpu.memory_space<vmem_shared>>)
      tpu.yield
    }) : () -> ()
    %run_scoped3A_1546 = arith.constant 1 : i32
    "tpu.region"() ({
      %run_scoped3A_1582 = tpu.sem_alloc : memref<!tpu.dma_semaphore, #tpu.memory_space<semaphore_mem>>
      %dma_start3A = arith.constant 128 : i32
      %dma_start3A_1583 = arith.constant 0 : i32
      %dma_start3A_1584 = tpu.memref_slice %arg7[%dma_start3A, %dma_start3A_1583] : memref<1152x64xf32, #tpu.memory_space<vmem>> -> memref<128x64xf32, #tpu.memory_space<vmem>>
      %dma_start3A_1585 = arith.constant 0 : i32
      %dma_start3A_1586 = tpu.memref_slice %arg6[%run_scoped3A_1546, %dma_start3A_1585] : memref<9x128xi32, #tpu.memory_space<vmem>> -> memref<1x128xi32, #tpu.memory_space<vmem>>
      %dma_start3A_1587 = tpu.memref_squeeze %dma_start3A_1586 : memref<1x128xi32, #tpu.memory_space<vmem>> -> memref<128xi32, #tpu.memory_space<vmem>>
      %dma_start3A_1588 = arith.constant 0 : i32
      %dma_start3A_1589 = arith.constant 0 : i32
      %dma_start3A_1590 = tpu.memref_slice %arg11[%dma_start3A_1588, %dma_start3A_1589] : memref<1024x64xf32, #tpu.memory_space<vmem_shared>> -> memref<1024x64xf32, #tpu.memory_space<vmem_shared>>
      tpu.enqueue_indirect_dma source(%dma_start3A_1584 : memref<128x64xf32, #tpu.memory_space<vmem>>) target(%dma_start3A_1590 : memref<1024x64xf32, #tpu.memory_space<vmem_shared>>) offsets(%dma_start3A_1587 : memref<128xi32, #tpu.memory_space<vmem>>) semaphore(%run_scoped3A_1582 : memref<!tpu.dma_semaphore, #tpu.memory_space<semaphore_mem>>) {add = true}
      %dma_wait3A = arith.constant 128 : i32
      %dma_wait3A_1591 = arith.constant 0 : i32
      %dma_wait3A_1592 = tpu.memref_slice %arg7[%dma_wait3A, %dma_wait3A_1591] : memref<1152x64xf32, #tpu.memory_space<vmem>> -> memref<128x64xf32, #tpu.memory_space<vmem>>
      %dma_wait3A_1593 = arith.constant 0 : i32
      %dma_wait3A_1594 = tpu.memref_slice %arg6[%run_scoped3A_1546, %dma_wait3A_1593] : memref<9x128xi32, #tpu.memory_space<vmem>> -> memref<1x128xi32, #tpu.memory_space<vmem>>
      %dma_wait3A_1595 = tpu.memref_squeeze %dma_wait3A_1594 : memref<1x128xi32, #tpu.memory_space<vmem>> -> memref<128xi32, #tpu.memory_space<vmem>>
      %dma_wait3A_1596 = arith.constant 0 : i32
      %dma_wait3A_1597 = arith.constant 0 : i32
      %dma_wait3A_1598 = tpu.memref_slice %arg11[%dma_wait3A_1596, %dma_wait3A_1597] : memref<1024x64xf32, #tpu.memory_space<vmem_shared>> -> memref<1024x64xf32, #tpu.memory_space<vmem_shared>>
      tpu.wait_indirect_dma semaphore(%run_scoped3A_1582 : memref<!tpu.dma_semaphore, #tpu.memory_space<semaphore_mem>>) src(%dma_wait3A_1592 : memref<128x64xf32, #tpu.memory_space<vmem>>) dst(%dma_wait3A_1598 : memref<1024x64xf32, #tpu.memory_space<vmem_shared>>)
      tpu.yield
    }) : () -> ()
    %run_scoped3A_1547 = arith.constant 1 : i32
    "tpu.region"() ({
      %run_scoped3A_1582 = tpu.sem_alloc : memref<!tpu.dma_semaphore, #tpu.memory_space<semaphore_mem>>
      %dma_start3A = arith.constant 0 : i32
      %dma_start3A_1583 = tpu.memref_slice %arg6[%run_scoped3A_1547, %dma_start3A] : memref<9x128xi32, #tpu.memory_space<vmem>> -> memref<1x128xi32, #tpu.memory_space<vmem>>
      %dma_start3A_1584 = tpu.memref_squeeze %dma_start3A_1583 : memref<1x128xi32, #tpu.memory_space<vmem>> -> memref<128xi32, #tpu.memory_space<vmem>>
      %dma_start3A_1585 = arith.constant 0 : i32
      %dma_start3A_1586 = arith.constant 0 : i32
      %dma_start3A_1587 = tpu.memref_slice %arg12[%dma_start3A_1585, %dma_start3A_1586] : memref<1024x16xf32, #tpu.memory_space<vmem_shared>> -> memref<1024x16xf32, #tpu.memory_space<vmem_shared>>
      tpu.enqueue_indirect_dma source(%arg8 : memref<128x16xf32, #tpu.memory_space<vmem>>) target(%dma_start3A_1587 : memref<1024x16xf32, #tpu.memory_space<vmem_shared>>) offsets(%dma_start3A_1584 : memref<128xi32, #tpu.memory_space<vmem>>) semaphore(%run_scoped3A_1582 : memref<!tpu.dma_semaphore, #tpu.memory_space<semaphore_mem>>) {add = true}
      %dma_wait3A = arith.constant 0 : i32
      %dma_wait3A_1588 = tpu.memref_slice %arg6[%run_scoped3A_1547, %dma_wait3A] : memref<9x128xi32, #tpu.memory_space<vmem>> -> memref<1x128xi32, #tpu.memory_space<vmem>>
      %dma_wait3A_1589 = tpu.memref_squeeze %dma_wait3A_1588 : memref<1x128xi32, #tpu.memory_space<vmem>> -> memref<128xi32, #tpu.memory_space<vmem>>
      %dma_wait3A_1590 = arith.constant 0 : i32
      %dma_wait3A_1591 = arith.constant 0 : i32
      %dma_wait3A_1592 = tpu.memref_slice %arg12[%dma_wait3A_1590, %dma_wait3A_1591] : memref<1024x16xf32, #tpu.memory_space<vmem_shared>> -> memref<1024x16xf32, #tpu.memory_space<vmem_shared>>
      tpu.wait_indirect_dma semaphore(%run_scoped3A_1582 : memref<!tpu.dma_semaphore, #tpu.memory_space<semaphore_mem>>) src(%arg8 : memref<128x16xf32, #tpu.memory_space<vmem>>) dst(%dma_wait3A_1592 : memref<1024x16xf32, #tpu.memory_space<vmem_shared>>)
      tpu.yield
    }) : () -> ()
    %run_scoped3A_1548 = arith.constant 2 : i32
    "tpu.region"() ({
      %run_scoped3A_1582 = tpu.sem_alloc : memref<!tpu.dma_semaphore, #tpu.memory_space<semaphore_mem>>
      %dma_start3A = arith.constant 256 : i32
      %dma_start3A_1583 = arith.constant 0 : i32
      %dma_start3A_1584 = tpu.memref_slice %arg7[%dma_start3A, %dma_start3A_1583] : memref<1152x64xf32, #tpu.memory_space<vmem>> -> memref<128x64xf32, #tpu.memory_space<vmem>>
      %dma_start3A_1585 = arith.constant 0 : i32
      %dma_start3A_1586 = tpu.memref_slice %arg6[%run_scoped3A_1548, %dma_start3A_1585] : memref<9x128xi32, #tpu.memory_space<vmem>> -> memref<1x128xi32, #tpu.memory_space<vmem>>
      %dma_start3A_1587 = tpu.memref_squeeze %dma_start3A_1586 : memref<1x128xi32, #tpu.memory_space<vmem>> -> memref<128xi32, #tpu.memory_space<vmem>>
      %dma_start3A_1588 = arith.constant 0 : i32
      %dma_start3A_1589 = arith.constant 0 : i32
      %dma_start3A_1590 = tpu.memref_slice %arg11[%dma_start3A_1588, %dma_start3A_1589] : memref<1024x64xf32, #tpu.memory_space<vmem_shared>> -> memref<1024x64xf32, #tpu.memory_space<vmem_shared>>
      tpu.enqueue_indirect_dma source(%dma_start3A_1584 : memref<128x64xf32, #tpu.memory_space<vmem>>) target(%dma_start3A_1590 : memref<1024x64xf32, #tpu.memory_space<vmem_shared>>) offsets(%dma_start3A_1587 : memref<128xi32, #tpu.memory_space<vmem>>) semaphore(%run_scoped3A_1582 : memref<!tpu.dma_semaphore, #tpu.memory_space<semaphore_mem>>) {add = true}
      %dma_wait3A = arith.constant 256 : i32
      %dma_wait3A_1591 = arith.constant 0 : i32
      %dma_wait3A_1592 = tpu.memref_slice %arg7[%dma_wait3A, %dma_wait3A_1591] : memref<1152x64xf32, #tpu.memory_space<vmem>> -> memref<128x64xf32, #tpu.memory_space<vmem>>
      %dma_wait3A_1593 = arith.constant 0 : i32
      %dma_wait3A_1594 = tpu.memref_slice %arg6[%run_scoped3A_1548, %dma_wait3A_1593] : memref<9x128xi32, #tpu.memory_space<vmem>> -> memref<1x128xi32, #tpu.memory_space<vmem>>
      %dma_wait3A_1595 = tpu.memref_squeeze %dma_wait3A_1594 : memref<1x128xi32, #tpu.memory_space<vmem>> -> memref<128xi32, #tpu.memory_space<vmem>>
      %dma_wait3A_1596 = arith.constant 0 : i32
      %dma_wait3A_1597 = arith.constant 0 : i32
      %dma_wait3A_1598 = tpu.memref_slice %arg11[%dma_wait3A_1596, %dma_wait3A_1597] : memref<1024x64xf32, #tpu.memory_space<vmem_shared>> -> memref<1024x64xf32, #tpu.memory_space<vmem_shared>>
      tpu.wait_indirect_dma semaphore(%run_scoped3A_1582 : memref<!tpu.dma_semaphore, #tpu.memory_space<semaphore_mem>>) src(%dma_wait3A_1592 : memref<128x64xf32, #tpu.memory_space<vmem>>) dst(%dma_wait3A_1598 : memref<1024x64xf32, #tpu.memory_space<vmem_shared>>)
      tpu.yield
    }) : () -> ()
    %run_scoped3A_1549 = arith.constant 2 : i32
    "tpu.region"() ({
      %run_scoped3A_1582 = tpu.sem_alloc : memref<!tpu.dma_semaphore, #tpu.memory_space<semaphore_mem>>
      %dma_start3A = arith.constant 0 : i32
      %dma_start3A_1583 = tpu.memref_slice %arg6[%run_scoped3A_1549, %dma_start3A] : memref<9x128xi32, #tpu.memory_space<vmem>> -> memref<1x128xi32, #tpu.memory_space<vmem>>
      %dma_start3A_1584 = tpu.memref_squeeze %dma_start3A_1583 : memref<1x128xi32, #tpu.memory_space<vmem>> -> memref<128xi32, #tpu.memory_space<vmem>>
      %dma_start3A_1585 = arith.constant 0 : i32
      %dma_start3A_1586 = arith.constant 0 : i32
      %dma_start3A_1587 = tpu.memref_slice %arg12[%dma_start3A_1585, %dma_start3A_1586] : memref<1024x16xf32, #tpu.memory_space<vmem_shared>> -> memref<1024x16xf32, #tpu.memory_space<vmem_shared>>
      tpu.enqueue_indirect_dma source(%arg8 : memref<128x16xf32, #tpu.memory_space<vmem>>) target(%dma_start3A_1587 : memref<1024x16xf32, #tpu.memory_space<vmem_shared>>) offsets(%dma_start3A_1584 : memref<128xi32, #tpu.memory_space<vmem>>) semaphore(%run_scoped3A_1582 : memref<!tpu.dma_semaphore, #tpu.memory_space<semaphore_mem>>) {add = true}
      %dma_wait3A = arith.constant 0 : i32
      %dma_wait3A_1588 = tpu.memref_slice %arg6[%run_scoped3A_1549, %dma_wait3A] : memref<9x128xi32, #tpu.memory_space<vmem>> -> memref<1x128xi32, #tpu.memory_space<vmem>>
      %dma_wait3A_1589 = tpu.memref_squeeze %dma_wait3A_1588 : memref<1x128xi32, #tpu.memory_space<vmem>> -> memref<128xi32, #tpu.memory_space<vmem>>
      %dma_wait3A_1590 = arith.constant 0 : i32
      %dma_wait3A_1591 = arith.constant 0 : i32
      %dma_wait3A_1592 = tpu.memref_slice %arg12[%dma_wait3A_1590, %dma_wait3A_1591] : memref<1024x16xf32, #tpu.memory_space<vmem_shared>> -> memref<1024x16xf32, #tpu.memory_space<vmem_shared>>
      tpu.wait_indirect_dma semaphore(%run_scoped3A_1582 : memref<!tpu.dma_semaphore, #tpu.memory_space<semaphore_mem>>) src(%arg8 : memref<128x16xf32, #tpu.memory_space<vmem>>) dst(%dma_wait3A_1592 : memref<1024x16xf32, #tpu.memory_space<vmem_shared>>)
      tpu.yield
    }) : () -> ()
    %run_scoped3A_1550 = arith.constant 3 : i32
    "tpu.region"() ({
      %run_scoped3A_1582 = tpu.sem_alloc : memref<!tpu.dma_semaphore, #tpu.memory_space<semaphore_mem>>
      %dma_start3A = arith.constant 384 : i32
      %dma_start3A_1583 = arith.constant 0 : i32
      %dma_start3A_1584 = tpu.memref_slice %arg7[%dma_start3A, %dma_start3A_1583] : memref<1152x64xf32, #tpu.memory_space<vmem>> -> memref<128x64xf32, #tpu.memory_space<vmem>>
      %dma_start3A_1585 = arith.constant 0 : i32
      %dma_start3A_1586 = tpu.memref_slice %arg6[%run_scoped3A_1550, %dma_start3A_1585] : memref<9x128xi32, #tpu.memory_space<vmem>> -> memref<1x128xi32, #tpu.memory_space<vmem>>
      %dma_start3A_1587 = tpu.memref_squeeze %dma_start3A_1586 : memref<1x128xi32, #tpu.memory_space<vmem>> -> memref<128xi32, #tpu.memory_space<vmem>>
      %dma_start3A_1588 = arith.constant 0 : i32
      %dma_start3A_1589 = arith.constant 0 : i32
      %dma_start3A_1590 = tpu.memref_slice %arg11[%dma_start3A_1588, %dma_start3A_1589] : memref<1024x64xf32, #tpu.memory_space<vmem_shared>> -> memref<1024x64xf32, #tpu.memory_space<vmem_shared>>
      tpu.enqueue_indirect_dma source(%dma_start3A_1584 : memref<128x64xf32, #tpu.memory_space<vmem>>) target(%dma_start3A_1590 : memref<1024x64xf32, #tpu.memory_space<vmem_shared>>) offsets(%dma_start3A_1587 : memref<128xi32, #tpu.memory_space<vmem>>) semaphore(%run_scoped3A_1582 : memref<!tpu.dma_semaphore, #tpu.memory_space<semaphore_mem>>) {add = true}
      %dma_wait3A = arith.constant 384 : i32
      %dma_wait3A_1591 = arith.constant 0 : i32
      %dma_wait3A_1592 = tpu.memref_slice %arg7[%dma_wait3A, %dma_wait3A_1591] : memref<1152x64xf32, #tpu.memory_space<vmem>> -> memref<128x64xf32, #tpu.memory_space<vmem>>
      %dma_wait3A_1593 = arith.constant 0 : i32
      %dma_wait3A_1594 = tpu.memref_slice %arg6[%run_scoped3A_1550, %dma_wait3A_1593] : memref<9x128xi32, #tpu.memory_space<vmem>> -> memref<1x128xi32, #tpu.memory_space<vmem>>
      %dma_wait3A_1595 = tpu.memref_squeeze %dma_wait3A_1594 : memref<1x128xi32, #tpu.memory_space<vmem>> -> memref<128xi32, #tpu.memory_space<vmem>>
      %dma_wait3A_1596 = arith.constant 0 : i32
      %dma_wait3A_1597 = arith.constant 0 : i32
      %dma_wait3A_1598 = tpu.memref_slice %arg11[%dma_wait3A_1596, %dma_wait3A_1597] : memref<1024x64xf32, #tpu.memory_space<vmem_shared>> -> memref<1024x64xf32, #tpu.memory_space<vmem_shared>>
      tpu.wait_indirect_dma semaphore(%run_scoped3A_1582 : memref<!tpu.dma_semaphore, #tpu.memory_space<semaphore_mem>>) src(%dma_wait3A_1592 : memref<128x64xf32, #tpu.memory_space<vmem>>) dst(%dma_wait3A_1598 : memref<1024x64xf32, #tpu.memory_space<vmem_shared>>)
      tpu.yield
    }) : () -> ()
    %run_scoped3A_1551 = arith.constant 3 : i32
    "tpu.region"() ({
      %run_scoped3A_1582 = tpu.sem_alloc : memref<!tpu.dma_semaphore, #tpu.memory_space<semaphore_mem>>
      %dma_start3A = arith.constant 0 : i32
      %dma_start3A_1583 = tpu.memref_slice %arg6[%run_scoped3A_1551, %dma_start3A] : memref<9x128xi32, #tpu.memory_space<vmem>> -> memref<1x128xi32, #tpu.memory_space<vmem>>
      %dma_start3A_1584 = tpu.memref_squeeze %dma_start3A_1583 : memref<1x128xi32, #tpu.memory_space<vmem>> -> memref<128xi32, #tpu.memory_space<vmem>>
      %dma_start3A_1585 = arith.constant 0 : i32
      %dma_start3A_1586 = arith.constant 0 : i32
      %dma_start3A_1587 = tpu.memref_slice %arg12[%dma_start3A_1585, %dma_start3A_1586] : memref<1024x16xf32, #tpu.memory_space<vmem_shared>> -> memref<1024x16xf32, #tpu.memory_space<vmem_shared>>
      tpu.enqueue_indirect_dma source(%arg8 : memref<128x16xf32, #tpu.memory_space<vmem>>) target(%dma_start3A_1587 : memref<1024x16xf32, #tpu.memory_space<vmem_shared>>) offsets(%dma_start3A_1584 : memref<128xi32, #tpu.memory_space<vmem>>) semaphore(%run_scoped3A_1582 : memref<!tpu.dma_semaphore, #tpu.memory_space<semaphore_mem>>) {add = true}
      %dma_wait3A = arith.constant 0 : i32
      %dma_wait3A_1588 = tpu.memref_slice %arg6[%run_scoped3A_1551, %dma_wait3A] : memref<9x128xi32, #tpu.memory_space<vmem>> -> memref<1x128xi32, #tpu.memory_space<vmem>>
      %dma_wait3A_1589 = tpu.memref_squeeze %dma_wait3A_1588 : memref<1x128xi32, #tpu.memory_space<vmem>> -> memref<128xi32, #tpu.memory_space<vmem>>
      %dma_wait3A_1590 = arith.constant 0 : i32
      %dma_wait3A_1591 = arith.constant 0 : i32
      %dma_wait3A_1592 = tpu.memref_slice %arg12[%dma_wait3A_1590, %dma_wait3A_1591] : memref<1024x16xf32, #tpu.memory_space<vmem_shared>> -> memref<1024x16xf32, #tpu.memory_space<vmem_shared>>
      tpu.wait_indirect_dma semaphore(%run_scoped3A_1582 : memref<!tpu.dma_semaphore, #tpu.memory_space<semaphore_mem>>) src(%arg8 : memref<128x16xf32, #tpu.memory_space<vmem>>) dst(%dma_wait3A_1592 : memref<1024x16xf32, #tpu.memory_space<vmem_shared>>)
      tpu.yield
    }) : () -> ()
    %run_scoped3A_1552 = arith.constant 4 : i32
    "tpu.region"() ({
      %run_scoped3A_1582 = tpu.sem_alloc : memref<!tpu.dma_semaphore, #tpu.memory_space<semaphore_mem>>
      %dma_start3A = arith.constant 512 : i32
      %dma_start3A_1583 = arith.constant 0 : i32
      %dma_start3A_1584 = tpu.memref_slice %arg7[%dma_start3A, %dma_start3A_1583] : memref<1152x64xf32, #tpu.memory_space<vmem>> -> memref<128x64xf32, #tpu.memory_space<vmem>>
      %dma_start3A_1585 = arith.constant 0 : i32
      %dma_start3A_1586 = tpu.memref_slice %arg6[%run_scoped3A_1552, %dma_start3A_1585] : memref<9x128xi32, #tpu.memory_space<vmem>> -> memref<1x128xi32, #tpu.memory_space<vmem>>
      %dma_start3A_1587 = tpu.memref_squeeze %dma_start3A_1586 : memref<1x128xi32, #tpu.memory_space<vmem>> -> memref<128xi32, #tpu.memory_space<vmem>>
      %dma_start3A_1588 = arith.constant 0 : i32
      %dma_start3A_1589 = arith.constant 0 : i32
      %dma_start3A_1590 = tpu.memref_slice %arg11[%dma_start3A_1588, %dma_start3A_1589] : memref<1024x64xf32, #tpu.memory_space<vmem_shared>> -> memref<1024x64xf32, #tpu.memory_space<vmem_shared>>
      tpu.enqueue_indirect_dma source(%dma_start3A_1584 : memref<128x64xf32, #tpu.memory_space<vmem>>) target(%dma_start3A_1590 : memref<1024x64xf32, #tpu.memory_space<vmem_shared>>) offsets(%dma_start3A_1587 : memref<128xi32, #tpu.memory_space<vmem>>) semaphore(%run_scoped3A_1582 : memref<!tpu.dma_semaphore, #tpu.memory_space<semaphore_mem>>) {add = true}
      %dma_wait3A = arith.constant 512 : i32
      %dma_wait3A_1591 = arith.constant 0 : i32
      %dma_wait3A_1592 = tpu.memref_slice %arg7[%dma_wait3A, %dma_wait3A_1591] : memref<1152x64xf32, #tpu.memory_space<vmem>> -> memref<128x64xf32, #tpu.memory_space<vmem>>
      %dma_wait3A_1593 = arith.constant 0 : i32
      %dma_wait3A_1594 = tpu.memref_slice %arg6[%run_scoped3A_1552, %dma_wait3A_1593] : memref<9x128xi32, #tpu.memory_space<vmem>> -> memref<1x128xi32, #tpu.memory_space<vmem>>
      %dma_wait3A_1595 = tpu.memref_squeeze %dma_wait3A_1594 : memref<1x128xi32, #tpu.memory_space<vmem>> -> memref<128xi32, #tpu.memory_space<vmem>>
      %dma_wait3A_1596 = arith.constant 0 : i32
      %dma_wait3A_1597 = arith.constant 0 : i32
      %dma_wait3A_1598 = tpu.memref_slice %arg11[%dma_wait3A_1596, %dma_wait3A_1597] : memref<1024x64xf32, #tpu.memory_space<vmem_shared>> -> memref<1024x64xf32, #tpu.memory_space<vmem_shared>>
      tpu.wait_indirect_dma semaphore(%run_scoped3A_1582 : memref<!tpu.dma_semaphore, #tpu.memory_space<semaphore_mem>>) src(%dma_wait3A_1592 : memref<128x64xf32, #tpu.memory_space<vmem>>) dst(%dma_wait3A_1598 : memref<1024x64xf32, #tpu.memory_space<vmem_shared>>)
      tpu.yield
    }) : () -> ()
    %run_scoped3A_1553 = arith.constant 4 : i32
    "tpu.region"() ({
      %run_scoped3A_1582 = tpu.sem_alloc : memref<!tpu.dma_semaphore, #tpu.memory_space<semaphore_mem>>
      %dma_start3A = arith.constant 0 : i32
      %dma_start3A_1583 = tpu.memref_slice %arg6[%run_scoped3A_1553, %dma_start3A] : memref<9x128xi32, #tpu.memory_space<vmem>> -> memref<1x128xi32, #tpu.memory_space<vmem>>
      %dma_start3A_1584 = tpu.memref_squeeze %dma_start3A_1583 : memref<1x128xi32, #tpu.memory_space<vmem>> -> memref<128xi32, #tpu.memory_space<vmem>>
      %dma_start3A_1585 = arith.constant 0 : i32
      %dma_start3A_1586 = arith.constant 0 : i32
      %dma_start3A_1587 = tpu.memref_slice %arg12[%dma_start3A_1585, %dma_start3A_1586] : memref<1024x16xf32, #tpu.memory_space<vmem_shared>> -> memref<1024x16xf32, #tpu.memory_space<vmem_shared>>
      tpu.enqueue_indirect_dma source(%arg8 : memref<128x16xf32, #tpu.memory_space<vmem>>) target(%dma_start3A_1587 : memref<1024x16xf32, #tpu.memory_space<vmem_shared>>) offsets(%dma_start3A_1584 : memref<128xi32, #tpu.memory_space<vmem>>) semaphore(%run_scoped3A_1582 : memref<!tpu.dma_semaphore, #tpu.memory_space<semaphore_mem>>) {add = true}
      %dma_wait3A = arith.constant 0 : i32
      %dma_wait3A_1588 = tpu.memref_slice %arg6[%run_scoped3A_1553, %dma_wait3A] : memref<9x128xi32, #tpu.memory_space<vmem>> -> memref<1x128xi32, #tpu.memory_space<vmem>>
      %dma_wait3A_1589 = tpu.memref_squeeze %dma_wait3A_1588 : memref<1x128xi32, #tpu.memory_space<vmem>> -> memref<128xi32, #tpu.memory_space<vmem>>
      %dma_wait3A_1590 = arith.constant 0 : i32
      %dma_wait3A_1591 = arith.constant 0 : i32
      %dma_wait3A_1592 = tpu.memref_slice %arg12[%dma_wait3A_1590, %dma_wait3A_1591] : memref<1024x16xf32, #tpu.memory_space<vmem_shared>> -> memref<1024x16xf32, #tpu.memory_space<vmem_shared>>
      tpu.wait_indirect_dma semaphore(%run_scoped3A_1582 : memref<!tpu.dma_semaphore, #tpu.memory_space<semaphore_mem>>) src(%arg8 : memref<128x16xf32, #tpu.memory_space<vmem>>) dst(%dma_wait3A_1592 : memref<1024x16xf32, #tpu.memory_space<vmem_shared>>)
      tpu.yield
    }) : () -> ()
    %run_scoped3A_1554 = arith.constant 5 : i32
    "tpu.region"() ({
      %run_scoped3A_1582 = tpu.sem_alloc : memref<!tpu.dma_semaphore, #tpu.memory_space<semaphore_mem>>
      %dma_start3A = arith.constant 640 : i32
      %dma_start3A_1583 = arith.constant 0 : i32
      %dma_start3A_1584 = tpu.memref_slice %arg7[%dma_start3A, %dma_start3A_1583] : memref<1152x64xf32, #tpu.memory_space<vmem>> -> memref<128x64xf32, #tpu.memory_space<vmem>>
      %dma_start3A_1585 = arith.constant 0 : i32
      %dma_start3A_1586 = tpu.memref_slice %arg6[%run_scoped3A_1554, %dma_start3A_1585] : memref<9x128xi32, #tpu.memory_space<vmem>> -> memref<1x128xi32, #tpu.memory_space<vmem>>
      %dma_start3A_1587 = tpu.memref_squeeze %dma_start3A_1586 : memref<1x128xi32, #tpu.memory_space<vmem>> -> memref<128xi32, #tpu.memory_space<vmem>>
      %dma_start3A_1588 = arith.constant 0 : i32
      %dma_start3A_1589 = arith.constant 0 : i32
      %dma_start3A_1590 = tpu.memref_slice %arg11[%dma_start3A_1588, %dma_start3A_1589] : memref<1024x64xf32, #tpu.memory_space<vmem_shared>> -> memref<1024x64xf32, #tpu.memory_space<vmem_shared>>
      tpu.enqueue_indirect_dma source(%dma_start3A_1584 : memref<128x64xf32, #tpu.memory_space<vmem>>) target(%dma_start3A_1590 : memref<1024x64xf32, #tpu.memory_space<vmem_shared>>) offsets(%dma_start3A_1587 : memref<128xi32, #tpu.memory_space<vmem>>) semaphore(%run_scoped3A_1582 : memref<!tpu.dma_semaphore, #tpu.memory_space<semaphore_mem>>) {add = true}
      %dma_wait3A = arith.constant 640 : i32
      %dma_wait3A_1591 = arith.constant 0 : i32
      %dma_wait3A_1592 = tpu.memref_slice %arg7[%dma_wait3A, %dma_wait3A_1591] : memref<1152x64xf32, #tpu.memory_space<vmem>> -> memref<128x64xf32, #tpu.memory_space<vmem>>
      %dma_wait3A_1593 = arith.constant 0 : i32
      %dma_wait3A_1594 = tpu.memref_slice %arg6[%run_scoped3A_1554, %dma_wait3A_1593] : memref<9x128xi32, #tpu.memory_space<vmem>> -> memref<1x128xi32, #tpu.memory_space<vmem>>
      %dma_wait3A_1595 = tpu.memref_squeeze %dma_wait3A_1594 : memref<1x128xi32, #tpu.memory_space<vmem>> -> memref<128xi32, #tpu.memory_space<vmem>>
      %dma_wait3A_1596 = arith.constant 0 : i32
      %dma_wait3A_1597 = arith.constant 0 : i32
      %dma_wait3A_1598 = tpu.memref_slice %arg11[%dma_wait3A_1596, %dma_wait3A_1597] : memref<1024x64xf32, #tpu.memory_space<vmem_shared>> -> memref<1024x64xf32, #tpu.memory_space<vmem_shared>>
      tpu.wait_indirect_dma semaphore(%run_scoped3A_1582 : memref<!tpu.dma_semaphore, #tpu.memory_space<semaphore_mem>>) src(%dma_wait3A_1592 : memref<128x64xf32, #tpu.memory_space<vmem>>) dst(%dma_wait3A_1598 : memref<1024x64xf32, #tpu.memory_space<vmem_shared>>)
      tpu.yield
    }) : () -> ()
    %run_scoped3A_1555 = arith.constant 5 : i32
    "tpu.region"() ({
      %run_scoped3A_1582 = tpu.sem_alloc : memref<!tpu.dma_semaphore, #tpu.memory_space<semaphore_mem>>
      %dma_start3A = arith.constant 0 : i32
      %dma_start3A_1583 = tpu.memref_slice %arg6[%run_scoped3A_1555, %dma_start3A] : memref<9x128xi32, #tpu.memory_space<vmem>> -> memref<1x128xi32, #tpu.memory_space<vmem>>
      %dma_start3A_1584 = tpu.memref_squeeze %dma_start3A_1583 : memref<1x128xi32, #tpu.memory_space<vmem>> -> memref<128xi32, #tpu.memory_space<vmem>>
      %dma_start3A_1585 = arith.constant 0 : i32
      %dma_start3A_1586 = arith.constant 0 : i32
      %dma_start3A_1587 = tpu.memref_slice %arg12[%dma_start3A_1585, %dma_start3A_1586] : memref<1024x16xf32, #tpu.memory_space<vmem_shared>> -> memref<1024x16xf32, #tpu.memory_space<vmem_shared>>
      tpu.enqueue_indirect_dma source(%arg8 : memref<128x16xf32, #tpu.memory_space<vmem>>) target(%dma_start3A_1587 : memref<1024x16xf32, #tpu.memory_space<vmem_shared>>) offsets(%dma_start3A_1584 : memref<128xi32, #tpu.memory_space<vmem>>) semaphore(%run_scoped3A_1582 : memref<!tpu.dma_semaphore, #tpu.memory_space<semaphore_mem>>) {add = true}
      %dma_wait3A = arith.constant 0 : i32
      %dma_wait3A_1588 = tpu.memref_slice %arg6[%run_scoped3A_1555, %dma_wait3A] : memref<9x128xi32, #tpu.memory_space<vmem>> -> memref<1x128xi32, #tpu.memory_space<vmem>>
      %dma_wait3A_1589 = tpu.memref_squeeze %dma_wait3A_1588 : memref<1x128xi32, #tpu.memory_space<vmem>> -> memref<128xi32, #tpu.memory_space<vmem>>
      %dma_wait3A_1590 = arith.constant 0 : i32
      %dma_wait3A_1591 = arith.constant 0 : i32
      %dma_wait3A_1592 = tpu.memref_slice %arg12[%dma_wait3A_1590, %dma_wait3A_1591] : memref<1024x16xf32, #tpu.memory_space<vmem_shared>> -> memref<1024x16xf32, #tpu.memory_space<vmem_shared>>
      tpu.wait_indirect_dma semaphore(%run_scoped3A_1582 : memref<!tpu.dma_semaphore, #tpu.memory_space<semaphore_mem>>) src(%arg8 : memref<128x16xf32, #tpu.memory_space<vmem>>) dst(%dma_wait3A_1592 : memref<1024x16xf32, #tpu.memory_space<vmem_shared>>)
      tpu.yield
    }) : () -> ()
    %run_scoped3A_1556 = arith.constant 6 : i32
    "tpu.region"() ({
      %run_scoped3A_1582 = tpu.sem_alloc : memref<!tpu.dma_semaphore, #tpu.memory_space<semaphore_mem>>
      %dma_start3A = arith.constant 768 : i32
      %dma_start3A_1583 = arith.constant 0 : i32
      %dma_start3A_1584 = tpu.memref_slice %arg7[%dma_start3A, %dma_start3A_1583] : memref<1152x64xf32, #tpu.memory_space<vmem>> -> memref<128x64xf32, #tpu.memory_space<vmem>>
      %dma_start3A_1585 = arith.constant 0 : i32
      %dma_start3A_1586 = tpu.memref_slice %arg6[%run_scoped3A_1556, %dma_start3A_1585] : memref<9x128xi32, #tpu.memory_space<vmem>> -> memref<1x128xi32, #tpu.memory_space<vmem>>
      %dma_start3A_1587 = tpu.memref_squeeze %dma_start3A_1586 : memref<1x128xi32, #tpu.memory_space<vmem>> -> memref<128xi32, #tpu.memory_space<vmem>>
      %dma_start3A_1588 = arith.constant 0 : i32
      %dma_start3A_1589 = arith.constant 0 : i32
      %dma_start3A_1590 = tpu.memref_slice %arg11[%dma_start3A_1588, %dma_start3A_1589] : memref<1024x64xf32, #tpu.memory_space<vmem_shared>> -> memref<1024x64xf32, #tpu.memory_space<vmem_shared>>
      tpu.enqueue_indirect_dma source(%dma_start3A_1584 : memref<128x64xf32, #tpu.memory_space<vmem>>) target(%dma_start3A_1590 : memref<1024x64xf32, #tpu.memory_space<vmem_shared>>) offsets(%dma_start3A_1587 : memref<128xi32, #tpu.memory_space<vmem>>) semaphore(%run_scoped3A_1582 : memref<!tpu.dma_semaphore, #tpu.memory_space<semaphore_mem>>) {add = true}
      %dma_wait3A = arith.constant 768 : i32
      %dma_wait3A_1591 = arith.constant 0 : i32
      %dma_wait3A_1592 = tpu.memref_slice %arg7[%dma_wait3A, %dma_wait3A_1591] : memref<1152x64xf32, #tpu.memory_space<vmem>> -> memref<128x64xf32, #tpu.memory_space<vmem>>
      %dma_wait3A_1593 = arith.constant 0 : i32
      %dma_wait3A_1594 = tpu.memref_slice %arg6[%run_scoped3A_1556, %dma_wait3A_1593] : memref<9x128xi32, #tpu.memory_space<vmem>> -> memref<1x128xi32, #tpu.memory_space<vmem>>
      %dma_wait3A_1595 = tpu.memref_squeeze %dma_wait3A_1594 : memref<1x128xi32, #tpu.memory_space<vmem>> -> memref<128xi32, #tpu.memory_space<vmem>>
      %dma_wait3A_1596 = arith.constant 0 : i32
      %dma_wait3A_1597 = arith.constant 0 : i32
      %dma_wait3A_1598 = tpu.memref_slice %arg11[%dma_wait3A_1596, %dma_wait3A_1597] : memref<1024x64xf32, #tpu.memory_space<vmem_shared>> -> memref<1024x64xf32, #tpu.memory_space<vmem_shared>>
      tpu.wait_indirect_dma semaphore(%run_scoped3A_1582 : memref<!tpu.dma_semaphore, #tpu.memory_space<semaphore_mem>>) src(%dma_wait3A_1592 : memref<128x64xf32, #tpu.memory_space<vmem>>) dst(%dma_wait3A_1598 : memref<1024x64xf32, #tpu.memory_space<vmem_shared>>)
      tpu.yield
    }) : () -> ()
    %run_scoped3A_1557 = arith.constant 6 : i32
    "tpu.region"() ({
      %run_scoped3A_1582 = tpu.sem_alloc : memref<!tpu.dma_semaphore, #tpu.memory_space<semaphore_mem>>
      %dma_start3A = arith.constant 0 : i32
      %dma_start3A_1583 = tpu.memref_slice %arg6[%run_scoped3A_1557, %dma_start3A] : memref<9x128xi32, #tpu.memory_space<vmem>> -> memref<1x128xi32, #tpu.memory_space<vmem>>
      %dma_start3A_1584 = tpu.memref_squeeze %dma_start3A_1583 : memref<1x128xi32, #tpu.memory_space<vmem>> -> memref<128xi32, #tpu.memory_space<vmem>>
      %dma_start3A_1585 = arith.constant 0 : i32
      %dma_start3A_1586 = arith.constant 0 : i32
      %dma_start3A_1587 = tpu.memref_slice %arg12[%dma_start3A_1585, %dma_start3A_1586] : memref<1024x16xf32, #tpu.memory_space<vmem_shared>> -> memref<1024x16xf32, #tpu.memory_space<vmem_shared>>
      tpu.enqueue_indirect_dma source(%arg8 : memref<128x16xf32, #tpu.memory_space<vmem>>) target(%dma_start3A_1587 : memref<1024x16xf32, #tpu.memory_space<vmem_shared>>) offsets(%dma_start3A_1584 : memref<128xi32, #tpu.memory_space<vmem>>) semaphore(%run_scoped3A_1582 : memref<!tpu.dma_semaphore, #tpu.memory_space<semaphore_mem>>) {add = true}
      %dma_wait3A = arith.constant 0 : i32
      %dma_wait3A_1588 = tpu.memref_slice %arg6[%run_scoped3A_1557, %dma_wait3A] : memref<9x128xi32, #tpu.memory_space<vmem>> -> memref<1x128xi32, #tpu.memory_space<vmem>>
      %dma_wait3A_1589 = tpu.memref_squeeze %dma_wait3A_1588 : memref<1x128xi32, #tpu.memory_space<vmem>> -> memref<128xi32, #tpu.memory_space<vmem>>
      %dma_wait3A_1590 = arith.constant 0 : i32
      %dma_wait3A_1591 = arith.constant 0 : i32
      %dma_wait3A_1592 = tpu.memref_slice %arg12[%dma_wait3A_1590, %dma_wait3A_1591] : memref<1024x16xf32, #tpu.memory_space<vmem_shared>> -> memref<1024x16xf32, #tpu.memory_space<vmem_shared>>
      tpu.wait_indirect_dma semaphore(%run_scoped3A_1582 : memref<!tpu.dma_semaphore, #tpu.memory_space<semaphore_mem>>) src(%arg8 : memref<128x16xf32, #tpu.memory_space<vmem>>) dst(%dma_wait3A_1592 : memref<1024x16xf32, #tpu.memory_space<vmem_shared>>)
      tpu.yield
    }) : () -> ()
    %run_scoped3A_1558 = arith.constant 7 : i32
    "tpu.region"() ({
      %run_scoped3A_1582 = tpu.sem_alloc : memref<!tpu.dma_semaphore, #tpu.memory_space<semaphore_mem>>
      %dma_start3A = arith.constant 896 : i32
      %dma_start3A_1583 = arith.constant 0 : i32
      %dma_start3A_1584 = tpu.memref_slice %arg7[%dma_start3A, %dma_start3A_1583] : memref<1152x64xf32, #tpu.memory_space<vmem>> -> memref<128x64xf32, #tpu.memory_space<vmem>>
      %dma_start3A_1585 = arith.constant 0 : i32
      %dma_start3A_1586 = tpu.memref_slice %arg6[%run_scoped3A_1558, %dma_start3A_1585] : memref<9x128xi32, #tpu.memory_space<vmem>> -> memref<1x128xi32, #tpu.memory_space<vmem>>
      %dma_start3A_1587 = tpu.memref_squeeze %dma_start3A_1586 : memref<1x128xi32, #tpu.memory_space<vmem>> -> memref<128xi32, #tpu.memory_space<vmem>>
      %dma_start3A_1588 = arith.constant 0 : i32
      %dma_start3A_1589 = arith.constant 0 : i32
      %dma_start3A_1590 = tpu.memref_slice %arg11[%dma_start3A_1588, %dma_start3A_1589] : memref<1024x64xf32, #tpu.memory_space<vmem_shared>> -> memref<1024x64xf32, #tpu.memory_space<vmem_shared>>
      tpu.enqueue_indirect_dma source(%dma_start3A_1584 : memref<128x64xf32, #tpu.memory_space<vmem>>) target(%dma_start3A_1590 : memref<1024x64xf32, #tpu.memory_space<vmem_shared>>) offsets(%dma_start3A_1587 : memref<128xi32, #tpu.memory_space<vmem>>) semaphore(%run_scoped3A_1582 : memref<!tpu.dma_semaphore, #tpu.memory_space<semaphore_mem>>) {add = true}
      %dma_wait3A = arith.constant 896 : i32
      %dma_wait3A_1591 = arith.constant 0 : i32
      %dma_wait3A_1592 = tpu.memref_slice %arg7[%dma_wait3A, %dma_wait3A_1591] : memref<1152x64xf32, #tpu.memory_space<vmem>> -> memref<128x64xf32, #tpu.memory_space<vmem>>
      %dma_wait3A_1593 = arith.constant 0 : i32
      %dma_wait3A_1594 = tpu.memref_slice %arg6[%run_scoped3A_1558, %dma_wait3A_1593] : memref<9x128xi32, #tpu.memory_space<vmem>> -> memref<1x128xi32, #tpu.memory_space<vmem>>
      %dma_wait3A_1595 = tpu.memref_squeeze %dma_wait3A_1594 : memref<1x128xi32, #tpu.memory_space<vmem>> -> memref<128xi32, #tpu.memory_space<vmem>>
      %dma_wait3A_1596 = arith.constant 0 : i32
      %dma_wait3A_1597 = arith.constant 0 : i32
      %dma_wait3A_1598 = tpu.memref_slice %arg11[%dma_wait3A_1596, %dma_wait3A_1597] : memref<1024x64xf32, #tpu.memory_space<vmem_shared>> -> memref<1024x64xf32, #tpu.memory_space<vmem_shared>>
      tpu.wait_indirect_dma semaphore(%run_scoped3A_1582 : memref<!tpu.dma_semaphore, #tpu.memory_space<semaphore_mem>>) src(%dma_wait3A_1592 : memref<128x64xf32, #tpu.memory_space<vmem>>) dst(%dma_wait3A_1598 : memref<1024x64xf32, #tpu.memory_space<vmem_shared>>)
      tpu.yield
    }) : () -> ()
    %run_scoped3A_1559 = arith.constant 7 : i32
    "tpu.region"() ({
      %run_scoped3A_1582 = tpu.sem_alloc : memref<!tpu.dma_semaphore, #tpu.memory_space<semaphore_mem>>
      %dma_start3A = arith.constant 0 : i32
      %dma_start3A_1583 = tpu.memref_slice %arg6[%run_scoped3A_1559, %dma_start3A] : memref<9x128xi32, #tpu.memory_space<vmem>> -> memref<1x128xi32, #tpu.memory_space<vmem>>
      %dma_start3A_1584 = tpu.memref_squeeze %dma_start3A_1583 : memref<1x128xi32, #tpu.memory_space<vmem>> -> memref<128xi32, #tpu.memory_space<vmem>>
      %dma_start3A_1585 = arith.constant 0 : i32
      %dma_start3A_1586 = arith.constant 0 : i32
      %dma_start3A_1587 = tpu.memref_slice %arg12[%dma_start3A_1585, %dma_start3A_1586] : memref<1024x16xf32, #tpu.memory_space<vmem_shared>> -> memref<1024x16xf32, #tpu.memory_space<vmem_shared>>
      tpu.enqueue_indirect_dma source(%arg8 : memref<128x16xf32, #tpu.memory_space<vmem>>) target(%dma_start3A_1587 : memref<1024x16xf32, #tpu.memory_space<vmem_shared>>) offsets(%dma_start3A_1584 : memref<128xi32, #tpu.memory_space<vmem>>) semaphore(%run_scoped3A_1582 : memref<!tpu.dma_semaphore, #tpu.memory_space<semaphore_mem>>) {add = true}
      %dma_wait3A = arith.constant 0 : i32
      %dma_wait3A_1588 = tpu.memref_slice %arg6[%run_scoped3A_1559, %dma_wait3A] : memref<9x128xi32, #tpu.memory_space<vmem>> -> memref<1x128xi32, #tpu.memory_space<vmem>>
      %dma_wait3A_1589 = tpu.memref_squeeze %dma_wait3A_1588 : memref<1x128xi32, #tpu.memory_space<vmem>> -> memref<128xi32, #tpu.memory_space<vmem>>
      %dma_wait3A_1590 = arith.constant 0 : i32
      %dma_wait3A_1591 = arith.constant 0 : i32
      %dma_wait3A_1592 = tpu.memref_slice %arg12[%dma_wait3A_1590, %dma_wait3A_1591] : memref<1024x16xf32, #tpu.memory_space<vmem_shared>> -> memref<1024x16xf32, #tpu.memory_space<vmem_shared>>
      tpu.wait_indirect_dma semaphore(%run_scoped3A_1582 : memref<!tpu.dma_semaphore, #tpu.memory_space<semaphore_mem>>) src(%arg8 : memref<128x16xf32, #tpu.memory_space<vmem>>) dst(%dma_wait3A_1592 : memref<1024x16xf32, #tpu.memory_space<vmem_shared>>)
      tpu.yield
    }) : () -> ()
    %run_scoped3A_1560 = arith.constant 8 : i32
    "tpu.region"() ({
      %run_scoped3A_1582 = tpu.sem_alloc : memref<!tpu.dma_semaphore, #tpu.memory_space<semaphore_mem>>
      %dma_start3A = arith.constant 1024 : i32
      %dma_start3A_1583 = arith.constant 0 : i32
      %dma_start3A_1584 = tpu.memref_slice %arg7[%dma_start3A, %dma_start3A_1583] : memref<1152x64xf32, #tpu.memory_space<vmem>> -> memref<128x64xf32, #tpu.memory_space<vmem>>
      %dma_start3A_1585 = arith.constant 0 : i32
      %dma_start3A_1586 = tpu.memref_slice %arg6[%run_scoped3A_1560, %dma_start3A_1585] : memref<9x128xi32, #tpu.memory_space<vmem>> -> memref<1x128xi32, #tpu.memory_space<vmem>>
      %dma_start3A_1587 = tpu.memref_squeeze %dma_start3A_1586 : memref<1x128xi32, #tpu.memory_space<vmem>> -> memref<128xi32, #tpu.memory_space<vmem>>
      %dma_start3A_1588 = arith.constant 0 : i32
      %dma_start3A_1589 = arith.constant 0 : i32
      %dma_start3A_1590 = tpu.memref_slice %arg11[%dma_start3A_1588, %dma_start3A_1589] : memref<1024x64xf32, #tpu.memory_space<vmem_shared>> -> memref<1024x64xf32, #tpu.memory_space<vmem_shared>>
      tpu.enqueue_indirect_dma source(%dma_start3A_1584 : memref<128x64xf32, #tpu.memory_space<vmem>>) target(%dma_start3A_1590 : memref<1024x64xf32, #tpu.memory_space<vmem_shared>>) offsets(%dma_start3A_1587 : memref<128xi32, #tpu.memory_space<vmem>>) semaphore(%run_scoped3A_1582 : memref<!tpu.dma_semaphore, #tpu.memory_space<semaphore_mem>>) {add = true}
      %dma_wait3A = arith.constant 1024 : i32
      %dma_wait3A_1591 = arith.constant 0 : i32
      %dma_wait3A_1592 = tpu.memref_slice %arg7[%dma_wait3A, %dma_wait3A_1591] : memref<1152x64xf32, #tpu.memory_space<vmem>> -> memref<128x64xf32, #tpu.memory_space<vmem>>
      %dma_wait3A_1593 = arith.constant 0 : i32
      %dma_wait3A_1594 = tpu.memref_slice %arg6[%run_scoped3A_1560, %dma_wait3A_1593] : memref<9x128xi32, #tpu.memory_space<vmem>> -> memref<1x128xi32, #tpu.memory_space<vmem>>
      %dma_wait3A_1595 = tpu.memref_squeeze %dma_wait3A_1594 : memref<1x128xi32, #tpu.memory_space<vmem>> -> memref<128xi32, #tpu.memory_space<vmem>>
      %dma_wait3A_1596 = arith.constant 0 : i32
      %dma_wait3A_1597 = arith.constant 0 : i32
      %dma_wait3A_1598 = tpu.memref_slice %arg11[%dma_wait3A_1596, %dma_wait3A_1597] : memref<1024x64xf32, #tpu.memory_space<vmem_shared>> -> memref<1024x64xf32, #tpu.memory_space<vmem_shared>>
      tpu.wait_indirect_dma semaphore(%run_scoped3A_1582 : memref<!tpu.dma_semaphore, #tpu.memory_space<semaphore_mem>>) src(%dma_wait3A_1592 : memref<128x64xf32, #tpu.memory_space<vmem>>) dst(%dma_wait3A_1598 : memref<1024x64xf32, #tpu.memory_space<vmem_shared>>)
      tpu.yield
    }) : () -> ()
    %run_scoped3A_1561 = arith.constant 8 : i32
    "tpu.region"() ({
      %run_scoped3A_1582 = tpu.sem_alloc : memref<!tpu.dma_semaphore, #tpu.memory_space<semaphore_mem>>
      %dma_start3A = arith.constant 0 : i32
      %dma_start3A_1583 = tpu.memref_slice %arg6[%run_scoped3A_1561, %dma_start3A] : memref<9x128xi32, #tpu.memory_space<vmem>> -> memref<1x128xi32, #tpu.memory_space<vmem>>
      %dma_start3A_1584 = tpu.memref_squeeze %dma_start3A_1583 : memref<1x128xi32, #tpu.memory_space<vmem>> -> memref<128xi32, #tpu.memory_space<vmem>>
      %dma_start3A_1585 = arith.constant 0 : i32
      %dma_start3A_1586 = arith.constant 0 : i32
      %dma_start3A_1587 = tpu.memref_slice %arg12[%dma_start3A_1585, %dma_start3A_1586] : memref<1024x16xf32, #tpu.memory_space<vmem_shared>> -> memref<1024x16xf32, #tpu.memory_space<vmem_shared>>
      tpu.enqueue_indirect_dma source(%arg8 : memref<128x16xf32, #tpu.memory_space<vmem>>) target(%dma_start3A_1587 : memref<1024x16xf32, #tpu.memory_space<vmem_shared>>) offsets(%dma_start3A_1584 : memref<128xi32, #tpu.memory_space<vmem>>) semaphore(%run_scoped3A_1582 : memref<!tpu.dma_semaphore, #tpu.memory_space<semaphore_mem>>) {add = true}
      %dma_wait3A = arith.constant 0 : i32
      %dma_wait3A_1588 = tpu.memref_slice %arg6[%run_scoped3A_1561, %dma_wait3A] : memref<9x128xi32, #tpu.memory_space<vmem>> -> memref<1x128xi32, #tpu.memory_space<vmem>>
      %dma_wait3A_1589 = tpu.memref_squeeze %dma_wait3A_1588 : memref<1x128xi32, #tpu.memory_space<vmem>> -> memref<128xi32, #tpu.memory_space<vmem>>
      %dma_wait3A_1590 = arith.constant 0 : i32
      %dma_wait3A_1591 = arith.constant 0 : i32
      %dma_wait3A_1592 = tpu.memref_slice %arg12[%dma_wait3A_1590, %dma_wait3A_1591] : memref<1024x16xf32, #tpu.memory_space<vmem_shared>> -> memref<1024x16xf32, #tpu.memory_space<vmem_shared>>
      tpu.wait_indirect_dma semaphore(%run_scoped3A_1582 : memref<!tpu.dma_semaphore, #tpu.memory_space<semaphore_mem>>) src(%arg8 : memref<128x16xf32, #tpu.memory_space<vmem>>) dst(%dma_wait3A_1592 : memref<1024x16xf32, #tpu.memory_space<vmem_shared>>)
      tpu.yield
    }) : () -> ()
    %barrier3A_1562 = arith.constant 0 : index
    tpu.barrier barrier_id(%barrier3A_1562)
    %mul3A_1563 = arith.constant 64 : i32
    %mul3A_1564 = arith.muli %arg1, %mul3A_1563 : i32
    "tpu.region"() ({
      %run_scoped3A_1582 = tpu.sem_alloc : memref<!tpu.dma_semaphore, #tpu.memory_space<semaphore_mem>>
      %dma_start3A = arith.constant 0 : i32
      %dma_start3A_1583 = tpu.memref_slice %arg11[%mul3A_1564, %dma_start3A] : memref<1024x64xf32, #tpu.memory_space<vmem_shared>> -> memref<64x64xf32, #tpu.memory_space<vmem_shared>>
      %dma_start3A_1584 = arith.constant 0 : i32
      %dma_start3A_1585 = tpu.memref_slice %arg11[%mul3A_1564, %dma_start3A_1584] : memref<1024x64xf32, #tpu.memory_space<vmem_shared>> -> memref<64x64xf32, #tpu.memory_space<vmem_shared>>
      tpu.enqueue_dma source(%dma_start3A_1585 : memref<64x64xf32, #tpu.memory_space<vmem_shared>>) target(%arg9 : memref<64x64xf32, #tpu.memory_space<vmem>>) target_semaphore(%run_scoped3A_1582 : memref<!tpu.dma_semaphore, #tpu.memory_space<semaphore_mem>>)
      %dma_wait3A = arith.constant 0 : i32
      %dma_wait3A_1586 = tpu.memref_slice %arg11[%mul3A_1564, %dma_wait3A] : memref<1024x64xf32, #tpu.memory_space<vmem_shared>> -> memref<64x64xf32, #tpu.memory_space<vmem_shared>>
      %dma_wait3A_1587 = arith.constant 0 : i32
      %dma_wait3A_1588 = tpu.memref_slice %arg11[%mul3A_1564, %dma_wait3A_1587] : memref<1024x64xf32, #tpu.memory_space<vmem_shared>> -> memref<64x64xf32, #tpu.memory_space<vmem_shared>>
      tpu.wait_dma2 semaphore(%run_scoped3A_1582 : memref<!tpu.dma_semaphore, #tpu.memory_space<semaphore_mem>>) src(%dma_wait3A_1588 : memref<64x64xf32, #tpu.memory_space<vmem_shared>>) dst(%arg9 : memref<64x64xf32, #tpu.memory_space<vmem>>)
      tpu.yield
    }) : () -> ()
    %scan3A = arith.constant 0 : i32
    %scan3A_1565 = arith.constant 0 : i32
    %scan3A_1566 = arith.constant 64 : i32
    %scan3A_1567 = arith.addi %scan3A_1565, %scan3A_1566 : i32
    %scan3A_1568 = arith.constant 1 : i32
    scf.for %scan3A_1582 = %scan3A_1565 to %scan3A_1567 step %scan3A_1568  : i32 {
      %broadcast_in_dim3A_1583 = vector.broadcast %scan3A_1582 : i32 to vector<16xi32>
      %add3A_1584 = arith.constant 0 : i32
      %add3A_1585 = vector.broadcast %add3A_1584 : i32 to vector<16xi32>
      %add3A_1586 = arith.addi %add3A_1585, %iota3A : vector<16xi32>
      %gather3A = tpu.vector_load_idx %arg9[%broadcast_in_dim3A_1583, %add3A_1586] : memref<64x64xf32, #tpu.memory_space<vmem>>[vector<16xi32>, vector<16xi32>], vector<16xf32>,
      %add3A_1587 = arith.constant 0 : i32
      %add3A_1588 = vector.broadcast %add3A_1587 : i32 to vector<16xi32>
      %add3A_1589 = arith.addi %add3A_1588, %iota3A : vector<16xi32>
      %broadcast_in_dim3A_1590 = vector.broadcast %scan3A_1582 : i32 to vector<16xi32>
      tpu.vector_store_idx %arg10[%add3A_1589, %broadcast_in_dim3A_1590], %gather3A : memref<64x65xf32, #tpu.memory_space<vmem>>[vector<16xi32>, vector<16xi32>], vector<16xf32>,
      %add3A_1591 = arith.constant 16 : i32
      %add3A_1592 = vector.broadcast %add3A_1591 : i32 to vector<16xi32>
      %add3A_1593 = arith.addi %add3A_1592, %iota3A : vector<16xi32>
      %gather3A_1594 = tpu.vector_load_idx %arg9[%broadcast_in_dim3A_1583, %add3A_1593] : memref<64x64xf32, #tpu.memory_space<vmem>>[vector<16xi32>, vector<16xi32>], vector<16xf32>,
      %add3A_1595 = arith.constant 16 : i32
      %add3A_1596 = vector.broadcast %add3A_1595 : i32 to vector<16xi32>
      %add3A_1597 = arith.addi %add3A_1596, %iota3A : vector<16xi32>
      %broadcast_in_dim3A_1598 = vector.broadcast %scan3A_1582 : i32 to vector<16xi32>
      tpu.vector_store_idx %arg10[%add3A_1597, %broadcast_in_dim3A_1598], %gather3A_1594 : memref<64x65xf32, #tpu.memory_space<vmem>>[vector<16xi32>, vector<16xi32>], vector<16xf32>,
      %add3A_1599 = arith.constant 32 : i32
      %add3A_1600 = vector.broadcast %add3A_1599 : i32 to vector<16xi32>
      %add3A_1601 = arith.addi %add3A_1600, %iota3A : vector<16xi32>
      %gather3A_1602 = tpu.vector_load_idx %arg9[%broadcast_in_dim3A_1583, %add3A_1601] : memref<64x64xf32, #tpu.memory_space<vmem>>[vector<16xi32>, vector<16xi32>], vector<16xf32>,
      %add3A_1603 = arith.constant 32 : i32
      %add3A_1604 = vector.broadcast %add3A_1603 : i32 to vector<16xi32>
      %add3A_1605 = arith.addi %add3A_1604, %iota3A : vector<16xi32>
      %broadcast_in_dim3A_1606 = vector.broadcast %scan3A_1582 : i32 to vector<16xi32>
      tpu.vector_store_idx %arg10[%add3A_1605, %broadcast_in_dim3A_1606], %gather3A_1602 : memref<64x65xf32, #tpu.memory_space<vmem>>[vector<16xi32>, vector<16xi32>], vector<16xf32>,
      %add3A_1607 = arith.constant 48 : i32
      %add3A_1608 = vector.broadcast %add3A_1607 : i32 to vector<16xi32>
      %add3A_1609 = arith.addi %add3A_1608, %iota3A : vector<16xi32>
      %gather3A_1610 = tpu.vector_load_idx %arg9[%broadcast_in_dim3A_1583, %add3A_1609] : memref<64x64xf32, #tpu.memory_space<vmem>>[vector<16xi32>, vector<16xi32>], vector<16xf32>,
      %add3A_1611 = arith.constant 48 : i32
      %add3A_1612 = vector.broadcast %add3A_1611 : i32 to vector<16xi32>
      %add3A_1613 = arith.addi %add3A_1612, %iota3A : vector<16xi32>
      %broadcast_in_dim3A_1614 = vector.broadcast %scan3A_1582 : i32 to vector<16xi32>
      tpu.vector_store_idx %arg10[%add3A_1613, %broadcast_in_dim3A_1614], %gather3A_1610 : memref<64x65xf32, #tpu.memory_space<vmem>>[vector<16xi32>, vector<16xi32>], vector<16xf32>,
    }
    %scan3A_1569 = arith.constant 64 : i32
    %mul3A_1570 = arith.constant 64 : i32
    %mul3A_1571 = arith.muli %arg1, %mul3A_1570 : i32
    "tpu.region"() ({
      %run_scoped3A_1582 = tpu.sem_alloc : memref<!tpu.dma_semaphore, #tpu.memory_space<semaphore_mem>>
      %dma_start3A = arith.constant 0 : i32
      %dma_start3A_1583 = arith.constant 0 : i32
      %dma_start3A_1584 = tpu.memref_slice %arg10[%dma_start3A, %dma_start3A_1583] : memref<64x65xf32, #tpu.memory_space<vmem>> -> memref<64x64xf32, #tpu.memory_space<vmem>>
      %dma_start3A_1585 = arith.constant 0 : i32
      %dma_start3A_1586 = tpu.memref_slice %arg4[%arg0, %dma_start3A_1585, %mul3A_1571] : memref<2x64x1024xf32, #tpu.memory_space<hbm>> -> memref<1x64x64xf32, #tpu.memory_space<hbm>>
      %dma_start3A_1587 = tpu.memref_squeeze %dma_start3A_1586 : memref<1x64x64xf32, #tpu.memory_space<hbm>> -> memref<64x64xf32, #tpu.memory_space<hbm>>
      %dma_start3A_1588 = arith.constant 0 : i32
      %dma_start3A_1589 = tpu.memref_slice %arg4[%arg0, %dma_start3A_1588, %mul3A_1571] : memref<2x64x1024xf32, #tpu.memory_space<hbm>> -> memref<1x64x64xf32, #tpu.memory_space<hbm>>
      %dma_start3A_1590 = tpu.memref_squeeze %dma_start3A_1589 : memref<1x64x64xf32, #tpu.memory_space<hbm>> -> memref<64x64xf32, #tpu.memory_space<hbm>>
      %dma_start3A_1591 = arith.constant 0 : i32
      %dma_start3A_1592 = arith.constant 0 : i32
      %dma_start3A_1593 = tpu.memref_slice %arg10[%dma_start3A_1591, %dma_start3A_1592] : memref<64x65xf32, #tpu.memory_space<vmem>> -> memref<64x64xf32, #tpu.memory_space<vmem>>
      tpu.enqueue_dma source(%dma_start3A_1593 : memref<64x64xf32, #tpu.memory_space<vmem>>) target(%dma_start3A_1590 : memref<64x64xf32, #tpu.memory_space<hbm>>) target_semaphore(%run_scoped3A_1582 : memref<!tpu.dma_semaphore, #tpu.memory_space<semaphore_mem>>)
      %dma_wait3A = arith.constant 0 : i32
      %dma_wait3A_1594 = arith.constant 0 : i32
      %dma_wait3A_1595 = tpu.memref_slice %arg10[%dma_wait3A, %dma_wait3A_1594] : memref<64x65xf32, #tpu.memory_space<vmem>> -> memref<64x64xf32, #tpu.memory_space<vmem>>
      %dma_wait3A_1596 = arith.constant 0 : i32
      %dma_wait3A_1597 = tpu.memref_slice %arg4[%arg0, %dma_wait3A_1596, %mul3A_1571] : memref<2x64x1024xf32, #tpu.memory_space<hbm>> -> memref<1x64x64xf32, #tpu.memory_space<hbm>>
      %dma_wait3A_1598 = tpu.memref_squeeze %dma_wait3A_1597 : memref<1x64x64xf32, #tpu.memory_space<hbm>> -> memref<64x64xf32, #tpu.memory_space<hbm>>
      %dma_wait3A_1599 = arith.constant 0 : i32
      %dma_wait3A_1600 = tpu.memref_slice %arg4[%arg0, %dma_wait3A_1599, %mul3A_1571] : memref<2x64x1024xf32, #tpu.memory_space<hbm>> -> memref<1x64x64xf32, #tpu.memory_space<hbm>>
      %dma_wait3A_1601 = tpu.memref_squeeze %dma_wait3A_1600 : memref<1x64x64xf32, #tpu.memory_space<hbm>> -> memref<64x64xf32, #tpu.memory_space<hbm>>
      %dma_wait3A_1602 = arith.constant 0 : i32
      %dma_wait3A_1603 = arith.constant 0 : i32
      %dma_wait3A_1604 = tpu.memref_slice %arg10[%dma_wait3A_1602, %dma_wait3A_1603] : memref<64x65xf32, #tpu.memory_space<vmem>> -> memref<64x64xf32, #tpu.memory_space<vmem>>
      tpu.wait_dma2 semaphore(%run_scoped3A_1582 : memref<!tpu.dma_semaphore, #tpu.memory_space<semaphore_mem>>) src(%dma_wait3A_1604 : memref<64x64xf32, #tpu.memory_space<vmem>>) dst(%dma_wait3A_1601 : memref<64x64xf32, #tpu.memory_space<hbm>>)
      tpu.yield
    }) : () -> ()
    %mul3A_1572 = arith.constant 64 : i32
    %mul3A_1573 = arith.muli %arg1, %mul3A_1572 : i32
    "tpu.region"() ({
      %run_scoped3A_1582 = tpu.sem_alloc : memref<!tpu.dma_semaphore, #tpu.memory_space<semaphore_mem>>
      %dma_start3A = arith.constant 0 : i32
      %dma_start3A_1583 = arith.constant 0 : i32
      %dma_start3A_1584 = tpu.memref_slice %arg9[%dma_start3A, %dma_start3A_1583] : memref<64x64xf32, #tpu.memory_space<vmem>> -> memref<64x16xf32, #tpu.memory_space<vmem>>
      %dma_start3A_1585 = arith.constant 0 : i32
      %dma_start3A_1586 = tpu.memref_slice %arg12[%mul3A_1573, %dma_start3A_1585] : memref<1024x16xf32, #tpu.memory_space<vmem_shared>> -> memref<64x16xf32, #tpu.memory_space<vmem_shared>>
      %dma_start3A_1587 = arith.constant 0 : i32
      %dma_start3A_1588 = arith.constant 0 : i32
      %dma_start3A_1589 = tpu.memref_slice %arg9[%dma_start3A_1587, %dma_start3A_1588] : memref<64x64xf32, #tpu.memory_space<vmem>> -> memref<64x16xf32, #tpu.memory_space<vmem>>
      %dma_start3A_1590 = arith.constant 0 : i32
      %dma_start3A_1591 = tpu.memref_slice %arg12[%mul3A_1573, %dma_start3A_1590] : memref<1024x16xf32, #tpu.memory_space<vmem_shared>> -> memref<64x16xf32, #tpu.memory_space<vmem_shared>>
      tpu.enqueue_dma source(%dma_start3A_1591 : memref<64x16xf32, #tpu.memory_space<vmem_shared>>) target(%dma_start3A_1589 : memref<64x16xf32, #tpu.memory_space<vmem>>) target_semaphore(%run_scoped3A_1582 : memref<!tpu.dma_semaphore, #tpu.memory_space<semaphore_mem>>)
      %dma_wait3A = arith.constant 0 : i32
      %dma_wait3A_1592 = arith.constant 0 : i32
      %dma_wait3A_1593 = tpu.memref_slice %arg9[%dma_wait3A, %dma_wait3A_1592] : memref<64x64xf32, #tpu.memory_space<vmem>> -> memref<64x16xf32, #tpu.memory_space<vmem>>
      %dma_wait3A_1594 = arith.constant 0 : i32
      %dma_wait3A_1595 = tpu.memref_slice %arg12[%mul3A_1573, %dma_wait3A_1594] : memref<1024x16xf32, #tpu.memory_space<vmem_shared>> -> memref<64x16xf32, #tpu.memory_space<vmem_shared>>
      %dma_wait3A_1596 = arith.constant 0 : i32
      %dma_wait3A_1597 = arith.constant 0 : i32
      %dma_wait3A_1598 = tpu.memref_slice %arg9[%dma_wait3A_1596, %dma_wait3A_1597] : memref<64x64xf32, #tpu.memory_space<vmem>> -> memref<64x16xf32, #tpu.memory_space<vmem>>
      %dma_wait3A_1599 = arith.constant 0 : i32
      %dma_wait3A_1600 = tpu.memref_slice %arg12[%mul3A_1573, %dma_wait3A_1599] : memref<1024x16xf32, #tpu.memory_space<vmem_shared>> -> memref<64x16xf32, #tpu.memory_space<vmem_shared>>
      tpu.wait_dma2 semaphore(%run_scoped3A_1582 : memref<!tpu.dma_semaphore, #tpu.memory_space<semaphore_mem>>) src(%dma_wait3A_1600 : memref<64x16xf32, #tpu.memory_space<vmem_shared>>) dst(%dma_wait3A_1598 : memref<64x16xf32, #tpu.memory_space<vmem>>)
      tpu.yield
    }) : () -> ()
    %scan3A_1574 = arith.constant 0 : i32
    %scan3A_1575 = arith.constant 0 : i32
    %scan3A_1576 = arith.constant 64 : i32
    %scan3A_1577 = arith.addi %scan3A_1575, %scan3A_1576 : i32
    %scan3A_1578 = arith.constant 1 : i32
    scf.for %scan3A_1582 = %scan3A_1575 to %scan3A_1577 step %scan3A_1578  : i32 {
      %broadcast_in_dim3A_1583 = vector.broadcast %scan3A_1582 : i32 to vector<16xi32>
      %gather3A = tpu.vector_load_idx %arg9[%broadcast_in_dim3A_1583, %iota3A] : memref<64x64xf32, #tpu.memory_space<vmem>>[vector<16xi32>, vector<16xi32>], vector<16xf32>,
      tpu.vector_store_idx %arg10[%iota3A, %broadcast_in_dim3A_1583], %gather3A : memref<64x65xf32, #tpu.memory_space<vmem>>[vector<16xi32>, vector<16xi32>], vector<16xf32>,
    }
    %scan3A_1579 = arith.constant 64 : i32
    %mul3A_1580 = arith.constant 64 : i32
    %mul3A_1581 = arith.muli %arg1, %mul3A_1580 : i32
    "tpu.region"() ({
      %run_scoped3A_1582 = tpu.sem_alloc : memref<!tpu.dma_semaphore, #tpu.memory_space<semaphore_mem>>
      %dma_start3A = arith.constant 0 : i32
      %dma_start3A_1583 = arith.constant 0 : i32
      %dma_start3A_1584 = tpu.memref_slice %arg10[%dma_start3A, %dma_start3A_1583] : memref<64x65xf32, #tpu.memory_space<vmem>> -> memref<16x64xf32, #tpu.memory_space<vmem>>
      %dma_start3A_1585 = arith.constant 0 : i32
      %dma_start3A_1586 = tpu.memref_slice %arg5[%arg0, %dma_start3A_1585, %mul3A_1581] : memref<2x16x1024xf32, #tpu.memory_space<hbm>> -> memref<1x16x64xf32, #tpu.memory_space<hbm>>
      %dma_start3A_1587 = tpu.memref_squeeze %dma_start3A_1586 : memref<1x16x64xf32, #tpu.memory_space<hbm>> -> memref<16x64xf32, #tpu.memory_space<hbm>>
      %dma_start3A_1588 = arith.constant 0 : i32
      %dma_start3A_1589 = tpu.memref_slice %arg5[%arg0, %dma_start3A_1588, %mul3A_1581] : memref<2x16x1024xf32, #tpu.memory_space<hbm>> -> memref<1x16x64xf32, #tpu.memory_space<hbm>>
      %dma_start3A_1590 = tpu.memref_squeeze %dma_start3A_1589 : memref<1x16x64xf32, #tpu.memory_space<hbm>> -> memref<16x64xf32, #tpu.memory_space<hbm>>
      %dma_start3A_1591 = arith.constant 0 : i32
      %dma_start3A_1592 = arith.constant 0 : i32
      %dma_start3A_1593 = tpu.memref_slice %arg10[%dma_start3A_1591, %dma_start3A_1592] : memref<64x65xf32, #tpu.memory_space<vmem>> -> memref<16x64xf32, #tpu.memory_space<vmem>>
      tpu.enqueue_dma source(%dma_start3A_1593 : memref<16x64xf32, #tpu.memory_space<vmem>>) target(%dma_start3A_1590 : memref<16x64xf32, #tpu.memory_space<hbm>>) target_semaphore(%run_scoped3A_1582 : memref<!tpu.dma_semaphore, #tpu.memory_space<semaphore_mem>>)
      %dma_wait3A = arith.constant 0 : i32
      %dma_wait3A_1594 = arith.constant 0 : i32
      %dma_wait3A_1595 = tpu.memref_slice %arg10[%dma_wait3A, %dma_wait3A_1594] : memref<64x65xf32, #tpu.memory_space<vmem>> -> memref<16x64xf32, #tpu.memory_space<vmem>>
      %dma_wait3A_1596 = arith.constant 0 : i32
      %dma_wait3A_1597 = tpu.memref_slice %arg5[%arg0, %dma_wait3A_1596, %mul3A_1581] : memref<2x16x1024xf32, #tpu.memory_space<hbm>> -> memref<1x16x64xf32, #tpu.memory_space<hbm>>
      %dma_wait3A_1598 = tpu.memref_squeeze %dma_wait3A_1597 : memref<1x16x64xf32, #tpu.memory_space<hbm>> -> memref<16x64xf32, #tpu.memory_space<hbm>>
      %dma_wait3A_1599 = arith.constant 0 : i32
      %dma_wait3A_1600 = tpu.memref_slice %arg5[%arg0, %dma_wait3A_1599, %mul3A_1581] : memref<2x16x1024xf32, #tpu.memory_space<hbm>> -> memref<1x16x64xf32, #tpu.memory_space<hbm>>
      %dma_wait3A_1601 = tpu.memref_squeeze %dma_wait3A_1600 : memref<1x16x64xf32, #tpu.memory_space<hbm>> -> memref<16x64xf32, #tpu.memory_space<hbm>>
      %dma_wait3A_1602 = arith.constant 0 : i32
      %dma_wait3A_1603 = arith.constant 0 : i32
      %dma_wait3A_1604 = tpu.memref_slice %arg10[%dma_wait3A_1602, %dma_wait3A_1603] : memref<64x65xf32, #tpu.memory_space<vmem>> -> memref<16x64xf32, #tpu.memory_space<vmem>>
      tpu.wait_dma2 semaphore(%run_scoped3A_1582 : memref<!tpu.dma_semaphore, #tpu.memory_space<semaphore_mem>>) src(%dma_wait3A_1604 : memref<16x64xf32, #tpu.memory_space<vmem>>) dst(%dma_wait3A_1601 : memref<16x64xf32, #tpu.memory_space<hbm>>)
      tpu.yield
    }) : () -> ()
    return
  }
}

module attributes {stable_mosaic.version = 14 : i64} {
  func.func @_dist_argmin_body(%arg0: i32, %arg1: memref<64x3072xf32, #tpu.memory_space<vmem>>, %arg2: memref<1024x64xf32, #tpu.memory_space<vmem>>, %arg3: memref<64x1024xf32, #tpu.memory_space<vmem>>, %arg4: memref<1x1x3072xi32, #tpu.memory_space<vmem>>, %arg5: memref<64x3072xf32, #tpu.memory_space<vmem>>) attributes {dimension_semantics = [#tpu.dimension_semantics<arbitrary>], iteration_bounds = array<i64: 12>, scalar_prefetch = 0 : i64, scratch_operands = 0 : i64, tpu.core_type = #tpu.core_type<tc>, window_params = [{transform_indices = @transform_0, window_bounds = array<i64: 64, 3072>}, {pipeline_mode = #tpu.pipeline_mode<synchronous>, transform_indices = @transform_1, window_bounds = array<i64: 1024, 64>}, {pipeline_mode = #tpu.pipeline_mode<synchronous>, transform_indices = @transform_2, window_bounds = array<i64: 64, 1024>}, {transform_indices = @transform_3, window_bounds = array<i64: 1, 1, 3072>}, {transform_indices = @transform_4, window_bounds = array<i64: 64, 3072>}]} {
    %get3A = arith.constant 0 : index
    %get3A_0 = arith.constant 0 : index
    %get3A_1 = vector.load %arg1[%get3A, %get3A_0] : memref<64x3072xf32, #tpu.memory_space<vmem>>, vector<64x3072xf32>
    %get3A_2 = arith.constant 0 : index
    %get3A_3 = arith.constant 0 : index
    %get3A_4 = vector.load %arg2[%get3A_2, %get3A_3] : memref<1024x64xf32, #tpu.memory_space<vmem>>, vector<1024x64xf32>
    %get3A_5 = arith.constant 0 : index
    %get3A_6 = arith.constant 0 : index
    %get3A_7 = vector.load %arg3[%get3A_5, %get3A_6] : memref<64x1024xf32, #tpu.memory_space<vmem>>, vector<64x1024xf32>
    %dot_general3A = arith.constant dense<0.000000e+00> : vector<1024x3072xf32>
    %dot_general3A_8 = tpu.matmul %get3A_4, %get3A_1, %dot_general3A {dimension_numbers = #tpu.dot_dimension_numbers<[1], [0], [0], [1], [0, 0, 1, 1], [], []>, transpose_lhs_hint = false} : vector<1024x64xf32>, vector<64x3072xf32>, vector<1024x3072xf32> -> vector<1024x3072xf32>
    %mul3A = arith.mulf %get3A_1, %get3A_1 : vector<64x3072xf32>
    %reduce_sum3A = arith.constant dense<0.000000e+00> : vector<3072xf32>
    %reduce_sum3A_9 = vector.multi_reduction <add>, %mul3A, %reduce_sum3A [0] : vector<64x3072xf32> to vector<3072xf32>
    %broadcast_in_dim3A = vector.shape_cast %reduce_sum3A_9 : vector<3072xf32> to vector<1x3072xf32>
    %mul3A_10 = arith.mulf %get3A_4, %get3A_4 : vector<1024x64xf32>
    %reduce_sum3A_11 = arith.constant dense<0.000000e+00> : vector<1024xf32>
    %reduce_sum3A_12 = vector.multi_reduction <add>, %mul3A_10, %reduce_sum3A_11 [1] : vector<1024x64xf32> to vector<1024xf32>
    %broadcast_in_dim3A_13 = vector.shape_cast %reduce_sum3A_12 : vector<1024xf32> to vector<1024x1xf32>
    %mul3A_14 = arith.constant 2.000000e+00 : f32
    %mul3A_15 = vector.broadcast %mul3A_14 : f32 to vector<1024x3072xf32>
    %mul3A_16 = arith.mulf %mul3A_15, %dot_general3A_8 : vector<1024x3072xf32>
    %sub3A = vector.broadcast %broadcast_in_dim3A : vector<1x3072xf32> to vector<1024x3072xf32>
    %sub3A_17 = arith.subf %sub3A, %mul3A_16 : vector<1024x3072xf32>
    %add3A = vector.broadcast %broadcast_in_dim3A_13 : vector<1024x1xf32> to vector<1024x3072xf32>
    %add3A_18 = arith.addf %sub3A_17, %add3A : vector<1024x3072xf32>
    %argmin3A = tpu.reduce_index %add3A_18 {axis = 0 : i32, kind = #tpu.reduction_kind<arg_min>} : vector<1024x3072xf32> -> vector<3072xi32>
    %iota3A = tpu.iota {dimensions = array<i32: 0>} : vector<1024x3072xi32>
    %swap3A = arith.constant 0 : index
    %swap3A_19 = arith.constant 0 : index
    %swap3A_20 = arith.constant 0 : index
    %swap3A_21 = vector.load %arg4[%swap3A, %swap3A_19, %swap3A_20] : memref<1x1x3072xi32, #tpu.memory_space<vmem>>, vector<1x1x3072xi32>
    %swap3A_22 = vector.shape_cast %swap3A_21 : vector<1x1x3072xi32> to vector<3072xi32>
    %swap3A_23 = vector.shape_cast %argmin3A : vector<3072xi32> to vector<1x1x3072xi32>
    tpu.vector_store %arg4[%swap3A, %swap3A_19, %swap3A_20], %swap3A_23 {strides = array<i32>} : memref<1x1x3072xi32, #tpu.memory_space<vmem>>, vector<1x1x3072xi32>,
    %broadcast_in_dim3A_24 = vector.shape_cast %argmin3A : vector<3072xi32> to vector<1x3072xi32>
    %eq3A = vector.broadcast %broadcast_in_dim3A_24 : vector<1x3072xi32> to vector<1024x3072xi32>
    %eq3A_25 = arith.cmpi eq, %iota3A, %eq3A : vector<1024x3072xi32>
    %convert_element_type3A = arith.extui %eq3A_25 : vector<1024x3072xi1> to vector<1024x3072xi32>
    %convert_element_type3A_26 = arith.sitofp %convert_element_type3A : vector<1024x3072xi32> to vector<1024x3072xf32>
    %dot_general3A_27 = arith.constant dense<0.000000e+00> : vector<64x3072xf32>
    %dot_general3A_28 = tpu.matmul %get3A_7, %convert_element_type3A_26, %dot_general3A_27 {dimension_numbers = #tpu.dot_dimension_numbers<[1], [0], [0], [1], [0, 0, 1, 1], [], []>, transpose_lhs_hint = false} : vector<64x1024xf32>, vector<1024x3072xf32>, vector<64x3072xf32> -> vector<64x3072xf32>
    %swap3A_29 = arith.constant 0 : index
    %swap3A_30 = arith.constant 0 : index
    %swap3A_31 = vector.load %arg5[%swap3A_29, %swap3A_30] : memref<64x3072xf32, #tpu.memory_space<vmem>>, vector<64x3072xf32>
    tpu.vector_store %arg5[%swap3A_29, %swap3A_30], %dot_general3A_28 {strides = array<i32>} : memref<64x3072xf32, #tpu.memory_space<vmem>>, vector<64x3072xf32>,
    return
  }
  func.func @transform_0(%arg0: i32) -> (i32, i32) {
    %c0_i32 = arith.constant 0 : i32
    %c0_i32_0 = arith.constant 0 : i32
    return %c0_i32, %arg0 : i32, i32
  }
  func.func @transform_1(%arg0: i32) -> (i32, i32) {
    %c0_i32 = arith.constant 0 : i32
    %c0_i32_0 = arith.constant 0 : i32
    %c0_i32_1 = arith.constant 0 : i32
    return %c0_i32, %c0_i32_0 : i32, i32
  }
  func.func @transform_2(%arg0: i32) -> (i32, i32) {
    %c0_i32 = arith.constant 0 : i32
    %c0_i32_0 = arith.constant 0 : i32
    %c0_i32_1 = arith.constant 0 : i32
    return %c0_i32, %c0_i32_0 : i32, i32
  }
  func.func @transform_3(%arg0: i32) -> (i32, i32, i32) {
    %c0_i32 = arith.constant 0 : i32
    %c0_i32_0 = arith.constant 0 : i32
    %c0_i32_1 = arith.constant 0 : i32
    return %arg0, %c0_i32, %c0_i32_0 : i32, i32, i32
  }
  func.func @transform_4(%arg0: i32) -> (i32, i32) {
    %c0_i32 = arith.constant 0 : i32
    %c0_i32_0 = arith.constant 0 : i32
    return %c0_i32, %arg0 : i32, i32
  }
}

module attributes {stable_mosaic.version = 14 : i64} {
  func.func @_ewma_body(%arg0: memref<2x64x1024xf32, #tpu.memory_space<vmem>>, %arg1: memref<2x16x1024xf32, #tpu.memory_space<vmem>>, %arg2: memref<64x1024xf32, #tpu.memory_space<vmem>>, %arg3: memref<1x1024xf32, #tpu.memory_space<vmem>>, %arg4: memref<64x1024xf32, #tpu.memory_space<vmem>>, %arg5: memref<1x1024xf32, #tpu.memory_space<vmem>>, %arg6: memref<64x1024xf32, #tpu.memory_space<vmem>>) attributes {dimension_semantics = [], scalar_prefetch = 0 : i64, scratch_operands = 0 : i64, tpu.core_type = #tpu.core_type<tc>} {
    %get3A = arith.constant 0 : index
    %get3A_0 = arith.constant 0 : index
    %get3A_1 = arith.constant 0 : index
    %get3A_2 = vector.load %arg0[%get3A, %get3A_0, %get3A_1] : memref<2x64x1024xf32, #tpu.memory_space<vmem>>, vector<1x64x1024xf32>
    %get3A_3 = vector.shape_cast %get3A_2 : vector<1x64x1024xf32> to vector<64x1024xf32>
    %get3A_4 = arith.constant 1 : index
    %get3A_5 = arith.constant 0 : index
    %get3A_6 = arith.constant 0 : index
    %get3A_7 = vector.load %arg0[%get3A_4, %get3A_5, %get3A_6] : memref<2x64x1024xf32, #tpu.memory_space<vmem>>, vector<1x64x1024xf32>
    %get3A_8 = vector.shape_cast %get3A_7 : vector<1x64x1024xf32> to vector<64x1024xf32>
    %add3A = arith.addf %get3A_3, %get3A_8 : vector<64x1024xf32>
    %get3A_9 = arith.constant 0 : index
    %get3A_10 = arith.constant 0 : index
    %get3A_11 = arith.constant 0 : index
    %get3A_12 = vector.load %arg1[%get3A_9, %get3A_10, %get3A_11] : memref<2x16x1024xf32, #tpu.memory_space<vmem>>, vector<1x1x1024xf32>
    %get3A_13 = vector.shape_cast %get3A_12 : vector<1x1x1024xf32> to vector<1x1024xf32>
    %get3A_14 = arith.constant 1 : index
    %get3A_15 = arith.constant 0 : index
    %get3A_16 = arith.constant 0 : index
    %get3A_17 = vector.load %arg1[%get3A_14, %get3A_15, %get3A_16] : memref<2x16x1024xf32, #tpu.memory_space<vmem>>, vector<1x1x1024xf32>
    %get3A_18 = vector.shape_cast %get3A_17 : vector<1x1x1024xf32> to vector<1x1024xf32>
    %add3A_19 = arith.addf %get3A_13, %get3A_18 : vector<1x1024xf32>
    %get3A_20 = arith.constant 0 : index
    %get3A_21 = arith.constant 0 : index
    %get3A_22 = vector.load %arg2[%get3A_20, %get3A_21] : memref<64x1024xf32, #tpu.memory_space<vmem>>, vector<64x1024xf32>
    %mul3A = arith.constant 9.900000e-01 : f32
    %mul3A_23 = vector.broadcast %mul3A : f32 to vector<64x1024xf32>
    %mul3A_24 = arith.mulf %get3A_22, %mul3A_23 : vector<64x1024xf32>
    %mul3A_25 = arith.constant 0.00999999977 : f32
    %mul3A_26 = vector.broadcast %mul3A_25 : f32 to vector<64x1024xf32>
    %mul3A_27 = arith.mulf %add3A, %mul3A_26 : vector<64x1024xf32>
    %add3A_28 = arith.addf %mul3A_24, %mul3A_27 : vector<64x1024xf32>
    %get3A_29 = arith.constant 0 : index
    %get3A_30 = arith.constant 0 : index
    %get3A_31 = vector.load %arg3[%get3A_29, %get3A_30] : memref<1x1024xf32, #tpu.memory_space<vmem>>, vector<1x1024xf32>
    %mul3A_32 = arith.constant 9.900000e-01 : f32
    %mul3A_33 = vector.broadcast %mul3A_32 : f32 to vector<1x1024xf32>
    %mul3A_34 = arith.mulf %get3A_31, %mul3A_33 : vector<1x1024xf32>
    %mul3A_35 = arith.constant 0.00999999977 : f32
    %mul3A_36 = vector.broadcast %mul3A_35 : f32 to vector<1x1024xf32>
    %mul3A_37 = arith.mulf %add3A_19, %mul3A_36 : vector<1x1024xf32>
    %add3A_38 = arith.addf %mul3A_34, %mul3A_37 : vector<1x1024xf32>
    %swap3A = arith.constant 0 : index
    %swap3A_39 = arith.constant 0 : index
    %swap3A_40 = vector.load %arg4[%swap3A, %swap3A_39] : memref<64x1024xf32, #tpu.memory_space<vmem>>, vector<64x1024xf32>
    tpu.vector_store %arg4[%swap3A, %swap3A_39], %add3A_28 {strides = array<i32>} : memref<64x1024xf32, #tpu.memory_space<vmem>>, vector<64x1024xf32>,
    %swap3A_41 = arith.constant 0 : index
    %swap3A_42 = arith.constant 0 : index
    %swap3A_43 = vector.load %arg5[%swap3A_41, %swap3A_42] : memref<1x1024xf32, #tpu.memory_space<vmem>>, vector<1x1024xf32>
    tpu.vector_store %arg5[%swap3A_41, %swap3A_42], %add3A_38 {strides = array<i32>} : memref<1x1024xf32, #tpu.memory_space<vmem>>, vector<1x1024xf32>,
    %div3A = vector.broadcast %add3A_38 : vector<1x1024xf32> to vector<64x1024xf32>
    %div3A_44 = arith.divf %add3A_28, %div3A : vector<64x1024xf32>
    %swap3A_45 = arith.constant 0 : index
    %swap3A_46 = arith.constant 0 : index
    %swap3A_47 = vector.load %arg6[%swap3A_45, %swap3A_46] : memref<64x1024xf32, #tpu.memory_space<vmem>>, vector<64x1024xf32>
    tpu.vector_store %arg6[%swap3A_45, %swap3A_46], %div3A_44 {strides = array<i32>} : memref<64x1024xf32, #tpu.memory_space<vmem>>, vector<64x1024xf32>,
    return
  }
}

</mosaic_0001>

<sc_bundles>
// kernel: kernel.6.cloned.1.call-start
scs
__scs_entry_jumppad:
0x0: {  	(pc) =	sbr.rel $0x88, $3  }
0x1: {  	(tag) =	ssettag $0x0;
	lr =	simm.s32 $0x1  }
0x2: {  	[smem:$0x3F9D] =	sst lr;
	_ =	strace $0xD0000000  }
0x3: {  	_ = 	snop  }
0x4: {  	_ = 	snop  }
0x5: {  	_ = 	snop  }
0x6: {  	_ = 	snop  }
0x7: {  	_ = 	snop  }
__scs_overlays_trampoline_lowered:
0x8: {  	[smem:$0x3FAC] =	sst s0  }
0x9: {  	[smem:$0x3FAD] =	sst s1  }
0xa: {  	[smem:$0x3FAE] =	sst s2  }
0xb: {  	[smem:$0x3FAF] =	sst s3  }
0xc: {  	[smem:$0x3FB0] =	sst s4  }
0xd: {  	[smem:$0x3FB1] =	sst s5  }
0xe: {  	[smem:$0x3FB2] =	sst s6  }
0xf: {  	[smem:$0x3FB3] =	sst s7  }
0x10: {  	[smem:$0x3FB4] =	sst s8  }
0x11: {  	[smem:$0x3FB5] =	sst s9;
	s0 =	simm.s32 @!p0 $0x0  }
0x12: {  	s1 =	sld [smem:$0x3F9B];
	s0 =	simm.s32 @p0 $0x1  }
0x13: {  	[smem:$0x3FB6] =	sst s0;
	s0 =	simm.s32 @!p1 $0x0  }
0x14: {  	s2 =	sld [smem:$0x3F9A];
	s0 =	simm.s32 @p1 $0x1  }
0x15: {  	[smem:$0x3FB7] =	sst s0;
	s0 =	simm.s32 @!p2 $0x0  }
0x16: {  	s3 =	sld [smem:$0x3FDB];
	s0 =	simm.s32 @p2 $0x1  }
0x17: {  	s4 =	simm.s32 $0x1BF5;
	[smem:$0x3FB9] =	sst s0  }
0x18: {  	s0 =	sld [smem:$0x3F9C];
	_ =	swait.ge [sflag:s4], $0x0  }
0x19: {  	s7 =	sld [smem:$0x3F9D]  }
0x1a: {  	s8 =	sadd.s32 $0xFFFFE003, lr  }
0x1b: {  	s9 =	sadd.s32 $0xFFFFFEF7, lr;
	s5 =	simm.s32 $0xFFFFFFFF;
	p2 =	slt.u32 s8, $0xFFFFF086  }
0x1c: {  	p1 =	slt.u32 s9, $0xF7A;
	s5 =	simm.s32 @!p2 $0x0  }
0x1d: {  	s5 =	simm.s32 @p1 $0x1;
	p0 =	seq.s32 s7, s2  }
0x1e: {  	s7 =	smul.u32 @!p0 $0xF7A, s2;
	p2 =	seq.s32 @!p0 s5, $0x0  }
0x1f: {  	s9 =	smul.u32 $0xF7A, s1;
	s8 =	simm.s32 @!p0 $0x1BF5;
	p2 =	por !p2, p0  }
0x20: {  	[sflag:s8] =	ssyncset.s32 @!p0 $0xFFFFF086;
	s6 =	sadd.s32 @!p0 s3, s7;
	s7 =	simm.s32 @!p0 $0x108  }
0x21: {  	s3 =	sadd.s32 s3, s9;
	s6 =	sadd.s32 @!p0 $0x88, s6;
	s7 =	simm.s32 @p2 $0x1082  }
0x22: {  	[simem:s7], [sflag:s8] =	dma.local @!p0 [hbm:s6], $0xF7A  }
0x23: {  	s9 =	sor.u32 $0xD0000000, s2;
	s6 =	simm.s32 $0x108;
	_ =	swait.ge @!p0 [sflag:s8], $0x0  }
0x24: {  	s3 =	sadd.s32 $0x88, s3;
	s6 =	simm.s32 @!p1 $0x1082;
	[sflag:s4] =	ssyncset.s32 $0xFFFFF086  }
0x25: {  	[simem:s6], [sflag:s4] =	dma.local [hbm:s3], $0xF7A  }
0x26: {  	[smem:$0x3F9D] =	sst s1;
	(tag) =	ssettag s2;
	_ =	strace s9  }
0x27: {  	s1 =	sld [smem:$0x3FAD]  }
0x28: {  	s2 =	sld [smem:$0x3FAE]  }
0x29: {  	s4 =	sld [smem:$0x3FB0]  }
0x2a: {  	p0 =	seq.s32 s5, $0x0;
	s5 =	sld [smem:$0x3FB1]  }
0x2b: {  	s6 =	sld [smem:$0x3FB2]  }
0x2c: {  	s7 =	sld [smem:$0x3FB3]  }
0x2d: {  	s3 =	simm.s32 $0x108;
	s8 =	sld [smem:$0x3FB4]  }
0x2e: {  	s3 =	simm.s32 @!p0 $0x1082;
	s9 =	sld [smem:$0x3FB5]  }
0x2f: {  	lr =	sadd.s32 s0, s3;
	s0 =	sld [smem:$0x3FAC]  }
0x30: {  	s3 =	sld [smem:$0x3FAF]  }
0x31: {  	[smem:$0x3FB8] =	sst s10  }
0x32: {  	s10 =	sld [smem:$0x3FB6];
	_ =	sdelay $0x3  }
0x33: {  	p0 =	seq.s32 s10, $0x1;
	s10 =	sld [smem:$0x3FB8];
	_ =	sdelay $0x3  }
0x34: {  	[smem:$0x3FB8] =	sst s10  }
0x35: {  	s10 =	sld [smem:$0x3FB7];
	_ =	sdelay $0x3  }
0x36: {  	p1 =	seq.s32 s10, $0x1;
	s10 =	sld [smem:$0x3FB8];
	_ =	sdelay $0x3  }
0x37: {  	[smem:$0x3FB8] =	sst s10  }
0x38: {  	s10 =	sld [smem:$0x3FB9]  }
0x39: {  	_ = 	snop;
	(pc) =	sbr.ind lr, $3  }
0x3a: {  	_ = 	snop  }
0x3b: {  	_ = 	snop  }
0x3c: {  	p2 =	seq.s32 s10, $0x1;
	s10 =	sld [smem:$0x3FB8]  }
0x3d: {  	_ =	shalt  }
0x3e: {  	_ =	shalt  }
0x3f: {  	_ =	shalt  }
0x40: {  	_ =	shalt  }
0x41: {  	_ =	shalt  }
0x42: {  	_ =	shalt  }
0x43: {  	_ =	shalt  }
0x44: {  	_ =	shalt  }
0x45: {  	_ =	shalt  }
0x46: {  	_ =	shalt  }
0x47: {  	_ =	shalt  }
0x48: {  	_ =	shalt  }
0x49: {  	_ =	shalt  }
0x4a: {  	_ =	shalt  }
0x4b: {  	_ =	shalt  }
0x4c: {  	_ =	shalt  }
0x4d: {  	_ =	shalt  }
0x4e: {  	_ =	shalt  }
0x4f: {  	_ =	shalt  }
0x50: {  	_ =	shalt  }
0x51: {  	_ =	shalt  }
0x52: {  	_ =	shalt  }
0x53: {  	_ =	shalt  }
0x54: {  	_ =	shalt  }
0x55: {  	_ =	shalt  }
0x56: {  	_ =	shalt  }
0x57: {  	_ =	shalt  }
0x58: {  	_ =	shalt  }
0x59: {  	_ =	shalt  }
0x5a: {  	_ =	shalt  }
0x5b: {  	_ =	shalt  }
0x5c: {  	_ =	shalt  }
0x5d: {  	_ =	shalt  }
0x5e: {  	_ =	shalt  }
0x5f: {  	_ =	shalt  }
0x60: {  	_ =	shalt  }
0x61: {  	_ =	shalt  }
0x62: {  	_ =	shalt  }
0x63: {  	_ =	shalt  }
0x64: {  	_ =	shalt  }
0x65: {  	_ =	shalt  }
0x66: {  	_ =	shalt  }
0x67: {  	_ =	shalt  }
0x68: {  	_ =	shalt  }
0x69: {  	_ =	shalt  }
0x6a: {  	_ =	shalt  }
0x6b: {  	_ =	shalt  }
0x6c: {  	_ =	shalt  }
0x6d: {  	_ =	shalt  }
0x6e: {  	_ =	shalt  }
0x6f: {  	_ =	shalt  }
0x70: {  	_ =	shalt  }
0x71: {  	_ =	shalt  }
0x72: {  	_ =	shalt  }
0x73: {  	_ =	shalt  }
0x74: {  	_ =	shalt  }
0x75: {  	_ =	shalt  }
0x76: {  	_ =	shalt  }
0x77: {  	_ =	shalt  }
0x78: {  	_ =	shalt  }
0x79: {  	_ =	shalt  }
0x7a: {  	_ =	shalt  }
0x7b: {  	_ =	shalt  }
0x7c: {  	_ =	shalt  }
0x7d: {  	_ =	shalt  }
0x7e: {  	_ =	shalt  }
0x7f: {  	_ =	shalt  }
0x80: {  	_ =	shalt  }
0x81: {  	_ =	shalt  }
0x82: {  	_ =	shalt  }
0x83: {  	_ =	shalt  }
0x84: {  	_ =	shalt  }
0x85: {  	_ =	shalt  }
0x86: {  	_ =	shalt  }
0x87: {  	_ =	shalt  }
.Lfunc_end0:
.L_simem_size_0:
called_computation_lowered:
.L_overlay_start_0:
0x88: {  	s2 =	sld [smem:$0x3FD9]  }
0x89: {  	s3 =	sld [smem:$0x3FFE];
	_ =	sdelay $0x1  }
0x8a: {  	s1 =	srdreg.scid  }
0x8b: {  	s0 =	sand.u32 $0x1, s1  }
0x8c: {  	s17 =	sshll.u32 s0, $0xA;
	s2 =	sadd.s32 s3, s2  }
0x8d: {  	s2 =	sadd.s32 s2, s17  }
0x8e: {  	[smem:$0x3FC4] =	sst s2  }
0x8f: {  	_ = 	snop  }
0x90: {  	s2 =	sld [smem:$0x3FC9];
	(tm) =	ssettm $0x1  }
0x91: {  	s18 =	sld [smem:$0x3FFB];
	_ =	sdelay $0x3  }
0x92: {  	_ =	strace s18  }
0x93: {  	s3 =	sld [smem:$0x3FFC];
	_ =	sdelay $0x3  }
0x94: {  	_ =	strace s3  }
0x95: {  	s3 =	sld [smem:$0x3FFD];
	_ =	sdelay $0x3  }
0x96: {  	_ =	strace s3  }
0x97: {  	_ =	strace $0x8FFFFFFF  }
0x98: {  	s19 =	sld [smem:$0x3FDB];
	_ =	sdelay $0x1  }
0x99: {  	s4 =	simm.s32 $_scs_section_size  }
0x9a: {  	s5 =	simm.s32 $_size__tile_overlayer_lowered;
	s6 =	simm.s32 $_tile_overlayer_lowered  }
0x9b: {  	s22 =	simm.s32 $0x1BFF;
	s21 =	sshll.u32 s6, $0x1;
	s3 =	sadd.s32 s4, s19  }
0x9c: {  	s7 =	simm.s32 $0x0;
	s20 =	sshll.u32 s5, $0x1;
	s5 =	sadd.s32 s21, s3  }
0x9d: {  	[timem:s7], [sflag:s22] =	dma.local [hbm:s5], s20  }
0x9e: {  	_ =	swait.ge [sflag:s22], s20  }
0x9f: {  	s4 =	ssub.s32 $0x0, s20;
	[sflag:s22] =	ssyncset.done $0x0  }
0xa0: {  	[sflag:s22] =	ssyncadd.s32 s4;
	_ =	sdelay $0x1  }
0xa1: {  	s23 =	simm.s32 $0x1B8B  }
0xa2: {  	_ =	swait.ge [sflag:s23], $0x1  }
0xa3: {  	[sflag:s23] =	ssyncset.done $0x0  }
0xa4: {  	s25 =	simm.s32 $0x1B8E;
	s24 =	sld [smem:$0x3FFE];
	[sflag:s23] =	ssyncadd.s32 $0xFFFFFFFF  }
0xa5: {  	s26 =	simm.s32 $execute0_lowered;
	[smem:$0x3FD2] =	sst s25  }
0xa6: {  	s5 =	sshll.u32 s26, $0x1;
	_ =	strace $0x80000046;
	[dreg:$0x1] =	wrdreg $0xFFFFFFFF  }
0xa7: {  	s28 =	simm.s32 $_size_execute0_lowered;
	s3 =	sadd.s32 s3, s5;
	[dreg:$0x0] =	wrdreg $0x0  }
0xa8: {  	s5 =	sshll.u32 s28, $0x1;
	[dreg:$0x2] =	wrdreg s3  }
0xa9: {  	[dreg:$0x3] =	wrdreg s5  }
0xaa: {  	[dreg:$0x4] =	wrdreg $0xC0  }
0xab: {  	_ =	task [dreg:s7], $0x5FFFF  }
0xac: {  	[dreg:$0x1] =	wrdreg $0xFFFFFFFF  }
0xad: {  	[dreg:$0x0] =	wrdreg $0x60  }
0xae: {  	[dreg:$0x2] =	wrdreg s2  }
0xaf: {  	[dreg:$0x3] =	wrdreg s24  }
0xb0: {  	[dreg:$0x4] =	wrdreg $0x9  }
0xb1: {  	_ =	task.clear_ibuf [dreg:s7], $0x5FFFF;
	_ =	strace $0x90000046  }
0xb2: {  	s29 =	simm.s32 $0x9;
	_ =	strace $0x80000048  }
0xb3: {  	_ =	swait.ge [sflag:s29], $0x1  }
0xb4: {  	[sflag:s29] =	ssyncadd.s32 $0xFFFFFFFF  }
0xb5: {  	_ =	strace $0x90000048  }
0xb6: {  	_ =	sfence  }
0xb7: {  	s30 =	sld [smem:$0x0];
	_ =	sdelay $0x2  }
0xb8: {  	s31 =	sshll.u32 s1, $0xD;
	s1 =	sshrl.u32 s1, $0x2  }
0xb9: {  	s3 =	sand.u32 $0x4000, s31;
	s1 =	sadd.s32 s1, s30  }
0xba: {  	s0 =	sor.u32 s3, s0;
	s1 =	sshll.u32 s1, $0x11  }
0xbb: {  	s0 =	sor.u32 s1, s0  }
0xbc: {  	s0 =	sadd.s32 $0x8F2B, s0  }
0xbd: {  	[sflag:s0] =	ssyncadd.remote.s32 $0x1  }
0xbe: {  	_ =	sfence.sel $0xFFFF  }
0xbf: {  	[dreg:$0x0] =	wrdreg $0xFFFFFFFF;
	(pc) =	sbr.abs _section_cstart, $3  }
0xc0: {  	[dreg:$0x1] =	wrdreg $0xFFFFFFFF  }
0xc1: {  	_ =	task.clear_ibuf [dreg:s7], $0x2FFFF;
	_ =	strace $0x9FFFFFFF  }
0xc2: {  	(tm) =	ssettm $0x7FFFFFFF  }
0xc3: {  	_ =	shalt  }
tec
execute0_lowered:
.L_overlay_start_1:
0x0: {  	(tag) =	ssettag $0x1  }
0x1: {  	v22 =	vlaneseq.u32  }
0x2: {  	v0 =	vor.u32 $0x820, v22  }
0x3: {  	[tilespmem:$0x1FCD0] =	vst v0;
	v0 =	vor.u32 $0x830, v22  }
0x4: {  	[tilespmem:$0x1FCE0] =	vst v0;
	v0 =	vor.u32 $0x850, v22  }
0x5: {  	v1 =	vmul.u32 $0x48, v22;
	[tilespmem:$0x1FCF0] =	vst v0;
	v0 =	vor.u32 $0x860, v22  }
0x6: {  	[tilespmem:$0x1FD00] =	vst v0;
	v0 =	vor.u32 $0x870, v22  }
0x7: {  	[tilespmem:$0x1FD10] =	vst v0;
	v0 =	vadd.s32 $0x6780, v1  }
0x8: {  	[tilespmem:$0x1FD20] =	vst v0;
	v0 =	vor.u32 $0xC00, v22  }
0x9: {  	[tilespmem:$0x1FD30] =	vst v0;
	v0 =	vadd.s32 $0x6C00, v1  }
0xa: {  	s3 =	rddreg [dreg:$0x0];
	[tilespmem:$0x1FD40] =	vst v0;
	v0 =	vor.u32 $0xC10, v22  }
0xb: {  	s4 =	rddreg [dreg:$0x1];
	s2 =	simm.s32 $0x0;
	[tilespmem:$0x1FD50] =	vst v0;
	v0 =	vadd.s32 $0x7080, v1  }
0xc: {  	s1 =	srdreg.scid;
	[smem:$0x7FF] =	sst s2;
	[tilespmem:$0x1FD60] =	vst v0;
	v0 =	vadd.s32 $0x7500, v1  }
0xd: {  	v44 =	vor.u32 $0x10, v22;
	s5 =	sand.u32 $0x1, s1;
	s1 =	rddreg [dreg:$0x2];
	_ =	strace $0x80000047;
	[tilespmem:$0x1FD70] =	vst v0  }
0xe: {  	v46 =	vadd.s32 $0x480, v1;
	[tilespmem:$0x1FDA0] =	vst v44  }
0xf: {  	v40 =	vor.u32 $0x40, v22;
	[tilespmem:$0x1FDB0] =	vst v46  }
0x10: {  	v38 =	vadd.s32 $0x1200, v1;
	[tilespmem:$0x1FDC0] =	vst v40  }
0x11: {  	v42 =	vor.u32 $0x50, v22;
	[tilespmem:$0x1FDD0] =	vst v38  }
0x12: {  	v53 =	vadd.s32 $0x1680, v1;
	[tilespmem:$0x1FDE0] =	vst v42  }
0x13: {  	v36 =	vor.u32 $0x60, v22;
	[tilespmem:$0x1FDF0] =	vst v53  }
0x14: {  	v16 =	vadd.s32 $0x1B00, v1;
	[tilespmem:$0x1FE00] =	vst v36  }
0x15: {  	v34 =	vor.u32 $0x70, v22;
	[tilespmem:$0x1FE10] =	vst v16  }
0x16: {  	v61 =	vadd.s32 $0x1F80, v1;
	[tilespmem:$0x1FE20] =	vst v34  }
0x17: {  	v29 =	vor.u32 $0x400, v22;
	[tilespmem:$0x1FE30] =	vst v61  }
0x18: {  	v31 =	vor.u32 $0x410, v22;
	[tilespmem:$0x1FE40] =	vst v29  }
0x19: {  	v33 =	vor.u32 $0x420, v22;
	[tilespmem:$0x1FE50] =	vst v31  }
0x1a: {  	v55 =	vadd.s32 $0x2400, v1;
	[tilespmem:$0x1FE60] =	vst v33  }
0x1b: {  	v35 =	vor.u32 $0x430, v22;
	[tilespmem:$0x1FE70] =	vst v55  }
0x1c: {  	v37 =	vor.u32 $0x440, v22;
	[tilespmem:$0x1FE80] =	vst v35  }
0x1d: {  	v39 =	vor.u32 $0x450, v22;
	[tilespmem:$0x1FE90] =	vst v37  }
0x1e: {  	v41 =	vor.u32 $0x460, v22;
	[tilespmem:$0x1FEA0] =	vst v39  }
0x1f: {  	v43 =	vor.u32 $0x470, v22;
	[tilespmem:$0x1FEB0] =	vst v41  }
0x20: {  	v45 =	vor.u32 $0x800, v22;
	[tilespmem:$0x1FEC0] =	vst v43  }
0x21: {  	v47 =	vor.u32 $0x810, v22;
	[tilespmem:$0x1FED0] =	vst v45  }
0x22: {  	v18 =	vor.u32 $0x840, v22;
	[tilespmem:$0x1FEE0] =	vst v47  }
0x23: {  	v49 =	vadd.s32 $0x2880, v1;
	[tilespmem:$0x1FEF0] =	vst v18  }
0x24: {  	v63 =	vadd.s32 $0x2D00, v1;
	[tilespmem:$0x1FF00] =	vst v49  }
0x25: {  	v51 =	vadd.s32 $0x3180, v1;
	[tilespmem:$0x1FF10] =	vst v63  }
0x26: {  	v20 =	vadd.s32 $0x3600, v1;
	[tilespmem:$0x1FF20] =	vst v51  }
0x27: {  	v58 =	vadd.s32 $0x3A80, v1;
	[tilespmem:$0x1FF30] =	vst v20  }
0x28: {  	v52 =	vadd.s32 $0x3F00, v1;
	[tilespmem:$0x1FF40] =	vst v58  }
0x29: {  	v59 =	vadd.s32 $0x4380, v1;
	[tilespmem:$0x1FF50] =	vst v52  }
0x2a: {  	v14 =	vor.u32 $0xC20, v22;
	[tilespmem:$0x1FF60] =	vst v59  }
0x2b: {  	v15 =	vor.u32 $0xC30, v22;
	[tilespmem:$0x1FF70] =	vst v14  }
0x2c: {  	v10 =	vor.u32 $0xC40, v22;
	[tilespmem:$0x1FF80] =	vst v15  }
0x2d: {  	s0 =	stileid.u32;
	v19 =	vor.u32 $0xC50, v22;
	[tilespmem:$0x1FF90] =	vst v10  }
0x2e: {  	s6 =	sshll.u32 s0, $0x1;
	v21 =	vor.u32 $0xC60, v22;
	[tilespmem:$0x1FFA0] =	vst v19  }
0x2f: {  	v23 =	vor.u32 $0xC70, v22;
	s6 =	sor.u32 s5, s6;
	[tilespmem:$0x1FFB0] =	vst v21  }
0x30: {  	s10 =	simm.s32 $0x12000;
	v4 =	vor.u32 $0x20, v22;
	s5 =	ssub.s32 $0x2, s5;
	s7 =	smul.u32 $0x12000, s6;
	[tilespmem:$0x1FFC0] =	vst v23  }
0x31: {  	s11 =	simm.s32 $0x0;
	v7 =	vor.u32 $0x30, v22;
	v56 =	vadd.s32 $0x900, v1;
	v9 =	vadd.s32 $0xD80, v1;
	s8 =	smul.u32 $0x480, s6;
	s9 =	sshrl.u32 s5, $0x1;
	[tilespmem:$0x1FFD0] =	vst v4  }
0x32: {  	s4 =	sadd.s32 $0x1A00, s4;
	v24 =	vor.u32 $0x4800, v1;
	v26 =	vadd.s32 $0x4C80, v1;
	v28 =	vadd.s32 $0x5100, v1;
	s6 =	smul.u32 $0x2400, s6;
	s9 =	ssub.s32 s5, s9;
	[tilespmem:$0x1FFE0] =	vst v7  }
0x33: {  	v25 =	vadd.s32 $0x5580, v1;
	v48 =	vadd.s32 $0x5A00, v1;
	s7 =	sshrl.u32 s7, $0x3;
	s3 =	sadd.s32 s3, s8;
	s8 =	simm.s32 $0x48000;
	v0 =	vadd.s32 $0x7980, v1;
	[tilespmem:$0x1FFF0] =	vst v56  }
0x34: {  	v57 =	vadd.s32 $0x5E80, v1;
	v12 =	vadd.s32 $0x6300, v1;
	s31 =	sadd.s32 s4, s7;
	s4 =	sadd.s32 s4, s6;
	s6 =	smax.u32 s9, $0x1;
	[tilespmem:$0x1FD80] =	vst v0;
	v0 =	vadd.s32 $0x7E00, v1  }
0x35: {  	v17 =	vadd.s32 $0x8280, v1;
	v11 =	vadd.s32 $0x8700, v1;
	v13 =	vadd.s32 $0x8B80, v1;
	s7 =	simm.s32 $0x2400;
	s9 =	simm.s32 $0x1;
	s5 =	sadd.s32 $0x1200, s31;
	[tilespmem:$0x1FD90] =	vst v0  }
.LBB2_1:
0x36: {  	s12 =	simm.s32 $0x0  }
0x37: {  	v0 =	vmov s12  }
0x38: {  	s31 =	sand.u32 $0x7, s2;
	v0 =	vmul.u32 $0x2400, v0  }
0x39: {  	s12 =	sshll.u32 s31, $0x7  }
0x3a: {  	v0 =	vor.u32 s12, v0  }
0x3b: {  	v6 =	vbroadcast v0, $0x0;
	_ =	sdelay $0x1  }
0x3c: {  	v0 =	vor.u32 v22, v6  }
0x3d: {  	[tilespmem:s2], [sflag:$0x1] =	stream.strided.gather [hbm4b:s3+s7], $0x12000, s8, s7, $0x38;
	[tilespmem:$0x1C200] =	vst v63  }
0x3e: {  	_ =	swait.ge [sflag:s9], $0x12000  }
0x3f: {  	v2 =	vmov s2;
	[sflag:s9] =	ssyncset.done $0x0  }
0x40: {  	v5 =	vand.u32 $0x3F, v2;
	[sflag:s9] =	ssyncadd.s32 $0xFFFEE000  }
0x41: {  	v2 =	vadd.s32 v1, v5;
	v0 =	vld.idx.msk [tilespmem:v0+s2+$0x0], $0xffff  }
0x42: {  	v3 =	vor.u32 v44, v6;
	_ =	sdelay $0x3  }
0x43: {  	[tilespmem:v2+s10+$0x0] =	vst.idx.msk $0xffff, v0  }
0x44: {  	v2 =	vadd.s32 v46, v5;
	v0 =	vld.idx.msk [tilespmem:v3+s2+$0x0], $0xffff  }
0x45: {  	v3 =	vor.u32 v4, v6;
	_ =	sdelay $0x3  }
0x46: {  	[tilespmem:v2+s10+$0x0] =	vst.idx.msk $0xffff, v0  }
0x47: {  	v2 =	vadd.s32 v56, v5;
	v0 =	vld.idx.msk [tilespmem:v3+s2+$0x0], $0xffff  }
0x48: {  	v3 =	vor.u32 v7, v6;
	_ =	sdelay $0x3  }
0x49: {  	[tilespmem:v2+s10+$0x0] =	vst.idx.msk $0xffff, v0  }
0x4a: {  	v2 =	vadd.s32 v9, v5;
	v0 =	vld.idx.msk [tilespmem:v3+s2+$0x0], $0xffff  }
0x4b: {  	v3 =	vor.u32 v40, v6;
	_ =	sdelay $0x3  }
0x4c: {  	[tilespmem:v2+s10+$0x0] =	vst.idx.msk $0xffff, v0  }
0x4d: {  	v2 =	vadd.s32 v38, v5;
	v0 =	vld.idx.msk [tilespmem:v3+s2+$0x0], $0xffff  }
0x4e: {  	v3 =	vor.u32 v42, v6;
	_ =	sdelay $0x3  }
0x4f: {  	[tilespmem:v2+s10+$0x0] =	vst.idx.msk $0xffff, v0  }
0x50: {  	v2 =	vadd.s32 v53, v5;
	v0 =	vld.idx.msk [tilespmem:v3+s2+$0x0], $0xffff  }
0x51: {  	v3 =	vor.u32 v36, v6;
	_ =	sdelay $0x3  }
0x52: {  	[tilespmem:v2+s10+$0x0] =	vst.idx.msk $0xffff, v0  }
0x53: {  	v2 =	vadd.s32 v16, v5;
	v0 =	vld.idx.msk [tilespmem:v3+s2+$0x0], $0xffff  }
0x54: {  	v3 =	vor.u32 v34, v6;
	_ =	sdelay $0x3  }
0x55: {  	[tilespmem:v2+s10+$0x0] =	vst.idx.msk $0xffff, v0  }
0x56: {  	v2 =	vadd.s32 v61, v5;
	v0 =	vld.idx.msk [tilespmem:v3+s2+$0x0], $0xffff  }
0x57: {  	v3 =	vadd.s32 v29, v6;
	_ =	sdelay $0x3  }
0x58: {  	[tilespmem:v2+s10+$0x0] =	vst.idx.msk $0xffff, v0  }
0x59: {  	v2 =	vadd.s32 v55, v5;
	v0 =	vld.idx.msk [tilespmem:v3+s2+$0x0], $0xffff  }
0x5a: {  	v3 =	vadd.s32 v31, v6;
	_ =	sdelay $0x3  }
0x5b: {  	[tilespmem:v2+s10+$0x0] =	vst.idx.msk $0xffff, v0  }
0x5c: {  	v2 =	vadd.s32 v49, v5;
	v0 =	vld.idx.msk [tilespmem:v3+s2+$0x0], $0xffff  }
0x5d: {  	v3 =	vadd.s32 v33, v6;
	_ =	sdelay $0x3  }
0x5e: {  	[tilespmem:v2+s10+$0x0] =	vst.idx.msk $0xffff, v0  }
0x5f: {  	v2 =	vadd.s32 v63, v5;
	v0 =	vld.idx.msk [tilespmem:v3+s2+$0x0], $0xffff  }
0x60: {  	v3 =	vadd.s32 v35, v6;
	_ =	sdelay $0x3  }
0x61: {  	[tilespmem:v2+s10+$0x0] =	vst.idx.msk $0xffff, v0  }
0x62: {  	v2 =	vadd.s32 v51, v5;
	v0 =	vld.idx.msk [tilespmem:v3+s2+$0x0], $0xffff  }
0x63: {  	v3 =	vadd.s32 v37, v6;
	_ =	sdelay $0x3  }
0x64: {  	[tilespmem:v2+s10+$0x0] =	vst.idx.msk $0xffff, v0  }
0x65: {  	v2 =	vadd.s32 v20, v5;
	v0 =	vld.idx.msk [tilespmem:v3+s2+$0x0], $0xffff  }
0x66: {  	v3 =	vadd.s32 v39, v6;
	_ =	sdelay $0x3  }
0x67: {  	[tilespmem:v2+s10+$0x0] =	vst.idx.msk $0xffff, v0  }
0x68: {  	v2 =	vadd.s32 v58, v5;
	v0 =	vld.idx.msk [tilespmem:v3+s2+$0x0], $0xffff  }
0x69: {  	v3 =	vadd.s32 v41, v6;
	_ =	sdelay $0x3  }
0x6a: {  	[tilespmem:v2+s10+$0x0] =	vst.idx.msk $0xffff, v0  }
0x6b: {  	v2 =	vadd.s32 v52, v5;
	v0 =	vld.idx.msk [tilespmem:v3+s2+$0x0], $0xffff  }
0x6c: {  	v3 =	vadd.s32 v43, v6;
	_ =	sdelay $0x3  }
0x6d: {  	[tilespmem:v2+s10+$0x0] =	vst.idx.msk $0xffff, v0  }
0x6e: {  	v2 =	vadd.s32 v59, v5;
	v0 =	vld.idx.msk [tilespmem:v3+s2+$0x0], $0xffff  }
0x6f: {  	v3 =	vadd.s32 v45, v6;
	_ =	sdelay $0x3  }
0x70: {  	[tilespmem:v2+s10+$0x0] =	vst.idx.msk $0xffff, v0  }
0x71: {  	v2 =	vadd.s32 v24, v5;
	v0 =	vld.idx.msk [tilespmem:v3+s2+$0x0], $0xffff  }
0x72: {  	v3 =	vadd.s32 v47, v6;
	_ =	sdelay $0x3  }
0x73: {  	[tilespmem:v2+s10+$0x0] =	vst.idx.msk $0xffff, v0  }
0x74: {  	v0 =	vld.idx.msk [tilespmem:v3+s2+$0x0], $0xffff  }
0x75: {  	v3 =	vld [tilespmem:$0x1FCD0];
	_ =	sdelay $0x3  }
0x76: {  	v2 =	vadd.s32 v26, v5  }
0x77: {  	v3 =	vadd.s32 v3, v6;
	_ =	sdelay $0x3  }
0x78: {  	[tilespmem:v2+s10+$0x0] =	vst.idx.msk $0xffff, v0  }
0x79: {  	v0 =	vld.idx.msk [tilespmem:v3+s2+$0x0], $0xffff  }
0x7a: {  	v3 =	vld [tilespmem:$0x1FCE0];
	_ =	sdelay $0x3  }
0x7b: {  	v2 =	vadd.s32 v28, v5  }
0x7c: {  	v3 =	vadd.s32 v3, v6;
	_ =	sdelay $0x3  }
0x7d: {  	[tilespmem:v2+s10+$0x0] =	vst.idx.msk $0xffff, v0  }
0x7e: {  	v2 =	vadd.s32 v25, v5;
	v0 =	vld.idx.msk [tilespmem:v3+s2+$0x0], $0xffff  }
0x7f: {  	v3 =	vadd.s32 v18, v6;
	_ =	sdelay $0x3  }
0x80: {  	[tilespmem:v2+s10+$0x0] =	vst.idx.msk $0xffff, v0  }
0x81: {  	v0 =	vld.idx.msk [tilespmem:v3+s2+$0x0], $0xffff  }
0x82: {  	v3 =	vld [tilespmem:$0x1FCF0];
	_ =	sdelay $0x3  }
0x83: {  	v2 =	vadd.s32 v48, v5  }
0x84: {  	v3 =	vadd.s32 v3, v6;
	_ =	sdelay $0x3  }
0x85: {  	[tilespmem:v2+s10+$0x0] =	vst.idx.msk $0xffff, v0  }
0x86: {  	v0 =	vld.idx.msk [tilespmem:v3+s2+$0x0], $0xffff  }
0x87: {  	v3 =	vld [tilespmem:$0x1FD00];
	_ =	sdelay $0x3  }
0x88: {  	v2 =	vadd.s32 v57, v5  }
0x89: {  	v3 =	vadd.s32 v3, v6;
	_ =	sdelay $0x3  }
0x8a: {  	[tilespmem:v2+s10+$0x0] =	vst.idx.msk $0xffff, v0  }
0x8b: {  	v0 =	vld.idx.msk [tilespmem:v3+s2+$0x0], $0xffff  }
0x8c: {  	v3 =	vld [tilespmem:$0x1FD10];
	_ =	sdelay $0x1  }
0x8d: {  	v2 =	vadd.s32 v12, v5;
	_ =	sdelay $0x2  }
0x8e: {  	v3 =	vadd.s32 v3, v6;
	_ =	sdelay $0x1  }
0x8f: {  	[tilespmem:v2+s10+$0x0] =	vst.idx.msk $0xffff, v0;
	v2 =	vld [tilespmem:$0x1FD20];
	_ =	sdelay $0x2  }
0x90: {  	v0 =	vld.idx.msk [tilespmem:v3+s2+$0x0], $0xffff  }
0x91: {  	v3 =	vld [tilespmem:$0x1FD30]  }
0x92: {  	v2 =	vadd.s32 v2, v5;
	_ =	sdelay $0x3  }
0x93: {  	v3 =	vadd.s32 v3, v6  }
0x94: {  	[tilespmem:v2+s10+$0x0] =	vst.idx.msk $0xffff, v0;
	v2 =	vld [tilespmem:$0x1FD40];
	_ =	sdelay $0x3  }
0x95: {  	v0 =	vld.idx.msk [tilespmem:v3+s2+$0x0], $0xffff  }
0x96: {  	v2 =	vadd.s32 v2, v5;
	v3 =	vld [tilespmem:$0x1FD50];
	_ =	sdelay $0x4  }
0x97: {  	v3 =	vadd.s32 v3, v6;
	[tilespmem:v2+s10+$0x0] =	vst.idx.msk $0xffff, v0;
	v2 =	vld [tilespmem:$0x1FD60];
	_ =	sdelay $0x4  }
0x98: {  	v0 =	vld.idx.msk [tilespmem:v3+s2+$0x0], $0xffff;
	v2 =	vadd.s32 v2, v5;
	_ =	sdelay $0x4  }
0x99: {  	v3 =	vadd.s32 v14, v6;
	[tilespmem:v2+s10+$0x0] =	vst.idx.msk $0xffff, v0;
	v2 =	vld [tilespmem:$0x1FD70];
	_ =	sdelay $0x4  }
0x9a: {  	v0 =	vld.idx.msk [tilespmem:v3+s2+$0x0], $0xffff;
	v2 =	vadd.s32 v2, v5;
	_ =	sdelay $0x4  }
0x9b: {  	v3 =	vadd.s32 v15, v6;
	[tilespmem:v2+s10+$0x0] =	vst.idx.msk $0xffff, v0;
	v2 =	vld [tilespmem:$0x1FD80];
	_ =	sdelay $0x4  }
0x9c: {  	v0 =	vld.idx.msk [tilespmem:v3+s2+$0x0], $0xffff;
	v2 =	vadd.s32 v2, v5  }
0x9d: {  	v32 =	vmov v12;
	v12 =	vld [tilespmem:$0x1FD90];
	v3 =	vadd.s32 v10, v6;
	_ =	sdelay $0x3  }
0x9e: {  	[tilespmem:v2+s10+$0x0] =	vst.idx.msk $0xffff, v0  }
0x9f: {  	v2 =	vadd.s32 v12, v5;
	v0 =	vld.idx.msk [tilespmem:v3+s2+$0x0], $0xffff  }
0xa0: {  	v3 =	vadd.s32 v19, v6;
	_ =	sdelay $0x3  }
0xa1: {  	[tilespmem:v2+s10+$0x0] =	vst.idx.msk $0xffff, v0  }
0xa2: {  	v2 =	vadd.s32 v17, v5;
	v0 =	vld.idx.msk [tilespmem:v3+s2+$0x0], $0xffff  }
0xa3: {  	v3 =	vadd.s32 v21, v6;
	_ =	sdelay $0x3  }
0xa4: {  	[tilespmem:v2+s10+$0x0] =	vst.idx.msk $0xffff, v0  }
0xa5: {  	v2 =	vadd.s32 v11, v5;
	v0 =	vld.idx.msk [tilespmem:v3+s2+$0x0], $0xffff  }
0xa6: {  	v3 =	vadd.s32 v23, v6;
	_ =	sdelay $0x3  }
0xa7: {  	[tilespmem:v2+s10+$0x0] =	vst.idx.msk $0xffff, v0  }
0xa8: {  	v0 =	vor.u32 $0x1000, v22;
	v2 =	vld.idx.msk [tilespmem:v3+s2+$0x0], $0xffff;
	v3 =	vadd.s32 v13, v5  }
0xa9: {  	v54 =	vmov v7;
	v7 =	vadd.s32 v0, v6;
	_ =	sdelay $0x3  }
0xaa: {  	v30 =	vmov v25;
	v25 =	vor.u32 $0x9000, v1;
	[tilespmem:v3+s10+$0x0] =	vst.idx.msk $0xffff, v2  }
0xab: {  	v8 =	vadd.s32 v25, v5;
	v2 =	vor.u32 $0x1010, v22;
	v3 =	vld.idx.msk [tilespmem:v7+s2+$0x0], $0xffff  }
0xac: {  	v7 =	vadd.s32 v2, v6;
	_ =	sdelay $0x3  }
0xad: {  	v27 =	vadd.s32 $0x9480, v1;
	[tilespmem:v8+s10+$0x0] =	vst.idx.msk $0xffff, v3  }
0xae: {  	v50 =	vmov v9;
	v3 =	vor.u32 $0x1020, v22;
	v9 =	vld.idx.msk [tilespmem:v7+s2+$0x0], $0xffff;
	v7 =	vadd.s32 v27, v5  }
0xaf: {  	v8 =	vadd.s32 v3, v6;
	_ =	sdelay $0x3  }
0xb0: {  	v62 =	vadd.s32 $0x9900, v1;
	v60 =	vor.u32 $0x1030, v22;
	[tilespmem:v7+s10+$0x0] =	vst.idx.msk $0xffff, v9  }
0xb1: {  	s14 =	simm.s32 $0x0;
	s13 =	simm.s32 $0x2;
	s12 =	simm.s32 $0x1;
	v9 =	vadd.s32 v60, v6;
	v7 =	vld.idx.msk [tilespmem:v8+s2+$0x0], $0xffff;
	v8 =	vadd.s32 v62, v5  }
.LBB2_2:
0xb2: {  	v6 =	vmov s14  }
0xb3: {  	s31 =	sand.u32 $0x7, s12;
	v6 =	vmul.u32 $0x2400, v6  }
0xb4: {  	s14 =	sshll.u32 s31, $0x7  }
0xb5: {  	v6 =	vor.u32 s14, v6  }
0xb6: {  	v22 =	vadd.s32 $0x9D80, v1;
	[tilespmem:v8+s10+$0x0] =	vst.idx.msk $0xffff, v7;
	v6 =	vbroadcast v6, $0x0  }
0xb7: {  	v5 =	vadd.s32 v22, v5;
	v8 =	vlaneseq.u32;
	v7 =	vld.idx.msk [tilespmem:v9+s2+$0x0], $0xffff  }
0xb8: {  	v8 =	vor.u32 v8, v6;
	_ =	sdelay $0x2  }
0xb9: {  	v9 =	vmov s12  }
0xba: {  	[tilespmem:v5+s10+$0x0] =	vst.idx.msk $0xffff, v7;
	v5 =	vand.u32 $0x3F, v9  }
0xbb: {  	v7 =	vld.idx.msk [tilespmem:v8+s2+$0x0], $0xffff;
	v8 =	vadd.s32 v1, v5  }
0xbc: {  	v9 =	vor.u32 v44, v6;
	_ =	sdelay $0x3  }
0xbd: {  	[tilespmem:v8+s10+$0x0] =	vst.idx.msk $0xffff, v7  }
0xbe: {  	v8 =	vadd.s32 v46, v5;
	v7 =	vld.idx.msk [tilespmem:v9+s2+$0x0], $0xffff  }
0xbf: {  	v9 =	vor.u32 v4, v6;
	_ =	sdelay $0x3  }
0xc0: {  	[tilespmem:v8+s10+$0x0] =	vst.idx.msk $0xffff, v7  }
0xc1: {  	v8 =	vadd.s32 v56, v5;
	v7 =	vld.idx.msk [tilespmem:v9+s2+$0x0], $0xffff  }
0xc2: {  	v9 =	vor.u32 v54, v6;
	_ =	sdelay $0x3  }
0xc3: {  	[tilespmem:v8+s10+$0x0] =	vst.idx.msk $0xffff, v7  }
0xc4: {  	v8 =	vadd.s32 v50, v5;
	v7 =	vld.idx.msk [tilespmem:v9+s2+$0x0], $0xffff  }
0xc5: {  	v9 =	vor.u32 v40, v6;
	_ =	sdelay $0x3  }
0xc6: {  	[tilespmem:v8+s10+$0x0] =	vst.idx.msk $0xffff, v7  }
0xc7: {  	v8 =	vadd.s32 v38, v5;
	v7 =	vld.idx.msk [tilespmem:v9+s2+$0x0], $0xffff  }
0xc8: {  	v9 =	vor.u32 v42, v6;
	_ =	sdelay $0x3  }
0xc9: {  	[tilespmem:v8+s10+$0x0] =	vst.idx.msk $0xffff, v7  }
0xca: {  	v8 =	vadd.s32 v53, v5;
	v7 =	vld.idx.msk [tilespmem:v9+s2+$0x0], $0xffff  }
0xcb: {  	v9 =	vor.u32 v36, v6;
	_ =	sdelay $0x3  }
0xcc: {  	[tilespmem:v8+s10+$0x0] =	vst.idx.msk $0xffff, v7  }
0xcd: {  	v8 =	vadd.s32 v16, v5;
	v7 =	vld.idx.msk [tilespmem:v9+s2+$0x0], $0xffff  }
0xce: {  	v9 =	vor.u32 v34, v6;
	_ =	sdelay $0x3  }
0xcf: {  	[tilespmem:v8+s10+$0x0] =	vst.idx.msk $0xffff, v7  }
0xd0: {  	v8 =	vadd.s32 v61, v5;
	v7 =	vld.idx.msk [tilespmem:v9+s2+$0x0], $0xffff  }
0xd1: {  	v9 =	vadd.s32 v29, v6;
	_ =	sdelay $0x3  }
0xd2: {  	[tilespmem:v8+s10+$0x0] =	vst.idx.msk $0xffff, v7  }
0xd3: {  	v8 =	vadd.s32 v55, v5;
	v7 =	vld.idx.msk [tilespmem:v9+s2+$0x0], $0xffff  }
0xd4: {  	v9 =	vadd.s32 v31, v6;
	_ =	sdelay $0x3  }
0xd5: {  	[tilespmem:v8+s10+$0x0] =	vst.idx.msk $0xffff, v7  }
0xd6: {  	v8 =	vadd.s32 v49, v5;
	v7 =	vld.idx.msk [tilespmem:v9+s2+$0x0], $0xffff  }
0xd7: {  	v9 =	vadd.s32 v33, v6;
	_ =	sdelay $0x3  }
0xd8: {  	[tilespmem:v8+s10+$0x0] =	vst.idx.msk $0xffff, v7  }
0xd9: {  	v8 =	vadd.s32 v63, v5;
	v7 =	vld.idx.msk [tilespmem:v9+s2+$0x0], $0xffff  }
0xda: {  	v9 =	vadd.s32 v35, v6;
	_ =	sdelay $0x3  }
0xdb: {  	[tilespmem:v8+s10+$0x0] =	vst.idx.msk $0xffff, v7  }
0xdc: {  	v8 =	vadd.s32 v51, v5;
	v7 =	vld.idx.msk [tilespmem:v9+s2+$0x0], $0xffff  }
0xdd: {  	v9 =	vadd.s32 v37, v6;
	_ =	sdelay $0x3  }
0xde: {  	[tilespmem:v8+s10+$0x0] =	vst.idx.msk $0xffff, v7  }
0xdf: {  	v8 =	vadd.s32 v20, v5;
	v7 =	vld.idx.msk [tilespmem:v9+s2+$0x0], $0xffff  }
0xe0: {  	v9 =	vadd.s32 v39, v6;
	_ =	sdelay $0x3  }
0xe1: {  	[tilespmem:v8+s10+$0x0] =	vst.idx.msk $0xffff, v7  }
0xe2: {  	v8 =	vadd.s32 v58, v5;
	v7 =	vld.idx.msk [tilespmem:v9+s2+$0x0], $0xffff  }
0xe3: {  	v9 =	vadd.s32 v41, v6;
	_ =	sdelay $0x3  }
0xe4: {  	[tilespmem:v8+s10+$0x0] =	vst.idx.msk $0xffff, v7  }
0xe5: {  	v8 =	vadd.s32 v52, v5;
	v7 =	vld.idx.msk [tilespmem:v9+s2+$0x0], $0xffff  }
0xe6: {  	v9 =	vadd.s32 v43, v6;
	_ =	sdelay $0x3  }
0xe7: {  	[tilespmem:v8+s10+$0x0] =	vst.idx.msk $0xffff, v7  }
0xe8: {  	v8 =	vadd.s32 v59, v5;
	v7 =	vld.idx.msk [tilespmem:v9+s2+$0x0], $0xffff  }
0xe9: {  	v9 =	vadd.s32 v45, v6;
	_ =	sdelay $0x3  }
0xea: {  	[tilespmem:v8+s10+$0x0] =	vst.idx.msk $0xffff, v7  }
0xeb: {  	v8 =	vadd.s32 v24, v5;
	v7 =	vld.idx.msk [tilespmem:v9+s2+$0x0], $0xffff  }
0xec: {  	v9 =	vadd.s32 v47, v6;
	_ =	sdelay $0x3  }
0xed: {  	[tilespmem:v8+s10+$0x0] =	vst.idx.msk $0xffff, v7  }
0xee: {  	v7 =	vld.idx.msk [tilespmem:v9+s2+$0x0], $0xffff  }
0xef: {  	v9 =	vld [tilespmem:$0x1FCD0];
	_ =	sdelay $0x3  }
0xf0: {  	v8 =	vadd.s32 v26, v5  }
0xf1: {  	v9 =	vadd.s32 v9, v6;
	_ =	sdelay $0x3  }
0xf2: {  	[tilespmem:v8+s10+$0x0] =	vst.idx.msk $0xffff, v7  }
0xf3: {  	v7 =	vld.idx.msk [tilespmem:v9+s2+$0x0], $0xffff  }
0xf4: {  	v9 =	vld [tilespmem:$0x1FCE0];
	_ =	sdelay $0x3  }
0xf5: {  	v8 =	vadd.s32 v28, v5  }
0xf6: {  	v9 =	vadd.s32 v9, v6;
	_ =	sdelay $0x3  }
0xf7: {  	[tilespmem:v8+s10+$0x0] =	vst.idx.msk $0xffff, v7  }
0xf8: {  	v8 =	vadd.s32 v30, v5;
	v7 =	vld.idx.msk [tilespmem:v9+s2+$0x0], $0xffff  }
0xf9: {  	v9 =	vadd.s32 v18, v6;
	_ =	sdelay $0x3  }
0xfa: {  	[tilespmem:v8+s10+$0x0] =	vst.idx.msk $0xffff, v7  }
0xfb: {  	v7 =	vld.idx.msk [tilespmem:v9+s2+$0x0], $0xffff  }
0xfc: {  	v9 =	vld [tilespmem:$0x1FCF0];
	_ =	sdelay $0x3  }
0xfd: {  	v8 =	vadd.s32 v48, v5  }
0xfe: {  	v9 =	vadd.s32 v9, v6;
	_ =	sdelay $0x3  }
0xff: {  	[tilespmem:v8+s10+$0x0] =	vst.idx.msk $0xffff, v7  }
0x100: {  	v7 =	vld.idx.msk [tilespmem:v9+s2+$0x0], $0xffff  }
0x101: {  	v9 =	vld [tilespmem:$0x1FD00];
	_ =	sdelay $0x3  }
0x102: {  	v8 =	vadd.s32 v57, v5  }
0x103: {  	v9 =	vadd.s32 v9, v6;
	_ =	sdelay $0x3  }
0x104: {  	[tilespmem:v8+s10+$0x0] =	vst.idx.msk $0xffff, v7  }
0x105: {  	v7 =	vld.idx.msk [tilespmem:v9+s2+$0x0], $0xffff  }
0x106: {  	v9 =	vld [tilespmem:$0x1FD10];
	_ =	sdelay $0x1  }
0x107: {  	v8 =	vadd.s32 v32, v5;
	_ =	sdelay $0x2  }
0x108: {  	v9 =	vadd.s32 v9, v6;
	_ =	sdelay $0x1  }
0x109: {  	[tilespmem:v8+s10+$0x0] =	vst.idx.msk $0xffff, v7;
	v8 =	vld [tilespmem:$0x1FD20];
	_ =	sdelay $0x2  }
0x10a: {  	v7 =	vld.idx.msk [tilespmem:v9+s2+$0x0], $0xffff  }
0x10b: {  	v9 =	vld [tilespmem:$0x1FD30]  }
0x10c: {  	v8 =	vadd.s32 v8, v5;
	_ =	sdelay $0x3  }
0x10d: {  	v9 =	vadd.s32 v9, v6  }
0x10e: {  	[tilespmem:v8+s10+$0x0] =	vst.idx.msk $0xffff, v7;
	v8 =	vld [tilespmem:$0x1FD40];
	_ =	sdelay $0x3  }
0x10f: {  	v7 =	vld.idx.msk [tilespmem:v9+s2+$0x0], $0xffff  }
0x110: {  	v8 =	vadd.s32 v8, v5;
	v9 =	vld [tilespmem:$0x1FD50];
	_ =	sdelay $0x4  }
0x111: {  	v9 =	vadd.s32 v9, v6;
	[tilespmem:v8+s10+$0x0] =	vst.idx.msk $0xffff, v7;
	v8 =	vld [tilespmem:$0x1FD60];
	_ =	sdelay $0x4  }
0x112: {  	v7 =	vld.idx.msk [tilespmem:v9+s2+$0x0], $0xffff;
	v8 =	vadd.s32 v8, v5;
	_ =	sdelay $0x4  }
0x113: {  	v9 =	vadd.s32 v14, v6;
	[tilespmem:v8+s10+$0x0] =	vst.idx.msk $0xffff, v7;
	v8 =	vld [tilespmem:$0x1FD70];
	_ =	sdelay $0x4  }
0x114: {  	v7 =	vld.idx.msk [tilespmem:v9+s2+$0x0], $0xffff;
	v8 =	vadd.s32 v8, v5;
	_ =	sdelay $0x4  }
0x115: {  	v9 =	vadd.s32 v15, v6;
	[tilespmem:v8+s10+$0x0] =	vst.idx.msk $0xffff, v7;
	v8 =	vld [tilespmem:$0x1FD80];
	_ =	sdelay $0x4  }
0x116: {  	v7 =	vld.idx.msk [tilespmem:v9+s2+$0x0], $0xffff;
	v8 =	vadd.s32 v8, v5  }
0x117: {  	v9 =	vadd.s32 v10, v6;
	_ =	sdelay $0x3  }
0x118: {  	[tilespmem:v8+s10+$0x0] =	vst.idx.msk $0xffff, v7  }
0x119: {  	v8 =	vadd.s32 v12, v5;
	v7 =	vld.idx.msk [tilespmem:v9+s2+$0x0], $0xffff  }
0x11a: {  	v9 =	vadd.s32 v19, v6;
	_ =	sdelay $0x3  }
0x11b: {  	[tilespmem:v8+s10+$0x0] =	vst.idx.msk $0xffff, v7  }
0x11c: {  	v8 =	vadd.s32 v17, v5;
	v7 =	vld.idx.msk [tilespmem:v9+s2+$0x0], $0xffff  }
0x11d: {  	v9 =	vadd.s32 v21, v6;
	_ =	sdelay $0x3  }
0x11e: {  	[tilespmem:v8+s10+$0x0] =	vst.idx.msk $0xffff, v7  }
0x11f: {  	v8 =	vadd.s32 v11, v5;
	v7 =	vld.idx.msk [tilespmem:v9+s2+$0x0], $0xffff  }
0x120: {  	v9 =	vadd.s32 v23, v6;
	_ =	sdelay $0x3  }
0x121: {  	[tilespmem:v8+s10+$0x0] =	vst.idx.msk $0xffff, v7  }
0x122: {  	v8 =	vadd.s32 v13, v5;
	v7 =	vld.idx.msk [tilespmem:v9+s2+$0x0], $0xffff  }
0x123: {  	v9 =	vadd.s32 v0, v6;
	_ =	sdelay $0x3  }
0x124: {  	[tilespmem:v8+s10+$0x0] =	vst.idx.msk $0xffff, v7  }
0x125: {  	v8 =	vadd.s32 v25, v5;
	v7 =	vld.idx.msk [tilespmem:v9+s2+$0x0], $0xffff  }
0x126: {  	v9 =	vadd.s32 v2, v6;
	_ =	sdelay $0x3  }
0x127: {  	[tilespmem:v8+s10+$0x0] =	vst.idx.msk $0xffff, v7  }
0x128: {  	v8 =	vadd.s32 v27, v5;
	v7 =	vld.idx.msk [tilespmem:v9+s2+$0x0], $0xffff  }
0x129: {  	p0 =	sne.s32 s13, $0x3F;
	v9 =	vadd.s32 v3, v6  }
.Ltmp0:
0x12a: {  	_ = 	snop;
	(pc) =	sbr.rel @p0 .LBB2_2-.Ltmp0, $3  }
0x12b: {  	_ =	sdelay $0x1  }
0x12c: {  	s12 =	smov.u32 s13;
	[tilespmem:v8+s10+$0x0] =	vst.idx.msk $0xffff, v7  }
0x12d: {  	s13 =	sadd.s32 $0x1, s13;
	s14 =	sshrl.u32 s12, $0x3;
	v8 =	vadd.s32 v62, v5;
	v7 =	vld.idx.msk [tilespmem:v9+s2+$0x0], $0xffff;
	v9 =	vadd.s32 v60, v6  }
0x12e: {  	v6 =	vmov s14  }
0x12f: {  	s13 =	sand.u32 $0x7, s12;
	v6 =	vmul.u32 $0x2400, v6  }
0x130: {  	s13 =	sshll.u32 s13, $0x7  }
0x131: {  	v6 =	vor.u32 s13, v6  }
0x132: {  	[tilespmem:v8+s10+$0x0] =	vst.idx.msk $0xffff, v7;
	v6 =	vbroadcast v6, $0x0  }
0x133: {  	v5 =	vadd.s32 v22, v5;
	v8 =	vlaneseq.u32;
	v7 =	vld.idx.msk [tilespmem:v9+s2+$0x0], $0xffff  }
0x134: {  	v8 =	vor.u32 v8, v6;
	_ =	sdelay $0x2  }
0x135: {  	v9 =	vmov s12  }
0x136: {  	[tilespmem:v5+s10+$0x0] =	vst.idx.msk $0xffff, v7;
	v5 =	vand.u32 $0x3F, v9  }
0x137: {  	v7 =	vld.idx.msk [tilespmem:v8+s2+$0x0], $0xffff;
	v8 =	vadd.s32 v1, v5  }
0x138: {  	v9 =	vor.u32 v44, v6;
	_ =	sdelay $0x3  }
0x139: {  	[tilespmem:v8+s10+$0x0] =	vst.idx.msk $0xffff, v7  }
0x13a: {  	v8 =	vadd.s32 v46, v5;
	v7 =	vld.idx.msk [tilespmem:v9+s2+$0x0], $0xffff  }
0x13b: {  	v9 =	vor.u32 v4, v6;
	_ =	sdelay $0x3  }
0x13c: {  	[tilespmem:v8+s10+$0x0] =	vst.idx.msk $0xffff, v7  }
0x13d: {  	v8 =	vadd.s32 v56, v5;
	v7 =	vld.idx.msk [tilespmem:v9+s2+$0x0], $0xffff  }
0x13e: {  	v9 =	vor.u32 v54, v6;
	_ =	sdelay $0x3  }
0x13f: {  	[tilespmem:v8+s10+$0x0] =	vst.idx.msk $0xffff, v7  }
0x140: {  	v8 =	vadd.s32 v50, v5;
	v7 =	vld.idx.msk [tilespmem:v9+s2+$0x0], $0xffff  }
0x141: {  	v9 =	vor.u32 v40, v6;
	_ =	sdelay $0x3  }
0x142: {  	[tilespmem:v8+s10+$0x0] =	vst.idx.msk $0xffff, v7  }
0x143: {  	v8 =	vadd.s32 v38, v5;
	v7 =	vld.idx.msk [tilespmem:v9+s2+$0x0], $0xffff  }
0x144: {  	v9 =	vor.u32 v42, v6;
	_ =	sdelay $0x3  }
0x145: {  	[tilespmem:v8+s10+$0x0] =	vst.idx.msk $0xffff, v7  }
0x146: {  	v8 =	vadd.s32 v53, v5;
	v7 =	vld.idx.msk [tilespmem:v9+s2+$0x0], $0xffff  }
0x147: {  	v9 =	vor.u32 v36, v6;
	_ =	sdelay $0x3  }
0x148: {  	[tilespmem:v8+s10+$0x0] =	vst.idx.msk $0xffff, v7  }
0x149: {  	v8 =	vadd.s32 v16, v5;
	v7 =	vld.idx.msk [tilespmem:v9+s2+$0x0], $0xffff  }
0x14a: {  	v9 =	vor.u32 v34, v6;
	_ =	sdelay $0x3  }
0x14b: {  	[tilespmem:v8+s10+$0x0] =	vst.idx.msk $0xffff, v7  }
0x14c: {  	v8 =	vadd.s32 v61, v5;
	v7 =	vld.idx.msk [tilespmem:v9+s2+$0x0], $0xffff  }
0x14d: {  	v9 =	vadd.s32 v29, v6;
	_ =	sdelay $0x3  }
0x14e: {  	[tilespmem:v8+s10+$0x0] =	vst.idx.msk $0xffff, v7  }
0x14f: {  	v8 =	vadd.s32 v55, v5;
	v7 =	vld.idx.msk [tilespmem:v9+s2+$0x0], $0xffff  }
0x150: {  	v9 =	vadd.s32 v31, v6;
	_ =	sdelay $0x3  }
0x151: {  	[tilespmem:v8+s10+$0x0] =	vst.idx.msk $0xffff, v7  }
0x152: {  	v8 =	vadd.s32 v49, v5;
	v7 =	vld.idx.msk [tilespmem:v9+s2+$0x0], $0xffff  }
0x153: {  	v9 =	vadd.s32 v33, v6;
	_ =	sdelay $0x3  }
0x154: {  	[tilespmem:v8+s10+$0x0] =	vst.idx.msk $0xffff, v7  }
0x155: {  	v8 =	vadd.s32 v63, v5;
	v7 =	vld.idx.msk [tilespmem:v9+s2+$0x0], $0xffff  }
0x156: {  	v9 =	vadd.s32 v35, v6;
	_ =	sdelay $0x3  }
0x157: {  	[tilespmem:v8+s10+$0x0] =	vst.idx.msk $0xffff, v7  }
0x158: {  	v8 =	vadd.s32 v51, v5;
	v7 =	vld.idx.msk [tilespmem:v9+s2+$0x0], $0xffff  }
0x159: {  	v9 =	vadd.s32 v37, v6;
	_ =	sdelay $0x3  }
0x15a: {  	[tilespmem:v8+s10+$0x0] =	vst.idx.msk $0xffff, v7  }
0x15b: {  	v8 =	vadd.s32 v20, v5;
	v7 =	vld.idx.msk [tilespmem:v9+s2+$0x0], $0xffff  }
0x15c: {  	v9 =	vadd.s32 v39, v6;
	_ =	sdelay $0x3  }
0x15d: {  	[tilespmem:v8+s10+$0x0] =	vst.idx.msk $0xffff, v7  }
0x15e: {  	v8 =	vadd.s32 v58, v5;
	v7 =	vld.idx.msk [tilespmem:v9+s2+$0x0], $0xffff  }
0x15f: {  	v9 =	vadd.s32 v41, v6;
	_ =	sdelay $0x3  }
0x160: {  	[tilespmem:v8+s10+$0x0] =	vst.idx.msk $0xffff, v7  }
0x161: {  	v8 =	vadd.s32 v52, v5;
	v7 =	vld.idx.msk [tilespmem:v9+s2+$0x0], $0xffff  }
0x162: {  	v9 =	vadd.s32 v43, v6;
	_ =	sdelay $0x3  }
0x163: {  	[tilespmem:v8+s10+$0x0] =	vst.idx.msk $0xffff, v7  }
0x164: {  	v8 =	vadd.s32 v59, v5;
	v7 =	vld.idx.msk [tilespmem:v9+s2+$0x0], $0xffff  }
0x165: {  	v9 =	vadd.s32 v45, v6;
	_ =	sdelay $0x3  }
0x166: {  	[tilespmem:v8+s10+$0x0] =	vst.idx.msk $0xffff, v7  }
0x167: {  	v8 =	vadd.s32 v24, v5;
	v7 =	vld.idx.msk [tilespmem:v9+s2+$0x0], $0xffff  }
0x168: {  	v9 =	vadd.s32 v47, v6  }
0x169: {  	v61 =	vld [tilespmem:$0x1FCD0];
	_ =	sdelay $0x2  }
0x16a: {  	[tilespmem:v8+s10+$0x0] =	vst.idx.msk $0xffff, v7  }
0x16b: {  	v8 =	vadd.s32 v26, v5;
	v7 =	vld.idx.msk [tilespmem:v9+s2+$0x0], $0xffff  }
0x16c: {  	v9 =	vadd.s32 v61, v6  }
0x16d: {  	v31 =	vld [tilespmem:$0x1FCE0];
	_ =	sdelay $0x2  }
0x16e: {  	[tilespmem:v8+s10+$0x0] =	vst.idx.msk $0xffff, v7  }
0x16f: {  	v8 =	vadd.s32 v28, v5;
	v7 =	vld.idx.msk [tilespmem:v9+s2+$0x0], $0xffff  }
0x170: {  	v9 =	vadd.s32 v31, v6;
	_ =	sdelay $0x3  }
0x171: {  	[tilespmem:v8+s10+$0x0] =	vst.idx.msk $0xffff, v7  }
0x172: {  	v8 =	vadd.s32 v30, v5;
	v7 =	vld.idx.msk [tilespmem:v9+s2+$0x0], $0xffff  }
0x173: {  	v9 =	vadd.s32 v18, v6  }
0x174: {  	v35 =	vld [tilespmem:$0x1FCF0];
	_ =	sdelay $0x2  }
0x175: {  	[tilespmem:v8+s10+$0x0] =	vst.idx.msk $0xffff, v7  }
0x176: {  	v8 =	vadd.s32 v48, v5;
	v7 =	vld.idx.msk [tilespmem:v9+s2+$0x0], $0xffff  }
0x177: {  	v9 =	vadd.s32 v35, v6  }
0x178: {  	v39 =	vld [tilespmem:$0x1FD00];
	_ =	sdelay $0x2  }
0x179: {  	[tilespmem:v8+s10+$0x0] =	vst.idx.msk $0xffff, v7  }
0x17a: {  	v8 =	vadd.s32 v57, v5;
	v7 =	vld.idx.msk [tilespmem:v9+s2+$0x0], $0xffff  }
0x17b: {  	v9 =	vadd.s32 v39, v6  }
0x17c: {  	v49 =	vld [tilespmem:$0x1FD10];
	_ =	sdelay $0x2  }
0x17d: {  	[tilespmem:v8+s10+$0x0] =	vst.idx.msk $0xffff, v7  }
0x17e: {  	v8 =	vadd.s32 v32, v5;
	v7 =	vld.idx.msk [tilespmem:v9+s2+$0x0], $0xffff  }
0x17f: {  	v33 =	vmov v63;
	v63 =	vmov v51;
	v51 =	vld [tilespmem:$0x1FD20];
	v9 =	vadd.s32 v49, v6  }
0x180: {  	v41 =	vmov v52;
	v52 =	vld [tilespmem:$0x1FD30];
	_ =	sdelay $0x2  }
0x181: {  	[tilespmem:v8+s10+$0x0] =	vst.idx.msk $0xffff, v7  }
0x182: {  	v8 =	vadd.s32 v51, v5;
	v7 =	vld.idx.msk [tilespmem:v9+s2+$0x0], $0xffff  }
0x183: {  	v53 =	vld [tilespmem:$0x1FD40];
	v9 =	vadd.s32 v52, v6  }
0x184: {  	v54 =	vld [tilespmem:$0x1FD50];
	_ =	sdelay $0x2  }
0x185: {  	[tilespmem:v8+s10+$0x0] =	vst.idx.msk $0xffff, v7  }
0x186: {  	v8 =	vadd.s32 v53, v5;
	v7 =	vld.idx.msk [tilespmem:v9+s2+$0x0], $0xffff  }
0x187: {  	v55 =	vld [tilespmem:$0x1FD60];
	v9 =	vadd.s32 v54, v6;
	_ =	sdelay $0x3  }
0x188: {  	[tilespmem:v8+s10+$0x0] =	vst.idx.msk $0xffff, v7  }
0x189: {  	v8 =	vadd.s32 v55, v5;
	v7 =	vld.idx.msk [tilespmem:v9+s2+$0x0], $0xffff  }
0x18a: {  	v56 =	vld [tilespmem:$0x1FD70];
	v9 =	vadd.s32 v14, v6;
	_ =	sdelay $0x3  }
0x18b: {  	[tilespmem:v8+s10+$0x0] =	vst.idx.msk $0xffff, v7  }
0x18c: {  	v8 =	vadd.s32 v56, v5;
	v7 =	vld.idx.msk [tilespmem:v9+s2+$0x0], $0xffff  }
0x18d: {  	v37 =	vmov v20;
	v20 =	vmov v58;
	v58 =	vld [tilespmem:$0x1FD80];
	v9 =	vadd.s32 v15, v6;
	_ =	sdelay $0x3  }
0x18e: {  	[tilespmem:v8+s10+$0x0] =	vst.idx.msk $0xffff, v7  }
0x18f: {  	v8 =	vadd.s32 v58, v5;
	v7 =	vld.idx.msk [tilespmem:v9+s2+$0x0], $0xffff  }
0x190: {  	v9 =	vadd.s32 v10, v6;
	_ =	sdelay $0x3  }
0x191: {  	[tilespmem:v8+s10+$0x0] =	vst.idx.msk $0xffff, v7  }
0x192: {  	v8 =	vadd.s32 v12, v5;
	v7 =	vld.idx.msk [tilespmem:v9+s2+$0x0], $0xffff  }
0x193: {  	v9 =	vadd.s32 v19, v6;
	_ =	sdelay $0x3  }
0x194: {  	[tilespmem:v8+s10+$0x0] =	vst.idx.msk $0xffff, v7  }
0x195: {  	v8 =	vadd.s32 v17, v5;
	v7 =	vld.idx.msk [tilespmem:v9+s2+$0x0], $0xffff  }
0x196: {  	v9 =	vadd.s32 v21, v6;
	_ =	sdelay $0x3  }
0x197: {  	[tilespmem:v8+s10+$0x0] =	vst.idx.msk $0xffff, v7  }
0x198: {  	v8 =	vadd.s32 v11, v5;
	v7 =	vld.idx.msk [tilespmem:v9+s2+$0x0], $0xffff  }
0x199: {  	v9 =	vadd.s32 v23, v6;
	_ =	sdelay $0x3  }
0x19a: {  	[tilespmem:v8+s10+$0x0] =	vst.idx.msk $0xffff, v7  }
0x19b: {  	v8 =	vadd.s32 v13, v5;
	v7 =	vld.idx.msk [tilespmem:v9+s2+$0x0], $0xffff  }
0x19c: {  	v0 =	vadd.s32 v0, v6;
	_ =	sdelay $0x3  }
0x19d: {  	[tilespmem:v8+s10+$0x0] =	vst.idx.msk $0xffff, v7  }
0x19e: {  	v61 =	vadd.s32 v25, v5;
	v0 =	vld.idx.msk [tilespmem:v0+s2+$0x0], $0xffff  }
0x19f: {  	v2 =	vadd.s32 v2, v6;
	_ =	sdelay $0x3  }
0x1a0: {  	[tilespmem:v61+s10+$0x0] =	vst.idx.msk $0xffff, v0  }
0x1a1: {  	v0 =	vld.idx.msk [tilespmem:v2+s2+$0x0], $0xffff;
	v2 =	vadd.s32 v27, v5  }
0x1a2: {  	v3 =	vadd.s32 v3, v6;
	_ =	sdelay $0x3  }
0x1a3: {  	[tilespmem:v2+s10+$0x0] =	vst.idx.msk $0xffff, v0  }
0x1a4: {  	v2 =	vadd.s32 v62, v5;
	v0 =	vld.idx.msk [tilespmem:v3+s2+$0x0], $0xffff  }
0x1a5: {  	v3 =	vadd.s32 v60, v6;
	_ =	sdelay $0x3  }
0x1a6: {  	[tilespmem:v2+s10+$0x0] =	vst.idx.msk $0xffff, v0  }
0x1a7: {  	v2 =	vadd.s32 v22, v5;
	v0 =	vld.idx.msk [tilespmem:v3+s2+$0x0], $0xffff  }
0x1a8: {  	v43 =	vmov v59  }
0x1a9: {  	v59 =	vmovc v24;
	v45 =	vmovc v28;
	v47 =	vmov v26;
	v35 =	vmov v25;
	v25 =	vmov v36  }
0x1aa: {  	v39 =	vmovc v62;
	v49 =	vmovc v13;
	v53 =	vmov v50;
	v54 =	vmov v30;
	v14 =	vmov v17  }
0x1ab: {  	s14 =	simm.s32 $0x8;
	v56 =	vmovc v48;
	v15 =	vmovc v44;
	v10 =	vmov v11;
	v19 =	vmov v40;
	v17 =	vmov v46  }
0x1ac: {  	s15 =	simm.s32 $0x12048;
	s13 =	sadd.s32 $0x0, s4;
	s12 =	simm.s32 $0x12000;
	v21 =	vmovc v38;
	v23 =	vmovc v42;
	v61 =	vmov v27;
	v27 =	vmov v34;
	v62 =	vmov v32;
	[tilespmem:v2+s10+$0x0] =	vst.idx.msk $0xffff, v0  }
.LBB2_4:
0x1ad: {  	[hbm4b:s13+s2] =	stream.linear.scatter [tilespmem:s12], [sflag:$0x1], $0x40, $0x38;
	[tilespmem:$0x1C200] =	vst v63  }
0x1ae: {  	s13 =	smov.u32 s14;
	s12 =	smov.u32 s15;
	p0 =	sne.s32 s14, $0x11F8  }
.Ltmp1:
0x1af: {  	s14 =	sadd.s32 $0x8, s14;
	(pc) =	sbr.rel @p0 .LBB2_4-.Ltmp1, $2  }
0x1b0: {  	_ =	sdelay $0x2  }
0x1b1: {  	s15 =	sadd.s32 $0x48, s15;
	s13 =	sadd.s32 s13, s4  }
0x1b2: {  	s14 =	simm.s32 $0x0  }
0x1b3: {  	s15 =	simm.s32 $0x0;
	v0 =	vmov s14  }
0x1b4: {  	s31 =	sand.u32 $0x7, s15;
	v0 =	vmul.u32 $0x2400, v0  }
0x1b5: {  	s14 =	sshll.u32 s31, $0x7  }
0x1b6: {  	v0 =	vor.u32 s14, v0  }
0x1b7: {  	v52 =	vbroadcast v0, $0x0;
	_ =	sdelay $0x1  }
0x1b8: {  	v0 =	vadd.s32 $0x1000, v52  }
0x1b9: {  	v2 =	vor.u32 v19, v0  }
0x1ba: {  	[hbm4b:s13+s2] =	stream.linear.scatter [tilespmem:s12], [sflag:$0x1], $0x40, $0x38;
	[tilespmem:$0x1C200] =	vst v63  }
0x1bb: {  	_ =	swait.ge [sflag:s9], $0x9000  }
0x1bc: {  	v3 =	vmov s15;
	[sflag:s9] =	ssyncset.done $0x0  }
0x1bd: {  	v58 =	vand.u32 $0x3F, v3;
	[sflag:s9] =	ssyncadd.s32 $0xFFFF7000  }
0x1be: {  	v3 =	vadd.s32 v1, v58;
	v2 =	vld.idx.msk [tilespmem:v2+s2+$0x0], $0xffff  }
0x1bf: {  	v4 =	vor.u32 v23, v0;
	_ =	sdelay $0x3  }
0x1c0: {  	[tilespmem:v3+s10+$0x0] =	vst.idx.msk $0xffff, v2  }
0x1c1: {  	v3 =	vadd.s32 v17, v58;
	v2 =	vld.idx.msk [tilespmem:v4+s2+$0x0], $0xffff  }
0x1c2: {  	v31 =	vld [tilespmem:$0x1FFF0];
	v4 =	vor.u32 v25, v0;
	_ =	sdelay $0x3  }
0x1c3: {  	[tilespmem:v3+s10+$0x0] =	vst.idx.msk $0xffff, v2  }
0x1c4: {  	v3 =	vadd.s32 v31, v58;
	v2 =	vld.idx.msk [tilespmem:v4+s2+$0x0], $0xffff  }
0x1c5: {  	v0 =	vor.u32 v27, v0;
	_ =	sdelay $0x3  }
0x1c6: {  	[tilespmem:v3+s10+$0x0] =	vst.idx.msk $0xffff, v2  }
0x1c7: {  	v13 =	vlaneseq.u32;
	v2 =	vadd.s32 v53, v58;
	v3 =	vadd.s32 $0x1400, v52;
	v0 =	vld.idx.msk [tilespmem:v0+s2+$0x0], $0xffff  }
0x1c8: {  	v4 =	vor.u32 v13, v3;
	_ =	sdelay $0x3  }
0x1c9: {  	[tilespmem:v2+s10+$0x0] =	vst.idx.msk $0xffff, v0  }
0x1ca: {  	v2 =	vadd.s32 v21, v58;
	v0 =	vld.idx.msk [tilespmem:v4+s2+$0x0], $0xffff;
	_ =	sdelay $0x4  }
0x1cb: {  	v4 =	vor.u32 v15, v3;
	[tilespmem:v2+s10+$0x0] =	vst.idx.msk $0xffff, v0;
	v2 =	vld [tilespmem:$0x1FDF0];
	_ =	sdelay $0x3  }
0x1cc: {  	v55 =	vld [tilespmem:$0x1FFD0]  }
0x1cd: {  	v0 =	vld.idx.msk [tilespmem:v4+s2+$0x0], $0xffff;
	v2 =	vadd.s32 v2, v58;
	_ =	sdelay $0x4  }
0x1ce: {  	v4 =	vor.u32 v55, v3;
	[tilespmem:v2+s10+$0x0] =	vst.idx.msk $0xffff, v0;
	v2 =	vld [tilespmem:$0x1FE10]  }
0x1cf: {  	v51 =	vld [tilespmem:$0x1FFE0];
	_ =	sdelay $0x3  }
0x1d0: {  	v0 =	vld.idx.msk [tilespmem:v4+s2+$0x0], $0xffff;
	v2 =	vadd.s32 v2, v58  }
0x1d1: {  	v28 =	vld [tilespmem:$0x1FE30];
	v3 =	vor.u32 v51, v3;
	_ =	sdelay $0x3  }
0x1d2: {  	[tilespmem:v2+s10+$0x0] =	vst.idx.msk $0xffff, v0  }
0x1d3: {  	v2 =	vadd.s32 v28, v58;
	v0 =	vld.idx.msk [tilespmem:v3+s2+$0x0], $0xffff;
	v3 =	vor.u32 $0x1440, v13  }
0x1d4: {  	v30 =	vld [tilespmem:$0x1FE70];
	[tilespmem:$0x1FC20] =	vst v3;
	v3 =	vadd.s32 v3, v52;
	_ =	sdelay $0x3  }
0x1d5: {  	[tilespmem:v2+s10+$0x0] =	vst.idx.msk $0xffff, v0  }
0x1d6: {  	v2 =	vadd.s32 v30, v58;
	v0 =	vld.idx.msk [tilespmem:v3+s2+$0x0], $0xffff;
	v3 =	vor.u32 $0x1450, v13  }
0x1d7: {  	v32 =	vld [tilespmem:$0x1FF00];
	[tilespmem:$0x1FC30] =	vst v3;
	v3 =	vadd.s32 v3, v52;
	_ =	sdelay $0x3  }
0x1d8: {  	[tilespmem:v2+s10+$0x0] =	vst.idx.msk $0xffff, v0  }
0x1d9: {  	v0 =	vor.u32 $0x1460, v13;
	v2 =	vld.idx.msk [tilespmem:v3+s2+$0x0], $0xffff;
	v3 =	vadd.s32 v32, v58  }
0x1da: {  	v4 =	vadd.s32 v0, v52;
	_ =	sdelay $0x3  }
0x1db: {  	[tilespmem:v3+s10+$0x0] =	vst.idx.msk $0xffff, v2  }
0x1dc: {  	[tilespmem:$0x1FC40] =	vst v0;
	v0 =	vor.u32 $0x1470, v13;
	v3 =	vadd.s32 v33, v58;
	v2 =	vld.idx.msk [tilespmem:v4+s2+$0x0], $0xffff  }
0x1dd: {  	v4 =	vadd.s32 v0, v52;
	_ =	sdelay $0x3  }
0x1de: {  	[tilespmem:v3+s10+$0x0] =	vst.idx.msk $0xffff, v2  }
0x1df: {  	[tilespmem:$0x1FC50] =	vst v0;
	v0 =	vor.u32 $0x1800, v13;
	v3 =	vadd.s32 v63, v58;
	v2 =	vld.idx.msk [tilespmem:v4+s2+$0x0], $0xffff  }
0x1e0: {  	v4 =	vadd.s32 v0, v52;
	_ =	sdelay $0x3  }
0x1e1: {  	[tilespmem:v3+s10+$0x0] =	vst.idx.msk $0xffff, v2  }
0x1e2: {  	[tilespmem:$0x1FC60] =	vst v0;
	v0 =	vor.u32 $0x1810, v13;
	v3 =	vadd.s32 v37, v58;
	v2 =	vld.idx.msk [tilespmem:v4+s2+$0x0], $0xffff  }
0x1e3: {  	v4 =	vadd.s32 v0, v52;
	_ =	sdelay $0x3  }
0x1e4: {  	[tilespmem:v3+s10+$0x0] =	vst.idx.msk $0xffff, v2  }
0x1e5: {  	v3 =	vadd.s32 v20, v58;
	v2 =	vld.idx.msk [tilespmem:v4+s2+$0x0], $0xffff;
	v4 =	vor.u32 $0x1820, v13  }
0x1e6: {  	[tilespmem:$0x1FC80] =	vst v4;
	v4 =	vadd.s32 v4, v52;
	_ =	sdelay $0x3  }
0x1e7: {  	[tilespmem:v3+s10+$0x0] =	vst.idx.msk $0xffff, v2  }
0x1e8: {  	v3 =	vadd.s32 v41, v58;
	v2 =	vld.idx.msk [tilespmem:v4+s2+$0x0], $0xffff;
	v4 =	vor.u32 $0x1830, v13  }
0x1e9: {  	[tilespmem:$0x1FC90] =	vst v4;
	v4 =	vadd.s32 v4, v52;
	_ =	sdelay $0x3  }
0x1ea: {  	[tilespmem:v3+s10+$0x0] =	vst.idx.msk $0xffff, v2  }
0x1eb: {  	v3 =	vadd.s32 v43, v58;
	v2 =	vld.idx.msk [tilespmem:v4+s2+$0x0], $0xffff;
	v4 =	vor.u32 $0x1840, v13  }
0x1ec: {  	[tilespmem:$0x1FCA0] =	vst v4;
	v4 =	vadd.s32 v4, v52;
	_ =	sdelay $0x3  }
0x1ed: {  	[tilespmem:v3+s10+$0x0] =	vst.idx.msk $0xffff, v2  }
0x1ee: {  	v3 =	vadd.s32 v59, v58;
	v2 =	vld.idx.msk [tilespmem:v4+s2+$0x0], $0xffff;
	v4 =	vor.u32 $0x1850, v13  }
0x1ef: {  	[tilespmem:$0x1FCB0] =	vst v4;
	v4 =	vadd.s32 v4, v52;
	_ =	sdelay $0x3  }
0x1f0: {  	[tilespmem:v3+s10+$0x0] =	vst.idx.msk $0xffff, v2  }
0x1f1: {  	v3 =	vadd.s32 v47, v58;
	v2 =	vld.idx.msk [tilespmem:v4+s2+$0x0], $0xffff;
	v4 =	vor.u32 $0x1860, v13  }
0x1f2: {  	[tilespmem:$0x1FCC0] =	vst v4;
	v4 =	vadd.s32 v4, v52;
	_ =	sdelay $0x3  }
0x1f3: {  	[tilespmem:v3+s10+$0x0] =	vst.idx.msk $0xffff, v2  }
0x1f4: {  	v3 =	vadd.s32 v45, v58;
	v2 =	vld.idx.msk [tilespmem:v4+s2+$0x0], $0xffff;
	v4 =	vor.u32 $0x1870, v13  }
0x1f5: {  	v24 =	vmov v4;
	v4 =	vadd.s32 v4, v52;
	_ =	sdelay $0x3  }
0x1f6: {  	[tilespmem:v3+s10+$0x0] =	vst.idx.msk $0xffff, v2  }
0x1f7: {  	v3 =	vadd.s32 v54, v58;
	v2 =	vld.idx.msk [tilespmem:v4+s2+$0x0], $0xffff;
	v4 =	vor.u32 $0x1C00, v13  }
0x1f8: {  	[tilespmem:$0x1FC70] =	vst v0;
	v0 =	vmov v4;
	v4 =	vadd.s32 v4, v52;
	_ =	sdelay $0x3  }
0x1f9: {  	[tilespmem:v3+s10+$0x0] =	vst.idx.msk $0xffff, v2  }
0x1fa: {  	v3 =	vadd.s32 v56, v58;
	v2 =	vld.idx.msk [tilespmem:v4+s2+$0x0], $0xffff;
	v4 =	vor.u32 $0x1C10, v13  }
0x1fb: {  	v26 =	vmov v4;
	v4 =	vadd.s32 v4, v52;
	_ =	sdelay $0x3  }
0x1fc: {  	[tilespmem:v3+s10+$0x0] =	vst.idx.msk $0xffff, v2  }
0x1fd: {  	v3 =	vadd.s32 v57, v58;
	v2 =	vld.idx.msk [tilespmem:v4+s2+$0x0], $0xffff;
	v4 =	vor.u32 $0x1C20, v13  }
0x1fe: {  	v16 =	vmov v4;
	v4 =	vadd.s32 v4, v52;
	_ =	sdelay $0x3  }
0x1ff: {  	[tilespmem:v3+s10+$0x0] =	vst.idx.msk $0xffff, v2  }
0x200: {  	v3 =	vadd.s32 v62, v58;
	v2 =	vld.idx.msk [tilespmem:v4+s2+$0x0], $0xffff;
	v4 =	vor.u32 $0x1C30, v13  }
0x201: {  	v36 =	vmovc v63;
	v38 =	vmov v37;
	v37 =	vld [tilespmem:$0x1FD20];
	v63 =	vmov v4;
	v4 =	vadd.s32 v4, v52;
	_ =	sdelay $0x3  }
0x202: {  	[tilespmem:v3+s10+$0x0] =	vst.idx.msk $0xffff, v2  }
0x203: {  	v18 =	vor.u32 $0x1C40, v13;
	v3 =	vadd.s32 v37, v58;
	v2 =	vld.idx.msk [tilespmem:v4+s2+$0x0], $0xffff  }
0x204: {  	v42 =	vmov v41;
	v41 =	vld [tilespmem:$0x1FD40];
	v4 =	vadd.s32 v18, v52;
	_ =	sdelay $0x3  }
0x205: {  	[tilespmem:v3+s10+$0x0] =	vst.idx.msk $0xffff, v2  }
0x206: {  	v40 =	vmov v20;
	v20 =	vor.u32 $0x1C50, v13;
	v3 =	vadd.s32 v41, v58;
	v2 =	vld.idx.msk [tilespmem:v4+s2+$0x0], $0xffff  }
0x207: {  	v44 =	vmov v43;
	v43 =	vld [tilespmem:$0x1FD60];
	v4 =	vadd.s32 v20, v52;
	_ =	sdelay $0x3  }
0x208: {  	[tilespmem:v3+s10+$0x0] =	vst.idx.msk $0xffff, v2  }
0x209: {  	v34 =	vmov v33;
	v33 =	vor.u32 $0x1C60, v13;
	v3 =	vadd.s32 v43, v58;
	v2 =	vld.idx.msk [tilespmem:v4+s2+$0x0], $0xffff  }
0x20a: {  	v50 =	vmov v45;
	v45 =	vld [tilespmem:$0x1FD70];
	v4 =	vadd.s32 v33, v52;
	_ =	sdelay $0x3  }
0x20b: {  	[tilespmem:v3+s10+$0x0] =	vst.idx.msk $0xffff, v2  }
0x20c: {  	v2 =	vor.u32 $0x1C70, v13;
	v3 =	vld.idx.msk [tilespmem:v4+s2+$0x0], $0xffff;
	v4 =	vadd.s32 v45, v58  }
0x20d: {  	v48 =	vmov v47;
	v47 =	vld [tilespmem:$0x1FD80];
	v5 =	vadd.s32 v2, v52;
	_ =	sdelay $0x3  }
0x20e: {  	[tilespmem:v4+s10+$0x0] =	vst.idx.msk $0xffff, v3  }
0x20f: {  	v3 =	vor.u32 $0x2000, v13;
	v4 =	vld.idx.msk [tilespmem:v5+s2+$0x0], $0xffff;
	v5 =	vadd.s32 v47, v58  }
0x210: {  	v6 =	vadd.s32 v3, v52;
	_ =	sdelay $0x3  }
0x211: {  	[tilespmem:v5+s10+$0x0] =	vst.idx.msk $0xffff, v4  }
0x212: {  	v4 =	vor.u32 $0x2010, v13;
	v5 =	vld.idx.msk [tilespmem:v6+s2+$0x0], $0xffff;
	v6 =	vadd.s32 v12, v58  }
0x213: {  	v7 =	vadd.s32 v4, v52;
	_ =	sdelay $0x3  }
0x214: {  	[tilespmem:v6+s10+$0x0] =	vst.idx.msk $0xffff, v5  }
0x215: {  	v5 =	vor.u32 $0x2020, v13;
	v6 =	vld.idx.msk [tilespmem:v7+s2+$0x0], $0xffff;
	v7 =	vadd.s32 v14, v58  }
0x216: {  	v8 =	vadd.s32 v5, v52;
	_ =	sdelay $0x3  }
0x217: {  	[tilespmem:v7+s10+$0x0] =	vst.idx.msk $0xffff, v6  }
0x218: {  	v6 =	vor.u32 $0x2030, v13;
	v7 =	vld.idx.msk [tilespmem:v8+s2+$0x0], $0xffff;
	v8 =	vadd.s32 v10, v58  }
0x219: {  	v9 =	vadd.s32 v6, v52;
	_ =	sdelay $0x3  }
0x21a: {  	[tilespmem:v8+s10+$0x0] =	vst.idx.msk $0xffff, v7  }
0x21b: {  	v7 =	vor.u32 $0x2040, v13;
	v8 =	vld.idx.msk [tilespmem:v9+s2+$0x0], $0xffff;
	v9 =	vadd.s32 v49, v58  }
0x21c: {  	v11 =	vadd.s32 v7, v52;
	_ =	sdelay $0x3  }
0x21d: {  	[tilespmem:v9+s10+$0x0] =	vst.idx.msk $0xffff, v8  }
0x21e: {  	v29 =	vmovc v49;
	v49 =	vmov v12;
	v12 =	vadd.s32 v35, v58;
	v8 =	vor.u32 $0x2050, v13;
	v9 =	vld.idx.msk [tilespmem:v11+s2+$0x0], $0xffff  }
0x21f: {  	v11 =	vadd.s32 v8, v52;
	_ =	sdelay $0x3  }
0x220: {  	[tilespmem:v12+s10+$0x0] =	vst.idx.msk $0xffff, v9  }
0x221: {  	v60 =	vmovc v57;
	v57 =	vmov v14;
	v9 =	vor.u32 $0x2060, v13;
	v14 =	vld.idx.msk [tilespmem:v11+s2+$0x0], $0xffff;
	v11 =	vadd.s32 v61, v58  }
0x222: {  	v12 =	vadd.s32 v9, v52;
	_ =	sdelay $0x3  }
0x223: {  	[tilespmem:v11+s10+$0x0] =	vst.idx.msk $0xffff, v14  }
0x224: {  	v46 =	vmovc v59;
	s12 =	simm.s32 $0x1;
	s13 =	simm.s32 $0x2;
	s14 =	simm.s32 $0x0;
	v59 =	vmovc v10;
	v10 =	vmov v15;
	v15 =	vor.u32 $0x2070, v13;
	v11 =	vld.idx.msk [tilespmem:v12+s2+$0x0], $0xffff;
	v12 =	vadd.s32 v39, v58  }
.LBB2_6:
0x225: {  	v13 =	vmov s14  }
0x226: {  	v14 =	vadd.s32 v15, v52;
	s31 =	sand.u32 $0x7, s12;
	v13 =	vmul.u32 $0x2400, v13  }
0x227: {  	s14 =	sshll.u32 s31, $0x7  }
0x228: {  	v13 =	vor.u32 s14, v13  }
0x229: {  	v52 =	vbroadcast v13, $0x0  }
0x22a: {  	[tilespmem:v12+s10+$0x0] =	vst.idx.msk $0xffff, v11  }
0x22b: {  	v13 =	vadd.s32 v22, v58;
	v11 =	vld.idx.msk [tilespmem:v14+s2+$0x0], $0xffff;
	v12 =	vadd.s32 $0x1000, v52  }
0x22c: {  	v14 =	vor.u32 v19, v12;
	_ =	sdelay $0x2  }
0x22d: {  	v58 =	vmov s12  }
0x22e: {  	v58 =	vand.u32 $0x3F, v58;
	[tilespmem:v13+s10+$0x0] =	vst.idx.msk $0xffff, v11  }
0x22f: {  	v13 =	vadd.s32 v1, v58;
	v11 =	vld.idx.msk [tilespmem:v14+s2+$0x0], $0xffff  }
0x230: {  	v14 =	vor.u32 v23, v12;
	_ =	sdelay $0x3  }
0x231: {  	[tilespmem:v13+s10+$0x0] =	vst.idx.msk $0xffff, v11  }
0x232: {  	v13 =	vadd.s32 v17, v58;
	v11 =	vld.idx.msk [tilespmem:v14+s2+$0x0], $0xffff  }
0x233: {  	v14 =	vor.u32 v25, v12;
	_ =	sdelay $0x3  }
0x234: {  	[tilespmem:v13+s10+$0x0] =	vst.idx.msk $0xffff, v11  }
0x235: {  	v13 =	vadd.s32 v31, v58;
	v11 =	vld.idx.msk [tilespmem:v14+s2+$0x0], $0xffff  }
0x236: {  	v12 =	vor.u32 v27, v12;
	_ =	sdelay $0x3  }
0x237: {  	[tilespmem:v13+s10+$0x0] =	vst.idx.msk $0xffff, v11  }
0x238: {  	v14 =	vlaneseq.u32;
	v13 =	vadd.s32 $0x1400, v52;
	v11 =	vld.idx.msk [tilespmem:v12+s2+$0x0], $0xffff;
	v12 =	vadd.s32 v53, v58  }
0x239: {  	v14 =	vor.u32 v14, v13;
	_ =	sdelay $0x3  }
0x23a: {  	[tilespmem:v12+s10+$0x0] =	vst.idx.msk $0xffff, v11  }
0x23b: {  	v12 =	vadd.s32 v21, v58;
	v11 =	vld.idx.msk [tilespmem:v14+s2+$0x0], $0xffff;
	_ =	sdelay $0x4  }
0x23c: {  	v14 =	vor.u32 v10, v13;
	[tilespmem:v12+s10+$0x0] =	vst.idx.msk $0xffff, v11;
	v12 =	vld [tilespmem:$0x1FDF0];
	_ =	sdelay $0x4  }
0x23d: {  	v11 =	vld.idx.msk [tilespmem:v14+s2+$0x0], $0xffff;
	v12 =	vadd.s32 v12, v58;
	_ =	sdelay $0x4  }
0x23e: {  	v14 =	vor.u32 v55, v13;
	[tilespmem:v12+s10+$0x0] =	vst.idx.msk $0xffff, v11;
	v12 =	vld [tilespmem:$0x1FE10];
	_ =	sdelay $0x4  }
0x23f: {  	v11 =	vld.idx.msk [tilespmem:v14+s2+$0x0], $0xffff;
	v12 =	vadd.s32 v12, v58  }
0x240: {  	v13 =	vor.u32 v51, v13;
	_ =	sdelay $0x3  }
0x241: {  	[tilespmem:v12+s10+$0x0] =	vst.idx.msk $0xffff, v11  }
0x242: {  	v11 =	vld.idx.msk [tilespmem:v13+s2+$0x0], $0xffff  }
0x243: {  	v13 =	vld [tilespmem:$0x1FC20];
	_ =	sdelay $0x3  }
0x244: {  	v12 =	vadd.s32 v28, v58  }
0x245: {  	v13 =	vadd.s32 v13, v52;
	_ =	sdelay $0x3  }
0x246: {  	[tilespmem:v12+s10+$0x0] =	vst.idx.msk $0xffff, v11  }
0x247: {  	v11 =	vld.idx.msk [tilespmem:v13+s2+$0x0], $0xffff  }
0x248: {  	v13 =	vld [tilespmem:$0x1FC30];
	_ =	sdelay $0x3  }
0x249: {  	v12 =	vadd.s32 v30, v58  }
0x24a: {  	v13 =	vadd.s32 v13, v52;
	_ =	sdelay $0x3  }
0x24b: {  	[tilespmem:v12+s10+$0x0] =	vst.idx.msk $0xffff, v11  }
0x24c: {  	v11 =	vld.idx.msk [tilespmem:v13+s2+$0x0], $0xffff  }
0x24d: {  	v13 =	vld [tilespmem:$0x1FC40];
	_ =	sdelay $0x3  }
0x24e: {  	v12 =	vadd.s32 v32, v58  }
0x24f: {  	v13 =	vadd.s32 v13, v52;
	_ =	sdelay $0x3  }
0x250: {  	[tilespmem:v12+s10+$0x0] =	vst.idx.msk $0xffff, v11  }
0x251: {  	v11 =	vld.idx.msk [tilespmem:v13+s2+$0x0], $0xffff  }
0x252: {  	v13 =	vld [tilespmem:$0x1FC50];
	_ =	sdelay $0x3  }
0x253: {  	v12 =	vadd.s32 v34, v58  }
0x254: {  	v13 =	vadd.s32 v13, v52;
	_ =	sdelay $0x3  }
0x255: {  	[tilespmem:v12+s10+$0x0] =	vst.idx.msk $0xffff, v11  }
0x256: {  	v11 =	vld.idx.msk [tilespmem:v13+s2+$0x0], $0xffff  }
0x257: {  	v13 =	vld [tilespmem:$0x1FC60];
	_ =	sdelay $0x3  }
0x258: {  	v12 =	vadd.s32 v36, v58  }
0x259: {  	v13 =	vadd.s32 v13, v52;
	_ =	sdelay $0x3  }
0x25a: {  	[tilespmem:v12+s10+$0x0] =	vst.idx.msk $0xffff, v11  }
0x25b: {  	v11 =	vld.idx.msk [tilespmem:v13+s2+$0x0], $0xffff  }
0x25c: {  	v13 =	vld [tilespmem:$0x1FC70];
	_ =	sdelay $0x3  }
0x25d: {  	v12 =	vadd.s32 v38, v58  }
0x25e: {  	v13 =	vadd.s32 v13, v52;
	_ =	sdelay $0x3  }
0x25f: {  	[tilespmem:v12+s10+$0x0] =	vst.idx.msk $0xffff, v11  }
0x260: {  	v11 =	vld.idx.msk [tilespmem:v13+s2+$0x0], $0xffff  }
0x261: {  	v13 =	vld [tilespmem:$0x1FC80];
	_ =	sdelay $0x3  }
0x262: {  	v12 =	vadd.s32 v40, v58  }
0x263: {  	v13 =	vadd.s32 v13, v52;
	_ =	sdelay $0x3  }
0x264: {  	[tilespmem:v12+s10+$0x0] =	vst.idx.msk $0xffff, v11  }
0x265: {  	v11 =	vld.idx.msk [tilespmem:v13+s2+$0x0], $0xffff  }
0x266: {  	v13 =	vld [tilespmem:$0x1FC90];
	_ =	sdelay $0x3  }
0x267: {  	v12 =	vadd.s32 v42, v58  }
0x268: {  	v13 =	vadd.s32 v13, v52;
	_ =	sdelay $0x3  }
0x269: {  	[tilespmem:v12+s10+$0x0] =	vst.idx.msk $0xffff, v11  }
0x26a: {  	v11 =	vld.idx.msk [tilespmem:v13+s2+$0x0], $0xffff  }
0x26b: {  	v13 =	vld [tilespmem:$0x1FCA0];
	_ =	sdelay $0x3  }
0x26c: {  	v12 =	vadd.s32 v44, v58  }
0x26d: {  	v13 =	vadd.s32 v13, v52;
	_ =	sdelay $0x3  }
0x26e: {  	[tilespmem:v12+s10+$0x0] =	vst.idx.msk $0xffff, v11  }
0x26f: {  	v11 =	vld.idx.msk [tilespmem:v13+s2+$0x0], $0xffff  }
0x270: {  	v13 =	vld [tilespmem:$0x1FCB0];
	_ =	sdelay $0x3  }
0x271: {  	v12 =	vadd.s32 v46, v58  }
0x272: {  	v13 =	vadd.s32 v13, v52;
	_ =	sdelay $0x3  }
0x273: {  	[tilespmem:v12+s10+$0x0] =	vst.idx.msk $0xffff, v11  }
0x274: {  	v11 =	vld.idx.msk [tilespmem:v13+s2+$0x0], $0xffff  }
0x275: {  	v13 =	vld [tilespmem:$0x1FCC0];
	_ =	sdelay $0x3  }
0x276: {  	v12 =	vadd.s32 v48, v58  }
0x277: {  	v13 =	vadd.s32 v13, v52;
	_ =	sdelay $0x3  }
0x278: {  	[tilespmem:v12+s10+$0x0] =	vst.idx.msk $0xffff, v11  }
0x279: {  	v12 =	vadd.s32 v50, v58;
	v11 =	vld.idx.msk [tilespmem:v13+s2+$0x0], $0xffff  }
0x27a: {  	v13 =	vadd.s32 v24, v52;
	_ =	sdelay $0x3  }
0x27b: {  	[tilespmem:v12+s10+$0x0] =	vst.idx.msk $0xffff, v11  }
0x27c: {  	v12 =	vadd.s32 v54, v58;
	v11 =	vld.idx.msk [tilespmem:v13+s2+$0x0], $0xffff  }
0x27d: {  	v13 =	vadd.s32 v0, v52;
	_ =	sdelay $0x3  }
0x27e: {  	[tilespmem:v12+s10+$0x0] =	vst.idx.msk $0xffff, v11  }
0x27f: {  	v12 =	vadd.s32 v56, v58;
	v11 =	vld.idx.msk [tilespmem:v13+s2+$0x0], $0xffff  }
0x280: {  	v13 =	vadd.s32 v26, v52;
	_ =	sdelay $0x3  }
0x281: {  	[tilespmem:v12+s10+$0x0] =	vst.idx.msk $0xffff, v11  }
0x282: {  	v12 =	vadd.s32 v60, v58;
	v11 =	vld.idx.msk [tilespmem:v13+s2+$0x0], $0xffff  }
0x283: {  	v13 =	vadd.s32 v16, v52;
	_ =	sdelay $0x3  }
0x284: {  	[tilespmem:v12+s10+$0x0] =	vst.idx.msk $0xffff, v11  }
0x285: {  	v12 =	vadd.s32 v62, v58;
	v11 =	vld.idx.msk [tilespmem:v13+s2+$0x0], $0xffff  }
0x286: {  	v13 =	vadd.s32 v63, v52;
	_ =	sdelay $0x3  }
0x287: {  	[tilespmem:v12+s10+$0x0] =	vst.idx.msk $0xffff, v11  }
0x288: {  	v12 =	vadd.s32 v37, v58;
	v11 =	vld.idx.msk [tilespmem:v13+s2+$0x0], $0xffff  }
0x289: {  	v13 =	vadd.s32 v18, v52;
	_ =	sdelay $0x3  }
0x28a: {  	[tilespmem:v12+s10+$0x0] =	vst.idx.msk $0xffff, v11  }
0x28b: {  	v12 =	vadd.s32 v41, v58;
	v11 =	vld.idx.msk [tilespmem:v13+s2+$0x0], $0xffff  }
0x28c: {  	v13 =	vadd.s32 v20, v52;
	_ =	sdelay $0x3  }
0x28d: {  	[tilespmem:v12+s10+$0x0] =	vst.idx.msk $0xffff, v11  }
0x28e: {  	v12 =	vadd.s32 v43, v58;
	v11 =	vld.idx.msk [tilespmem:v13+s2+$0x0], $0xffff  }
0x28f: {  	v13 =	vadd.s32 v33, v52;
	_ =	sdelay $0x3  }
0x290: {  	[tilespmem:v12+s10+$0x0] =	vst.idx.msk $0xffff, v11  }
0x291: {  	v12 =	vadd.s32 v45, v58;
	v11 =	vld.idx.msk [tilespmem:v13+s2+$0x0], $0xffff  }
0x292: {  	v13 =	vadd.s32 v2, v52;
	_ =	sdelay $0x3  }
0x293: {  	[tilespmem:v12+s10+$0x0] =	vst.idx.msk $0xffff, v11  }
0x294: {  	v12 =	vadd.s32 v47, v58;
	v11 =	vld.idx.msk [tilespmem:v13+s2+$0x0], $0xffff  }
0x295: {  	v13 =	vadd.s32 v3, v52;
	_ =	sdelay $0x3  }
0x296: {  	[tilespmem:v12+s10+$0x0] =	vst.idx.msk $0xffff, v11  }
0x297: {  	v12 =	vadd.s32 v49, v58;
	v11 =	vld.idx.msk [tilespmem:v13+s2+$0x0], $0xffff  }
0x298: {  	v13 =	vadd.s32 v4, v52;
	_ =	sdelay $0x3  }
0x299: {  	[tilespmem:v12+s10+$0x0] =	vst.idx.msk $0xffff, v11  }
0x29a: {  	v12 =	vadd.s32 v57, v58;
	v11 =	vld.idx.msk [tilespmem:v13+s2+$0x0], $0xffff  }
0x29b: {  	v13 =	vadd.s32 v5, v52;
	_ =	sdelay $0x3  }
0x29c: {  	[tilespmem:v12+s10+$0x0] =	vst.idx.msk $0xffff, v11  }
0x29d: {  	v12 =	vadd.s32 v59, v58;
	v11 =	vld.idx.msk [tilespmem:v13+s2+$0x0], $0xffff  }
0x29e: {  	v13 =	vadd.s32 v6, v52;
	_ =	sdelay $0x3  }
0x29f: {  	[tilespmem:v12+s10+$0x0] =	vst.idx.msk $0xffff, v11  }
0x2a0: {  	v12 =	vadd.s32 v29, v58;
	v11 =	vld.idx.msk [tilespmem:v13+s2+$0x0], $0xffff  }
0x2a1: {  	v13 =	vadd.s32 v7, v52;
	_ =	sdelay $0x3  }
0x2a2: {  	[tilespmem:v12+s10+$0x0] =	vst.idx.msk $0xffff, v11  }
0x2a3: {  	v12 =	vadd.s32 v35, v58;
	v11 =	vld.idx.msk [tilespmem:v13+s2+$0x0], $0xffff  }
0x2a4: {  	v13 =	vadd.s32 v8, v52;
	_ =	sdelay $0x3  }
0x2a5: {  	[tilespmem:v12+s10+$0x0] =	vst.idx.msk $0xffff, v11  }
0x2a6: {  	v12 =	vadd.s32 v61, v58;
	v11 =	vld.idx.msk [tilespmem:v13+s2+$0x0], $0xffff  }
0x2a7: {  	p0 =	sne.s32 s13, $0x3F;
	v13 =	vadd.s32 v9, v52  }
.Ltmp2:
0x2a8: {  	_ = 	snop;
	(pc) =	sbr.rel @p0 .LBB2_6-.Ltmp2, $3  }
0x2a9: {  	_ =	sdelay $0x1  }
0x2aa: {  	s12 =	smov.u32 s13;
	[tilespmem:v12+s10+$0x0] =	vst.idx.msk $0xffff, v11  }
0x2ab: {  	s13 =	sadd.s32 $0x1, s13;
	s14 =	sshrl.u32 s12, $0x3;
	v12 =	vadd.s32 v39, v58;
	v11 =	vld.idx.msk [tilespmem:v13+s2+$0x0], $0xffff  }
0x2ac: {  	v13 =	vmov s14  }
0x2ad: {  	v14 =	vadd.s32 v15, v52;
	s13 =	sand.u32 $0x7, s12;
	v13 =	vmul.u32 $0x2400, v13  }
0x2ae: {  	s13 =	sshll.u32 s13, $0x7  }
0x2af: {  	v13 =	vor.u32 s13, v13  }
0x2b0: {  	v52 =	vbroadcast v13, $0x0  }
0x2b1: {  	[tilespmem:v12+s10+$0x0] =	vst.idx.msk $0xffff, v11  }
0x2b2: {  	v13 =	vadd.s32 v22, v58;
	v11 =	vld.idx.msk [tilespmem:v14+s2+$0x0], $0xffff;
	v12 =	vadd.s32 $0x1000, v52  }
0x2b3: {  	v14 =	vor.u32 v19, v12;
	_ =	sdelay $0x2  }
0x2b4: {  	v58 =	vmov s12  }
0x2b5: {  	v58 =	vand.u32 $0x3F, v58;
	[tilespmem:v13+s10+$0x0] =	vst.idx.msk $0xffff, v11  }
0x2b6: {  	v13 =	vadd.s32 v1, v58;
	v11 =	vld.idx.msk [tilespmem:v14+s2+$0x0], $0xffff  }
0x2b7: {  	v14 =	vor.u32 v23, v12;
	_ =	sdelay $0x3  }
0x2b8: {  	[tilespmem:v13+s10+$0x0] =	vst.idx.msk $0xffff, v11  }
0x2b9: {  	v13 =	vadd.s32 v17, v58;
	v11 =	vld.idx.msk [tilespmem:v14+s2+$0x0], $0xffff  }
0x2ba: {  	v14 =	vor.u32 v25, v12;
	_ =	sdelay $0x3  }
0x2bb: {  	[tilespmem:v13+s10+$0x0] =	vst.idx.msk $0xffff, v11  }
0x2bc: {  	v13 =	vadd.s32 v31, v58;
	v11 =	vld.idx.msk [tilespmem:v14+s2+$0x0], $0xffff  }
0x2bd: {  	v12 =	vor.u32 v27, v12;
	_ =	sdelay $0x3  }
0x2be: {  	[tilespmem:v13+s10+$0x0] =	vst.idx.msk $0xffff, v11  }
0x2bf: {  	v14 =	vlaneseq.u32;
	v13 =	vadd.s32 $0x1400, v52;
	v11 =	vld.idx.msk [tilespmem:v12+s2+$0x0], $0xffff;
	v12 =	vadd.s32 v53, v58  }
0x2c0: {  	v14 =	vor.u32 v14, v13;
	_ =	sdelay $0x3  }
0x2c1: {  	[tilespmem:v12+s10+$0x0] =	vst.idx.msk $0xffff, v11  }
0x2c2: {  	v12 =	vadd.s32 v21, v58;
	v11 =	vld.idx.msk [tilespmem:v14+s2+$0x0], $0xffff  }
0x2c3: {  	v14 =	vor.u32 v10, v13;
	v10 =	vld [tilespmem:$0x1FDF0];
	_ =	sdelay $0x3  }
0x2c4: {  	[tilespmem:v12+s10+$0x0] =	vst.idx.msk $0xffff, v11  }
0x2c5: {  	v12 =	vadd.s32 v10, v58;
	v11 =	vld.idx.msk [tilespmem:v14+s2+$0x0], $0xffff  }
0x2c6: {  	v10 =	vld [tilespmem:$0x1FE10];
	v14 =	vor.u32 v55, v13;
	_ =	sdelay $0x3  }
0x2c7: {  	[tilespmem:v12+s10+$0x0] =	vst.idx.msk $0xffff, v11  }
0x2c8: {  	v12 =	vadd.s32 v10, v58;
	v11 =	vld.idx.msk [tilespmem:v14+s2+$0x0], $0xffff  }
0x2c9: {  	v13 =	vor.u32 v51, v13  }
0x2ca: {  	v10 =	vld [tilespmem:$0x1FC20];
	_ =	sdelay $0x2  }
0x2cb: {  	[tilespmem:v12+s10+$0x0] =	vst.idx.msk $0xffff, v11  }
0x2cc: {  	v12 =	vadd.s32 v28, v58;
	v11 =	vld.idx.msk [tilespmem:v13+s2+$0x0], $0xffff  }
0x2cd: {  	v13 =	vadd.s32 v10, v52  }
0x2ce: {  	v10 =	vld [tilespmem:$0x1FC30];
	_ =	sdelay $0x2  }
0x2cf: {  	[tilespmem:v12+s10+$0x0] =	vst.idx.msk $0xffff, v11  }
0x2d0: {  	v12 =	vadd.s32 v30, v58;
	v11 =	vld.idx.msk [tilespmem:v13+s2+$0x0], $0xffff  }
0x2d1: {  	v13 =	vadd.s32 v10, v52;
	_ =	sdelay $0x3  }
0x2d2: {  	v10 =	vld [tilespmem:$0x1FC40];
	[tilespmem:v12+s10+$0x0] =	vst.idx.msk $0xffff, v11  }
0x2d3: {  	v12 =	vadd.s32 v32, v58;
	v11 =	vld.idx.msk [tilespmem:v13+s2+$0x0], $0xffff;
	_ =	sdelay $0x3  }
0x2d4: {  	v10 =	vadd.s32 v10, v52  }
0x2d5: {  	[tilespmem:v12+s10+$0x0] =	vst.idx.msk $0xffff, v11;
	v12 =	vld [tilespmem:$0x1FC50];
	_ =	sdelay $0x3  }
0x2d6: {  	v11 =	vadd.s32 v34, v58;
	v10 =	vld.idx.msk [tilespmem:v10+s2+$0x0], $0xffff  }
0x2d7: {  	v12 =	vadd.s32 v12, v52;
	_ =	sdelay $0x3  }
0x2d8: {  	[tilespmem:v11+s10+$0x0] =	vst.idx.msk $0xffff, v10  }
0x2d9: {  	v10 =	vld.idx.msk [tilespmem:v12+s2+$0x0], $0xffff  }
0x2da: {  	v12 =	vld [tilespmem:$0x1FC60];
	_ =	sdelay $0x3  }
0x2db: {  	v11 =	vadd.s32 v36, v58  }
0x2dc: {  	v12 =	vadd.s32 v12, v52;
	_ =	sdelay $0x3  }
0x2dd: {  	[tilespmem:v11+s10+$0x0] =	vst.idx.msk $0xffff, v10  }
0x2de: {  	v10 =	vld.idx.msk [tilespmem:v12+s2+$0x0], $0xffff  }
0x2df: {  	v12 =	vld [tilespmem:$0x1FC70];
	_ =	sdelay $0x3  }
0x2e0: {  	v11 =	vadd.s32 v38, v58  }
0x2e1: {  	v12 =	vadd.s32 v12, v52;
	_ =	sdelay $0x3  }
0x2e2: {  	[tilespmem:v11+s10+$0x0] =	vst.idx.msk $0xffff, v10  }
0x2e3: {  	v10 =	vld.idx.msk [tilespmem:v12+s2+$0x0], $0xffff  }
0x2e4: {  	v12 =	vld [tilespmem:$0x1FC80];
	_ =	sdelay $0x3  }
0x2e5: {  	v11 =	vadd.s32 v40, v58  }
0x2e6: {  	v12 =	vadd.s32 v12, v52;
	_ =	sdelay $0x3  }
0x2e7: {  	[tilespmem:v11+s10+$0x0] =	vst.idx.msk $0xffff, v10  }
0x2e8: {  	v10 =	vld.idx.msk [tilespmem:v12+s2+$0x0], $0xffff  }
0x2e9: {  	v12 =	vld [tilespmem:$0x1FC90];
	_ =	sdelay $0x3  }
0x2ea: {  	v11 =	vadd.s32 v42, v58  }
0x2eb: {  	v12 =	vadd.s32 v12, v52;
	_ =	sdelay $0x3  }
0x2ec: {  	[tilespmem:v11+s10+$0x0] =	vst.idx.msk $0xffff, v10  }
0x2ed: {  	v10 =	vld.idx.msk [tilespmem:v12+s2+$0x0], $0xffff  }
0x2ee: {  	v12 =	vld [tilespmem:$0x1FCA0];
	_ =	sdelay $0x3  }
0x2ef: {  	v11 =	vadd.s32 v44, v58  }
0x2f0: {  	v12 =	vadd.s32 v12, v52;
	_ =	sdelay $0x3  }
0x2f1: {  	[tilespmem:v11+s10+$0x0] =	vst.idx.msk $0xffff, v10  }
0x2f2: {  	v13 =	vld.idx.msk [tilespmem:v12+s2+$0x0], $0xffff  }
0x2f3: {  	v12 =	vld [tilespmem:$0x1FCB0];
	_ =	sdelay $0x3  }
0x2f4: {  	v11 =	vadd.s32 v46, v58  }
0x2f5: {  	v12 =	vadd.s32 v12, v52;
	_ =	sdelay $0x3  }
0x2f6: {  	[tilespmem:v11+s10+$0x0] =	vst.idx.msk $0xffff, v13  }
0x2f7: {  	v13 =	vld.idx.msk [tilespmem:v12+s2+$0x0], $0xffff  }
0x2f8: {  	v12 =	vld [tilespmem:$0x1FCC0];
	_ =	sdelay $0x3  }
0x2f9: {  	v11 =	vadd.s32 v48, v58  }
0x2fa: {  	v12 =	vadd.s32 v12, v52;
	_ =	sdelay $0x3  }
0x2fb: {  	[tilespmem:v11+s10+$0x0] =	vst.idx.msk $0xffff, v13  }
0x2fc: {  	v11 =	vadd.s32 v50, v58;
	v13 =	vld.idx.msk [tilespmem:v12+s2+$0x0], $0xffff  }
0x2fd: {  	v12 =	vadd.s32 v24, v52;
	_ =	sdelay $0x3  }
0x2fe: {  	[tilespmem:v11+s10+$0x0] =	vst.idx.msk $0xffff, v13  }
0x2ff: {  	v11 =	vadd.s32 v54, v58;
	v13 =	vld.idx.msk [tilespmem:v12+s2+$0x0], $0xffff  }
0x300: {  	v12 =	vadd.s32 v0, v52;
	_ =	sdelay $0x3  }
0x301: {  	[tilespmem:v11+s10+$0x0] =	vst.idx.msk $0xffff, v13  }
0x302: {  	v11 =	vadd.s32 v56, v58;
	v13 =	vld.idx.msk [tilespmem:v12+s2+$0x0], $0xffff  }
0x303: {  	v12 =	vadd.s32 v26, v52;
	_ =	sdelay $0x3  }
0x304: {  	[tilespmem:v11+s10+$0x0] =	vst.idx.msk $0xffff, v13  }
0x305: {  	v11 =	vadd.s32 v60, v58;
	v0 =	vld.idx.msk [tilespmem:v12+s2+$0x0], $0xffff  }
0x306: {  	v12 =	vadd.s32 v16, v52;
	_ =	sdelay $0x3  }
0x307: {  	[tilespmem:v11+s10+$0x0] =	vst.idx.msk $0xffff, v0  }
0x308: {  	v11 =	vadd.s32 v62, v58;
	v0 =	vld.idx.msk [tilespmem:v12+s2+$0x0], $0xffff  }
0x309: {  	v12 =	vadd.s32 v63, v52;
	_ =	sdelay $0x3  }
0x30a: {  	[tilespmem:v11+s10+$0x0] =	vst.idx.msk $0xffff, v0  }
0x30b: {  	v11 =	vadd.s32 v37, v58;
	v0 =	vld.idx.msk [tilespmem:v12+s2+$0x0], $0xffff  }
0x30c: {  	v12 =	vadd.s32 v18, v52;
	_ =	sdelay $0x3  }
0x30d: {  	[tilespmem:v11+s10+$0x0] =	vst.idx.msk $0xffff, v0  }
0x30e: {  	v11 =	vadd.s32 v41, v58;
	v0 =	vld.idx.msk [tilespmem:v12+s2+$0x0], $0xffff  }
0x30f: {  	v12 =	vadd.s32 v20, v52;
	_ =	sdelay $0x3  }
0x310: {  	[tilespmem:v11+s10+$0x0] =	vst.idx.msk $0xffff, v0  }
0x311: {  	v11 =	vadd.s32 v43, v58;
	v0 =	vld.idx.msk [tilespmem:v12+s2+$0x0], $0xffff  }
0x312: {  	v12 =	vadd.s32 v33, v52;
	_ =	sdelay $0x3  }
0x313: {  	[tilespmem:v11+s10+$0x0] =	vst.idx.msk $0xffff, v0  }
0x314: {  	v11 =	vadd.s32 v45, v58;
	v0 =	vld.idx.msk [tilespmem:v12+s2+$0x0], $0xffff  }
0x315: {  	v2 =	vadd.s32 v2, v52;
	_ =	sdelay $0x3  }
0x316: {  	[tilespmem:v11+s10+$0x0] =	vst.idx.msk $0xffff, v0  }
0x317: {  	v0 =	vld.idx.msk [tilespmem:v2+s2+$0x0], $0xffff;
	v2 =	vadd.s32 v47, v58  }
0x318: {  	v3 =	vadd.s32 v3, v52;
	_ =	sdelay $0x3  }
0x319: {  	[tilespmem:v2+s10+$0x0] =	vst.idx.msk $0xffff, v0  }
0x31a: {  	v2 =	vadd.s32 v49, v58;
	v0 =	vld.idx.msk [tilespmem:v3+s2+$0x0], $0xffff  }
0x31b: {  	v3 =	vadd.s32 v4, v52;
	_ =	sdelay $0x3  }
0x31c: {  	[tilespmem:v2+s10+$0x0] =	vst.idx.msk $0xffff, v0  }
0x31d: {  	v2 =	vadd.s32 v57, v58;
	v0 =	vld.idx.msk [tilespmem:v3+s2+$0x0], $0xffff  }
0x31e: {  	v3 =	vadd.s32 v5, v52;
	_ =	sdelay $0x3  }
0x31f: {  	[tilespmem:v2+s10+$0x0] =	vst.idx.msk $0xffff, v0  }
0x320: {  	v2 =	vadd.s32 v59, v58;
	v0 =	vld.idx.msk [tilespmem:v3+s2+$0x0], $0xffff  }
0x321: {  	v3 =	vadd.s32 v6, v52;
	_ =	sdelay $0x3  }
0x322: {  	[tilespmem:v2+s10+$0x0] =	vst.idx.msk $0xffff, v0  }
0x323: {  	v2 =	vadd.s32 v29, v58;
	v0 =	vld.idx.msk [tilespmem:v3+s2+$0x0], $0xffff  }
0x324: {  	v3 =	vadd.s32 v7, v52;
	_ =	sdelay $0x3  }
0x325: {  	[tilespmem:v2+s10+$0x0] =	vst.idx.msk $0xffff, v0  }
0x326: {  	v2 =	vadd.s32 v35, v58;
	v0 =	vld.idx.msk [tilespmem:v3+s2+$0x0], $0xffff  }
0x327: {  	v3 =	vadd.s32 v8, v52;
	_ =	sdelay $0x3  }
0x328: {  	[tilespmem:v2+s10+$0x0] =	vst.idx.msk $0xffff, v0  }
0x329: {  	v2 =	vadd.s32 v61, v58;
	v0 =	vld.idx.msk [tilespmem:v3+s2+$0x0], $0xffff  }
0x32a: {  	v3 =	vadd.s32 v9, v52;
	_ =	sdelay $0x3  }
0x32b: {  	[tilespmem:v2+s10+$0x0] =	vst.idx.msk $0xffff, v0  }
0x32c: {  	v2 =	vadd.s32 v39, v58;
	v0 =	vld.idx.msk [tilespmem:v3+s2+$0x0], $0xffff  }
0x32d: {  	v3 =	vadd.s32 v15, v52;
	_ =	sdelay $0x3  }
0x32e: {  	[tilespmem:v2+s10+$0x0] =	vst.idx.msk $0xffff, v0  }
0x32f: {  	v0 =	vadd.s32 v22, v58;
	v2 =	vld.idx.msk [tilespmem:v3+s2+$0x0], $0xffff;
	_ =	sdelay $0x2  }
0x330: {  	v17 =	vmovc v57;
	v27 =	vmov v60;
	v21 =	vmov v54;
	v14 =	vmov v48  }
0x331: {  	s15 =	sadd.s32 $0x0, s5;
	v28 =	vmovc v50;
	v10 =	vmovc v46;
	v48 =	vmov v56;
	v54 =	vmov v62;
	v56 =	vmov v31  }
0x332: {  	s14 =	simm.s32 $0x12048;
	s13 =	simm.s32 $0x8;
	s12 =	simm.s32 $0x12000;
	v13 =	vmovc v29;
	v11 =	vmovc v59;
	v4 =	vmov v55;
	v7 =	vmov v51;
	v9 =	vmov v53;
	[tilespmem:v0+s10+$0x0] =	vst.idx.msk $0xffff, v2  }
.LBB2_8:
0x333: {  	[hbm4b:s15+s2] =	stream.linear.scatter [tilespmem:s12], [sflag:$0x1], $0x40, $0x38;
	[tilespmem:$0x1C200] =	vst v63  }
0x334: {  	s15 =	smov.u32 s13;
	s12 =	smov.u32 s14;
	p0 =	sne.s32 s13, $0x11F8  }
.Ltmp3:
0x335: {  	s13 =	sadd.s32 $0x8, s13;
	(pc) =	sbr.rel @p0 .LBB2_8-.Ltmp3, $2  }
0x336: {  	_ =	sdelay $0x2  }
0x337: {  	s14 =	sadd.s32 $0x48, s14;
	s15 =	sadd.s32 s15, s5  }
0x338: {  	[hbm4b:s15+s2] =	stream.linear.scatter [tilespmem:s12], [sflag:$0x1], $0x40, $0x38;
	[tilespmem:$0x1C200] =	vst v63  }
0x339: {  	_ =	swait.ge [sflag:s9], $0x9000  }
0x33a: {  	v44 =	vld [tilespmem:$0x1FDA0]  }
0x33b: {  	v46 =	vld [tilespmem:$0x1FDB0]  }
0x33c: {  	v40 =	vld [tilespmem:$0x1FDC0]  }
0x33d: {  	v38 =	vld [tilespmem:$0x1FDD0]  }
0x33e: {  	v42 =	vld [tilespmem:$0x1FDE0]  }
0x33f: {  	v53 =	vld [tilespmem:$0x1FDF0]  }
0x340: {  	v36 =	vld [tilespmem:$0x1FE00]  }
0x341: {  	v16 =	vld [tilespmem:$0x1FE10]  }
0x342: {  	v34 =	vld [tilespmem:$0x1FE20]  }
0x343: {  	v61 =	vld [tilespmem:$0x1FE30]  }
0x344: {  	v29 =	vld [tilespmem:$0x1FE40]  }
0x345: {  	v55 =	vld [tilespmem:$0x1FE70]  }
0x346: {  	v31 =	vld [tilespmem:$0x1FE50]  }
0x347: {  	v49 =	vld [tilespmem:$0x1FF00]  }
0x348: {  	v33 =	vld [tilespmem:$0x1FE60]  }
0x349: {  	v63 =	vld [tilespmem:$0x1FF10]  }
0x34a: {  	v35 =	vld [tilespmem:$0x1FE80]  }
0x34b: {  	v51 =	vld [tilespmem:$0x1FF20]  }
0x34c: {  	v37 =	vld [tilespmem:$0x1FE90]  }
0x34d: {  	v20 =	vld [tilespmem:$0x1FF30]  }
0x34e: {  	v39 =	vld [tilespmem:$0x1FEA0]  }
0x34f: {  	v58 =	vld [tilespmem:$0x1FF40]  }
0x350: {  	v41 =	vld [tilespmem:$0x1FEB0]  }
0x351: {  	v52 =	vld [tilespmem:$0x1FF50]  }
0x352: {  	v43 =	vld [tilespmem:$0x1FEC0]  }
0x353: {  	v59 =	vld [tilespmem:$0x1FF60]  }
0x354: {  	v45 =	vld [tilespmem:$0x1FED0]  }
0x355: {  	v47 =	vld [tilespmem:$0x1FEE0]  }
0x356: {  	s11 =	sadd.s32 $0x1, s11;
	v18 =	vld [tilespmem:$0x1FEF0]  }
0x357: {  	v26 =	vmov v14;
	p0 =	sne.s32 s11, s6;
	v14 =	vld [tilespmem:$0x1FF70]  }
.Ltmp4:
0x358: {  	v15 =	vld [tilespmem:$0x1FF80];
	(pc) =	sbr.rel @p0 .LBB2_1-.Ltmp4, $4  }
0x359: {  	v24 =	vmov v10;
	v10 =	vld [tilespmem:$0x1FF90]  }
0x35a: {  	v19 =	vld [tilespmem:$0x1FFA0]  }
0x35b: {  	v25 =	vmov v21;
	[sflag:s9] =	ssyncset.done $0x0;
	v21 =	vld [tilespmem:$0x1FFB0]  }
0x35c: {  	v22 =	vlaneseq.u32;
	v57 =	vmov v27;
	v12 =	vmov v54;
	v23 =	vld [tilespmem:$0x1FFC0];
	[sflag:s9] =	ssyncadd.s32 $0xFFFF7000  }
0x35d: {  	_ =	sfence.sel $0x180000  }
0x35e: {  	[bflag:$0x0] =	sbarrier.arrive $0xFFFF  }
0x35f: {  	p0 =	sne.s32 s0, $0x0;
	_ =	strace $0x90000047  }
0x360: {  	s0 =	sadd.s32 @!p0 $0x100000, s1;
	[bflag:$0x2] =	sbarrier.arrive $0xFFFF  }
0x361: {  	[sflag:s0] =	ssyncadd.tile.s32 @!p0 $0x1;
	_ =	shalt  }
.Lfunc_end2:
_tile_overlayer_lowered:
.L_overlay_start_2:
0x362: {  	(tag) =	ssettag $0x2  }
0x363: {  	s0 =	rddreg [dreg:$0x0];
	s2 =	stileid.u32  }
0x364: {  	s1 =	rddreg [dreg:$0x1];
	p0 =	sne.s32 s2, $0x0  }
0x365: {  	s3 =	rddreg [dreg:$0x2];
	[bflag:$0x3] =	sbarrier.arrive $0xFFFF;
	s2 =	simm.s32 @!p0 $0x1C01  }
0x366: {  	[timem:s3], [sflag:s2] =	dma.local @!p0 [hbm:s0], s1  }
0x367: {  	s0 =	simm.s32 @!p0 $0x1  }
0x368: {  	_ =	swait.ge @!p0 [sflag:s0], s1  }
0x369: {  	s1 =	ssub.s32 @!p0 $0x0, s1;
	[sflag:s0] =	ssyncset.done @!p0 $0x0  }
0x36a: {  	[sflag:s0] =	ssyncadd.s32 @!p0 s1  }
0x36b: {  	[bflag:$0x3] =	sbarrier.arrive $0xFFFF  }
0x36c: {  	_ =	shalt  }

// kernel: kernel.9.cloned.1.call-start
scs
__scs_entry_jumppad:
0x0: {  	(pc) =	sbr.rel $0x88, $3  }
0x1: {  	(tag) =	ssettag $0x0;
	lr =	simm.s32 $0x1  }
0x2: {  	[smem:$0x3F9D] =	sst lr;
	_ =	strace $0xD0000000  }
0x3: {  	_ = 	snop  }
0x4: {  	_ = 	snop  }
0x5: {  	_ = 	snop  }
0x6: {  	_ = 	snop  }
0x7: {  	_ = 	snop  }
__scs_overlays_trampoline_lowered:
0x8: {  	[smem:$0x3FAC] =	sst s0  }
0x9: {  	[smem:$0x3FAD] =	sst s1  }
0xa: {  	[smem:$0x3FAE] =	sst s2  }
0xb: {  	[smem:$0x3FAF] =	sst s3  }
0xc: {  	[smem:$0x3FB0] =	sst s4  }
0xd: {  	[smem:$0x3FB1] =	sst s5  }
0xe: {  	[smem:$0x3FB2] =	sst s6  }
0xf: {  	[smem:$0x3FB3] =	sst s7  }
0x10: {  	[smem:$0x3FB4] =	sst s8  }
0x11: {  	[smem:$0x3FB5] =	sst s9;
	s0 =	simm.s32 @!p0 $0x0  }
0x12: {  	s1 =	sld [smem:$0x3F9B];
	s0 =	simm.s32 @p0 $0x1  }
0x13: {  	[smem:$0x3FB6] =	sst s0;
	s0 =	simm.s32 @!p1 $0x0  }
0x14: {  	s2 =	sld [smem:$0x3F9A];
	s0 =	simm.s32 @p1 $0x1  }
0x15: {  	[smem:$0x3FB7] =	sst s0;
	s0 =	simm.s32 @!p2 $0x0  }
0x16: {  	s3 =	sld [smem:$0x3FDB];
	s0 =	simm.s32 @p2 $0x1  }
0x17: {  	s4 =	simm.s32 $0x1BF5;
	[smem:$0x3FB9] =	sst s0  }
0x18: {  	s0 =	sld [smem:$0x3F9C];
	_ =	swait.ge [sflag:s4], $0x0  }
0x19: {  	s7 =	sld [smem:$0x3F9D]  }
0x1a: {  	s8 =	sadd.s32 $0xFFFFE003, lr  }
0x1b: {  	s9 =	sadd.s32 $0xFFFFFEF7, lr;
	s5 =	simm.s32 $0xFFFFFFFF;
	p2 =	slt.u32 s8, $0xFFFFF086  }
0x1c: {  	p1 =	slt.u32 s9, $0xF7A;
	s5 =	simm.s32 @!p2 $0x0  }
0x1d: {  	s5 =	simm.s32 @p1 $0x1;
	p0 =	seq.s32 s7, s2  }
0x1e: {  	s7 =	smul.u32 @!p0 $0xF7A, s2;
	p2 =	seq.s32 @!p0 s5, $0x0  }
0x1f: {  	s9 =	smul.u32 $0xF7A, s1;
	s8 =	simm.s32 @!p0 $0x1BF5;
	p2 =	por !p2, p0  }
0x20: {  	[sflag:s8] =	ssyncset.s32 @!p0 $0xFFFFF086;
	s6 =	sadd.s32 @!p0 s3, s7;
	s7 =	simm.s32 @!p0 $0x108  }
0x21: {  	s3 =	sadd.s32 s3, s9;
	s6 =	sadd.s32 @!p0 $0x88, s6;
	s7 =	simm.s32 @p2 $0x1082  }
0x22: {  	[simem:s7], [sflag:s8] =	dma.local @!p0 [hbm:s6], $0xF7A  }
0x23: {  	s9 =	sor.u32 $0xD0000000, s2;
	s6 =	simm.s32 $0x108;
	_ =	swait.ge @!p0 [sflag:s8], $0x0  }
0x24: {  	s3 =	sadd.s32 $0x88, s3;
	s6 =	simm.s32 @!p1 $0x1082;
	[sflag:s4] =	ssyncset.s32 $0xFFFFF086  }
0x25: {  	[simem:s6], [sflag:s4] =	dma.local [hbm:s3], $0xF7A  }
0x26: {  	[smem:$0x3F9D] =	sst s1;
	(tag) =	ssettag s2;
	_ =	strace s9  }
0x27: {  	s1 =	sld [smem:$0x3FAD]  }
0x28: {  	s2 =	sld [smem:$0x3FAE]  }
0x29: {  	s4 =	sld [smem:$0x3FB0]  }
0x2a: {  	p0 =	seq.s32 s5, $0x0;
	s5 =	sld [smem:$0x3FB1]  }
0x2b: {  	s6 =	sld [smem:$0x3FB2]  }
0x2c: {  	s7 =	sld [smem:$0x3FB3]  }
0x2d: {  	s3 =	simm.s32 $0x108;
	s8 =	sld [smem:$0x3FB4]  }
0x2e: {  	s3 =	simm.s32 @!p0 $0x1082;
	s9 =	sld [smem:$0x3FB5]  }
0x2f: {  	lr =	sadd.s32 s0, s3;
	s0 =	sld [smem:$0x3FAC]  }
0x30: {  	s3 =	sld [smem:$0x3FAF]  }
0x31: {  	[smem:$0x3FB8] =	sst s10  }
0x32: {  	s10 =	sld [smem:$0x3FB6];
	_ =	sdelay $0x3  }
0x33: {  	p0 =	seq.s32 s10, $0x1;
	s10 =	sld [smem:$0x3FB8];
	_ =	sdelay $0x3  }
0x34: {  	[smem:$0x3FB8] =	sst s10  }
0x35: {  	s10 =	sld [smem:$0x3FB7];
	_ =	sdelay $0x3  }
0x36: {  	p1 =	seq.s32 s10, $0x1;
	s10 =	sld [smem:$0x3FB8];
	_ =	sdelay $0x3  }
0x37: {  	[smem:$0x3FB8] =	sst s10  }
0x38: {  	s10 =	sld [smem:$0x3FB9]  }
0x39: {  	_ = 	snop;
	(pc) =	sbr.ind lr, $3  }
0x3a: {  	_ = 	snop  }
0x3b: {  	_ = 	snop  }
0x3c: {  	p2 =	seq.s32 s10, $0x1;
	s10 =	sld [smem:$0x3FB8]  }
0x3d: {  	_ =	shalt  }
0x3e: {  	_ =	shalt  }
0x3f: {  	_ =	shalt  }
0x40: {  	_ =	shalt  }
0x41: {  	_ =	shalt  }
0x42: {  	_ =	shalt  }
0x43: {  	_ =	shalt  }
0x44: {  	_ =	shalt  }
0x45: {  	_ =	shalt  }
0x46: {  	_ =	shalt  }
0x47: {  	_ =	shalt  }
0x48: {  	_ =	shalt  }
0x49: {  	_ =	shalt  }
0x4a: {  	_ =	shalt  }
0x4b: {  	_ =	shalt  }
0x4c: {  	_ =	shalt  }
0x4d: {  	_ =	shalt  }
0x4e: {  	_ =	shalt  }
0x4f: {  	_ =	shalt  }
0x50: {  	_ =	shalt  }
0x51: {  	_ =	shalt  }
0x52: {  	_ =	shalt  }
0x53: {  	_ =	shalt  }
0x54: {  	_ =	shalt  }
0x55: {  	_ =	shalt  }
0x56: {  	_ =	shalt  }
0x57: {  	_ =	shalt  }
0x58: {  	_ =	shalt  }
0x59: {  	_ =	shalt  }
0x5a: {  	_ =	shalt  }
0x5b: {  	_ =	shalt  }
0x5c: {  	_ =	shalt  }
0x5d: {  	_ =	shalt  }
0x5e: {  	_ =	shalt  }
0x5f: {  	_ =	shalt  }
0x60: {  	_ =	shalt  }
0x61: {  	_ =	shalt  }
0x62: {  	_ =	shalt  }
0x63: {  	_ =	shalt  }
0x64: {  	_ =	shalt  }
0x65: {  	_ =	shalt  }
0x66: {  	_ =	shalt  }
0x67: {  	_ =	shalt  }
0x68: {  	_ =	shalt  }
0x69: {  	_ =	shalt  }
0x6a: {  	_ =	shalt  }
0x6b: {  	_ =	shalt  }
0x6c: {  	_ =	shalt  }
0x6d: {  	_ =	shalt  }
0x6e: {  	_ =	shalt  }
0x6f: {  	_ =	shalt  }
0x70: {  	_ =	shalt  }
0x71: {  	_ =	shalt  }
0x72: {  	_ =	shalt  }
0x73: {  	_ =	shalt  }
0x74: {  	_ =	shalt  }
0x75: {  	_ =	shalt  }
0x76: {  	_ =	shalt  }
0x77: {  	_ =	shalt  }
0x78: {  	_ =	shalt  }
0x79: {  	_ =	shalt  }
0x7a: {  	_ =	shalt  }
0x7b: {  	_ =	shalt  }
0x7c: {  	_ =	shalt  }
0x7d: {  	_ =	shalt  }
0x7e: {  	_ =	shalt  }
0x7f: {  	_ =	shalt  }
0x80: {  	_ =	shalt  }
0x81: {  	_ =	shalt  }
0x82: {  	_ =	shalt  }
0x83: {  	_ =	shalt  }
0x84: {  	_ =	shalt  }
0x85: {  	_ =	shalt  }
0x86: {  	_ =	shalt  }
0x87: {  	_ =	shalt  }
.Lfunc_end0:
.L_simem_size_0:
called_computation.1_lowered:
.L_overlay_start_0:
0x88: {  	s2 =	sld [smem:$0x3FD9]  }
0x89: {  	s3 =	sld [smem:$0x3FFE];
	_ =	sdelay $0x1  }
0x8a: {  	s1 =	srdreg.scid  }
0x8b: {  	s0 =	sand.u32 $0x1, s1  }
0x8c: {  	s14 =	sshll.u32 s0, $0xA;
	s2 =	sadd.s32 s3, s2  }
0x8d: {  	s2 =	sadd.s32 s2, s14  }
0x8e: {  	[smem:$0x3FC4] =	sst s2  }
0x8f: {  	_ = 	snop  }
0x90: {  	s2 =	sld [smem:$0x3FD0];
	_ =	sdelay $0x2  }
0x91: {  	s15 =	simm.s32 $0xA;
	s4 =	simm.s32 $0x10  }
0x92: {  	[smem:s4], [sflag:s15] =	dma.local [hbm:s2], $0x1  }
0x93: {  	_ =	swait.eq [sflag:s15], $0x1  }
0x94: {  	[sflag:s15] =	ssyncset.done $0x0  }
0x95: {  	s16 =	sld [smem:$0x11];
	[sflag:s15] =	ssyncadd.s32 $0xFFFFFFFF  }
0x96: {  	s17 =	sld [smem:$0x12];
	(tm) =	ssettm $0x1  }
0x97: {  	s18 =	sld [smem:$0x3FFB];
	_ =	sdelay $0x3  }
0x98: {  	_ =	strace s18  }
0x99: {  	s4 =	sld [smem:$0x3FFC];
	_ =	sdelay $0x3  }
0x9a: {  	_ =	strace s4  }
0x9b: {  	s4 =	sld [smem:$0x3FFD];
	_ =	sdelay $0x3  }
0x9c: {  	_ =	strace s4  }
0x9d: {  	_ =	strace $0x8FFFFFFF  }
0x9e: {  	s19 =	sld [smem:$0x3FDB];
	_ =	sdelay $0x1  }
0x9f: {  	s5 =	simm.s32 $_scs_section_size  }
0xa0: {  	s6 =	simm.s32 $_size__tile_overlayer_lowered;
	s7 =	simm.s32 $_tile_overlayer_lowered  }
0xa1: {  	s22 =	simm.s32 $0x1BFF;
	s21 =	sshll.u32 s7, $0x1;
	s4 =	sadd.s32 s5, s19  }
0xa2: {  	s8 =	simm.s32 $0x0;
	s20 =	sshll.u32 s6, $0x1;
	s6 =	sadd.s32 s21, s4  }
0xa3: {  	[timem:s8], [sflag:s22] =	dma.local [hbm:s6], s20  }
0xa4: {  	_ =	swait.ge [sflag:s22], s20  }
0xa5: {  	s5 =	ssub.s32 $0x0, s20;
	[sflag:s22] =	ssyncset.done $0x0  }
0xa6: {  	[sflag:s22] =	ssyncadd.s32 s5;
	_ =	sdelay $0x1  }
0xa7: {  	s23 =	simm.s32 $0x1B8B  }
0xa8: {  	_ =	swait.ge [sflag:s23], $0x1  }
0xa9: {  	[sflag:s23] =	ssyncset.done $0x0  }
0xaa: {  	s25 =	simm.s32 $0x1B8E;
	s24 =	sld [smem:$0x3FFE];
	[sflag:s23] =	ssyncadd.s32 $0xFFFFFFFF  }
0xab: {  	s26 =	simm.s32 $execute0_lowered;
	[smem:$0x3FD2] =	sst s25  }
0xac: {  	s6 =	sshll.u32 s26, $0x1;
	_ =	strace $0x80000049;
	[dreg:$0x1] =	wrdreg $0xFFFFFFFF  }
0xad: {  	s28 =	simm.s32 $_size_execute0_lowered;
	s4 =	sadd.s32 s4, s6;
	[dreg:$0x0] =	wrdreg $0x0  }
0xae: {  	s6 =	sshll.u32 s28, $0x1;
	[dreg:$0x2] =	wrdreg s4  }
0xaf: {  	[dreg:$0x3] =	wrdreg s6  }
0xb0: {  	[dreg:$0x4] =	wrdreg $0xC0  }
0xb1: {  	_ =	task [dreg:s8], $0x5FFFF  }
0xb2: {  	[dreg:$0x1] =	wrdreg $0xFFFFFFFF  }
0xb3: {  	[dreg:$0x0] =	wrdreg $0x60  }
0xb4: {  	[dreg:$0x2] =	wrdreg s24  }
0xb5: {  	[dreg:$0x3] =	wrdreg s16  }
0xb6: {  	[dreg:$0x4] =	wrdreg s17  }
0xb7: {  	[dreg:$0x5] =	wrdreg $0x14E800  }
0xb8: {  	[dreg:$0x6] =	wrdreg $0x15E800  }
0xb9: {  	[dreg:$0x7] =	wrdreg $0x9  }
0xba: {  	_ =	task.clear_ibuf [dreg:s8], $0x8FFFF;
	_ =	strace $0x90000049  }
0xbb: {  	s29 =	simm.s32 $0x9;
	_ =	strace $0x8000004B  }
0xbc: {  	_ =	swait.ge [sflag:s29], $0x1  }
0xbd: {  	[sflag:s29] =	ssyncadd.s32 $0xFFFFFFFF  }
0xbe: {  	_ =	strace $0x9000004B  }
0xbf: {  	_ =	sfence  }
0xc0: {  	s30 =	sld [smem:$0x0];
	_ =	sdelay $0x2  }
0xc1: {  	s31 =	sshll.u32 s1, $0xD;
	s1 =	sshrl.u32 s1, $0x2  }
0xc2: {  	s3 =	sand.u32 $0x4000, s31;
	s1 =	sadd.s32 s1, s30  }
0xc3: {  	s0 =	sor.u32 s3, s0;
	s1 =	sshll.u32 s1, $0x11  }
0xc4: {  	s0 =	sor.u32 s1, s0  }
0xc5: {  	s0 =	sadd.s32 $0x8F2B, s0  }
0xc6: {  	[sflag:s0] =	ssyncadd.remote.s32 $0x1  }
0xc7: {  	_ =	sfence.sel $0xFFFF  }
0xc8: {  	[dreg:$0x0] =	wrdreg $0xFFFFFFFF;
	(pc) =	sbr.abs _section_cstart, $3  }
0xc9: {  	[dreg:$0x1] =	wrdreg $0xFFFFFFFF  }
0xca: {  	_ =	task.clear_ibuf [dreg:s8], $0x2FFFF;
	_ =	strace $0x9FFFFFFF  }
0xcb: {  	(tm) =	ssettm $0x7FFFFFFF  }
tec
execute0_lowered:
.L_overlay_start_1:
0x0: {  	(tag) =	ssettag $0x1  }
0x1: {  	s0 =	rddreg [dreg:$0x0]  }
0x2: {  	s1 =	rddreg [dreg:$0x1]  }
0x3: {  	s10 =	rddreg [dreg:$0x2]  }
0x4: {  	s2 =	rddreg [dreg:$0x3]  }
0x5: {  	s3 =	rddreg [dreg:$0x4]  }
0x6: {  	s5 =	srdreg.scid;
	s13 =	stileid.u32;
	s4 =	simm.s32 $0x0  }
0x7: {  	s14 =	simm.s32 $0x80;
	s15 =	simm.s32 $0x12480;
	s17 =	simm.s32 $0x100  }
0x8: {  	s19 =	simm.s32 $0x180;
	s28 =	simm.s32 $0x380;
	s30 =	simm.s32 $0x400  }
0x9: {  	s29 =	simm.s32 $0x140B8;
	s31 =	simm.s32 $0x0;
	s6 =	sand.u32 $0x1, s5  }
0xa: {  	s20 =	sshll.u32 s13, $0x1;
	s8 =	sshll.u32 s13, $0x6;
	[smem:$0x7FF] =	sst s4  }
0xb: {  	s22 =	sshll.u32 s13, $0xC;
	s23 =	sshll.u32 s13, $0xA;
	s13 =	simm.s32 $0x480  }
0xc: {  	s5 =	sor.u32 s6, s20;
	s7 =	sshll.u32 s6, $0x10;
	_ =	strace $0x8000004A  }
0xd: {  	s11 =	ssub.s32 $0x2, s6;
	s24 =	sshll.u32 s6, $0xE;
	s6 =	sadd.s32 s23, s3  }
0xe: {  	s23 =	simm.s32 $0x280;
	s9 =	smul.u32 $0x2400, s5;
	s7 =	sor.u32 s8, s7  }
0xf: {  	s21 =	sshrl.u32 s11, $0x1;
	s12 =	smul.u32 $0x90, s5;
	s5 =	sadd.s32 s22, s2  }
0x10: {  	s25 =	sor.u32 s8, s24;
	s24 =	simm.s32 $0x14028;
	s7 =	sshrl.u32 s7, $0x3  }
0x11: {  	s11 =	ssub.s32 s11, s21;
	s26 =	sshrl.u32 s25, $0x3;
	s21 =	simm.s32 $0x200  }
0x12: {  	v0 =	vlaneseq.u32;
	s25 =	simm.s32 $0x300;
	s9 =	sadd.s32 s9, s0;
	s0 =	sadd.s32 s7, s0  }
0x13: {  	v2 =	vimm.f32 $0.0e+00;
	v3 =	vimm.f32 $1.000000000e+00;
	v1 =	vmul.u32 $0x48, v0;
	s7 =	sadd.s32 s1, s12;
	s10 =	sadd.s32 s10, s26;
	s11 =	smax.u32 s11, $0x1  }
0x14: {  	v4 =	vor.u32 $0x10, v0;
	v6 =	vor.u32 $0x20, v0;
	v8 =	vor.u32 $0x30, v0;
	s12 =	simm.s32 $0x1;
	s1 =	simm.s32 $0x13C80;
	s26 =	simm.s32 $0x14070  }
0x15: {  	v5 =	vadd.s32 $0x480, v1;
	v7 =	vadd.s32 $0x900, v1;
	v9 =	vadd.s32 $0xD80, v1;
	s8 =	sadd.s32 $0x1A00, s9;
	s9 =	sadd.s32 $0x49A00, s0;
	s0 =	simm.s32 $0x12C80  }
.LBB2_1:
0x16: {  	[tilespmem:$0x12C80] =	vst v2  }
0x17: {  	[tilespmem:$0x12C90] =	vst v2  }
0x18: {  	[tilespmem:$0x12CA0] =	vst v2  }
0x19: {  	[tilespmem:$0x12CB0] =	vst v2  }
0x1a: {  	[tilespmem:$0x12CC0] =	vst v2  }
0x1b: {  	[tilespmem:$0x12CD0] =	vst v2  }
0x1c: {  	[tilespmem:$0x12CE0] =	vst v2  }
0x1d: {  	[tilespmem:$0x12CF0] =	vst v2  }
0x1e: {  	[tilespmem:$0x12D00] =	vst v2  }
0x1f: {  	[tilespmem:$0x12D10] =	vst v2  }
0x20: {  	[tilespmem:$0x12D20] =	vst v2  }
0x21: {  	[tilespmem:$0x12D30] =	vst v2  }
0x22: {  	[tilespmem:$0x12D40] =	vst v2  }
0x23: {  	[tilespmem:$0x12D50] =	vst v2  }
0x24: {  	[tilespmem:$0x12D60] =	vst v2  }
0x25: {  	[tilespmem:$0x12D70] =	vst v2  }
0x26: {  	[tilespmem:$0x12D80] =	vst v2  }
0x27: {  	[tilespmem:$0x12D90] =	vst v2  }
0x28: {  	[tilespmem:$0x12DA0] =	vst v2  }
0x29: {  	[tilespmem:$0x12DB0] =	vst v2  }
0x2a: {  	[tilespmem:$0x12DC0] =	vst v2  }
0x2b: {  	[tilespmem:$0x12DD0] =	vst v2  }
0x2c: {  	[tilespmem:$0x12DE0] =	vst v2  }
0x2d: {  	[tilespmem:$0x12DF0] =	vst v2  }
0x2e: {  	[tilespmem:$0x12E00] =	vst v2  }
0x2f: {  	[tilespmem:$0x12E10] =	vst v2  }
0x30: {  	[tilespmem:$0x12E20] =	vst v2  }
0x31: {  	[tilespmem:$0x12E30] =	vst v2  }
0x32: {  	[tilespmem:$0x12E40] =	vst v2  }
0x33: {  	[tilespmem:$0x12E50] =	vst v2  }
0x34: {  	[tilespmem:$0x12E60] =	vst v2  }
0x35: {  	[tilespmem:$0x12E70] =	vst v2  }
0x36: {  	[tilespmem:$0x12E80] =	vst v2  }
0x37: {  	[tilespmem:$0x12E90] =	vst v2  }
0x38: {  	[tilespmem:$0x12EA0] =	vst v2  }
0x39: {  	[tilespmem:$0x12EB0] =	vst v2  }
0x3a: {  	[tilespmem:$0x12EC0] =	vst v2  }
0x3b: {  	[tilespmem:$0x12ED0] =	vst v2  }
0x3c: {  	[tilespmem:$0x12EE0] =	vst v2  }
0x3d: {  	[tilespmem:$0x12EF0] =	vst v2  }
0x3e: {  	[tilespmem:$0x12F00] =	vst v2  }
0x3f: {  	[tilespmem:$0x12F10] =	vst v2  }
0x40: {  	[tilespmem:$0x12F20] =	vst v2  }
0x41: {  	[tilespmem:$0x12F30] =	vst v2  }
0x42: {  	[tilespmem:$0x12F40] =	vst v2  }
0x43: {  	[tilespmem:$0x12F50] =	vst v2  }
0x44: {  	[tilespmem:$0x12F60] =	vst v2  }
0x45: {  	[tilespmem:$0x12F70] =	vst v2  }
0x46: {  	[tilespmem:$0x12F80] =	vst v2  }
0x47: {  	[tilespmem:$0x12F90] =	vst v2  }
0x48: {  	[tilespmem:$0x12FA0] =	vst v2  }
0x49: {  	[tilespmem:$0x12FB0] =	vst v2  }
0x4a: {  	[tilespmem:$0x12FC0] =	vst v2  }
0x4b: {  	[tilespmem:$0x12FD0] =	vst v2  }
0x4c: {  	[tilespmem:$0x12FE0] =	vst v2  }
0x4d: {  	[tilespmem:$0x12FF0] =	vst v2  }
0x4e: {  	[tilespmem:$0x13000] =	vst v2  }
0x4f: {  	[tilespmem:$0x13010] =	vst v2  }
0x50: {  	[tilespmem:$0x13020] =	vst v2  }
0x51: {  	[tilespmem:$0x13030] =	vst v2  }
0x52: {  	[tilespmem:$0x13040] =	vst v2  }
0x53: {  	[tilespmem:$0x13050] =	vst v2  }
0x54: {  	[tilespmem:$0x13060] =	vst v2  }
0x55: {  	[tilespmem:$0x13070] =	vst v2  }
0x56: {  	[tilespmem:$0x13080] =	vst v2  }
0x57: {  	[tilespmem:$0x13090] =	vst v2  }
0x58: {  	[tilespmem:$0x130A0] =	vst v2  }
0x59: {  	[tilespmem:$0x130B0] =	vst v2  }
0x5a: {  	[tilespmem:$0x130C0] =	vst v2  }
0x5b: {  	[tilespmem:$0x130D0] =	vst v2  }
0x5c: {  	[tilespmem:$0x130E0] =	vst v2  }
0x5d: {  	[tilespmem:$0x130F0] =	vst v2  }
0x5e: {  	[tilespmem:$0x13100] =	vst v2  }
0x5f: {  	[tilespmem:$0x13110] =	vst v2  }
0x60: {  	[tilespmem:$0x13120] =	vst v2  }
0x61: {  	[tilespmem:$0x13130] =	vst v2  }
0x62: {  	[tilespmem:$0x13140] =	vst v2  }
0x63: {  	[tilespmem:$0x13150] =	vst v2  }
0x64: {  	[tilespmem:$0x13160] =	vst v2  }
0x65: {  	[tilespmem:$0x13170] =	vst v2  }
0x66: {  	[tilespmem:$0x13180] =	vst v2  }
0x67: {  	[tilespmem:$0x13190] =	vst v2  }
0x68: {  	[tilespmem:$0x131A0] =	vst v2  }
0x69: {  	[tilespmem:$0x131B0] =	vst v2  }
0x6a: {  	[tilespmem:$0x131C0] =	vst v2  }
0x6b: {  	[tilespmem:$0x131D0] =	vst v2  }
0x6c: {  	[tilespmem:$0x131E0] =	vst v2  }
0x6d: {  	[tilespmem:$0x131F0] =	vst v2  }
0x6e: {  	[tilespmem:$0x13200] =	vst v2  }
0x6f: {  	[tilespmem:$0x13210] =	vst v2  }
0x70: {  	[tilespmem:$0x13220] =	vst v2  }
0x71: {  	[tilespmem:$0x13230] =	vst v2  }
0x72: {  	[tilespmem:$0x13240] =	vst v2  }
0x73: {  	[tilespmem:$0x13250] =	vst v2  }
0x74: {  	[tilespmem:$0x13260] =	vst v2  }
0x75: {  	[tilespmem:$0x13270] =	vst v2  }
0x76: {  	[tilespmem:$0x13280] =	vst v2  }
0x77: {  	[tilespmem:$0x13290] =	vst v2  }
0x78: {  	[tilespmem:$0x132A0] =	vst v2  }
0x79: {  	[tilespmem:$0x132B0] =	vst v2  }
0x7a: {  	[tilespmem:$0x132C0] =	vst v2  }
0x7b: {  	[tilespmem:$0x132D0] =	vst v2  }
0x7c: {  	[tilespmem:$0x132E0] =	vst v2  }
0x7d: {  	[tilespmem:$0x132F0] =	vst v2  }
0x7e: {  	[tilespmem:$0x13300] =	vst v2  }
0x7f: {  	[tilespmem:$0x13310] =	vst v2  }
0x80: {  	[tilespmem:$0x13320] =	vst v2  }
0x81: {  	[tilespmem:$0x13330] =	vst v2  }
0x82: {  	[tilespmem:$0x13340] =	vst v2  }
0x83: {  	[tilespmem:$0x13350] =	vst v2  }
0x84: {  	[tilespmem:$0x13360] =	vst v2  }
0x85: {  	[tilespmem:$0x13370] =	vst v2  }
0x86: {  	[tilespmem:$0x13380] =	vst v2  }
0x87: {  	[tilespmem:$0x13390] =	vst v2  }
0x88: {  	[tilespmem:$0x133A0] =	vst v2  }
0x89: {  	[tilespmem:$0x133B0] =	vst v2  }
0x8a: {  	[tilespmem:$0x133C0] =	vst v2  }
0x8b: {  	[tilespmem:$0x133D0] =	vst v2  }
0x8c: {  	[tilespmem:$0x133E0] =	vst v2  }
0x8d: {  	[tilespmem:$0x133F0] =	vst v2  }
0x8e: {  	[tilespmem:$0x13400] =	vst v2  }
0x8f: {  	[tilespmem:$0x13410] =	vst v2  }
0x90: {  	[tilespmem:$0x13420] =	vst v2  }
0x91: {  	[tilespmem:$0x13430] =	vst v2  }
0x92: {  	[tilespmem:$0x13440] =	vst v2  }
0x93: {  	[tilespmem:$0x13450] =	vst v2  }
0x94: {  	[tilespmem:$0x13460] =	vst v2  }
0x95: {  	[tilespmem:$0x13470] =	vst v2  }
0x96: {  	[tilespmem:$0x13480] =	vst v2  }
0x97: {  	[tilespmem:$0x13490] =	vst v2  }
0x98: {  	[tilespmem:$0x134A0] =	vst v2  }
0x99: {  	[tilespmem:$0x134B0] =	vst v2  }
0x9a: {  	[tilespmem:$0x134C0] =	vst v2  }
0x9b: {  	[tilespmem:$0x134D0] =	vst v2  }
0x9c: {  	[tilespmem:$0x134E0] =	vst v2  }
0x9d: {  	[tilespmem:$0x134F0] =	vst v2  }
0x9e: {  	[tilespmem:$0x13500] =	vst v2  }
0x9f: {  	[tilespmem:$0x13510] =	vst v2  }
0xa0: {  	[tilespmem:$0x13520] =	vst v2  }
0xa1: {  	[tilespmem:$0x13530] =	vst v2  }
0xa2: {  	[tilespmem:$0x13540] =	vst v2  }
0xa3: {  	[tilespmem:$0x13550] =	vst v2  }
0xa4: {  	[tilespmem:$0x13560] =	vst v2  }
0xa5: {  	[tilespmem:$0x13570] =	vst v2  }
0xa6: {  	[tilespmem:$0x13580] =	vst v2  }
0xa7: {  	[tilespmem:$0x13590] =	vst v2  }
0xa8: {  	[tilespmem:$0x135A0] =	vst v2  }
0xa9: {  	[tilespmem:$0x135B0] =	vst v2  }
0xaa: {  	[tilespmem:$0x135C0] =	vst v2  }
0xab: {  	[tilespmem:$0x135D0] =	vst v2  }
0xac: {  	[tilespmem:$0x135E0] =	vst v2  }
0xad: {  	[tilespmem:$0x135F0] =	vst v2  }
0xae: {  	[tilespmem:$0x13600] =	vst v2  }
0xaf: {  	[tilespmem:$0x13610] =	vst v2  }
0xb0: {  	[tilespmem:$0x13620] =	vst v2  }
0xb1: {  	[tilespmem:$0x13630] =	vst v2  }
0xb2: {  	[tilespmem:$0x13640] =	vst v2  }
0xb3: {  	[tilespmem:$0x13650] =	vst v2  }
0xb4: {  	[tilespmem:$0x13660] =	vst v2  }
0xb5: {  	[tilespmem:$0x13670] =	vst v2  }
0xb6: {  	[tilespmem:$0x13680] =	vst v2  }
0xb7: {  	[tilespmem:$0x13690] =	vst v2  }
0xb8: {  	[tilespmem:$0x136A0] =	vst v2  }
0xb9: {  	[tilespmem:$0x136B0] =	vst v2  }
0xba: {  	[tilespmem:$0x136C0] =	vst v2  }
0xbb: {  	[tilespmem:$0x136D0] =	vst v2  }
0xbc: {  	[tilespmem:$0x136E0] =	vst v2  }
0xbd: {  	[tilespmem:$0x136F0] =	vst v2  }
0xbe: {  	[tilespmem:$0x13700] =	vst v2  }
0xbf: {  	[tilespmem:$0x13710] =	vst v2  }
0xc0: {  	[tilespmem:$0x13720] =	vst v2  }
0xc1: {  	[tilespmem:$0x13730] =	vst v2  }
0xc2: {  	[tilespmem:$0x13740] =	vst v2  }
0xc3: {  	[tilespmem:$0x13750] =	vst v2  }
0xc4: {  	[tilespmem:$0x13760] =	vst v2  }
0xc5: {  	[tilespmem:$0x13770] =	vst v2  }
0xc6: {  	[tilespmem:$0x13780] =	vst v2  }
0xc7: {  	[tilespmem:$0x13790] =	vst v2  }
0xc8: {  	[tilespmem:$0x137A0] =	vst v2  }
0xc9: {  	[tilespmem:$0x137B0] =	vst v2  }
0xca: {  	[tilespmem:$0x137C0] =	vst v2  }
0xcb: {  	[tilespmem:$0x137D0] =	vst v2  }
0xcc: {  	[tilespmem:$0x137E0] =	vst v2  }
0xcd: {  	[tilespmem:$0x137F0] =	vst v2  }
0xce: {  	[tilespmem:$0x13800] =	vst v2  }
0xcf: {  	[tilespmem:$0x13810] =	vst v2  }
0xd0: {  	[tilespmem:$0x13820] =	vst v2  }
0xd1: {  	[tilespmem:$0x13830] =	vst v2  }
0xd2: {  	[tilespmem:$0x13840] =	vst v2  }
0xd3: {  	[tilespmem:$0x13850] =	vst v2  }
0xd4: {  	[tilespmem:$0x13860] =	vst v2  }
0xd5: {  	[tilespmem:$0x13870] =	vst v2  }
0xd6: {  	[tilespmem:$0x13880] =	vst v2  }
0xd7: {  	[tilespmem:$0x13890] =	vst v2  }
0xd8: {  	[tilespmem:$0x138A0] =	vst v2  }
0xd9: {  	[tilespmem:$0x138B0] =	vst v2  }
0xda: {  	[tilespmem:$0x138C0] =	vst v2  }
0xdb: {  	[tilespmem:$0x138D0] =	vst v2  }
0xdc: {  	[tilespmem:$0x138E0] =	vst v2  }
0xdd: {  	[tilespmem:$0x138F0] =	vst v2  }
0xde: {  	[tilespmem:$0x13900] =	vst v2  }
0xdf: {  	[tilespmem:$0x13910] =	vst v2  }
0xe0: {  	[tilespmem:$0x13920] =	vst v2  }
0xe1: {  	[tilespmem:$0x13930] =	vst v2  }
0xe2: {  	[tilespmem:$0x13940] =	vst v2  }
0xe3: {  	[tilespmem:$0x13950] =	vst v2  }
0xe4: {  	[tilespmem:$0x13960] =	vst v2  }
0xe5: {  	[tilespmem:$0x13970] =	vst v2  }
0xe6: {  	[tilespmem:$0x13980] =	vst v2  }
0xe7: {  	[tilespmem:$0x13990] =	vst v2  }
0xe8: {  	[tilespmem:$0x139A0] =	vst v2  }
0xe9: {  	[tilespmem:$0x139B0] =	vst v2  }
0xea: {  	[tilespmem:$0x139C0] =	vst v2  }
0xeb: {  	[tilespmem:$0x139D0] =	vst v2  }
0xec: {  	[tilespmem:$0x139E0] =	vst v2  }
0xed: {  	[tilespmem:$0x139F0] =	vst v2  }
0xee: {  	[tilespmem:$0x13A00] =	vst v2  }
0xef: {  	[tilespmem:$0x13A10] =	vst v2  }
0xf0: {  	[tilespmem:$0x13A20] =	vst v2  }
0xf1: {  	[tilespmem:$0x13A30] =	vst v2  }
0xf2: {  	[tilespmem:$0x13A40] =	vst v2  }
0xf3: {  	[tilespmem:$0x13A50] =	vst v2  }
0xf4: {  	[tilespmem:$0x13A60] =	vst v2  }
0xf5: {  	[tilespmem:$0x13A70] =	vst v2  }
0xf6: {  	[tilespmem:$0x13A80] =	vst v2  }
0xf7: {  	[tilespmem:$0x13A90] =	vst v2  }
0xf8: {  	[tilespmem:$0x13AA0] =	vst v2  }
0xf9: {  	[tilespmem:$0x13AB0] =	vst v2  }
0xfa: {  	[tilespmem:$0x13AC0] =	vst v2  }
0xfb: {  	[tilespmem:$0x13AD0] =	vst v2  }
0xfc: {  	[tilespmem:$0x13AE0] =	vst v2  }
0xfd: {  	[tilespmem:$0x13AF0] =	vst v2  }
0xfe: {  	[tilespmem:$0x13B00] =	vst v2  }
0xff: {  	[tilespmem:$0x13B10] =	vst v2  }
0x100: {  	[tilespmem:$0x13B20] =	vst v2  }
0x101: {  	[tilespmem:$0x13B30] =	vst v2  }
0x102: {  	[tilespmem:$0x13B40] =	vst v2  }
0x103: {  	[tilespmem:$0x13B50] =	vst v2  }
0x104: {  	[tilespmem:$0x13B60] =	vst v2  }
0x105: {  	[tilespmem:$0x13B70] =	vst v2  }
0x106: {  	[tilespmem:$0x13B80] =	vst v2  }
0x107: {  	[tilespmem:$0x13B90] =	vst v2  }
0x108: {  	[tilespmem:$0x13BA0] =	vst v2  }
0x109: {  	[tilespmem:$0x13BB0] =	vst v2  }
0x10a: {  	[tilespmem:$0x13BC0] =	vst v2  }
0x10b: {  	[tilespmem:$0x13BD0] =	vst v2  }
0x10c: {  	[tilespmem:$0x13BE0] =	vst v2  }
0x10d: {  	[tilespmem:$0x13BF0] =	vst v2  }
0x10e: {  	[tilespmem:$0x13C00] =	vst v2  }
0x10f: {  	[tilespmem:$0x13C10] =	vst v2  }
0x110: {  	[tilespmem:$0x13C20] =	vst v2  }
0x111: {  	[tilespmem:$0x13C30] =	vst v2  }
0x112: {  	[tilespmem:$0x13C40] =	vst v2  }
0x113: {  	[tilespmem:$0x13C50] =	vst v2  }
0x114: {  	[tilespmem:$0x13C60] =	vst v2  }
0x115: {  	[tilespmem:$0x13C70] =	vst v2  }
0x116: {  	[tilespmem:$0x12480] =	vst v3  }
0x117: {  	[tilespmem:$0x12490] =	vst v3  }
0x118: {  	[tilespmem:$0x124A0] =	vst v3  }
0x119: {  	[tilespmem:$0x124B0] =	vst v3  }
0x11a: {  	[tilespmem:$0x124C0] =	vst v3  }
0x11b: {  	[tilespmem:$0x124D0] =	vst v3  }
0x11c: {  	[tilespmem:$0x124E0] =	vst v3  }
0x11d: {  	[tilespmem:$0x124F0] =	vst v3  }
0x11e: {  	[tilespmem:$0x12500] =	vst v3  }
0x11f: {  	[tilespmem:$0x12510] =	vst v3  }
0x120: {  	[tilespmem:$0x12520] =	vst v3  }
0x121: {  	[tilespmem:$0x12530] =	vst v3  }
0x122: {  	[tilespmem:$0x12540] =	vst v3  }
0x123: {  	[tilespmem:$0x12550] =	vst v3  }
0x124: {  	[tilespmem:$0x12560] =	vst v3  }
0x125: {  	[tilespmem:$0x12570] =	vst v3  }
0x126: {  	[tilespmem:$0x12580] =	vst v3  }
0x127: {  	[tilespmem:$0x12590] =	vst v3  }
0x128: {  	[tilespmem:$0x125A0] =	vst v3  }
0x129: {  	[tilespmem:$0x125B0] =	vst v3  }
0x12a: {  	[tilespmem:$0x125C0] =	vst v3  }
0x12b: {  	[tilespmem:$0x125D0] =	vst v3  }
0x12c: {  	[tilespmem:$0x125E0] =	vst v3  }
0x12d: {  	[tilespmem:$0x125F0] =	vst v3  }
0x12e: {  	[tilespmem:$0x12600] =	vst v3  }
0x12f: {  	[tilespmem:$0x12610] =	vst v3  }
0x130: {  	[tilespmem:$0x12620] =	vst v3  }
0x131: {  	[tilespmem:$0x12630] =	vst v3  }
0x132: {  	[tilespmem:$0x12640] =	vst v3  }
0x133: {  	[tilespmem:$0x12650] =	vst v3  }
0x134: {  	[tilespmem:$0x12660] =	vst v3  }
0x135: {  	[tilespmem:$0x12670] =	vst v3  }
0x136: {  	[tilespmem:$0x12680] =	vst v3  }
0x137: {  	[tilespmem:$0x12690] =	vst v3  }
0x138: {  	[tilespmem:$0x126A0] =	vst v3  }
0x139: {  	[tilespmem:$0x126B0] =	vst v3  }
0x13a: {  	[tilespmem:$0x126C0] =	vst v3  }
0x13b: {  	[tilespmem:$0x126D0] =	vst v3  }
0x13c: {  	[tilespmem:$0x126E0] =	vst v3  }
0x13d: {  	[tilespmem:$0x126F0] =	vst v3  }
0x13e: {  	[tilespmem:$0x12700] =	vst v3  }
0x13f: {  	[tilespmem:$0x12710] =	vst v3  }
0x140: {  	[tilespmem:$0x12720] =	vst v3  }
0x141: {  	[tilespmem:$0x12730] =	vst v3  }
0x142: {  	[tilespmem:$0x12740] =	vst v3  }
0x143: {  	[tilespmem:$0x12750] =	vst v3  }
0x144: {  	[tilespmem:$0x12760] =	vst v3  }
0x145: {  	[tilespmem:$0x12770] =	vst v3  }
0x146: {  	[tilespmem:$0x12780] =	vst v3  }
0x147: {  	[tilespmem:$0x12790] =	vst v3  }
0x148: {  	[tilespmem:$0x127A0] =	vst v3  }
0x149: {  	[tilespmem:$0x127B0] =	vst v3  }
0x14a: {  	[tilespmem:$0x127C0] =	vst v3  }
0x14b: {  	[tilespmem:$0x127D0] =	vst v3  }
0x14c: {  	[tilespmem:$0x127E0] =	vst v3  }
0x14d: {  	[tilespmem:$0x127F0] =	vst v3  }
0x14e: {  	[tilespmem:$0x12800] =	vst v3  }
0x14f: {  	[tilespmem:$0x12810] =	vst v3  }
0x150: {  	[tilespmem:$0x12820] =	vst v3  }
0x151: {  	[tilespmem:$0x12830] =	vst v3  }
0x152: {  	[tilespmem:$0x12840] =	vst v3  }
0x153: {  	[tilespmem:$0x12850] =	vst v3  }
0x154: {  	[tilespmem:$0x12860] =	vst v3  }
0x155: {  	[tilespmem:$0x12870] =	vst v3  }
0x156: {  	[tilespmem:$0x12880] =	vst v3  }
0x157: {  	[tilespmem:$0x12890] =	vst v3  }
0x158: {  	[tilespmem:$0x128A0] =	vst v3  }
0x159: {  	[tilespmem:$0x128B0] =	vst v3  }
0x15a: {  	[tilespmem:$0x128C0] =	vst v3  }
0x15b: {  	[tilespmem:$0x128D0] =	vst v3  }
0x15c: {  	[tilespmem:$0x128E0] =	vst v3  }
0x15d: {  	[tilespmem:$0x128F0] =	vst v3  }
0x15e: {  	[tilespmem:$0x12900] =	vst v3  }
0x15f: {  	[tilespmem:$0x12910] =	vst v3  }
0x160: {  	[tilespmem:$0x12920] =	vst v3  }
0x161: {  	[tilespmem:$0x12930] =	vst v3  }
0x162: {  	[tilespmem:$0x12940] =	vst v3  }
0x163: {  	[tilespmem:$0x12950] =	vst v3  }
0x164: {  	[tilespmem:$0x12960] =	vst v3  }
0x165: {  	[tilespmem:$0x12970] =	vst v3  }
0x166: {  	[tilespmem:$0x12980] =	vst v3  }
0x167: {  	[tilespmem:$0x12990] =	vst v3  }
0x168: {  	[tilespmem:$0x129A0] =	vst v3  }
0x169: {  	[tilespmem:$0x129B0] =	vst v3  }
0x16a: {  	[tilespmem:$0x129C0] =	vst v3  }
0x16b: {  	[tilespmem:$0x129D0] =	vst v3  }
0x16c: {  	[tilespmem:$0x129E0] =	vst v3  }
0x16d: {  	[tilespmem:$0x129F0] =	vst v3  }
0x16e: {  	[tilespmem:$0x12A00] =	vst v3  }
0x16f: {  	[tilespmem:$0x12A10] =	vst v3  }
0x170: {  	[tilespmem:$0x12A20] =	vst v3  }
0x171: {  	[tilespmem:$0x12A30] =	vst v3  }
0x172: {  	[tilespmem:$0x12A40] =	vst v3  }
0x173: {  	[tilespmem:$0x12A50] =	vst v3  }
0x174: {  	[tilespmem:$0x12A60] =	vst v3  }
0x175: {  	[tilespmem:$0x12A70] =	vst v3  }
0x176: {  	[tilespmem:$0x12A80] =	vst v3  }
0x177: {  	[tilespmem:$0x12A90] =	vst v3  }
0x178: {  	[tilespmem:$0x12AA0] =	vst v3  }
0x179: {  	[tilespmem:$0x12AB0] =	vst v3  }
0x17a: {  	[tilespmem:$0x12AC0] =	vst v3  }
0x17b: {  	[tilespmem:$0x12AD0] =	vst v3  }
0x17c: {  	[tilespmem:$0x12AE0] =	vst v3  }
0x17d: {  	[tilespmem:$0x12AF0] =	vst v3  }
0x17e: {  	[tilespmem:$0x12B00] =	vst v3  }
0x17f: {  	[tilespmem:$0x12B10] =	vst v3  }
0x180: {  	[tilespmem:$0x12B20] =	vst v3  }
0x181: {  	[tilespmem:$0x12B30] =	vst v3  }
0x182: {  	[tilespmem:$0x12B40] =	vst v3  }
0x183: {  	[tilespmem:$0x12B50] =	vst v3  }
0x184: {  	[tilespmem:$0x12B60] =	vst v3  }
0x185: {  	[tilespmem:$0x12B70] =	vst v3  }
0x186: {  	[tilespmem:$0x12B80] =	vst v3  }
0x187: {  	[tilespmem:$0x12B90] =	vst v3  }
0x188: {  	[tilespmem:$0x12BA0] =	vst v3  }
0x189: {  	[tilespmem:$0x12BB0] =	vst v3  }
0x18a: {  	[tilespmem:$0x12BC0] =	vst v3  }
0x18b: {  	[tilespmem:$0x12BD0] =	vst v3  }
0x18c: {  	[tilespmem:$0x12BE0] =	vst v3  }
0x18d: {  	[tilespmem:$0x12BF0] =	vst v3  }
0x18e: {  	[tilespmem:$0x12C00] =	vst v3  }
0x18f: {  	[tilespmem:$0x12C10] =	vst v3  }
0x190: {  	[tilespmem:$0x12C20] =	vst v3  }
0x191: {  	[tilespmem:$0x12C30] =	vst v3  }
0x192: {  	[tilespmem:$0x12C40] =	vst v3  }
0x193: {  	[tilespmem:$0x12C50] =	vst v3  }
0x194: {  	[tilespmem:$0x12C60] =	vst v3  }
0x195: {  	[tilespmem:$0x12C70] =	vst v3  }
0x196: {  	[spmem:s5] =	stream.linear.scatter [tilespmem:s0], [sflag:$0x1], $0x1000, $0x38;
	[tilespmem:$0x16280] =	vst v63  }
0x197: {  	_ =	swait.ge [sflag:s12], $0x1000  }
0x198: {  	[sflag:s12] =	ssyncset.done $0x0  }
0x199: {  	s16 =	sadd.s32 $0x0, s6;
	[sflag:s12] =	ssyncadd.s32 $0xFFFFF000  }
0x19a: {  	[spmem:s16] =	stream.linear.scatter [tilespmem:s0], [sflag:$0x1], $0x10, $0x38;
	[tilespmem:$0x16280] =	vst v63  }
0x19b: {  	s18 =	simm.s32 $0x12C80;
	s16 =	simm.s32 $0x40  }
.LBB2_2:
0x19c: {  	p0 =	sne.s32 s16, $0xFC0  }
.Ltmp0:
0x19d: {  	_ = 	snop;
	(pc) =	sbr.rel @p0 .LBB2_2-.Ltmp0, $4  }
0x19e: {  	_ = 	snop  }
0x19f: {  	s20 =	sshra.s32 s16, $0x2;
	s16 =	sadd.s32 $0x40, s16  }
0x1a0: {  	s18 =	sadd.s32 $0x40, s18;
	s20 =	sadd.s32 s20, s6  }
0x1a1: {  	[spmem:s20] =	stream.linear.scatter [tilespmem:s18], [sflag:$0x1], $0x10, $0x38;
	[tilespmem:$0x16280] =	vst v63  }
0x1a2: {  	_ =	swait.ge [sflag:s12], $0x400  }
0x1a3: {  	[sflag:s12] =	ssyncset.done $0x0  }
0x1a4: {  	s16 =	simm.s32 $0x0;
	[sflag:s12] =	ssyncadd.s32 $0xFFFFFC00  }
0x1a5: {  	[tilespmem:s16], [sflag:$0x1] =	stream.linear.gather [hbm4b:s7+s16], $0x480, $0x38;
	[tilespmem:$0x16280] =	vst v63  }
0x1a6: {  	_ =	swait.ge [sflag:s12], $0x480  }
0x1a7: {  	[sflag:s12] =	ssyncset.done $0x0  }
0x1a8: {  	[sflag:s12] =	ssyncadd.s32 $0xFFFFFB80  }
0x1a9: {  	[tilespmem:s13], [sflag:$0x1] =	stream.linear.gather [hbm4b:s8+s16], $0x12000, $0x38;
	[tilespmem:$0x16280] =	vst v63  }
0x1aa: {  	_ =	swait.ge [sflag:s12], $0x12000  }
0x1ab: {  	[sflag:s12] =	ssyncset.done $0x0  }
0x1ac: {  	[sflag:s12] =	ssyncadd.s32 $0xFFFEE000  }
0x1ad: {  	[bflag:$0x0] =	sbarrier.arrive $0xFFFF  }
0x1ae: {  	[spmem:s2] =	stream.indirect.scatter.add.f32 [tilespmem:s13], [sflag:$0x1], $0x40, s16, s14, $0xb8;
	[tilespmem:$0x16280] =	vst v63  }
0x1af: {  	_ =	swait.ge [sflag:s12], $0x2000  }
0x1b0: {  	[sflag:s12] =	ssyncset.done $0x0  }
0x1b1: {  	[sflag:s12] =	ssyncadd.s32 $0xFFFFE000  }
0x1b2: {  	[spmem:s3] =	stream.indirect.scatter.add.f32 [tilespmem:s15], [sflag:$0x1], $0x10, s16, s14, $0xb8;
	[tilespmem:$0x16280] =	vst v63  }
0x1b3: {  	_ =	swait.ge [sflag:s12], $0x800  }
0x1b4: {  	[sflag:s12] =	ssyncset.done $0x0  }
0x1b5: {  	s18 =	simm.s32 $0x2480;
	[sflag:s12] =	ssyncadd.s32 $0xFFFFF800  }
0x1b6: {  	[spmem:s2] =	stream.indirect.scatter.add.f32 [tilespmem:s18], [sflag:$0x1], $0x40, s14, s14, $0xb8;
	[tilespmem:$0x16280] =	vst v63  }
0x1b7: {  	_ =	swait.ge [sflag:s12], $0x2000  }
0x1b8: {  	[sflag:s12] =	ssyncset.done $0x0  }
0x1b9: {  	[sflag:s12] =	ssyncadd.s32 $0xFFFFE000  }
0x1ba: {  	[spmem:s3] =	stream.indirect.scatter.add.f32 [tilespmem:s15], [sflag:$0x1], $0x10, s14, s14, $0xb8;
	[tilespmem:$0x16280] =	vst v63  }
0x1bb: {  	_ =	swait.ge [sflag:s12], $0x800  }
0x1bc: {  	[sflag:s12] =	ssyncset.done $0x0  }
0x1bd: {  	s20 =	simm.s32 $0x4480;
	[sflag:s12] =	ssyncadd.s32 $0xFFFFF800  }
0x1be: {  	[spmem:s2] =	stream.indirect.scatter.add.f32 [tilespmem:s20], [sflag:$0x1], $0x40, s17, s14, $0xb8;
	[tilespmem:$0x16280] =	vst v63  }
0x1bf: {  	_ =	swait.ge [sflag:s12], $0x2000  }
0x1c0: {  	[sflag:s12] =	ssyncset.done $0x0  }
0x1c1: {  	[sflag:s12] =	ssyncadd.s32 $0xFFFFE000  }
0x1c2: {  	[spmem:s3] =	stream.indirect.scatter.add.f32 [tilespmem:s15], [sflag:$0x1], $0x10, s17, s14, $0xb8;
	[tilespmem:$0x16280] =	vst v63  }
0x1c3: {  	_ =	swait.ge [sflag:s12], $0x800  }
0x1c4: {  	[sflag:s12] =	ssyncset.done $0x0  }
0x1c5: {  	s22 =	simm.s32 $0x6480;
	[sflag:s12] =	ssyncadd.s32 $0xFFFFF800  }
0x1c6: {  	[spmem:s2] =	stream.indirect.scatter.add.f32 [tilespmem:s22], [sflag:$0x1], $0x40, s19, s14, $0xb8;
	[tilespmem:$0x16280] =	vst v63  }
0x1c7: {  	_ =	swait.ge [sflag:s12], $0x2000  }
0x1c8: {  	[sflag:s12] =	ssyncset.done $0x0  }
0x1c9: {  	[sflag:s12] =	ssyncadd.s32 $0xFFFFE000  }
0x1ca: {  	[spmem:s3] =	stream.indirect.scatter.add.f32 [tilespmem:s15], [sflag:$0x1], $0x10, s19, s14, $0xb8;
	[tilespmem:$0x16280] =	vst v63  }
0x1cb: {  	_ =	swait.ge [sflag:s12], $0x800  }
0x1cc: {  	[sflag:s12] =	ssyncset.done $0x0  }
0x1cd: {  	s20 =	simm.s32 $0x8480;
	[sflag:s12] =	ssyncadd.s32 $0xFFFFF800  }
0x1ce: {  	[spmem:s2] =	stream.indirect.scatter.add.f32 [tilespmem:s20], [sflag:$0x1], $0x40, s21, s14, $0xb8;
	[tilespmem:$0x16280] =	vst v63  }
0x1cf: {  	_ =	swait.ge [sflag:s12], $0x2000  }
0x1d0: {  	[sflag:s12] =	ssyncset.done $0x0  }
0x1d1: {  	[sflag:s12] =	ssyncadd.s32 $0xFFFFE000  }
0x1d2: {  	[spmem:s3] =	stream.indirect.scatter.add.f32 [tilespmem:s15], [sflag:$0x1], $0x10, s21, s14, $0xb8;
	[tilespmem:$0x16280] =	vst v63  }
0x1d3: {  	_ =	swait.ge [sflag:s12], $0x800  }
0x1d4: {  	[sflag:s12] =	ssyncset.done $0x0  }
0x1d5: {  	s22 =	simm.s32 $0xA480;
	[sflag:s12] =	ssyncadd.s32 $0xFFFFF800  }
0x1d6: {  	[spmem:s2] =	stream.indirect.scatter.add.f32 [tilespmem:s22], [sflag:$0x1], $0x40, s23, s14, $0xb8;
	[tilespmem:$0x16280] =	vst v63  }
0x1d7: {  	_ =	swait.ge [sflag:s12], $0x2000  }
0x1d8: {  	[sflag:s12] =	ssyncset.done $0x0  }
0x1d9: {  	[sflag:s12] =	ssyncadd.s32 $0xFFFFE000  }
0x1da: {  	[spmem:s3] =	stream.indirect.scatter.add.f32 [tilespmem:s15], [sflag:$0x1], $0x10, s23, s14, $0xb8;
	[tilespmem:$0x16280] =	vst v63  }
0x1db: {  	_ =	swait.ge [sflag:s12], $0x800  }
0x1dc: {  	[sflag:s12] =	ssyncset.done $0x0  }
0x1dd: {  	s20 =	simm.s32 $0xC480;
	[sflag:s12] =	ssyncadd.s32 $0xFFFFF800  }
0x1de: {  	[spmem:s2] =	stream.indirect.scatter.add.f32 [tilespmem:s20], [sflag:$0x1], $0x40, s25, s14, $0xb8;
	[tilespmem:$0x16280] =	vst v63  }
0x1df: {  	_ =	swait.ge [sflag:s12], $0x2000  }
0x1e0: {  	[sflag:s12] =	ssyncset.done $0x0  }
0x1e1: {  	[sflag:s12] =	ssyncadd.s32 $0xFFFFE000  }
0x1e2: {  	[spmem:s3] =	stream.indirect.scatter.add.f32 [tilespmem:s15], [sflag:$0x1], $0x10, s25, s14, $0xb8;
	[tilespmem:$0x16280] =	vst v63  }
0x1e3: {  	_ =	swait.ge [sflag:s12], $0x800  }
0x1e4: {  	[sflag:s12] =	ssyncset.done $0x0  }
0x1e5: {  	s22 =	simm.s32 $0xE480;
	[sflag:s12] =	ssyncadd.s32 $0xFFFFF800  }
0x1e6: {  	[spmem:s2] =	stream.indirect.scatter.add.f32 [tilespmem:s22], [sflag:$0x1], $0x40, s28, s14, $0xb8;
	[tilespmem:$0x16280] =	vst v63  }
0x1e7: {  	_ =	swait.ge [sflag:s12], $0x2000  }
0x1e8: {  	[sflag:s12] =	ssyncset.done $0x0  }
0x1e9: {  	[sflag:s12] =	ssyncadd.s32 $0xFFFFE000  }
0x1ea: {  	[spmem:s3] =	stream.indirect.scatter.add.f32 [tilespmem:s15], [sflag:$0x1], $0x10, s28, s14, $0xb8;
	[tilespmem:$0x16280] =	vst v63  }
0x1eb: {  	_ =	swait.ge [sflag:s12], $0x800  }
0x1ec: {  	[sflag:s12] =	ssyncset.done $0x0  }
0x1ed: {  	s20 =	simm.s32 $0x10480;
	[sflag:s12] =	ssyncadd.s32 $0xFFFFF800  }
0x1ee: {  	[spmem:s2] =	stream.indirect.scatter.add.f32 [tilespmem:s20], [sflag:$0x1], $0x40, s30, s14, $0xb8;
	[tilespmem:$0x16280] =	vst v63  }
0x1ef: {  	_ =	swait.ge [sflag:s12], $0x2000  }
0x1f0: {  	[sflag:s12] =	ssyncset.done $0x0  }
0x1f1: {  	[sflag:s12] =	ssyncadd.s32 $0xFFFFE000  }
0x1f2: {  	[spmem:s3] =	stream.indirect.scatter.add.f32 [tilespmem:s15], [sflag:$0x1], $0x10, s30, s14, $0xb8;
	[tilespmem:$0x16280] =	vst v63  }
0x1f3: {  	_ =	swait.ge [sflag:s12], $0x800  }
0x1f4: {  	v10 =	vmov s16;
	[sflag:s12] =	ssyncset.done $0x0  }
0x1f5: {  	v11 =	vshll.u32 v10, $0x6;
	[sflag:s12] =	ssyncadd.s32 $0xFFFFF800  }
0x1f6: {  	v12 =	vor.u32 v0, v11;
	[bflag:$0x0] =	sbarrier.arrive $0xFFFF  }
0x1f7: {  	[tilespmem:s0], [sflag:$0x1] =	stream.linear.gather [spmem:s5], $0x1000, $0x38;
	[tilespmem:$0x16280] =	vst v63  }
0x1f8: {  	_ =	swait.ge [sflag:s12], $0x1000  }
0x1f9: {  	[sflag:s12] =	ssyncset.done $0x0  }
0x1fa: {  	v10 =	vand.u32 $0x3F, v10;
	[sflag:s12] =	ssyncadd.s32 $0xFFFFF000  }
0x1fb: {  	v13 =	vadd.s32 v1, v10;
	v12 =	vld.idx.msk [tilespmem:v12+s0+$0x0], $0xffff  }
0x1fc: {  	v14 =	vor.u32 v4, v11;
	_ =	sdelay $0x3  }
0x1fd: {  	[tilespmem:v13+s1+$0x0] =	vst.idx.msk $0xffff, v12  }
0x1fe: {  	v13 =	vadd.s32 v5, v10;
	v12 =	vld.idx.msk [tilespmem:v14+s0+$0x0], $0xffff  }
0x1ff: {  	v14 =	vor.u32 v6, v11;
	_ =	sdelay $0x3  }
0x200: {  	[tilespmem:v13+s1+$0x0] =	vst.idx.msk $0xffff, v12  }
0x201: {  	v13 =	vadd.s32 v7, v10;
	v12 =	vld.idx.msk [tilespmem:v14+s0+$0x0], $0xffff  }
0x202: {  	v14 =	vor.u32 v8, v11;
	_ =	sdelay $0x3  }
0x203: {  	s22 =	simm.s32 $0x1;
	[tilespmem:v13+s1+$0x0] =	vst.idx.msk $0xffff, v12  }
0x204: {  	s16 =	simm.s32 $0x2;
	v11 =	vmov s22;
	v12 =	vld.idx.msk [tilespmem:v14+s0+$0x0], $0xffff  }
.LBB2_4:
0x205: {  	p0 =	sne.s32 s16, $0x3F;
	v13 =	vshll.u32 v11, $0x6;
	v10 =	vadd.s32 v9, v10  }
0x206: {  	v14 =	vor.u32 v0, v13;
	_ =	sdelay $0x3  }
0x207: {  	[tilespmem:v10+s1+$0x0] =	vst.idx.msk $0xffff, v12  }
0x208: {  	v10 =	vand.u32 $0x3F, v11;
	v12 =	vld.idx.msk [tilespmem:v14+s0+$0x0], $0xffff  }
0x209: {  	v11 =	vadd.s32 v1, v10  }
0x20a: {  	v14 =	vor.u32 v4, v13;
	_ =	sdelay $0x3  }
0x20b: {  	[tilespmem:v11+s1+$0x0] =	vst.idx.msk $0xffff, v12  }
0x20c: {  	v11 =	vld.idx.msk [tilespmem:v14+s0+$0x0], $0xffff  }
0x20d: {  	v12 =	vadd.s32 v5, v10  }
0x20e: {  	v14 =	vor.u32 v6, v13;
	_ =	sdelay $0x3  }
0x20f: {  	[tilespmem:v12+s1+$0x0] =	vst.idx.msk $0xffff, v11  }
0x210: {  	v11 =	vld.idx.msk [tilespmem:v14+s0+$0x0], $0xffff  }
0x211: {  	v12 =	vadd.s32 v7, v10  }
0x212: {  	v13 =	vor.u32 v8, v13  }
.Ltmp1:
0x213: {  	(pc) =	sbr.rel @p0 .LBB2_4-.Ltmp1, $3  }
0x214: {  	_ =	sdelay $0x1  }
0x215: {  	[tilespmem:v12+s1+$0x0] =	vst.idx.msk $0xffff, v11  }
0x216: {  	v11 =	vmov s16;
	s16 =	sadd.s32 $0x1, s16;
	v12 =	vld.idx.msk [tilespmem:v13+s0+$0x0], $0xffff  }
0x217: {  	v13 =	vshll.u32 v11, $0x6;
	v10 =	vadd.s32 v9, v10  }
0x218: {  	v14 =	vor.u32 v0, v13;
	_ =	sdelay $0x3  }
0x219: {  	[tilespmem:v10+s1+$0x0] =	vst.idx.msk $0xffff, v12;
	v10 =	vand.u32 $0x3F, v11  }
0x21a: {  	v11 =	vld.idx.msk [tilespmem:v14+s0+$0x0], $0xffff;
	v59 =	vadd.s32 v1, v10  }
0x21b: {  	v60 =	vor.u32 v4, v13;
	_ =	sdelay $0x3  }
0x21c: {  	[tilespmem:v59+s1+$0x0] =	vst.idx.msk $0xffff, v11  }
0x21d: {  	v61 =	vadd.s32 v5, v10;
	v11 =	vld.idx.msk [tilespmem:v60+s0+$0x0], $0xffff  }
0x21e: {  	v62 =	vor.u32 v6, v13;
	_ =	sdelay $0x3  }
0x21f: {  	[tilespmem:v61+s1+$0x0] =	vst.idx.msk $0xffff, v11  }
0x220: {  	v63 =	vadd.s32 v7, v10;
	v11 =	vld.idx.msk [tilespmem:v62+s0+$0x0], $0xffff  }
0x221: {  	v13 =	vor.u32 v8, v13;
	_ =	sdelay $0x3  }
0x222: {  	[tilespmem:v63+s1+$0x0] =	vst.idx.msk $0xffff, v11  }
0x223: {  	v10 =	vadd.s32 v9, v10;
	v11 =	vld.idx.msk [tilespmem:v13+s0+$0x0], $0xffff;
	_ =	sdelay $0x3  }
0x224: {  	s16 =	simm.s32 $0x13C80  }
0x225: {  	s18 =	simm.s32 $0x80;
	s22 =	sadd.s32 $0x0, s9;
	s20 =	simm.s32 $0x13CC8;
	[tilespmem:v10+s1+$0x0] =	vst.idx.msk $0xffff, v11  }
.LBB2_6:
0x226: {  	[hbm4b:s22+s4] =	stream.linear.scatter [tilespmem:s16], [sflag:$0x1], $0x40, $0x38;
	[tilespmem:$0x16280] =	vst v63  }
0x227: {  	s22 =	smov.u32 s18;
	s16 =	smov.u32 s20;
	p0 =	sne.s32 s18, $0x1F80  }
.Ltmp2:
0x228: {  	s18 =	sadd.s32 $0x80, s18;
	(pc) =	sbr.rel @p0 .LBB2_6-.Ltmp2, $2  }
0x229: {  	_ =	sdelay $0x2  }
0x22a: {  	s20 =	sadd.s32 $0x48, s20;
	s22 =	sadd.s32 s22, s9  }
0x22b: {  	[hbm4b:s22+s4] =	stream.linear.scatter [tilespmem:s16], [sflag:$0x1], $0x40, $0x38;
	[tilespmem:$0x16280] =	vst v63  }
0x22c: {  	_ =	swait.ge [sflag:s12], $0x1000  }
0x22d: {  	[sflag:s12] =	ssyncset.done $0x0  }
0x22e: {  	s16 =	simm.s32 $0x12C80;
	s18 =	sadd.s32 $0x0, s6;
	[sflag:s12] =	ssyncadd.s32 $0xFFFFF000  }
0x22f: {  	[tilespmem:s16], [sflag:$0x1] =	stream.linear.gather [spmem:s18], $0x10, $0x38;
	[tilespmem:$0x16280] =	vst v63  }
0x230: {  	s18 =	simm.s32 $0x40  }
.LBB2_8:
0x231: {  	p0 =	sne.s32 s18, $0xFC0  }
.Ltmp3:
0x232: {  	_ = 	snop;
	(pc) =	sbr.rel @p0 .LBB2_8-.Ltmp3, $4  }
0x233: {  	_ = 	snop  }
0x234: {  	s20 =	sshra.s32 s18, $0x2;
	s18 =	sadd.s32 $0x40, s18  }
0x235: {  	s16 =	sadd.s32 $0x40, s16;
	s20 =	sadd.s32 s20, s6  }
0x236: {  	[tilespmem:s16], [sflag:$0x1] =	stream.linear.gather [spmem:s20], $0x10, $0x38;
	[tilespmem:$0x16280] =	vst v63  }
0x237: {  	s16 =	simm.s32 $0x0  }
0x238: {  	v12 =	vmov s16  }
0x239: {  	v10 =	vshll.u32 v12, $0x6  }
0x23a: {  	v11 =	vor.u32 v0, v10;
	_ =	sdelay $0x1  }
0x23b: {  	_ =	swait.ge [sflag:s12], $0x400  }
0x23c: {  	[sflag:s12] =	ssyncset.done $0x0  }
0x23d: {  	s22 =	simm.s32 $0x1;
	[sflag:s12] =	ssyncadd.s32 $0xFFFFFC00  }
0x23e: {  	s16 =	simm.s32 $0x2;
	v12 =	vand.u32 $0x3F, v12;
	v10 =	vmov s22;
	v11 =	vld.idx.msk [tilespmem:v11+s0+$0x0], $0xffff  }
.LBB2_10:
0x23f: {  	p0 =	sne.s32 s16, $0x3F;
	v13 =	vshll.u32 v10, $0x6;
	v12 =	vadd.s32 v1, v12  }
0x240: {  	v13 =	vor.u32 v0, v13  }
.Ltmp4:
0x241: {  	(pc) =	sbr.rel @p0 .LBB2_10-.Ltmp4, $3  }
0x242: {  	_ =	sdelay $0x1  }
0x243: {  	[tilespmem:v12+s1+$0x0] =	vst.idx.msk $0xffff, v11  }
0x244: {  	v12 =	vand.u32 $0x3F, v10;
	v10 =	vmov s16;
	s16 =	sadd.s32 $0x1, s16;
	v11 =	vld.idx.msk [tilespmem:v13+s0+$0x0], $0xffff  }
0x245: {  	v13 =	vshll.u32 v10, $0x6;
	v12 =	vadd.s32 v1, v12  }
0x246: {  	v13 =	vor.u32 v0, v13;
	_ =	sdelay $0x3  }
0x247: {  	v10 =	vand.u32 $0x3F, v10;
	[tilespmem:v12+s1+$0x0] =	vst.idx.msk $0xffff, v11  }
0x248: {  	v10 =	vadd.s32 v1, v10;
	v11 =	vld.idx.msk [tilespmem:v13+s0+$0x0], $0xffff;
	_ =	sdelay $0x4  }
0x249: {  	[tilespmem:v10+s1+$0x0] =	vst.idx.msk $0xffff, v11  }
0x24a: {  	[hbm4b:s10+s4] =	stream.linear.scatter [tilespmem:s1], [sflag:$0x1], $0x40, $0x38;
	[tilespmem:$0x16280] =	vst v63  }
0x24b: {  	s16 =	sadd.s32 $0x80, s10;
	s18 =	simm.s32 $0x13CC8  }
0x24c: {  	[hbm4b:s16+s4] =	stream.linear.scatter [tilespmem:s18], [sflag:$0x1], $0x40, $0x38;
	[tilespmem:$0x16280] =	vst v63  }
0x24d: {  	s20 =	sadd.s32 $0x100, s10;
	s22 =	simm.s32 $0x13D10  }
0x24e: {  	[hbm4b:s20+s4] =	stream.linear.scatter [tilespmem:s22], [sflag:$0x1], $0x40, $0x38;
	[tilespmem:$0x16280] =	vst v63  }
0x24f: {  	s20 =	sadd.s32 $0x180, s10;
	s22 =	simm.s32 $0x13D58  }
0x250: {  	[hbm4b:s20+s4] =	stream.linear.scatter [tilespmem:s22], [sflag:$0x1], $0x40, $0x38;
	[tilespmem:$0x16280] =	vst v63  }
0x251: {  	s20 =	sadd.s32 $0x200, s10;
	s22 =	simm.s32 $0x13DA0  }
0x252: {  	[hbm4b:s20+s4] =	stream.linear.scatter [tilespmem:s22], [sflag:$0x1], $0x40, $0x38;
	[tilespmem:$0x16280] =	vst v63  }
0x253: {  	s20 =	sadd.s32 $0x280, s10;
	s22 =	simm.s32 $0x13DE8  }
0x254: {  	[hbm4b:s20+s4] =	stream.linear.scatter [tilespmem:s22], [sflag:$0x1], $0x40, $0x38;
	[tilespmem:$0x16280] =	vst v63  }
0x255: {  	s20 =	sadd.s32 $0x300, s10;
	s22 =	simm.s32 $0x13E30  }
0x256: {  	[hbm4b:s20+s4] =	stream.linear.scatter [tilespmem:s22], [sflag:$0x1], $0x40, $0x38;
	[tilespmem:$0x16280] =	vst v63  }
0x257: {  	s20 =	sadd.s32 $0x380, s10;
	s22 =	simm.s32 $0x13E78  }
0x258: {  	[hbm4b:s20+s4] =	stream.linear.scatter [tilespmem:s22], [sflag:$0x1], $0x40, $0x38;
	[tilespmem:$0x16280] =	vst v63  }
0x259: {  	s20 =	sadd.s32 $0x400, s10;
	s22 =	simm.s32 $0x13EC0  }
0x25a: {  	[hbm4b:s20+s4] =	stream.linear.scatter [tilespmem:s22], [sflag:$0x1], $0x40, $0x38;
	[tilespmem:$0x16280] =	vst v63  }
0x25b: {  	s20 =	sadd.s32 $0x480, s10;
	s22 =	simm.s32 $0x13F08  }
0x25c: {  	[hbm4b:s20+s4] =	stream.linear.scatter [tilespmem:s22], [sflag:$0x1], $0x40, $0x38;
	[tilespmem:$0x16280] =	vst v63  }
0x25d: {  	s20 =	sadd.s32 $0x500, s10;
	s22 =	simm.s32 $0x13F50  }
0x25e: {  	[hbm4b:s20+s4] =	stream.linear.scatter [tilespmem:s22], [sflag:$0x1], $0x40, $0x38;
	[tilespmem:$0x16280] =	vst v63  }
0x25f: {  	s20 =	sadd.s32 $0x580, s10;
	s22 =	simm.s32 $0x13F98  }
0x260: {  	[hbm4b:s20+s4] =	stream.linear.scatter [tilespmem:s22], [sflag:$0x1], $0x40, $0x38;
	[tilespmem:$0x16280] =	vst v63  }
0x261: {  	s20 =	sadd.s32 $0x600, s10;
	s22 =	simm.s32 $0x13FE0  }
0x262: {  	[hbm4b:s20+s4] =	stream.linear.scatter [tilespmem:s22], [sflag:$0x1], $0x40, $0x38;
	[tilespmem:$0x16280] =	vst v63  }
0x263: {  	s31 =	sadd.s32 $0x1, s31;
	s18 =	sadd.s32 $0x680, s10  }
0x264: {  	[hbm4b:s18+s4] =	stream.linear.scatter [tilespmem:s24], [sflag:$0x1], $0x40, $0x38;
	[tilespmem:$0x16280] =	vst v63  }
0x265: {  	p0 =	sne.s32 s31, s11;
	s20 =	sadd.s32 $0x700, s10  }
0x266: {  	[hbm4b:s20+s4] =	stream.linear.scatter [tilespmem:s26], [sflag:$0x1], $0x40, $0x38;
	[tilespmem:$0x16280] =	vst v63  }
.Ltmp5:
0x267: {  	s22 =	sadd.s32 $0x780, s10;
	(pc) =	sbr.rel @p0 .LBB2_1-.Ltmp5, $4  }
0x268: {  	[hbm4b:s22+s4] =	stream.linear.scatter [tilespmem:s29], [sflag:$0x1], $0x40, $0x38;
	[tilespmem:$0x16280] =	vst v63  }
0x269: {  	_ =	swait.ge [sflag:s12], $0x400  }
0x26a: {  	[sflag:s12] =	ssyncset.done $0x0  }
0x26b: {  	[sflag:s12] =	ssyncadd.s32 $0xFFFFFC00  }
0x26c: {  	_ =	sfence.sel $0x180000  }
0x26d: {  	[bflag:$0x0] =	sbarrier.arrive $0xFFFF  }
0x26e: {  	_ =	strace $0x9000004A  }
0x26f: {  	s0 =	stileid.u32;
	[bflag:$0x2] =	sbarrier.arrive $0xFFFF  }
0x270: {  	p0 =	sne.s32 s0, $0x0;
	s0 =	rddreg [dreg:$0x5]  }
0x271: {  	s0 =	sadd.s32 @!p0 $0x100000, s0  }
0x272: {  	[sflag:s0] =	ssyncadd.tile.s32 @!p0 $0x1;
	_ =	shalt  }
.Lfunc_end2:
_tile_overlayer_lowered:
.L_overlay_start_2:
0x273: {  	(tag) =	ssettag $0x2  }
0x274: {  	s0 =	rddreg [dreg:$0x0];
	s2 =	stileid.u32  }
0x275: {  	s1 =	rddreg [dreg:$0x1];
	p0 =	sne.s32 s2, $0x0  }
0x276: {  	s3 =	rddreg [dreg:$0x2];
	[bflag:$0x3] =	sbarrier.arrive $0xFFFF;
	s2 =	simm.s32 @!p0 $0x1C01  }
0x277: {  	[timem:s3], [sflag:s2] =	dma.local @!p0 [hbm:s0], s1  }
0x278: {  	s0 =	simm.s32 @!p0 $0x1  }
0x279: {  	_ =	swait.ge @!p0 [sflag:s0], s1  }
0x27a: {  	s1 =	ssub.s32 @!p0 $0x0, s1;
	[sflag:s0] =	ssyncset.done @!p0 $0x0  }
0x27b: {  	[sflag:s0] =	ssyncadd.s32 @!p0 s1  }
0x27c: {  	[bflag:$0x3] =	sbarrier.arrive $0xFFFF  }
0x27d: {  	_ =	shalt  }

</sc_bundles>
